<compile_context>
chip_gen: v7x
topology: tpu7x:2x2x1
jax: 0.10.2.dev20260603
libtpu: 0.0.44.dev20260713+nightly
codegen_flags: <defaults>
</compile_context>

<pallas_src>
import jax
import jax.numpy as jnp
from jax import lax
from jax.experimental import pallas as pl
from jax.experimental.pallas import tpu as pltpu
from jax.experimental.pallas import tpu_sc as plsc

N_HALF = 13
N_TABLES = 2 * N_HALF
VOCAB = 100000
HIDDEN = 32
BATCH = 16384

NUM_CORES = 2
NUM_SUBCORES = 16
NUM_WORKERS = NUM_CORES * NUM_SUBCORES
CHUNK = BATCH // NUM_WORKERS
GATHER_W = 128
N_SUB = CHUNK // GATHER_W
NBUF = 4
DEPTH = NBUF - 1

QUART = 25088
VPAD = 4 * QUART
TCH = 3584
TROWS = QUART
ROWS128 = N_HALF * TROWS


def _transpose_body(in0, in1, in2, in3, out_ref):
    s = jnp.concatenate([ref[0] for ref in (in0, in1, in2, in3)], axis=0)
    eye = jnp.eye(128, dtype=jnp.float32)
    out_ref[...] = lax.dot_general(s, eye, (((0,), (0,)), ((), ())),
                                   preferred_element_type=jnp.float32)


def _to_vocab_major(tab_t):
    nk = QUART // TCH
    in_specs = [
        pl.BlockSpec((1, HIDDEN, TCH),
                     lambda t, k, p=p: (t, 0, p * nk + k))
        for p in range(4)
    ]
    return pl.pallas_call(
        _transpose_body,
        grid=(N_HALF, nk),
        in_specs=in_specs,
        out_specs=pl.BlockSpec((TCH, 128), lambda t, k: (t * nk + k, 0)),
        out_shape=jax.ShapeDtypeStruct((ROWS128, 128), jnp.float32),
    )(tab_t, tab_t, tab_t, tab_t)


def _body(user_ref, item_ref, ut_ref, it_ref, out_ref,
          idx_all, rows, sem_idx, sems_g, sems_s):
    wid = lax.axis_index("s") * NUM_CORES + lax.axis_index("c")
    base = wid * CHUNK

    idx_copies = []
    for t in range(N_TABLES):
        src_idx = user_ref if t < N_HALF else item_ref
        idx_copies.append(pltpu.async_copy(
            src_idx.at[t % N_HALF, pl.ds(base, CHUNK)],
            idx_all.at[pl.ds(t * CHUNK, CHUNK)],
            sem_idx))
    for c in idx_copies:
        c.wait()

    LANES = 16
    per_table = CHUNK // LANES

    def _fix(i, _):
        t = i // per_table
        off = lax.rem(t, N_HALF) * VPAD
        sl = pl.ds(i * LANES, LANES)
        v = idx_all[sl]
        q = (jnp.where(v >= QUART, 1, 0) + jnp.where(v >= 2 * QUART, 1, 0)
             + jnp.where(v >= 3 * QUART, 1, 0))
        idx_all[sl] = off + (v - q * QUART) * 4 + q
        return ()
    lax.fori_loop(0, N_TABLES * per_table, _fix, (), unroll=False)
    plsc.subcore_barrier()

    def fire_gathers(t):
        b = t % NBUF
        src_tab = ut_ref if t < N_HALF else it_ref
        cps = []
        for j in range(N_SUB):
            isl = pl.ds(t * CHUNK + j * GATHER_W, GATHER_W)
            rsl = pl.ds(j * GATHER_W, GATHER_W)
            cps.append(pltpu.async_copy(
                src_tab.at[idx_all.at[isl]], rows.at[b, rsl], sems_g[b]))
        return cps

    def fire_store(t):
        b = t % NBUF
        return pltpu.async_copy(
            rows.at[b],
            out_ref.at[pl.ds(base, CHUNK), pl.ds(t * HIDDEN, HIDDEN)],
            sems_s[b])

    g = [None] * N_TABLES
    s = [None] * N_TABLES
    for t in range(DEPTH):
        g[t] = fire_gathers(t)
    for t in range(N_TABLES):
        if t + DEPTH < N_TABLES:
            if t >= 1:
                s[t - 1].wait()
            g[t + DEPTH] = fire_gathers(t + DEPTH)
        for c in g[t]:
            c.wait()
        s[t] = fire_store(t)
    for t in range(N_TABLES - DEPTH - 1, N_TABLES):
        if s[t] is not None:
            s[t].wait()


@jax.jit
def _run(user, item_cat, ut1d, it1d):
    mesh = plsc.VectorSubcoreMesh(
        core_axis_name="c", subcore_axis_name="s",
        num_cores=NUM_CORES, num_subcores=NUM_SUBCORES,
    )
    k = pl.kernel(
        _body,
        out_type=jax.ShapeDtypeStruct((BATCH, N_TABLES * HIDDEN), jnp.float32),
        mesh=mesh,
        scratch_types=[
            pltpu.VMEM((N_TABLES * CHUNK,), jnp.int32),
            pltpu.VMEM((NBUF, CHUNK, HIDDEN), jnp.float32),
            pltpu.SemaphoreType.DMA,
            [pltpu.SemaphoreType.DMA] * NBUF,
            [pltpu.SemaphoreType.DMA] * NBUF,
        ],
        compiler_params=pltpu.CompilerParams(use_tc_tiling_on_sc=False),
    )
    return k(user, item_cat, ut1d, it1d)


def kernel(user, item_cat, item_con, user_tables, item_tables):
    del item_con
    ut = _to_vocab_major(user_tables.transpose(0, 2, 1))
    it = _to_vocab_major(item_tables.transpose(0, 2, 1))
    ut = ut.reshape(N_HALF * VPAD, HIDDEN)
    it = it.reshape(N_HALF * VPAD, HIDDEN)
    return jax.jit(_run)(user, item_cat, ut, it)

# --- scband reference (transcript-rebuilt; emitter-appended) ---
"""Pipeline reference for scband-field-encoder-86242943304466 (READ-ONLY COPY).

The authoritative reference and input builder live on the scoring server;
editing this copy changes nothing except your own understanding.
"""

import jax, jax.numpy as jnp
import numpy as np

N_USER = 13
N_ITEM = 13
VOCAB = 100000
HIDDEN = 32
BATCH = 16384


def setup_inputs(seed: int = 0) -> dict:
    key = jax.random.key(seed)
    ku, ki, kc, ktu, kti = jax.random.split(key, 5)
    user = jax.random.randint(ku, (N_USER, BATCH), 0, VOCAB, dtype=jnp.int64 if jax.config.jax_enable_x64 else jnp.int32)
    item_cat = jax.random.randint(ki, (N_ITEM, BATCH), 0, VOCAB, dtype=jnp.int64 if jax.config.jax_enable_x64 else jnp.int32)
    item_con = jax.random.normal(kc, (BATCH, 1), dtype=jnp.float32)
    # xavier_uniform gain=1 for [VOCAB, HIDDEN]: bound = sqrt(6/(VOCAB+HIDDEN))
    bound = float(np.sqrt(6.0 / (VOCAB + HIDDEN)))
    user_tables = jax.random.uniform(ktu, (N_USER, VOCAB, HIDDEN), minval=-bound, maxval=bound, dtype=jnp.float32)
    item_tables = jax.random.uniform(kti, (N_ITEM, VOCAB, HIDDEN), minval=-bound, maxval=bound, dtype=jnp.float32)
    return {"user": user, "item_cat": item_cat, "item_con": item_con, "user_tables": user_tables, "item_tables": item_tables}


def reference(user, item_cat, item_con, user_tables, item_tables):
    # out_user_cat[i] = user_cat_emb[i](user[i]) -> [B, H]
    out_user = [jnp.take(user_tables[i], user[i], axis=0) for i in range(N_USER)]
    # item = (item_cat, item_con); only item_cat embeddings are used in forward
    out_item = [jnp.take(item_tables[i], item_cat[i], axis=0) for i in range(N_ITEM)]
    out = jnp.concatenate(out_user + out_item, axis=1)  # [B, (N_USER+N_ITEM)*H]
    return out

if __name__ == "__main__":
    import jax
    _d = setup_inputs()
    print(jax.jit(kernel)(*tuple(_d.values())))

</pallas_src>

<mosaic_0001>
#map = affine_map<(d0, d1) -> (0, 0)>
module attributes {stable_mosaic.version = 14 : i64} {
  func.func @_body(%arg0: i32, %arg1: i32, %arg2: memref<13x16384xi32, #tpu.memory_space<hbm>>, %arg3: memref<13x16384xi32, #tpu.memory_space<hbm>>, %arg4: memref<1304576x32xf32, #tpu.memory_space<hbm>>, %arg5: memref<1304576x32xf32, #tpu.memory_space<hbm>>, %arg6: memref<16384x832xf32, #tpu.memory_space<hbm>>, %arg7: memref<13312xi32, #tpu.memory_space<vmem>>, %arg8: memref<4x512x32xf32, #tpu.memory_space<vmem>>, %arg9: memref<!tpu.dma_semaphore, #tpu.memory_space<semaphore_mem>>, %arg10: memref<!tpu.dma_semaphore, #tpu.memory_space<semaphore_mem>>, %arg11: memref<!tpu.dma_semaphore, #tpu.memory_space<semaphore_mem>>, %arg12: memref<!tpu.dma_semaphore, #tpu.memory_space<semaphore_mem>>, %arg13: memref<!tpu.dma_semaphore, #tpu.memory_space<semaphore_mem>>, %arg14: memref<!tpu.dma_semaphore, #tpu.memory_space<semaphore_mem>>, %arg15: memref<!tpu.dma_semaphore, #tpu.memory_space<semaphore_mem>>, %arg16: memref<!tpu.dma_semaphore, #tpu.memory_space<semaphore_mem>>, %arg17: memref<!tpu.dma_semaphore, #tpu.memory_space<semaphore_mem>>) attributes {dimension_semantics = [#tpu.dimension_semantics<core_parallel>, #tpu.dimension_semantics<subcore_parallel>], iteration_bounds = array<i64: 2, 16>, scalar_prefetch = 0 : i64, scratch_operands = 11 : i64, tpu.core_type = #tpu.core_type<sc_vector_subcore>, window_params = [{transform_indices = #map}, {transform_indices = #map}, {transform_indices = #map}, {transform_indices = #map}, {transform_indices = #map}]} {
    %mul3A = arith.constant 2 : i32
    %mul3A_0 = arith.muli %arg1, %mul3A : i32
    %add3A = arith.addi %mul3A_0, %arg0 : i32
    %mul3A_1 = arith.constant 512 : i32
    %mul3A_2 = arith.muli %add3A, %mul3A_1 : i32
    %dma_start3A = arith.constant 0 : i32
    %dma_start3A_3 = arith.constant 0 : i32
    %dma_start3A_4 = tpu.memref_slice %arg7[%dma_start3A_3] : memref<13312xi32, #tpu.memory_space<vmem>> -> memref<512xi32, #tpu.memory_space<vmem>>
    %dma_start3A_5 = tpu.memref_slice %arg2[%dma_start3A, %mul3A_2] : memref<13x16384xi32, #tpu.memory_space<hbm>> -> memref<1x512xi32, #tpu.memory_space<hbm>>
    %dma_start3A_6 = tpu.memref_squeeze %dma_start3A_5 : memref<1x512xi32, #tpu.memory_space<hbm>> -> memref<512xi32, #tpu.memory_space<hbm>>
    %dma_start3A_7 = arith.constant 0 : i32
    %dma_start3A_8 = tpu.memref_slice %arg7[%dma_start3A_7] : memref<13312xi32, #tpu.memory_space<vmem>> -> memref<512xi32, #tpu.memory_space<vmem>>
    %dma_start3A_9 = tpu.memref_slice %arg2[%dma_start3A, %mul3A_2] : memref<13x16384xi32, #tpu.memory_space<hbm>> -> memref<1x512xi32, #tpu.memory_space<hbm>>
    %dma_start3A_10 = tpu.memref_squeeze %dma_start3A_9 : memref<1x512xi32, #tpu.memory_space<hbm>> -> memref<512xi32, #tpu.memory_space<hbm>>
    tpu.enqueue_dma source(%dma_start3A_10 : memref<512xi32, #tpu.memory_space<hbm>>) target(%dma_start3A_8 : memref<512xi32, #tpu.memory_space<vmem>>) target_semaphore(%arg9 : memref<!tpu.dma_semaphore, #tpu.memory_space<semaphore_mem>>)
    %dma_start3A_11 = arith.constant 1 : i32
    %dma_start3A_12 = arith.constant 512 : i32
    %dma_start3A_13 = tpu.memref_slice %arg7[%dma_start3A_12] : memref<13312xi32, #tpu.memory_space<vmem>> -> memref<512xi32, #tpu.memory_space<vmem>>
    %dma_start3A_14 = tpu.memref_slice %arg2[%dma_start3A_11, %mul3A_2] : memref<13x16384xi32, #tpu.memory_space<hbm>> -> memref<1x512xi32, #tpu.memory_space<hbm>>
    %dma_start3A_15 = tpu.memref_squeeze %dma_start3A_14 : memref<1x512xi32, #tpu.memory_space<hbm>> -> memref<512xi32, #tpu.memory_space<hbm>>
    %dma_start3A_16 = arith.constant 512 : i32
    %dma_start3A_17 = tpu.memref_slice %arg7[%dma_start3A_16] : memref<13312xi32, #tpu.memory_space<vmem>> -> memref<512xi32, #tpu.memory_space<vmem>>
    %dma_start3A_18 = tpu.memref_slice %arg2[%dma_start3A_11, %mul3A_2] : memref<13x16384xi32, #tpu.memory_space<hbm>> -> memref<1x512xi32, #tpu.memory_space<hbm>>
    %dma_start3A_19 = tpu.memref_squeeze %dma_start3A_18 : memref<1x512xi32, #tpu.memory_space<hbm>> -> memref<512xi32, #tpu.memory_space<hbm>>
    tpu.enqueue_dma source(%dma_start3A_19 : memref<512xi32, #tpu.memory_space<hbm>>) target(%dma_start3A_17 : memref<512xi32, #tpu.memory_space<vmem>>) target_semaphore(%arg9 : memref<!tpu.dma_semaphore, #tpu.memory_space<semaphore_mem>>)
    %dma_start3A_20 = arith.constant 2 : i32
    %dma_start3A_21 = arith.constant 1024 : i32
    %dma_start3A_22 = tpu.memref_slice %arg7[%dma_start3A_21] : memref<13312xi32, #tpu.memory_space<vmem>> -> memref<512xi32, #tpu.memory_space<vmem>>
    %dma_start3A_23 = tpu.memref_slice %arg2[%dma_start3A_20, %mul3A_2] : memref<13x16384xi32, #tpu.memory_space<hbm>> -> memref<1x512xi32, #tpu.memory_space<hbm>>
    %dma_start3A_24 = tpu.memref_squeeze %dma_start3A_23 : memref<1x512xi32, #tpu.memory_space<hbm>> -> memref<512xi32, #tpu.memory_space<hbm>>
    %dma_start3A_25 = arith.constant 1024 : i32
    %dma_start3A_26 = tpu.memref_slice %arg7[%dma_start3A_25] : memref<13312xi32, #tpu.memory_space<vmem>> -> memref<512xi32, #tpu.memory_space<vmem>>
    %dma_start3A_27 = tpu.memref_slice %arg2[%dma_start3A_20, %mul3A_2] : memref<13x16384xi32, #tpu.memory_space<hbm>> -> memref<1x512xi32, #tpu.memory_space<hbm>>
    %dma_start3A_28 = tpu.memref_squeeze %dma_start3A_27 : memref<1x512xi32, #tpu.memory_space<hbm>> -> memref<512xi32, #tpu.memory_space<hbm>>
    tpu.enqueue_dma source(%dma_start3A_28 : memref<512xi32, #tpu.memory_space<hbm>>) target(%dma_start3A_26 : memref<512xi32, #tpu.memory_space<vmem>>) target_semaphore(%arg9 : memref<!tpu.dma_semaphore, #tpu.memory_space<semaphore_mem>>)
    %dma_start3A_29 = arith.constant 3 : i32
    %dma_start3A_30 = arith.constant 1536 : i32
    %dma_start3A_31 = tpu.memref_slice %arg7[%dma_start3A_30] : memref<13312xi32, #tpu.memory_space<vmem>> -> memref<512xi32, #tpu.memory_space<vmem>>
    %dma_start3A_32 = tpu.memref_slice %arg2[%dma_start3A_29, %mul3A_2] : memref<13x16384xi32, #tpu.memory_space<hbm>> -> memref<1x512xi32, #tpu.memory_space<hbm>>
    %dma_start3A_33 = tpu.memref_squeeze %dma_start3A_32 : memref<1x512xi32, #tpu.memory_space<hbm>> -> memref<512xi32, #tpu.memory_space<hbm>>
    %dma_start3A_34 = arith.constant 1536 : i32
    %dma_start3A_35 = tpu.memref_slice %arg7[%dma_start3A_34] : memref<13312xi32, #tpu.memory_space<vmem>> -> memref<512xi32, #tpu.memory_space<vmem>>
    %dma_start3A_36 = tpu.memref_slice %arg2[%dma_start3A_29, %mul3A_2] : memref<13x16384xi32, #tpu.memory_space<hbm>> -> memref<1x512xi32, #tpu.memory_space<hbm>>
    %dma_start3A_37 = tpu.memref_squeeze %dma_start3A_36 : memref<1x512xi32, #tpu.memory_space<hbm>> -> memref<512xi32, #tpu.memory_space<hbm>>
    tpu.enqueue_dma source(%dma_start3A_37 : memref<512xi32, #tpu.memory_space<hbm>>) target(%dma_start3A_35 : memref<512xi32, #tpu.memory_space<vmem>>) target_semaphore(%arg9 : memref<!tpu.dma_semaphore, #tpu.memory_space<semaphore_mem>>)
    %dma_start3A_38 = arith.constant 4 : i32
    %dma_start3A_39 = arith.constant 2048 : i32
    %dma_start3A_40 = tpu.memref_slice %arg7[%dma_start3A_39] : memref<13312xi32, #tpu.memory_space<vmem>> -> memref<512xi32, #tpu.memory_space<vmem>>
    %dma_start3A_41 = tpu.memref_slice %arg2[%dma_start3A_38, %mul3A_2] : memref<13x16384xi32, #tpu.memory_space<hbm>> -> memref<1x512xi32, #tpu.memory_space<hbm>>
    %dma_start3A_42 = tpu.memref_squeeze %dma_start3A_41 : memref<1x512xi32, #tpu.memory_space<hbm>> -> memref<512xi32, #tpu.memory_space<hbm>>
    %dma_start3A_43 = arith.constant 2048 : i32
    %dma_start3A_44 = tpu.memref_slice %arg7[%dma_start3A_43] : memref<13312xi32, #tpu.memory_space<vmem>> -> memref<512xi32, #tpu.memory_space<vmem>>
    %dma_start3A_45 = tpu.memref_slice %arg2[%dma_start3A_38, %mul3A_2] : memref<13x16384xi32, #tpu.memory_space<hbm>> -> memref<1x512xi32, #tpu.memory_space<hbm>>
    %dma_start3A_46 = tpu.memref_squeeze %dma_start3A_45 : memref<1x512xi32, #tpu.memory_space<hbm>> -> memref<512xi32, #tpu.memory_space<hbm>>
    tpu.enqueue_dma source(%dma_start3A_46 : memref<512xi32, #tpu.memory_space<hbm>>) target(%dma_start3A_44 : memref<512xi32, #tpu.memory_space<vmem>>) target_semaphore(%arg9 : memref<!tpu.dma_semaphore, #tpu.memory_space<semaphore_mem>>)
    %dma_start3A_47 = arith.constant 5 : i32
    %dma_start3A_48 = arith.constant 2560 : i32
    %dma_start3A_49 = tpu.memref_slice %arg7[%dma_start3A_48] : memref<13312xi32, #tpu.memory_space<vmem>> -> memref<512xi32, #tpu.memory_space<vmem>>
    %dma_start3A_50 = tpu.memref_slice %arg2[%dma_start3A_47, %mul3A_2] : memref<13x16384xi32, #tpu.memory_space<hbm>> -> memref<1x512xi32, #tpu.memory_space<hbm>>
    %dma_start3A_51 = tpu.memref_squeeze %dma_start3A_50 : memref<1x512xi32, #tpu.memory_space<hbm>> -> memref<512xi32, #tpu.memory_space<hbm>>
    %dma_start3A_52 = arith.constant 2560 : i32
    %dma_start3A_53 = tpu.memref_slice %arg7[%dma_start3A_52] : memref<13312xi32, #tpu.memory_space<vmem>> -> memref<512xi32, #tpu.memory_space<vmem>>
    %dma_start3A_54 = tpu.memref_slice %arg2[%dma_start3A_47, %mul3A_2] : memref<13x16384xi32, #tpu.memory_space<hbm>> -> memref<1x512xi32, #tpu.memory_space<hbm>>
    %dma_start3A_55 = tpu.memref_squeeze %dma_start3A_54 : memref<1x512xi32, #tpu.memory_space<hbm>> -> memref<512xi32, #tpu.memory_space<hbm>>
    tpu.enqueue_dma source(%dma_start3A_55 : memref<512xi32, #tpu.memory_space<hbm>>) target(%dma_start3A_53 : memref<512xi32, #tpu.memory_space<vmem>>) target_semaphore(%arg9 : memref<!tpu.dma_semaphore, #tpu.memory_space<semaphore_mem>>)
    %dma_start3A_56 = arith.constant 6 : i32
    %dma_start3A_57 = arith.constant 3072 : i32
    %dma_start3A_58 = tpu.memref_slice %arg7[%dma_start3A_57] : memref<13312xi32, #tpu.memory_space<vmem>> -> memref<512xi32, #tpu.memory_space<vmem>>
    %dma_start3A_59 = tpu.memref_slice %arg2[%dma_start3A_56, %mul3A_2] : memref<13x16384xi32, #tpu.memory_space<hbm>> -> memref<1x512xi32, #tpu.memory_space<hbm>>
    %dma_start3A_60 = tpu.memref_squeeze %dma_start3A_59 : memref<1x512xi32, #tpu.memory_space<hbm>> -> memref<512xi32, #tpu.memory_space<hbm>>
    %dma_start3A_61 = arith.constant 3072 : i32
    %dma_start3A_62 = tpu.memref_slice %arg7[%dma_start3A_61] : memref<13312xi32, #tpu.memory_space<vmem>> -> memref<512xi32, #tpu.memory_space<vmem>>
    %dma_start3A_63 = tpu.memref_slice %arg2[%dma_start3A_56, %mul3A_2] : memref<13x16384xi32, #tpu.memory_space<hbm>> -> memref<1x512xi32, #tpu.memory_space<hbm>>
    %dma_start3A_64 = tpu.memref_squeeze %dma_start3A_63 : memref<1x512xi32, #tpu.memory_space<hbm>> -> memref<512xi32, #tpu.memory_space<hbm>>
    tpu.enqueue_dma source(%dma_start3A_64 : memref<512xi32, #tpu.memory_space<hbm>>) target(%dma_start3A_62 : memref<512xi32, #tpu.memory_space<vmem>>) target_semaphore(%arg9 : memref<!tpu.dma_semaphore, #tpu.memory_space<semaphore_mem>>)
    %dma_start3A_65 = arith.constant 7 : i32
    %dma_start3A_66 = arith.constant 3584 : i32
    %dma_start3A_67 = tpu.memref_slice %arg7[%dma_start3A_66] : memref<13312xi32, #tpu.memory_space<vmem>> -> memref<512xi32, #tpu.memory_space<vmem>>
    %dma_start3A_68 = tpu.memref_slice %arg2[%dma_start3A_65, %mul3A_2] : memref<13x16384xi32, #tpu.memory_space<hbm>> -> memref<1x512xi32, #tpu.memory_space<hbm>>
    %dma_start3A_69 = tpu.memref_squeeze %dma_start3A_68 : memref<1x512xi32, #tpu.memory_space<hbm>> -> memref<512xi32, #tpu.memory_space<hbm>>
    %dma_start3A_70 = arith.constant 3584 : i32
    %dma_start3A_71 = tpu.memref_slice %arg7[%dma_start3A_70] : memref<13312xi32, #tpu.memory_space<vmem>> -> memref<512xi32, #tpu.memory_space<vmem>>
    %dma_start3A_72 = tpu.memref_slice %arg2[%dma_start3A_65, %mul3A_2] : memref<13x16384xi32, #tpu.memory_space<hbm>> -> memref<1x512xi32, #tpu.memory_space<hbm>>
    %dma_start3A_73 = tpu.memref_squeeze %dma_start3A_72 : memref<1x512xi32, #tpu.memory_space<hbm>> -> memref<512xi32, #tpu.memory_space<hbm>>
    tpu.enqueue_dma source(%dma_start3A_73 : memref<512xi32, #tpu.memory_space<hbm>>) target(%dma_start3A_71 : memref<512xi32, #tpu.memory_space<vmem>>) target_semaphore(%arg9 : memref<!tpu.dma_semaphore, #tpu.memory_space<semaphore_mem>>)
    %dma_start3A_74 = arith.constant 8 : i32
    %dma_start3A_75 = arith.constant 4096 : i32
    %dma_start3A_76 = tpu.memref_slice %arg7[%dma_start3A_75] : memref<13312xi32, #tpu.memory_space<vmem>> -> memref<512xi32, #tpu.memory_space<vmem>>
    %dma_start3A_77 = tpu.memref_slice %arg2[%dma_start3A_74, %mul3A_2] : memref<13x16384xi32, #tpu.memory_space<hbm>> -> memref<1x512xi32, #tpu.memory_space<hbm>>
    %dma_start3A_78 = tpu.memref_squeeze %dma_start3A_77 : memref<1x512xi32, #tpu.memory_space<hbm>> -> memref<512xi32, #tpu.memory_space<hbm>>
    %dma_start3A_79 = arith.constant 4096 : i32
    %dma_start3A_80 = tpu.memref_slice %arg7[%dma_start3A_79] : memref<13312xi32, #tpu.memory_space<vmem>> -> memref<512xi32, #tpu.memory_space<vmem>>
    %dma_start3A_81 = tpu.memref_slice %arg2[%dma_start3A_74, %mul3A_2] : memref<13x16384xi32, #tpu.memory_space<hbm>> -> memref<1x512xi32, #tpu.memory_space<hbm>>
    %dma_start3A_82 = tpu.memref_squeeze %dma_start3A_81 : memref<1x512xi32, #tpu.memory_space<hbm>> -> memref<512xi32, #tpu.memory_space<hbm>>
    tpu.enqueue_dma source(%dma_start3A_82 : memref<512xi32, #tpu.memory_space<hbm>>) target(%dma_start3A_80 : memref<512xi32, #tpu.memory_space<vmem>>) target_semaphore(%arg9 : memref<!tpu.dma_semaphore, #tpu.memory_space<semaphore_mem>>)
    %dma_start3A_83 = arith.constant 9 : i32
    %dma_start3A_84 = arith.constant 4608 : i32
    %dma_start3A_85 = tpu.memref_slice %arg7[%dma_start3A_84] : memref<13312xi32, #tpu.memory_space<vmem>> -> memref<512xi32, #tpu.memory_space<vmem>>
    %dma_start3A_86 = tpu.memref_slice %arg2[%dma_start3A_83, %mul3A_2] : memref<13x16384xi32, #tpu.memory_space<hbm>> -> memref<1x512xi32, #tpu.memory_space<hbm>>
    %dma_start3A_87 = tpu.memref_squeeze %dma_start3A_86 : memref<1x512xi32, #tpu.memory_space<hbm>> -> memref<512xi32, #tpu.memory_space<hbm>>
    %dma_start3A_88 = arith.constant 4608 : i32
    %dma_start3A_89 = tpu.memref_slice %arg7[%dma_start3A_88] : memref<13312xi32, #tpu.memory_space<vmem>> -> memref<512xi32, #tpu.memory_space<vmem>>
    %dma_start3A_90 = tpu.memref_slice %arg2[%dma_start3A_83, %mul3A_2] : memref<13x16384xi32, #tpu.memory_space<hbm>> -> memref<1x512xi32, #tpu.memory_space<hbm>>
    %dma_start3A_91 = tpu.memref_squeeze %dma_start3A_90 : memref<1x512xi32, #tpu.memory_space<hbm>> -> memref<512xi32, #tpu.memory_space<hbm>>
    tpu.enqueue_dma source(%dma_start3A_91 : memref<512xi32, #tpu.memory_space<hbm>>) target(%dma_start3A_89 : memref<512xi32, #tpu.memory_space<vmem>>) target_semaphore(%arg9 : memref<!tpu.dma_semaphore, #tpu.memory_space<semaphore_mem>>)
    %dma_start3A_92 = arith.constant 10 : i32
    %dma_start3A_93 = arith.constant 5120 : i32
    %dma_start3A_94 = tpu.memref_slice %arg7[%dma_start3A_93] : memref<13312xi32, #tpu.memory_space<vmem>> -> memref<512xi32, #tpu.memory_space<vmem>>
    %dma_start3A_95 = tpu.memref_slice %arg2[%dma_start3A_92, %mul3A_2] : memref<13x16384xi32, #tpu.memory_space<hbm>> -> memref<1x512xi32, #tpu.memory_space<hbm>>
    %dma_start3A_96 = tpu.memref_squeeze %dma_start3A_95 : memref<1x512xi32, #tpu.memory_space<hbm>> -> memref<512xi32, #tpu.memory_space<hbm>>
    %dma_start3A_97 = arith.constant 5120 : i32
    %dma_start3A_98 = tpu.memref_slice %arg7[%dma_start3A_97] : memref<13312xi32, #tpu.memory_space<vmem>> -> memref<512xi32, #tpu.memory_space<vmem>>
    %dma_start3A_99 = tpu.memref_slice %arg2[%dma_start3A_92, %mul3A_2] : memref<13x16384xi32, #tpu.memory_space<hbm>> -> memref<1x512xi32, #tpu.memory_space<hbm>>
    %dma_start3A_100 = tpu.memref_squeeze %dma_start3A_99 : memref<1x512xi32, #tpu.memory_space<hbm>> -> memref<512xi32, #tpu.memory_space<hbm>>
    tpu.enqueue_dma source(%dma_start3A_100 : memref<512xi32, #tpu.memory_space<hbm>>) target(%dma_start3A_98 : memref<512xi32, #tpu.memory_space<vmem>>) target_semaphore(%arg9 : memref<!tpu.dma_semaphore, #tpu.memory_space<semaphore_mem>>)
    %dma_start3A_101 = arith.constant 11 : i32
    %dma_start3A_102 = arith.constant 5632 : i32
    %dma_start3A_103 = tpu.memref_slice %arg7[%dma_start3A_102] : memref<13312xi32, #tpu.memory_space<vmem>> -> memref<512xi32, #tpu.memory_space<vmem>>
    %dma_start3A_104 = tpu.memref_slice %arg2[%dma_start3A_101, %mul3A_2] : memref<13x16384xi32, #tpu.memory_space<hbm>> -> memref<1x512xi32, #tpu.memory_space<hbm>>
    %dma_start3A_105 = tpu.memref_squeeze %dma_start3A_104 : memref<1x512xi32, #tpu.memory_space<hbm>> -> memref<512xi32, #tpu.memory_space<hbm>>
    %dma_start3A_106 = arith.constant 5632 : i32
    %dma_start3A_107 = tpu.memref_slice %arg7[%dma_start3A_106] : memref<13312xi32, #tpu.memory_space<vmem>> -> memref<512xi32, #tpu.memory_space<vmem>>
    %dma_start3A_108 = tpu.memref_slice %arg2[%dma_start3A_101, %mul3A_2] : memref<13x16384xi32, #tpu.memory_space<hbm>> -> memref<1x512xi32, #tpu.memory_space<hbm>>
    %dma_start3A_109 = tpu.memref_squeeze %dma_start3A_108 : memref<1x512xi32, #tpu.memory_space<hbm>> -> memref<512xi32, #tpu.memory_space<hbm>>
    tpu.enqueue_dma source(%dma_start3A_109 : memref<512xi32, #tpu.memory_space<hbm>>) target(%dma_start3A_107 : memref<512xi32, #tpu.memory_space<vmem>>) target_semaphore(%arg9 : memref<!tpu.dma_semaphore, #tpu.memory_space<semaphore_mem>>)
    %dma_start3A_110 = arith.constant 12 : i32
    %dma_start3A_111 = arith.constant 6144 : i32
    %dma_start3A_112 = tpu.memref_slice %arg7[%dma_start3A_111] : memref<13312xi32, #tpu.memory_space<vmem>> -> memref<512xi32, #tpu.memory_space<vmem>>
    %dma_start3A_113 = tpu.memref_slice %arg2[%dma_start3A_110, %mul3A_2] : memref<13x16384xi32, #tpu.memory_space<hbm>> -> memref<1x512xi32, #tpu.memory_space<hbm>>
    %dma_start3A_114 = tpu.memref_squeeze %dma_start3A_113 : memref<1x512xi32, #tpu.memory_space<hbm>> -> memref<512xi32, #tpu.memory_space<hbm>>
    %dma_start3A_115 = arith.constant 6144 : i32
    %dma_start3A_116 = tpu.memref_slice %arg7[%dma_start3A_115] : memref<13312xi32, #tpu.memory_space<vmem>> -> memref<512xi32, #tpu.memory_space<vmem>>
    %dma_start3A_117 = tpu.memref_slice %arg2[%dma_start3A_110, %mul3A_2] : memref<13x16384xi32, #tpu.memory_space<hbm>> -> memref<1x512xi32, #tpu.memory_space<hbm>>
    %dma_start3A_118 = tpu.memref_squeeze %dma_start3A_117 : memref<1x512xi32, #tpu.memory_space<hbm>> -> memref<512xi32, #tpu.memory_space<hbm>>
    tpu.enqueue_dma source(%dma_start3A_118 : memref<512xi32, #tpu.memory_space<hbm>>) target(%dma_start3A_116 : memref<512xi32, #tpu.memory_space<vmem>>) target_semaphore(%arg9 : memref<!tpu.dma_semaphore, #tpu.memory_space<semaphore_mem>>)
    %dma_start3A_119 = arith.constant 0 : i32
    %dma_start3A_120 = arith.constant 6656 : i32
    %dma_start3A_121 = tpu.memref_slice %arg7[%dma_start3A_120] : memref<13312xi32, #tpu.memory_space<vmem>> -> memref<512xi32, #tpu.memory_space<vmem>>
    %dma_start3A_122 = tpu.memref_slice %arg3[%dma_start3A_119, %mul3A_2] : memref<13x16384xi32, #tpu.memory_space<hbm>> -> memref<1x512xi32, #tpu.memory_space<hbm>>
    %dma_start3A_123 = tpu.memref_squeeze %dma_start3A_122 : memref<1x512xi32, #tpu.memory_space<hbm>> -> memref<512xi32, #tpu.memory_space<hbm>>
    %dma_start3A_124 = arith.constant 6656 : i32
    %dma_start3A_125 = tpu.memref_slice %arg7[%dma_start3A_124] : memref<13312xi32, #tpu.memory_space<vmem>> -> memref<512xi32, #tpu.memory_space<vmem>>
    %dma_start3A_126 = tpu.memref_slice %arg3[%dma_start3A_119, %mul3A_2] : memref<13x16384xi32, #tpu.memory_space<hbm>> -> memref<1x512xi32, #tpu.memory_space<hbm>>
    %dma_start3A_127 = tpu.memref_squeeze %dma_start3A_126 : memref<1x512xi32, #tpu.memory_space<hbm>> -> memref<512xi32, #tpu.memory_space<hbm>>
    tpu.enqueue_dma source(%dma_start3A_127 : memref<512xi32, #tpu.memory_space<hbm>>) target(%dma_start3A_125 : memref<512xi32, #tpu.memory_space<vmem>>) target_semaphore(%arg9 : memref<!tpu.dma_semaphore, #tpu.memory_space<semaphore_mem>>)
    %dma_start3A_128 = arith.constant 1 : i32
    %dma_start3A_129 = arith.constant 7168 : i32
    %dma_start3A_130 = tpu.memref_slice %arg7[%dma_start3A_129] : memref<13312xi32, #tpu.memory_space<vmem>> -> memref<512xi32, #tpu.memory_space<vmem>>
    %dma_start3A_131 = tpu.memref_slice %arg3[%dma_start3A_128, %mul3A_2] : memref<13x16384xi32, #tpu.memory_space<hbm>> -> memref<1x512xi32, #tpu.memory_space<hbm>>
    %dma_start3A_132 = tpu.memref_squeeze %dma_start3A_131 : memref<1x512xi32, #tpu.memory_space<hbm>> -> memref<512xi32, #tpu.memory_space<hbm>>
    %dma_start3A_133 = arith.constant 7168 : i32
    %dma_start3A_134 = tpu.memref_slice %arg7[%dma_start3A_133] : memref<13312xi32, #tpu.memory_space<vmem>> -> memref<512xi32, #tpu.memory_space<vmem>>
    %dma_start3A_135 = tpu.memref_slice %arg3[%dma_start3A_128, %mul3A_2] : memref<13x16384xi32, #tpu.memory_space<hbm>> -> memref<1x512xi32, #tpu.memory_space<hbm>>
    %dma_start3A_136 = tpu.memref_squeeze %dma_start3A_135 : memref<1x512xi32, #tpu.memory_space<hbm>> -> memref<512xi32, #tpu.memory_space<hbm>>
    tpu.enqueue_dma source(%dma_start3A_136 : memref<512xi32, #tpu.memory_space<hbm>>) target(%dma_start3A_134 : memref<512xi32, #tpu.memory_space<vmem>>) target_semaphore(%arg9 : memref<!tpu.dma_semaphore, #tpu.memory_space<semaphore_mem>>)
    %dma_start3A_137 = arith.constant 2 : i32
    %dma_start3A_138 = arith.constant 7680 : i32
    %dma_start3A_139 = tpu.memref_slice %arg7[%dma_start3A_138] : memref<13312xi32, #tpu.memory_space<vmem>> -> memref<512xi32, #tpu.memory_space<vmem>>
    %dma_start3A_140 = tpu.memref_slice %arg3[%dma_start3A_137, %mul3A_2] : memref<13x16384xi32, #tpu.memory_space<hbm>> -> memref<1x512xi32, #tpu.memory_space<hbm>>
    %dma_start3A_141 = tpu.memref_squeeze %dma_start3A_140 : memref<1x512xi32, #tpu.memory_space<hbm>> -> memref<512xi32, #tpu.memory_space<hbm>>
    %dma_start3A_142 = arith.constant 7680 : i32
    %dma_start3A_143 = tpu.memref_slice %arg7[%dma_start3A_142] : memref<13312xi32, #tpu.memory_space<vmem>> -> memref<512xi32, #tpu.memory_space<vmem>>
    %dma_start3A_144 = tpu.memref_slice %arg3[%dma_start3A_137, %mul3A_2] : memref<13x16384xi32, #tpu.memory_space<hbm>> -> memref<1x512xi32, #tpu.memory_space<hbm>>
    %dma_start3A_145 = tpu.memref_squeeze %dma_start3A_144 : memref<1x512xi32, #tpu.memory_space<hbm>> -> memref<512xi32, #tpu.memory_space<hbm>>
    tpu.enqueue_dma source(%dma_start3A_145 : memref<512xi32, #tpu.memory_space<hbm>>) target(%dma_start3A_143 : memref<512xi32, #tpu.memory_space<vmem>>) target_semaphore(%arg9 : memref<!tpu.dma_semaphore, #tpu.memory_space<semaphore_mem>>)
    %dma_start3A_146 = arith.constant 3 : i32
    %dma_start3A_147 = arith.constant 8192 : i32
    %dma_start3A_148 = tpu.memref_slice %arg7[%dma_start3A_147] : memref<13312xi32, #tpu.memory_space<vmem>> -> memref<512xi32, #tpu.memory_space<vmem>>
    %dma_start3A_149 = tpu.memref_slice %arg3[%dma_start3A_146, %mul3A_2] : memref<13x16384xi32, #tpu.memory_space<hbm>> -> memref<1x512xi32, #tpu.memory_space<hbm>>
    %dma_start3A_150 = tpu.memref_squeeze %dma_start3A_149 : memref<1x512xi32, #tpu.memory_space<hbm>> -> memref<512xi32, #tpu.memory_space<hbm>>
    %dma_start3A_151 = arith.constant 8192 : i32
    %dma_start3A_152 = tpu.memref_slice %arg7[%dma_start3A_151] : memref<13312xi32, #tpu.memory_space<vmem>> -> memref<512xi32, #tpu.memory_space<vmem>>
    %dma_start3A_153 = tpu.memref_slice %arg3[%dma_start3A_146, %mul3A_2] : memref<13x16384xi32, #tpu.memory_space<hbm>> -> memref<1x512xi32, #tpu.memory_space<hbm>>
    %dma_start3A_154 = tpu.memref_squeeze %dma_start3A_153 : memref<1x512xi32, #tpu.memory_space<hbm>> -> memref<512xi32, #tpu.memory_space<hbm>>
    tpu.enqueue_dma source(%dma_start3A_154 : memref<512xi32, #tpu.memory_space<hbm>>) target(%dma_start3A_152 : memref<512xi32, #tpu.memory_space<vmem>>) target_semaphore(%arg9 : memref<!tpu.dma_semaphore, #tpu.memory_space<semaphore_mem>>)
    %dma_start3A_155 = arith.constant 4 : i32
    %dma_start3A_156 = arith.constant 8704 : i32
    %dma_start3A_157 = tpu.memref_slice %arg7[%dma_start3A_156] : memref<13312xi32, #tpu.memory_space<vmem>> -> memref<512xi32, #tpu.memory_space<vmem>>
    %dma_start3A_158 = tpu.memref_slice %arg3[%dma_start3A_155, %mul3A_2] : memref<13x16384xi32, #tpu.memory_space<hbm>> -> memref<1x512xi32, #tpu.memory_space<hbm>>
    %dma_start3A_159 = tpu.memref_squeeze %dma_start3A_158 : memref<1x512xi32, #tpu.memory_space<hbm>> -> memref<512xi32, #tpu.memory_space<hbm>>
    %dma_start3A_160 = arith.constant 8704 : i32
    %dma_start3A_161 = tpu.memref_slice %arg7[%dma_start3A_160] : memref<13312xi32, #tpu.memory_space<vmem>> -> memref<512xi32, #tpu.memory_space<vmem>>
    %dma_start3A_162 = tpu.memref_slice %arg3[%dma_start3A_155, %mul3A_2] : memref<13x16384xi32, #tpu.memory_space<hbm>> -> memref<1x512xi32, #tpu.memory_space<hbm>>
    %dma_start3A_163 = tpu.memref_squeeze %dma_start3A_162 : memref<1x512xi32, #tpu.memory_space<hbm>> -> memref<512xi32, #tpu.memory_space<hbm>>
    tpu.enqueue_dma source(%dma_start3A_163 : memref<512xi32, #tpu.memory_space<hbm>>) target(%dma_start3A_161 : memref<512xi32, #tpu.memory_space<vmem>>) target_semaphore(%arg9 : memref<!tpu.dma_semaphore, #tpu.memory_space<semaphore_mem>>)
    %dma_start3A_164 = arith.constant 5 : i32
    %dma_start3A_165 = arith.constant 9216 : i32
    %dma_start3A_166 = tpu.memref_slice %arg7[%dma_start3A_165] : memref<13312xi32, #tpu.memory_space<vmem>> -> memref<512xi32, #tpu.memory_space<vmem>>
    %dma_start3A_167 = tpu.memref_slice %arg3[%dma_start3A_164, %mul3A_2] : memref<13x16384xi32, #tpu.memory_space<hbm>> -> memref<1x512xi32, #tpu.memory_space<hbm>>
    %dma_start3A_168 = tpu.memref_squeeze %dma_start3A_167 : memref<1x512xi32, #tpu.memory_space<hbm>> -> memref<512xi32, #tpu.memory_space<hbm>>
    %dma_start3A_169 = arith.constant 9216 : i32
    %dma_start3A_170 = tpu.memref_slice %arg7[%dma_start3A_169] : memref<13312xi32, #tpu.memory_space<vmem>> -> memref<512xi32, #tpu.memory_space<vmem>>
    %dma_start3A_171 = tpu.memref_slice %arg3[%dma_start3A_164, %mul3A_2] : memref<13x16384xi32, #tpu.memory_space<hbm>> -> memref<1x512xi32, #tpu.memory_space<hbm>>
    %dma_start3A_172 = tpu.memref_squeeze %dma_start3A_171 : memref<1x512xi32, #tpu.memory_space<hbm>> -> memref<512xi32, #tpu.memory_space<hbm>>
    tpu.enqueue_dma source(%dma_start3A_172 : memref<512xi32, #tpu.memory_space<hbm>>) target(%dma_start3A_170 : memref<512xi32, #tpu.memory_space<vmem>>) target_semaphore(%arg9 : memref<!tpu.dma_semaphore, #tpu.memory_space<semaphore_mem>>)
    %dma_start3A_173 = arith.constant 6 : i32
    %dma_start3A_174 = arith.constant 9728 : i32
    %dma_start3A_175 = tpu.memref_slice %arg7[%dma_start3A_174] : memref<13312xi32, #tpu.memory_space<vmem>> -> memref<512xi32, #tpu.memory_space<vmem>>
    %dma_start3A_176 = tpu.memref_slice %arg3[%dma_start3A_173, %mul3A_2] : memref<13x16384xi32, #tpu.memory_space<hbm>> -> memref<1x512xi32, #tpu.memory_space<hbm>>
    %dma_start3A_177 = tpu.memref_squeeze %dma_start3A_176 : memref<1x512xi32, #tpu.memory_space<hbm>> -> memref<512xi32, #tpu.memory_space<hbm>>
    %dma_start3A_178 = arith.constant 9728 : i32
    %dma_start3A_179 = tpu.memref_slice %arg7[%dma_start3A_178] : memref<13312xi32, #tpu.memory_space<vmem>> -> memref<512xi32, #tpu.memory_space<vmem>>
    %dma_start3A_180 = tpu.memref_slice %arg3[%dma_start3A_173, %mul3A_2] : memref<13x16384xi32, #tpu.memory_space<hbm>> -> memref<1x512xi32, #tpu.memory_space<hbm>>
    %dma_start3A_181 = tpu.memref_squeeze %dma_start3A_180 : memref<1x512xi32, #tpu.memory_space<hbm>> -> memref<512xi32, #tpu.memory_space<hbm>>
    tpu.enqueue_dma source(%dma_start3A_181 : memref<512xi32, #tpu.memory_space<hbm>>) target(%dma_start3A_179 : memref<512xi32, #tpu.memory_space<vmem>>) target_semaphore(%arg9 : memref<!tpu.dma_semaphore, #tpu.memory_space<semaphore_mem>>)
    %dma_start3A_182 = arith.constant 7 : i32
    %dma_start3A_183 = arith.constant 10240 : i32
    %dma_start3A_184 = tpu.memref_slice %arg7[%dma_start3A_183] : memref<13312xi32, #tpu.memory_space<vmem>> -> memref<512xi32, #tpu.memory_space<vmem>>
    %dma_start3A_185 = tpu.memref_slice %arg3[%dma_start3A_182, %mul3A_2] : memref<13x16384xi32, #tpu.memory_space<hbm>> -> memref<1x512xi32, #tpu.memory_space<hbm>>
    %dma_start3A_186 = tpu.memref_squeeze %dma_start3A_185 : memref<1x512xi32, #tpu.memory_space<hbm>> -> memref<512xi32, #tpu.memory_space<hbm>>
    %dma_start3A_187 = arith.constant 10240 : i32
    %dma_start3A_188 = tpu.memref_slice %arg7[%dma_start3A_187] : memref<13312xi32, #tpu.memory_space<vmem>> -> memref<512xi32, #tpu.memory_space<vmem>>
    %dma_start3A_189 = tpu.memref_slice %arg3[%dma_start3A_182, %mul3A_2] : memref<13x16384xi32, #tpu.memory_space<hbm>> -> memref<1x512xi32, #tpu.memory_space<hbm>>
    %dma_start3A_190 = tpu.memref_squeeze %dma_start3A_189 : memref<1x512xi32, #tpu.memory_space<hbm>> -> memref<512xi32, #tpu.memory_space<hbm>>
    tpu.enqueue_dma source(%dma_start3A_190 : memref<512xi32, #tpu.memory_space<hbm>>) target(%dma_start3A_188 : memref<512xi32, #tpu.memory_space<vmem>>) target_semaphore(%arg9 : memref<!tpu.dma_semaphore, #tpu.memory_space<semaphore_mem>>)
    %dma_start3A_191 = arith.constant 8 : i32
    %dma_start3A_192 = arith.constant 10752 : i32
    %dma_start3A_193 = tpu.memref_slice %arg7[%dma_start3A_192] : memref<13312xi32, #tpu.memory_space<vmem>> -> memref<512xi32, #tpu.memory_space<vmem>>
    %dma_start3A_194 = tpu.memref_slice %arg3[%dma_start3A_191, %mul3A_2] : memref<13x16384xi32, #tpu.memory_space<hbm>> -> memref<1x512xi32, #tpu.memory_space<hbm>>
    %dma_start3A_195 = tpu.memref_squeeze %dma_start3A_194 : memref<1x512xi32, #tpu.memory_space<hbm>> -> memref<512xi32, #tpu.memory_space<hbm>>
    %dma_start3A_196 = arith.constant 10752 : i32
    %dma_start3A_197 = tpu.memref_slice %arg7[%dma_start3A_196] : memref<13312xi32, #tpu.memory_space<vmem>> -> memref<512xi32, #tpu.memory_space<vmem>>
    %dma_start3A_198 = tpu.memref_slice %arg3[%dma_start3A_191, %mul3A_2] : memref<13x16384xi32, #tpu.memory_space<hbm>> -> memref<1x512xi32, #tpu.memory_space<hbm>>
    %dma_start3A_199 = tpu.memref_squeeze %dma_start3A_198 : memref<1x512xi32, #tpu.memory_space<hbm>> -> memref<512xi32, #tpu.memory_space<hbm>>
    tpu.enqueue_dma source(%dma_start3A_199 : memref<512xi32, #tpu.memory_space<hbm>>) target(%dma_start3A_197 : memref<512xi32, #tpu.memory_space<vmem>>) target_semaphore(%arg9 : memref<!tpu.dma_semaphore, #tpu.memory_space<semaphore_mem>>)
    %dma_start3A_200 = arith.constant 9 : i32
    %dma_start3A_201 = arith.constant 11264 : i32
    %dma_start3A_202 = tpu.memref_slice %arg7[%dma_start3A_201] : memref<13312xi32, #tpu.memory_space<vmem>> -> memref<512xi32, #tpu.memory_space<vmem>>
    %dma_start3A_203 = tpu.memref_slice %arg3[%dma_start3A_200, %mul3A_2] : memref<13x16384xi32, #tpu.memory_space<hbm>> -> memref<1x512xi32, #tpu.memory_space<hbm>>
    %dma_start3A_204 = tpu.memref_squeeze %dma_start3A_203 : memref<1x512xi32, #tpu.memory_space<hbm>> -> memref<512xi32, #tpu.memory_space<hbm>>
    %dma_start3A_205 = arith.constant 11264 : i32
    %dma_start3A_206 = tpu.memref_slice %arg7[%dma_start3A_205] : memref<13312xi32, #tpu.memory_space<vmem>> -> memref<512xi32, #tpu.memory_space<vmem>>
    %dma_start3A_207 = tpu.memref_slice %arg3[%dma_start3A_200, %mul3A_2] : memref<13x16384xi32, #tpu.memory_space<hbm>> -> memref<1x512xi32, #tpu.memory_space<hbm>>
    %dma_start3A_208 = tpu.memref_squeeze %dma_start3A_207 : memref<1x512xi32, #tpu.memory_space<hbm>> -> memref<512xi32, #tpu.memory_space<hbm>>
    tpu.enqueue_dma source(%dma_start3A_208 : memref<512xi32, #tpu.memory_space<hbm>>) target(%dma_start3A_206 : memref<512xi32, #tpu.memory_space<vmem>>) target_semaphore(%arg9 : memref<!tpu.dma_semaphore, #tpu.memory_space<semaphore_mem>>)
    %dma_start3A_209 = arith.constant 10 : i32
    %dma_start3A_210 = arith.constant 11776 : i32
    %dma_start3A_211 = tpu.memref_slice %arg7[%dma_start3A_210] : memref<13312xi32, #tpu.memory_space<vmem>> -> memref<512xi32, #tpu.memory_space<vmem>>
    %dma_start3A_212 = tpu.memref_slice %arg3[%dma_start3A_209, %mul3A_2] : memref<13x16384xi32, #tpu.memory_space<hbm>> -> memref<1x512xi32, #tpu.memory_space<hbm>>
    %dma_start3A_213 = tpu.memref_squeeze %dma_start3A_212 : memref<1x512xi32, #tpu.memory_space<hbm>> -> memref<512xi32, #tpu.memory_space<hbm>>
    %dma_start3A_214 = arith.constant 11776 : i32
    %dma_start3A_215 = tpu.memref_slice %arg7[%dma_start3A_214] : memref<13312xi32, #tpu.memory_space<vmem>> -> memref<512xi32, #tpu.memory_space<vmem>>
    %dma_start3A_216 = tpu.memref_slice %arg3[%dma_start3A_209, %mul3A_2] : memref<13x16384xi32, #tpu.memory_space<hbm>> -> memref<1x512xi32, #tpu.memory_space<hbm>>
    %dma_start3A_217 = tpu.memref_squeeze %dma_start3A_216 : memref<1x512xi32, #tpu.memory_space<hbm>> -> memref<512xi32, #tpu.memory_space<hbm>>
    tpu.enqueue_dma source(%dma_start3A_217 : memref<512xi32, #tpu.memory_space<hbm>>) target(%dma_start3A_215 : memref<512xi32, #tpu.memory_space<vmem>>) target_semaphore(%arg9 : memref<!tpu.dma_semaphore, #tpu.memory_space<semaphore_mem>>)
    %dma_start3A_218 = arith.constant 11 : i32
    %dma_start3A_219 = arith.constant 12288 : i32
    %dma_start3A_220 = tpu.memref_slice %arg7[%dma_start3A_219] : memref<13312xi32, #tpu.memory_space<vmem>> -> memref<512xi32, #tpu.memory_space<vmem>>
    %dma_start3A_221 = tpu.memref_slice %arg3[%dma_start3A_218, %mul3A_2] : memref<13x16384xi32, #tpu.memory_space<hbm>> -> memref<1x512xi32, #tpu.memory_space<hbm>>
    %dma_start3A_222 = tpu.memref_squeeze %dma_start3A_221 : memref<1x512xi32, #tpu.memory_space<hbm>> -> memref<512xi32, #tpu.memory_space<hbm>>
    %dma_start3A_223 = arith.constant 12288 : i32
    %dma_start3A_224 = tpu.memref_slice %arg7[%dma_start3A_223] : memref<13312xi32, #tpu.memory_space<vmem>> -> memref<512xi32, #tpu.memory_space<vmem>>
    %dma_start3A_225 = tpu.memref_slice %arg3[%dma_start3A_218, %mul3A_2] : memref<13x16384xi32, #tpu.memory_space<hbm>> -> memref<1x512xi32, #tpu.memory_space<hbm>>
    %dma_start3A_226 = tpu.memref_squeeze %dma_start3A_225 : memref<1x512xi32, #tpu.memory_space<hbm>> -> memref<512xi32, #tpu.memory_space<hbm>>
    tpu.enqueue_dma source(%dma_start3A_226 : memref<512xi32, #tpu.memory_space<hbm>>) target(%dma_start3A_224 : memref<512xi32, #tpu.memory_space<vmem>>) target_semaphore(%arg9 : memref<!tpu.dma_semaphore, #tpu.memory_space<semaphore_mem>>)
    %dma_start3A_227 = arith.constant 12 : i32
    %dma_start3A_228 = arith.constant 12800 : i32
    %dma_start3A_229 = tpu.memref_slice %arg7[%dma_start3A_228] : memref<13312xi32, #tpu.memory_space<vmem>> -> memref<512xi32, #tpu.memory_space<vmem>>
    %dma_start3A_230 = tpu.memref_slice %arg3[%dma_start3A_227, %mul3A_2] : memref<13x16384xi32, #tpu.memory_space<hbm>> -> memref<1x512xi32, #tpu.memory_space<hbm>>
    %dma_start3A_231 = tpu.memref_squeeze %dma_start3A_230 : memref<1x512xi32, #tpu.memory_space<hbm>> -> memref<512xi32, #tpu.memory_space<hbm>>
    %dma_start3A_232 = arith.constant 12800 : i32
    %dma_start3A_233 = tpu.memref_slice %arg7[%dma_start3A_232] : memref<13312xi32, #tpu.memory_space<vmem>> -> memref<512xi32, #tpu.memory_space<vmem>>
    %dma_start3A_234 = tpu.memref_slice %arg3[%dma_start3A_227, %mul3A_2] : memref<13x16384xi32, #tpu.memory_space<hbm>> -> memref<1x512xi32, #tpu.memory_space<hbm>>
    %dma_start3A_235 = tpu.memref_squeeze %dma_start3A_234 : memref<1x512xi32, #tpu.memory_space<hbm>> -> memref<512xi32, #tpu.memory_space<hbm>>
    tpu.enqueue_dma source(%dma_start3A_235 : memref<512xi32, #tpu.memory_space<hbm>>) target(%dma_start3A_233 : memref<512xi32, #tpu.memory_space<vmem>>) target_semaphore(%arg9 : memref<!tpu.dma_semaphore, #tpu.memory_space<semaphore_mem>>)
    %dma_wait3A = arith.constant 0 : i32
    %dma_wait3A_236 = arith.constant 0 : i32
    %dma_wait3A_237 = tpu.memref_slice %arg7[%dma_wait3A_236] : memref<13312xi32, #tpu.memory_space<vmem>> -> memref<512xi32, #tpu.memory_space<vmem>>
    %dma_wait3A_238 = tpu.memref_slice %arg2[%dma_wait3A, %mul3A_2] : memref<13x16384xi32, #tpu.memory_space<hbm>> -> memref<1x512xi32, #tpu.memory_space<hbm>>
    %dma_wait3A_239 = tpu.memref_squeeze %dma_wait3A_238 : memref<1x512xi32, #tpu.memory_space<hbm>> -> memref<512xi32, #tpu.memory_space<hbm>>
    %dma_wait3A_240 = arith.constant 0 : i32
    %dma_wait3A_241 = tpu.memref_slice %arg7[%dma_wait3A_240] : memref<13312xi32, #tpu.memory_space<vmem>> -> memref<512xi32, #tpu.memory_space<vmem>>
    %dma_wait3A_242 = tpu.memref_slice %arg2[%dma_wait3A, %mul3A_2] : memref<13x16384xi32, #tpu.memory_space<hbm>> -> memref<1x512xi32, #tpu.memory_space<hbm>>
    %dma_wait3A_243 = tpu.memref_squeeze %dma_wait3A_242 : memref<1x512xi32, #tpu.memory_space<hbm>> -> memref<512xi32, #tpu.memory_space<hbm>>
    tpu.wait_dma2 semaphore(%arg9 : memref<!tpu.dma_semaphore, #tpu.memory_space<semaphore_mem>>) src(%dma_wait3A_243 : memref<512xi32, #tpu.memory_space<hbm>>) dst(%dma_wait3A_241 : memref<512xi32, #tpu.memory_space<vmem>>)
    %dma_wait3A_244 = arith.constant 1 : i32
    %dma_wait3A_245 = arith.constant 512 : i32
    %dma_wait3A_246 = tpu.memref_slice %arg7[%dma_wait3A_245] : memref<13312xi32, #tpu.memory_space<vmem>> -> memref<512xi32, #tpu.memory_space<vmem>>
    %dma_wait3A_247 = tpu.memref_slice %arg2[%dma_wait3A_244, %mul3A_2] : memref<13x16384xi32, #tpu.memory_space<hbm>> -> memref<1x512xi32, #tpu.memory_space<hbm>>
    %dma_wait3A_248 = tpu.memref_squeeze %dma_wait3A_247 : memref<1x512xi32, #tpu.memory_space<hbm>> -> memref<512xi32, #tpu.memory_space<hbm>>
    %dma_wait3A_249 = arith.constant 512 : i32
    %dma_wait3A_250 = tpu.memref_slice %arg7[%dma_wait3A_249] : memref<13312xi32, #tpu.memory_space<vmem>> -> memref<512xi32, #tpu.memory_space<vmem>>
    %dma_wait3A_251 = tpu.memref_slice %arg2[%dma_wait3A_244, %mul3A_2] : memref<13x16384xi32, #tpu.memory_space<hbm>> -> memref<1x512xi32, #tpu.memory_space<hbm>>
    %dma_wait3A_252 = tpu.memref_squeeze %dma_wait3A_251 : memref<1x512xi32, #tpu.memory_space<hbm>> -> memref<512xi32, #tpu.memory_space<hbm>>
    tpu.wait_dma2 semaphore(%arg9 : memref<!tpu.dma_semaphore, #tpu.memory_space<semaphore_mem>>) src(%dma_wait3A_252 : memref<512xi32, #tpu.memory_space<hbm>>) dst(%dma_wait3A_250 : memref<512xi32, #tpu.memory_space<vmem>>)
    %dma_wait3A_253 = arith.constant 2 : i32
    %dma_wait3A_254 = arith.constant 1024 : i32
    %dma_wait3A_255 = tpu.memref_slice %arg7[%dma_wait3A_254] : memref<13312xi32, #tpu.memory_space<vmem>> -> memref<512xi32, #tpu.memory_space<vmem>>
    %dma_wait3A_256 = tpu.memref_slice %arg2[%dma_wait3A_253, %mul3A_2] : memref<13x16384xi32, #tpu.memory_space<hbm>> -> memref<1x512xi32, #tpu.memory_space<hbm>>
    %dma_wait3A_257 = tpu.memref_squeeze %dma_wait3A_256 : memref<1x512xi32, #tpu.memory_space<hbm>> -> memref<512xi32, #tpu.memory_space<hbm>>
    %dma_wait3A_258 = arith.constant 1024 : i32
    %dma_wait3A_259 = tpu.memref_slice %arg7[%dma_wait3A_258] : memref<13312xi32, #tpu.memory_space<vmem>> -> memref<512xi32, #tpu.memory_space<vmem>>
    %dma_wait3A_260 = tpu.memref_slice %arg2[%dma_wait3A_253, %mul3A_2] : memref<13x16384xi32, #tpu.memory_space<hbm>> -> memref<1x512xi32, #tpu.memory_space<hbm>>
    %dma_wait3A_261 = tpu.memref_squeeze %dma_wait3A_260 : memref<1x512xi32, #tpu.memory_space<hbm>> -> memref<512xi32, #tpu.memory_space<hbm>>
    tpu.wait_dma2 semaphore(%arg9 : memref<!tpu.dma_semaphore, #tpu.memory_space<semaphore_mem>>) src(%dma_wait3A_261 : memref<512xi32, #tpu.memory_space<hbm>>) dst(%dma_wait3A_259 : memref<512xi32, #tpu.memory_space<vmem>>)
    %dma_wait3A_262 = arith.constant 3 : i32
    %dma_wait3A_263 = arith.constant 1536 : i32
    %dma_wait3A_264 = tpu.memref_slice %arg7[%dma_wait3A_263] : memref<13312xi32, #tpu.memory_space<vmem>> -> memref<512xi32, #tpu.memory_space<vmem>>
    %dma_wait3A_265 = tpu.memref_slice %arg2[%dma_wait3A_262, %mul3A_2] : memref<13x16384xi32, #tpu.memory_space<hbm>> -> memref<1x512xi32, #tpu.memory_space<hbm>>
    %dma_wait3A_266 = tpu.memref_squeeze %dma_wait3A_265 : memref<1x512xi32, #tpu.memory_space<hbm>> -> memref<512xi32, #tpu.memory_space<hbm>>
    %dma_wait3A_267 = arith.constant 1536 : i32
    %dma_wait3A_268 = tpu.memref_slice %arg7[%dma_wait3A_267] : memref<13312xi32, #tpu.memory_space<vmem>> -> memref<512xi32, #tpu.memory_space<vmem>>
    %dma_wait3A_269 = tpu.memref_slice %arg2[%dma_wait3A_262, %mul3A_2] : memref<13x16384xi32, #tpu.memory_space<hbm>> -> memref<1x512xi32, #tpu.memory_space<hbm>>
    %dma_wait3A_270 = tpu.memref_squeeze %dma_wait3A_269 : memref<1x512xi32, #tpu.memory_space<hbm>> -> memref<512xi32, #tpu.memory_space<hbm>>
    tpu.wait_dma2 semaphore(%arg9 : memref<!tpu.dma_semaphore, #tpu.memory_space<semaphore_mem>>) src(%dma_wait3A_270 : memref<512xi32, #tpu.memory_space<hbm>>) dst(%dma_wait3A_268 : memref<512xi32, #tpu.memory_space<vmem>>)
    %dma_wait3A_271 = arith.constant 4 : i32
    %dma_wait3A_272 = arith.constant 2048 : i32
    %dma_wait3A_273 = tpu.memref_slice %arg7[%dma_wait3A_272] : memref<13312xi32, #tpu.memory_space<vmem>> -> memref<512xi32, #tpu.memory_space<vmem>>
    %dma_wait3A_274 = tpu.memref_slice %arg2[%dma_wait3A_271, %mul3A_2] : memref<13x16384xi32, #tpu.memory_space<hbm>> -> memref<1x512xi32, #tpu.memory_space<hbm>>
    %dma_wait3A_275 = tpu.memref_squeeze %dma_wait3A_274 : memref<1x512xi32, #tpu.memory_space<hbm>> -> memref<512xi32, #tpu.memory_space<hbm>>
    %dma_wait3A_276 = arith.constant 2048 : i32
    %dma_wait3A_277 = tpu.memref_slice %arg7[%dma_wait3A_276] : memref<13312xi32, #tpu.memory_space<vmem>> -> memref<512xi32, #tpu.memory_space<vmem>>
    %dma_wait3A_278 = tpu.memref_slice %arg2[%dma_wait3A_271, %mul3A_2] : memref<13x16384xi32, #tpu.memory_space<hbm>> -> memref<1x512xi32, #tpu.memory_space<hbm>>
    %dma_wait3A_279 = tpu.memref_squeeze %dma_wait3A_278 : memref<1x512xi32, #tpu.memory_space<hbm>> -> memref<512xi32, #tpu.memory_space<hbm>>
    tpu.wait_dma2 semaphore(%arg9 : memref<!tpu.dma_semaphore, #tpu.memory_space<semaphore_mem>>) src(%dma_wait3A_279 : memref<512xi32, #tpu.memory_space<hbm>>) dst(%dma_wait3A_277 : memref<512xi32, #tpu.memory_space<vmem>>)
    %dma_wait3A_280 = arith.constant 5 : i32
    %dma_wait3A_281 = arith.constant 2560 : i32
    %dma_wait3A_282 = tpu.memref_slice %arg7[%dma_wait3A_281] : memref<13312xi32, #tpu.memory_space<vmem>> -> memref<512xi32, #tpu.memory_space<vmem>>
    %dma_wait3A_283 = tpu.memref_slice %arg2[%dma_wait3A_280, %mul3A_2] : memref<13x16384xi32, #tpu.memory_space<hbm>> -> memref<1x512xi32, #tpu.memory_space<hbm>>
    %dma_wait3A_284 = tpu.memref_squeeze %dma_wait3A_283 : memref<1x512xi32, #tpu.memory_space<hbm>> -> memref<512xi32, #tpu.memory_space<hbm>>
    %dma_wait3A_285 = arith.constant 2560 : i32
    %dma_wait3A_286 = tpu.memref_slice %arg7[%dma_wait3A_285] : memref<13312xi32, #tpu.memory_space<vmem>> -> memref<512xi32, #tpu.memory_space<vmem>>
    %dma_wait3A_287 = tpu.memref_slice %arg2[%dma_wait3A_280, %mul3A_2] : memref<13x16384xi32, #tpu.memory_space<hbm>> -> memref<1x512xi32, #tpu.memory_space<hbm>>
    %dma_wait3A_288 = tpu.memref_squeeze %dma_wait3A_287 : memref<1x512xi32, #tpu.memory_space<hbm>> -> memref<512xi32, #tpu.memory_space<hbm>>
    tpu.wait_dma2 semaphore(%arg9 : memref<!tpu.dma_semaphore, #tpu.memory_space<semaphore_mem>>) src(%dma_wait3A_288 : memref<512xi32, #tpu.memory_space<hbm>>) dst(%dma_wait3A_286 : memref<512xi32, #tpu.memory_space<vmem>>)
    %dma_wait3A_289 = arith.constant 6 : i32
    %dma_wait3A_290 = arith.constant 3072 : i32
    %dma_wait3A_291 = tpu.memref_slice %arg7[%dma_wait3A_290] : memref<13312xi32, #tpu.memory_space<vmem>> -> memref<512xi32, #tpu.memory_space<vmem>>
    %dma_wait3A_292 = tpu.memref_slice %arg2[%dma_wait3A_289, %mul3A_2] : memref<13x16384xi32, #tpu.memory_space<hbm>> -> memref<1x512xi32, #tpu.memory_space<hbm>>
    %dma_wait3A_293 = tpu.memref_squeeze %dma_wait3A_292 : memref<1x512xi32, #tpu.memory_space<hbm>> -> memref<512xi32, #tpu.memory_space<hbm>>
    %dma_wait3A_294 = arith.constant 3072 : i32
    %dma_wait3A_295 = tpu.memref_slice %arg7[%dma_wait3A_294] : memref<13312xi32, #tpu.memory_space<vmem>> -> memref<512xi32, #tpu.memory_space<vmem>>
    %dma_wait3A_296 = tpu.memref_slice %arg2[%dma_wait3A_289, %mul3A_2] : memref<13x16384xi32, #tpu.memory_space<hbm>> -> memref<1x512xi32, #tpu.memory_space<hbm>>
    %dma_wait3A_297 = tpu.memref_squeeze %dma_wait3A_296 : memref<1x512xi32, #tpu.memory_space<hbm>> -> memref<512xi32, #tpu.memory_space<hbm>>
    tpu.wait_dma2 semaphore(%arg9 : memref<!tpu.dma_semaphore, #tpu.memory_space<semaphore_mem>>) src(%dma_wait3A_297 : memref<512xi32, #tpu.memory_space<hbm>>) dst(%dma_wait3A_295 : memref<512xi32, #tpu.memory_space<vmem>>)
    %dma_wait3A_298 = arith.constant 7 : i32
    %dma_wait3A_299 = arith.constant 3584 : i32
    %dma_wait3A_300 = tpu.memref_slice %arg7[%dma_wait3A_299] : memref<13312xi32, #tpu.memory_space<vmem>> -> memref<512xi32, #tpu.memory_space<vmem>>
    %dma_wait3A_301 = tpu.memref_slice %arg2[%dma_wait3A_298, %mul3A_2] : memref<13x16384xi32, #tpu.memory_space<hbm>> -> memref<1x512xi32, #tpu.memory_space<hbm>>
    %dma_wait3A_302 = tpu.memref_squeeze %dma_wait3A_301 : memref<1x512xi32, #tpu.memory_space<hbm>> -> memref<512xi32, #tpu.memory_space<hbm>>
    %dma_wait3A_303 = arith.constant 3584 : i32
    %dma_wait3A_304 = tpu.memref_slice %arg7[%dma_wait3A_303] : memref<13312xi32, #tpu.memory_space<vmem>> -> memref<512xi32, #tpu.memory_space<vmem>>
    %dma_wait3A_305 = tpu.memref_slice %arg2[%dma_wait3A_298, %mul3A_2] : memref<13x16384xi32, #tpu.memory_space<hbm>> -> memref<1x512xi32, #tpu.memory_space<hbm>>
    %dma_wait3A_306 = tpu.memref_squeeze %dma_wait3A_305 : memref<1x512xi32, #tpu.memory_space<hbm>> -> memref<512xi32, #tpu.memory_space<hbm>>
    tpu.wait_dma2 semaphore(%arg9 : memref<!tpu.dma_semaphore, #tpu.memory_space<semaphore_mem>>) src(%dma_wait3A_306 : memref<512xi32, #tpu.memory_space<hbm>>) dst(%dma_wait3A_304 : memref<512xi32, #tpu.memory_space<vmem>>)
    %dma_wait3A_307 = arith.constant 8 : i32
    %dma_wait3A_308 = arith.constant 4096 : i32
    %dma_wait3A_309 = tpu.memref_slice %arg7[%dma_wait3A_308] : memref<13312xi32, #tpu.memory_space<vmem>> -> memref<512xi32, #tpu.memory_space<vmem>>
    %dma_wait3A_310 = tpu.memref_slice %arg2[%dma_wait3A_307, %mul3A_2] : memref<13x16384xi32, #tpu.memory_space<hbm>> -> memref<1x512xi32, #tpu.memory_space<hbm>>
    %dma_wait3A_311 = tpu.memref_squeeze %dma_wait3A_310 : memref<1x512xi32, #tpu.memory_space<hbm>> -> memref<512xi32, #tpu.memory_space<hbm>>
    %dma_wait3A_312 = arith.constant 4096 : i32
    %dma_wait3A_313 = tpu.memref_slice %arg7[%dma_wait3A_312] : memref<13312xi32, #tpu.memory_space<vmem>> -> memref<512xi32, #tpu.memory_space<vmem>>
    %dma_wait3A_314 = tpu.memref_slice %arg2[%dma_wait3A_307, %mul3A_2] : memref<13x16384xi32, #tpu.memory_space<hbm>> -> memref<1x512xi32, #tpu.memory_space<hbm>>
    %dma_wait3A_315 = tpu.memref_squeeze %dma_wait3A_314 : memref<1x512xi32, #tpu.memory_space<hbm>> -> memref<512xi32, #tpu.memory_space<hbm>>
    tpu.wait_dma2 semaphore(%arg9 : memref<!tpu.dma_semaphore, #tpu.memory_space<semaphore_mem>>) src(%dma_wait3A_315 : memref<512xi32, #tpu.memory_space<hbm>>) dst(%dma_wait3A_313 : memref<512xi32, #tpu.memory_space<vmem>>)
    %dma_wait3A_316 = arith.constant 9 : i32
    %dma_wait3A_317 = arith.constant 4608 : i32
    %dma_wait3A_318 = tpu.memref_slice %arg7[%dma_wait3A_317] : memref<13312xi32, #tpu.memory_space<vmem>> -> memref<512xi32, #tpu.memory_space<vmem>>
    %dma_wait3A_319 = tpu.memref_slice %arg2[%dma_wait3A_316, %mul3A_2] : memref<13x16384xi32, #tpu.memory_space<hbm>> -> memref<1x512xi32, #tpu.memory_space<hbm>>
    %dma_wait3A_320 = tpu.memref_squeeze %dma_wait3A_319 : memref<1x512xi32, #tpu.memory_space<hbm>> -> memref<512xi32, #tpu.memory_space<hbm>>
    %dma_wait3A_321 = arith.constant 4608 : i32
    %dma_wait3A_322 = tpu.memref_slice %arg7[%dma_wait3A_321] : memref<13312xi32, #tpu.memory_space<vmem>> -> memref<512xi32, #tpu.memory_space<vmem>>
    %dma_wait3A_323 = tpu.memref_slice %arg2[%dma_wait3A_316, %mul3A_2] : memref<13x16384xi32, #tpu.memory_space<hbm>> -> memref<1x512xi32, #tpu.memory_space<hbm>>
    %dma_wait3A_324 = tpu.memref_squeeze %dma_wait3A_323 : memref<1x512xi32, #tpu.memory_space<hbm>> -> memref<512xi32, #tpu.memory_space<hbm>>
    tpu.wait_dma2 semaphore(%arg9 : memref<!tpu.dma_semaphore, #tpu.memory_space<semaphore_mem>>) src(%dma_wait3A_324 : memref<512xi32, #tpu.memory_space<hbm>>) dst(%dma_wait3A_322 : memref<512xi32, #tpu.memory_space<vmem>>)
    %dma_wait3A_325 = arith.constant 10 : i32
    %dma_wait3A_326 = arith.constant 5120 : i32
    %dma_wait3A_327 = tpu.memref_slice %arg7[%dma_wait3A_326] : memref<13312xi32, #tpu.memory_space<vmem>> -> memref<512xi32, #tpu.memory_space<vmem>>
    %dma_wait3A_328 = tpu.memref_slice %arg2[%dma_wait3A_325, %mul3A_2] : memref<13x16384xi32, #tpu.memory_space<hbm>> -> memref<1x512xi32, #tpu.memory_space<hbm>>
    %dma_wait3A_329 = tpu.memref_squeeze %dma_wait3A_328 : memref<1x512xi32, #tpu.memory_space<hbm>> -> memref<512xi32, #tpu.memory_space<hbm>>
    %dma_wait3A_330 = arith.constant 5120 : i32
    %dma_wait3A_331 = tpu.memref_slice %arg7[%dma_wait3A_330] : memref<13312xi32, #tpu.memory_space<vmem>> -> memref<512xi32, #tpu.memory_space<vmem>>
    %dma_wait3A_332 = tpu.memref_slice %arg2[%dma_wait3A_325, %mul3A_2] : memref<13x16384xi32, #tpu.memory_space<hbm>> -> memref<1x512xi32, #tpu.memory_space<hbm>>
    %dma_wait3A_333 = tpu.memref_squeeze %dma_wait3A_332 : memref<1x512xi32, #tpu.memory_space<hbm>> -> memref<512xi32, #tpu.memory_space<hbm>>
    tpu.wait_dma2 semaphore(%arg9 : memref<!tpu.dma_semaphore, #tpu.memory_space<semaphore_mem>>) src(%dma_wait3A_333 : memref<512xi32, #tpu.memory_space<hbm>>) dst(%dma_wait3A_331 : memref<512xi32, #tpu.memory_space<vmem>>)
    %dma_wait3A_334 = arith.constant 11 : i32
    %dma_wait3A_335 = arith.constant 5632 : i32
    %dma_wait3A_336 = tpu.memref_slice %arg7[%dma_wait3A_335] : memref<13312xi32, #tpu.memory_space<vmem>> -> memref<512xi32, #tpu.memory_space<vmem>>
    %dma_wait3A_337 = tpu.memref_slice %arg2[%dma_wait3A_334, %mul3A_2] : memref<13x16384xi32, #tpu.memory_space<hbm>> -> memref<1x512xi32, #tpu.memory_space<hbm>>
    %dma_wait3A_338 = tpu.memref_squeeze %dma_wait3A_337 : memref<1x512xi32, #tpu.memory_space<hbm>> -> memref<512xi32, #tpu.memory_space<hbm>>
    %dma_wait3A_339 = arith.constant 5632 : i32
    %dma_wait3A_340 = tpu.memref_slice %arg7[%dma_wait3A_339] : memref<13312xi32, #tpu.memory_space<vmem>> -> memref<512xi32, #tpu.memory_space<vmem>>
    %dma_wait3A_341 = tpu.memref_slice %arg2[%dma_wait3A_334, %mul3A_2] : memref<13x16384xi32, #tpu.memory_space<hbm>> -> memref<1x512xi32, #tpu.memory_space<hbm>>
    %dma_wait3A_342 = tpu.memref_squeeze %dma_wait3A_341 : memref<1x512xi32, #tpu.memory_space<hbm>> -> memref<512xi32, #tpu.memory_space<hbm>>
    tpu.wait_dma2 semaphore(%arg9 : memref<!tpu.dma_semaphore, #tpu.memory_space<semaphore_mem>>) src(%dma_wait3A_342 : memref<512xi32, #tpu.memory_space<hbm>>) dst(%dma_wait3A_340 : memref<512xi32, #tpu.memory_space<vmem>>)
    %dma_wait3A_343 = arith.constant 12 : i32
    %dma_wait3A_344 = arith.constant 6144 : i32
    %dma_wait3A_345 = tpu.memref_slice %arg7[%dma_wait3A_344] : memref<13312xi32, #tpu.memory_space<vmem>> -> memref<512xi32, #tpu.memory_space<vmem>>
    %dma_wait3A_346 = tpu.memref_slice %arg2[%dma_wait3A_343, %mul3A_2] : memref<13x16384xi32, #tpu.memory_space<hbm>> -> memref<1x512xi32, #tpu.memory_space<hbm>>
    %dma_wait3A_347 = tpu.memref_squeeze %dma_wait3A_346 : memref<1x512xi32, #tpu.memory_space<hbm>> -> memref<512xi32, #tpu.memory_space<hbm>>
    %dma_wait3A_348 = arith.constant 6144 : i32
    %dma_wait3A_349 = tpu.memref_slice %arg7[%dma_wait3A_348] : memref<13312xi32, #tpu.memory_space<vmem>> -> memref<512xi32, #tpu.memory_space<vmem>>
    %dma_wait3A_350 = tpu.memref_slice %arg2[%dma_wait3A_343, %mul3A_2] : memref<13x16384xi32, #tpu.memory_space<hbm>> -> memref<1x512xi32, #tpu.memory_space<hbm>>
    %dma_wait3A_351 = tpu.memref_squeeze %dma_wait3A_350 : memref<1x512xi32, #tpu.memory_space<hbm>> -> memref<512xi32, #tpu.memory_space<hbm>>
    tpu.wait_dma2 semaphore(%arg9 : memref<!tpu.dma_semaphore, #tpu.memory_space<semaphore_mem>>) src(%dma_wait3A_351 : memref<512xi32, #tpu.memory_space<hbm>>) dst(%dma_wait3A_349 : memref<512xi32, #tpu.memory_space<vmem>>)
    %dma_wait3A_352 = arith.constant 0 : i32
    %dma_wait3A_353 = arith.constant 6656 : i32
    %dma_wait3A_354 = tpu.memref_slice %arg7[%dma_wait3A_353] : memref<13312xi32, #tpu.memory_space<vmem>> -> memref<512xi32, #tpu.memory_space<vmem>>
    %dma_wait3A_355 = tpu.memref_slice %arg3[%dma_wait3A_352, %mul3A_2] : memref<13x16384xi32, #tpu.memory_space<hbm>> -> memref<1x512xi32, #tpu.memory_space<hbm>>
    %dma_wait3A_356 = tpu.memref_squeeze %dma_wait3A_355 : memref<1x512xi32, #tpu.memory_space<hbm>> -> memref<512xi32, #tpu.memory_space<hbm>>
    %dma_wait3A_357 = arith.constant 6656 : i32
    %dma_wait3A_358 = tpu.memref_slice %arg7[%dma_wait3A_357] : memref<13312xi32, #tpu.memory_space<vmem>> -> memref<512xi32, #tpu.memory_space<vmem>>
    %dma_wait3A_359 = tpu.memref_slice %arg3[%dma_wait3A_352, %mul3A_2] : memref<13x16384xi32, #tpu.memory_space<hbm>> -> memref<1x512xi32, #tpu.memory_space<hbm>>
    %dma_wait3A_360 = tpu.memref_squeeze %dma_wait3A_359 : memref<1x512xi32, #tpu.memory_space<hbm>> -> memref<512xi32, #tpu.memory_space<hbm>>
    tpu.wait_dma2 semaphore(%arg9 : memref<!tpu.dma_semaphore, #tpu.memory_space<semaphore_mem>>) src(%dma_wait3A_360 : memref<512xi32, #tpu.memory_space<hbm>>) dst(%dma_wait3A_358 : memref<512xi32, #tpu.memory_space<vmem>>)
    %dma_wait3A_361 = arith.constant 1 : i32
    %dma_wait3A_362 = arith.constant 7168 : i32
    %dma_wait3A_363 = tpu.memref_slice %arg7[%dma_wait3A_362] : memref<13312xi32, #tpu.memory_space<vmem>> -> memref<512xi32, #tpu.memory_space<vmem>>
    %dma_wait3A_364 = tpu.memref_slice %arg3[%dma_wait3A_361, %mul3A_2] : memref<13x16384xi32, #tpu.memory_space<hbm>> -> memref<1x512xi32, #tpu.memory_space<hbm>>
    %dma_wait3A_365 = tpu.memref_squeeze %dma_wait3A_364 : memref<1x512xi32, #tpu.memory_space<hbm>> -> memref<512xi32, #tpu.memory_space<hbm>>
    %dma_wait3A_366 = arith.constant 7168 : i32
    %dma_wait3A_367 = tpu.memref_slice %arg7[%dma_wait3A_366] : memref<13312xi32, #tpu.memory_space<vmem>> -> memref<512xi32, #tpu.memory_space<vmem>>
    %dma_wait3A_368 = tpu.memref_slice %arg3[%dma_wait3A_361, %mul3A_2] : memref<13x16384xi32, #tpu.memory_space<hbm>> -> memref<1x512xi32, #tpu.memory_space<hbm>>
    %dma_wait3A_369 = tpu.memref_squeeze %dma_wait3A_368 : memref<1x512xi32, #tpu.memory_space<hbm>> -> memref<512xi32, #tpu.memory_space<hbm>>
    tpu.wait_dma2 semaphore(%arg9 : memref<!tpu.dma_semaphore, #tpu.memory_space<semaphore_mem>>) src(%dma_wait3A_369 : memref<512xi32, #tpu.memory_space<hbm>>) dst(%dma_wait3A_367 : memref<512xi32, #tpu.memory_space<vmem>>)
    %dma_wait3A_370 = arith.constant 2 : i32
    %dma_wait3A_371 = arith.constant 7680 : i32
    %dma_wait3A_372 = tpu.memref_slice %arg7[%dma_wait3A_371] : memref<13312xi32, #tpu.memory_space<vmem>> -> memref<512xi32, #tpu.memory_space<vmem>>
    %dma_wait3A_373 = tpu.memref_slice %arg3[%dma_wait3A_370, %mul3A_2] : memref<13x16384xi32, #tpu.memory_space<hbm>> -> memref<1x512xi32, #tpu.memory_space<hbm>>
    %dma_wait3A_374 = tpu.memref_squeeze %dma_wait3A_373 : memref<1x512xi32, #tpu.memory_space<hbm>> -> memref<512xi32, #tpu.memory_space<hbm>>
    %dma_wait3A_375 = arith.constant 7680 : i32
    %dma_wait3A_376 = tpu.memref_slice %arg7[%dma_wait3A_375] : memref<13312xi32, #tpu.memory_space<vmem>> -> memref<512xi32, #tpu.memory_space<vmem>>
    %dma_wait3A_377 = tpu.memref_slice %arg3[%dma_wait3A_370, %mul3A_2] : memref<13x16384xi32, #tpu.memory_space<hbm>> -> memref<1x512xi32, #tpu.memory_space<hbm>>
    %dma_wait3A_378 = tpu.memref_squeeze %dma_wait3A_377 : memref<1x512xi32, #tpu.memory_space<hbm>> -> memref<512xi32, #tpu.memory_space<hbm>>
    tpu.wait_dma2 semaphore(%arg9 : memref<!tpu.dma_semaphore, #tpu.memory_space<semaphore_mem>>) src(%dma_wait3A_378 : memref<512xi32, #tpu.memory_space<hbm>>) dst(%dma_wait3A_376 : memref<512xi32, #tpu.memory_space<vmem>>)
    %dma_wait3A_379 = arith.constant 3 : i32
    %dma_wait3A_380 = arith.constant 8192 : i32
    %dma_wait3A_381 = tpu.memref_slice %arg7[%dma_wait3A_380] : memref<13312xi32, #tpu.memory_space<vmem>> -> memref<512xi32, #tpu.memory_space<vmem>>
    %dma_wait3A_382 = tpu.memref_slice %arg3[%dma_wait3A_379, %mul3A_2] : memref<13x16384xi32, #tpu.memory_space<hbm>> -> memref<1x512xi32, #tpu.memory_space<hbm>>
    %dma_wait3A_383 = tpu.memref_squeeze %dma_wait3A_382 : memref<1x512xi32, #tpu.memory_space<hbm>> -> memref<512xi32, #tpu.memory_space<hbm>>
    %dma_wait3A_384 = arith.constant 8192 : i32
    %dma_wait3A_385 = tpu.memref_slice %arg7[%dma_wait3A_384] : memref<13312xi32, #tpu.memory_space<vmem>> -> memref<512xi32, #tpu.memory_space<vmem>>
    %dma_wait3A_386 = tpu.memref_slice %arg3[%dma_wait3A_379, %mul3A_2] : memref<13x16384xi32, #tpu.memory_space<hbm>> -> memref<1x512xi32, #tpu.memory_space<hbm>>
    %dma_wait3A_387 = tpu.memref_squeeze %dma_wait3A_386 : memref<1x512xi32, #tpu.memory_space<hbm>> -> memref<512xi32, #tpu.memory_space<hbm>>
    tpu.wait_dma2 semaphore(%arg9 : memref<!tpu.dma_semaphore, #tpu.memory_space<semaphore_mem>>) src(%dma_wait3A_387 : memref<512xi32, #tpu.memory_space<hbm>>) dst(%dma_wait3A_385 : memref<512xi32, #tpu.memory_space<vmem>>)
    %dma_wait3A_388 = arith.constant 4 : i32
    %dma_wait3A_389 = arith.constant 8704 : i32
    %dma_wait3A_390 = tpu.memref_slice %arg7[%dma_wait3A_389] : memref<13312xi32, #tpu.memory_space<vmem>> -> memref<512xi32, #tpu.memory_space<vmem>>
    %dma_wait3A_391 = tpu.memref_slice %arg3[%dma_wait3A_388, %mul3A_2] : memref<13x16384xi32, #tpu.memory_space<hbm>> -> memref<1x512xi32, #tpu.memory_space<hbm>>
    %dma_wait3A_392 = tpu.memref_squeeze %dma_wait3A_391 : memref<1x512xi32, #tpu.memory_space<hbm>> -> memref<512xi32, #tpu.memory_space<hbm>>
    %dma_wait3A_393 = arith.constant 8704 : i32
    %dma_wait3A_394 = tpu.memref_slice %arg7[%dma_wait3A_393] : memref<13312xi32, #tpu.memory_space<vmem>> -> memref<512xi32, #tpu.memory_space<vmem>>
    %dma_wait3A_395 = tpu.memref_slice %arg3[%dma_wait3A_388, %mul3A_2] : memref<13x16384xi32, #tpu.memory_space<hbm>> -> memref<1x512xi32, #tpu.memory_space<hbm>>
    %dma_wait3A_396 = tpu.memref_squeeze %dma_wait3A_395 : memref<1x512xi32, #tpu.memory_space<hbm>> -> memref<512xi32, #tpu.memory_space<hbm>>
    tpu.wait_dma2 semaphore(%arg9 : memref<!tpu.dma_semaphore, #tpu.memory_space<semaphore_mem>>) src(%dma_wait3A_396 : memref<512xi32, #tpu.memory_space<hbm>>) dst(%dma_wait3A_394 : memref<512xi32, #tpu.memory_space<vmem>>)
    %dma_wait3A_397 = arith.constant 5 : i32
    %dma_wait3A_398 = arith.constant 9216 : i32
    %dma_wait3A_399 = tpu.memref_slice %arg7[%dma_wait3A_398] : memref<13312xi32, #tpu.memory_space<vmem>> -> memref<512xi32, #tpu.memory_space<vmem>>
    %dma_wait3A_400 = tpu.memref_slice %arg3[%dma_wait3A_397, %mul3A_2] : memref<13x16384xi32, #tpu.memory_space<hbm>> -> memref<1x512xi32, #tpu.memory_space<hbm>>
    %dma_wait3A_401 = tpu.memref_squeeze %dma_wait3A_400 : memref<1x512xi32, #tpu.memory_space<hbm>> -> memref<512xi32, #tpu.memory_space<hbm>>
    %dma_wait3A_402 = arith.constant 9216 : i32
    %dma_wait3A_403 = tpu.memref_slice %arg7[%dma_wait3A_402] : memref<13312xi32, #tpu.memory_space<vmem>> -> memref<512xi32, #tpu.memory_space<vmem>>
    %dma_wait3A_404 = tpu.memref_slice %arg3[%dma_wait3A_397, %mul3A_2] : memref<13x16384xi32, #tpu.memory_space<hbm>> -> memref<1x512xi32, #tpu.memory_space<hbm>>
    %dma_wait3A_405 = tpu.memref_squeeze %dma_wait3A_404 : memref<1x512xi32, #tpu.memory_space<hbm>> -> memref<512xi32, #tpu.memory_space<hbm>>
    tpu.wait_dma2 semaphore(%arg9 : memref<!tpu.dma_semaphore, #tpu.memory_space<semaphore_mem>>) src(%dma_wait3A_405 : memref<512xi32, #tpu.memory_space<hbm>>) dst(%dma_wait3A_403 : memref<512xi32, #tpu.memory_space<vmem>>)
    %dma_wait3A_406 = arith.constant 6 : i32
    %dma_wait3A_407 = arith.constant 9728 : i32
    %dma_wait3A_408 = tpu.memref_slice %arg7[%dma_wait3A_407] : memref<13312xi32, #tpu.memory_space<vmem>> -> memref<512xi32, #tpu.memory_space<vmem>>
    %dma_wait3A_409 = tpu.memref_slice %arg3[%dma_wait3A_406, %mul3A_2] : memref<13x16384xi32, #tpu.memory_space<hbm>> -> memref<1x512xi32, #tpu.memory_space<hbm>>
    %dma_wait3A_410 = tpu.memref_squeeze %dma_wait3A_409 : memref<1x512xi32, #tpu.memory_space<hbm>> -> memref<512xi32, #tpu.memory_space<hbm>>
    %dma_wait3A_411 = arith.constant 9728 : i32
    %dma_wait3A_412 = tpu.memref_slice %arg7[%dma_wait3A_411] : memref<13312xi32, #tpu.memory_space<vmem>> -> memref<512xi32, #tpu.memory_space<vmem>>
    %dma_wait3A_413 = tpu.memref_slice %arg3[%dma_wait3A_406, %mul3A_2] : memref<13x16384xi32, #tpu.memory_space<hbm>> -> memref<1x512xi32, #tpu.memory_space<hbm>>
    %dma_wait3A_414 = tpu.memref_squeeze %dma_wait3A_413 : memref<1x512xi32, #tpu.memory_space<hbm>> -> memref<512xi32, #tpu.memory_space<hbm>>
    tpu.wait_dma2 semaphore(%arg9 : memref<!tpu.dma_semaphore, #tpu.memory_space<semaphore_mem>>) src(%dma_wait3A_414 : memref<512xi32, #tpu.memory_space<hbm>>) dst(%dma_wait3A_412 : memref<512xi32, #tpu.memory_space<vmem>>)
    %dma_wait3A_415 = arith.constant 7 : i32
    %dma_wait3A_416 = arith.constant 10240 : i32
    %dma_wait3A_417 = tpu.memref_slice %arg7[%dma_wait3A_416] : memref<13312xi32, #tpu.memory_space<vmem>> -> memref<512xi32, #tpu.memory_space<vmem>>
    %dma_wait3A_418 = tpu.memref_slice %arg3[%dma_wait3A_415, %mul3A_2] : memref<13x16384xi32, #tpu.memory_space<hbm>> -> memref<1x512xi32, #tpu.memory_space<hbm>>
    %dma_wait3A_419 = tpu.memref_squeeze %dma_wait3A_418 : memref<1x512xi32, #tpu.memory_space<hbm>> -> memref<512xi32, #tpu.memory_space<hbm>>
    %dma_wait3A_420 = arith.constant 10240 : i32
    %dma_wait3A_421 = tpu.memref_slice %arg7[%dma_wait3A_420] : memref<13312xi32, #tpu.memory_space<vmem>> -> memref<512xi32, #tpu.memory_space<vmem>>
    %dma_wait3A_422 = tpu.memref_slice %arg3[%dma_wait3A_415, %mul3A_2] : memref<13x16384xi32, #tpu.memory_space<hbm>> -> memref<1x512xi32, #tpu.memory_space<hbm>>
    %dma_wait3A_423 = tpu.memref_squeeze %dma_wait3A_422 : memref<1x512xi32, #tpu.memory_space<hbm>> -> memref<512xi32, #tpu.memory_space<hbm>>
    tpu.wait_dma2 semaphore(%arg9 : memref<!tpu.dma_semaphore, #tpu.memory_space<semaphore_mem>>) src(%dma_wait3A_423 : memref<512xi32, #tpu.memory_space<hbm>>) dst(%dma_wait3A_421 : memref<512xi32, #tpu.memory_space<vmem>>)
    %dma_wait3A_424 = arith.constant 8 : i32
    %dma_wait3A_425 = arith.constant 10752 : i32
    %dma_wait3A_426 = tpu.memref_slice %arg7[%dma_wait3A_425] : memref<13312xi32, #tpu.memory_space<vmem>> -> memref<512xi32, #tpu.memory_space<vmem>>
    %dma_wait3A_427 = tpu.memref_slice %arg3[%dma_wait3A_424, %mul3A_2] : memref<13x16384xi32, #tpu.memory_space<hbm>> -> memref<1x512xi32, #tpu.memory_space<hbm>>
    %dma_wait3A_428 = tpu.memref_squeeze %dma_wait3A_427 : memref<1x512xi32, #tpu.memory_space<hbm>> -> memref<512xi32, #tpu.memory_space<hbm>>
    %dma_wait3A_429 = arith.constant 10752 : i32
    %dma_wait3A_430 = tpu.memref_slice %arg7[%dma_wait3A_429] : memref<13312xi32, #tpu.memory_space<vmem>> -> memref<512xi32, #tpu.memory_space<vmem>>
    %dma_wait3A_431 = tpu.memref_slice %arg3[%dma_wait3A_424, %mul3A_2] : memref<13x16384xi32, #tpu.memory_space<hbm>> -> memref<1x512xi32, #tpu.memory_space<hbm>>
    %dma_wait3A_432 = tpu.memref_squeeze %dma_wait3A_431 : memref<1x512xi32, #tpu.memory_space<hbm>> -> memref<512xi32, #tpu.memory_space<hbm>>
    tpu.wait_dma2 semaphore(%arg9 : memref<!tpu.dma_semaphore, #tpu.memory_space<semaphore_mem>>) src(%dma_wait3A_432 : memref<512xi32, #tpu.memory_space<hbm>>) dst(%dma_wait3A_430 : memref<512xi32, #tpu.memory_space<vmem>>)
    %dma_wait3A_433 = arith.constant 9 : i32
    %dma_wait3A_434 = arith.constant 11264 : i32
    %dma_wait3A_435 = tpu.memref_slice %arg7[%dma_wait3A_434] : memref<13312xi32, #tpu.memory_space<vmem>> -> memref<512xi32, #tpu.memory_space<vmem>>
    %dma_wait3A_436 = tpu.memref_slice %arg3[%dma_wait3A_433, %mul3A_2] : memref<13x16384xi32, #tpu.memory_space<hbm>> -> memref<1x512xi32, #tpu.memory_space<hbm>>
    %dma_wait3A_437 = tpu.memref_squeeze %dma_wait3A_436 : memref<1x512xi32, #tpu.memory_space<hbm>> -> memref<512xi32, #tpu.memory_space<hbm>>
    %dma_wait3A_438 = arith.constant 11264 : i32
    %dma_wait3A_439 = tpu.memref_slice %arg7[%dma_wait3A_438] : memref<13312xi32, #tpu.memory_space<vmem>> -> memref<512xi32, #tpu.memory_space<vmem>>
    %dma_wait3A_440 = tpu.memref_slice %arg3[%dma_wait3A_433, %mul3A_2] : memref<13x16384xi32, #tpu.memory_space<hbm>> -> memref<1x512xi32, #tpu.memory_space<hbm>>
    %dma_wait3A_441 = tpu.memref_squeeze %dma_wait3A_440 : memref<1x512xi32, #tpu.memory_space<hbm>> -> memref<512xi32, #tpu.memory_space<hbm>>
    tpu.wait_dma2 semaphore(%arg9 : memref<!tpu.dma_semaphore, #tpu.memory_space<semaphore_mem>>) src(%dma_wait3A_441 : memref<512xi32, #tpu.memory_space<hbm>>) dst(%dma_wait3A_439 : memref<512xi32, #tpu.memory_space<vmem>>)
    %dma_wait3A_442 = arith.constant 10 : i32
    %dma_wait3A_443 = arith.constant 11776 : i32
    %dma_wait3A_444 = tpu.memref_slice %arg7[%dma_wait3A_443] : memref<13312xi32, #tpu.memory_space<vmem>> -> memref<512xi32, #tpu.memory_space<vmem>>
    %dma_wait3A_445 = tpu.memref_slice %arg3[%dma_wait3A_442, %mul3A_2] : memref<13x16384xi32, #tpu.memory_space<hbm>> -> memref<1x512xi32, #tpu.memory_space<hbm>>
    %dma_wait3A_446 = tpu.memref_squeeze %dma_wait3A_445 : memref<1x512xi32, #tpu.memory_space<hbm>> -> memref<512xi32, #tpu.memory_space<hbm>>
    %dma_wait3A_447 = arith.constant 11776 : i32
    %dma_wait3A_448 = tpu.memref_slice %arg7[%dma_wait3A_447] : memref<13312xi32, #tpu.memory_space<vmem>> -> memref<512xi32, #tpu.memory_space<vmem>>
    %dma_wait3A_449 = tpu.memref_slice %arg3[%dma_wait3A_442, %mul3A_2] : memref<13x16384xi32, #tpu.memory_space<hbm>> -> memref<1x512xi32, #tpu.memory_space<hbm>>
    %dma_wait3A_450 = tpu.memref_squeeze %dma_wait3A_449 : memref<1x512xi32, #tpu.memory_space<hbm>> -> memref<512xi32, #tpu.memory_space<hbm>>
    tpu.wait_dma2 semaphore(%arg9 : memref<!tpu.dma_semaphore, #tpu.memory_space<semaphore_mem>>) src(%dma_wait3A_450 : memref<512xi32, #tpu.memory_space<hbm>>) dst(%dma_wait3A_448 : memref<512xi32, #tpu.memory_space<vmem>>)
    %dma_wait3A_451 = arith.constant 11 : i32
    %dma_wait3A_452 = arith.constant 12288 : i32
    %dma_wait3A_453 = tpu.memref_slice %arg7[%dma_wait3A_452] : memref<13312xi32, #tpu.memory_space<vmem>> -> memref<512xi32, #tpu.memory_space<vmem>>
    %dma_wait3A_454 = tpu.memref_slice %arg3[%dma_wait3A_451, %mul3A_2] : memref<13x16384xi32, #tpu.memory_space<hbm>> -> memref<1x512xi32, #tpu.memory_space<hbm>>
    %dma_wait3A_455 = tpu.memref_squeeze %dma_wait3A_454 : memref<1x512xi32, #tpu.memory_space<hbm>> -> memref<512xi32, #tpu.memory_space<hbm>>
    %dma_wait3A_456 = arith.constant 12288 : i32
    %dma_wait3A_457 = tpu.memref_slice %arg7[%dma_wait3A_456] : memref<13312xi32, #tpu.memory_space<vmem>> -> memref<512xi32, #tpu.memory_space<vmem>>
    %dma_wait3A_458 = tpu.memref_slice %arg3[%dma_wait3A_451, %mul3A_2] : memref<13x16384xi32, #tpu.memory_space<hbm>> -> memref<1x512xi32, #tpu.memory_space<hbm>>
    %dma_wait3A_459 = tpu.memref_squeeze %dma_wait3A_458 : memref<1x512xi32, #tpu.memory_space<hbm>> -> memref<512xi32, #tpu.memory_space<hbm>>
    tpu.wait_dma2 semaphore(%arg9 : memref<!tpu.dma_semaphore, #tpu.memory_space<semaphore_mem>>) src(%dma_wait3A_459 : memref<512xi32, #tpu.memory_space<hbm>>) dst(%dma_wait3A_457 : memref<512xi32, #tpu.memory_space<vmem>>)
    %dma_wait3A_460 = arith.constant 12 : i32
    %dma_wait3A_461 = arith.constant 12800 : i32
    %dma_wait3A_462 = tpu.memref_slice %arg7[%dma_wait3A_461] : memref<13312xi32, #tpu.memory_space<vmem>> -> memref<512xi32, #tpu.memory_space<vmem>>
    %dma_wait3A_463 = tpu.memref_slice %arg3[%dma_wait3A_460, %mul3A_2] : memref<13x16384xi32, #tpu.memory_space<hbm>> -> memref<1x512xi32, #tpu.memory_space<hbm>>
    %dma_wait3A_464 = tpu.memref_squeeze %dma_wait3A_463 : memref<1x512xi32, #tpu.memory_space<hbm>> -> memref<512xi32, #tpu.memory_space<hbm>>
    %dma_wait3A_465 = arith.constant 12800 : i32
    %dma_wait3A_466 = tpu.memref_slice %arg7[%dma_wait3A_465] : memref<13312xi32, #tpu.memory_space<vmem>> -> memref<512xi32, #tpu.memory_space<vmem>>
    %dma_wait3A_467 = tpu.memref_slice %arg3[%dma_wait3A_460, %mul3A_2] : memref<13x16384xi32, #tpu.memory_space<hbm>> -> memref<1x512xi32, #tpu.memory_space<hbm>>
    %dma_wait3A_468 = tpu.memref_squeeze %dma_wait3A_467 : memref<1x512xi32, #tpu.memory_space<hbm>> -> memref<512xi32, #tpu.memory_space<hbm>>
    tpu.wait_dma2 semaphore(%arg9 : memref<!tpu.dma_semaphore, #tpu.memory_space<semaphore_mem>>) src(%dma_wait3A_468 : memref<512xi32, #tpu.memory_space<hbm>>) dst(%dma_wait3A_466 : memref<512xi32, #tpu.memory_space<vmem>>)
    %scan3A = arith.constant 0 : i32
    %scan3A_469 = arith.constant 832 : i32
    %scan3A_470 = arith.addi %scan3A, %scan3A_469 : i32
    %scan3A_471 = arith.constant 1 : i32
    scf.for %scan3A_3229 = %scan3A to %scan3A_470 step %scan3A_471  : i32 {
      %jit3A = arith.constant 32 : i32
      %div3A = arith.divsi %scan3A_3229, %jit3A : i32
      %sign3A = arith.constant 0 : i32
      %sign3A_3230 = arith.cmpi sgt, %scan3A_3229, %sign3A : i32
      %sign3A_3231 = arith.extui %sign3A_3230 : i1 to i32
      %sign3A_3232 = arith.constant 0 : i32
      %sign3A_3233 = arith.cmpi slt, %scan3A_3229, %sign3A_3232 : i32
      %sign3A_3234 = arith.extui %sign3A_3233 : i1 to i32
      %sign3A_3235 = arith.subi %sign3A_3231, %sign3A_3234 : i32
      %sign3A_3236 = arith.constant 0 : i32
      %sign3A_3237 = arith.cmpi sgt, %jit3A, %sign3A_3236 : i32
      %sign3A_3238 = arith.extui %sign3A_3237 : i1 to i32
      %sign3A_3239 = arith.constant 0 : i32
      %sign3A_3240 = arith.cmpi slt, %jit3A, %sign3A_3239 : i32
      %sign3A_3241 = arith.extui %sign3A_3240 : i1 to i32
      %sign3A_3242 = arith.subi %sign3A_3238, %sign3A_3241 : i32
      %ne3A = arith.cmpi ne, %sign3A_3235, %sign3A_3242 : i32
      %rem3A = arith.remsi %scan3A_3229, %jit3A : i32
      %ne3A_3243 = arith.constant 0 : i32
      %ne3A_3244 = arith.cmpi ne, %rem3A, %ne3A_3243 : i32
      %and3A = arith.andi %ne3A, %ne3A_3244 : i1
      %sub3A = arith.constant 1 : i32
      %sub3A_3245 = arith.subi %div3A, %sub3A : i32
      %select_n3A = arith.select %and3A, %sub3A_3245, %div3A : i32
      %rem3A_3246 = arith.constant 13 : i32
      %rem3A_3247 = arith.remsi %select_n3A, %rem3A_3246 : i32
      %mul3A_3248 = arith.constant 100352 : i32
      %mul3A_3249 = arith.muli %rem3A_3247, %mul3A_3248 : i32
      %mul3A_3250 = arith.constant 16 : i32
      %mul3A_3251 = arith.muli %scan3A_3229, %mul3A_3250 : i32
      %get3A = arith.index_cast %mul3A_3251 : i32 to index
      %get3A_3252 = tpu.vector_load %arg7[%get3A] {strides = array<i32>} : memref<13312xi32, #tpu.memory_space<vmem>>, vector<16xi32>,
      %get3A_3253 = vector.shape_cast %get3A_3252 : vector<16xi32> to vector<16xi32>
      %ge3A = arith.constant 25088 : i32
      %ge3A_3254 = vector.broadcast %ge3A : i32 to vector<16xi32>
      %ge3A_3255 = arith.cmpi sge, %get3A_3253, %ge3A_3254 : vector<16xi32>
      %jit3A_3256 = arith.constant 1 : i32
      %jit3A_3257 = arith.constant 0 : i32
      %broadcast_in_dim3A = vector.broadcast %jit3A_3256 : i32 to vector<16xi32>
      %broadcast_in_dim3A_3258 = vector.broadcast %jit3A_3257 : i32 to vector<16xi32>
      %select_n3A_3259 = arith.select %ge3A_3255, %broadcast_in_dim3A, %broadcast_in_dim3A_3258 : vector<16xi1>, vector<16xi32>
      %ge3A_3260 = arith.constant 50176 : i32
      %ge3A_3261 = vector.broadcast %ge3A_3260 : i32 to vector<16xi32>
      %ge3A_3262 = arith.cmpi sge, %get3A_3253, %ge3A_3261 : vector<16xi32>
      %jit3A_3263 = arith.constant 1 : i32
      %jit3A_3264 = arith.constant 0 : i32
      %broadcast_in_dim3A_3265 = vector.broadcast %jit3A_3263 : i32 to vector<16xi32>
      %broadcast_in_dim3A_3266 = vector.broadcast %jit3A_3264 : i32 to vector<16xi32>
      %select_n3A_3267 = arith.select %ge3A_3262, %broadcast_in_dim3A_3265, %broadcast_in_dim3A_3266 : vector<16xi1>, vector<16xi32>
      %add3A_3268 = arith.addi %select_n3A_3259, %select_n3A_3267 : vector<16xi32>
      %ge3A_3269 = arith.constant 75264 : i32
      %ge3A_3270 = vector.broadcast %ge3A_3269 : i32 to vector<16xi32>
      %ge3A_3271 = arith.cmpi sge, %get3A_3253, %ge3A_3270 : vector<16xi32>
      %jit3A_3272 = arith.constant 1 : i32
      %jit3A_3273 = arith.constant 0 : i32
      %broadcast_in_dim3A_3274 = vector.broadcast %jit3A_3272 : i32 to vector<16xi32>
      %broadcast_in_dim3A_3275 = vector.broadcast %jit3A_3273 : i32 to vector<16xi32>
      %select_n3A_3276 = arith.select %ge3A_3271, %broadcast_in_dim3A_3274, %broadcast_in_dim3A_3275 : vector<16xi1>, vector<16xi32>
      %add3A_3277 = arith.addi %add3A_3268, %select_n3A_3276 : vector<16xi32>
      %mul3A_3278 = arith.constant 25088 : i32
      %mul3A_3279 = vector.broadcast %mul3A_3278 : i32 to vector<16xi32>
      %mul3A_3280 = arith.muli %add3A_3277, %mul3A_3279 : vector<16xi32>
      %sub3A_3281 = arith.subi %get3A_3253, %mul3A_3280 : vector<16xi32>
      %mul3A_3282 = arith.constant 4 : i32
      %mul3A_3283 = vector.broadcast %mul3A_3282 : i32 to vector<16xi32>
      %mul3A_3284 = arith.muli %sub3A_3281, %mul3A_3283 : vector<16xi32>
      %add3A_3285 = vector.broadcast %mul3A_3249 : i32 to vector<16xi32>
      %add3A_3286 = arith.addi %add3A_3285, %mul3A_3284 : vector<16xi32>
      %add3A_3287 = arith.addi %add3A_3286, %add3A_3277 : vector<16xi32>
      %swap3A = arith.index_cast %mul3A_3251 : i32 to index
      %swap3A_3288 = tpu.vector_load %arg7[%swap3A] {strides = array<i32>} : memref<13312xi32, #tpu.memory_space<vmem>>, vector<16xi32>,
      %swap3A_3289 = vector.shape_cast %swap3A_3288 : vector<16xi32> to vector<16xi32>
      %swap3A_3290 = vector.shape_cast %add3A_3287 : vector<16xi32> to vector<16xi32>
      tpu.vector_store %arg7[%swap3A], %swap3A_3290 {strides = array<i32>} : memref<13312xi32, #tpu.memory_space<vmem>>, vector<16xi32>,
    }
    %scan3A_472 = arith.constant 832 : i32
    %barrier3A = arith.constant 0 : index
    tpu.barrier barrier_id(%barrier3A)
    %dma_start3A_473 = arith.constant 0 : i32
    %dma_start3A_474 = arith.constant 0 : i32
    %dma_start3A_475 = arith.constant 0 : i32
    %dma_start3A_476 = tpu.memref_slice %arg8[%dma_start3A_473, %dma_start3A_474, %dma_start3A_475] : memref<4x512x32xf32, #tpu.memory_space<vmem>> -> memref<1x128x32xf32, #tpu.memory_space<vmem>>
    %dma_start3A_477 = tpu.memref_squeeze %dma_start3A_476 : memref<1x128x32xf32, #tpu.memory_space<vmem>> -> memref<128x32xf32, #tpu.memory_space<vmem>>
    %dma_start3A_478 = arith.constant 0 : i32
    %dma_start3A_479 = tpu.memref_slice %arg7[%dma_start3A_478] : memref<13312xi32, #tpu.memory_space<vmem>> -> memref<128xi32, #tpu.memory_space<vmem>>
    %dma_start3A_480 = arith.constant 0 : i32
    %dma_start3A_481 = arith.constant 0 : i32
    %dma_start3A_482 = tpu.memref_slice %arg4[%dma_start3A_480, %dma_start3A_481] : memref<1304576x32xf32, #tpu.memory_space<hbm>> -> memref<1304576x32xf32, #tpu.memory_space<hbm>>
    tpu.enqueue_indirect_dma source(%dma_start3A_482 : memref<1304576x32xf32, #tpu.memory_space<hbm>>) target(%dma_start3A_477 : memref<128x32xf32, #tpu.memory_space<vmem>>) offsets(%dma_start3A_479 : memref<128xi32, #tpu.memory_space<vmem>>) semaphore(%arg10 : memref<!tpu.dma_semaphore, #tpu.memory_space<semaphore_mem>>)
    %dma_start3A_483 = arith.constant 0 : i32
    %dma_start3A_484 = arith.constant 128 : i32
    %dma_start3A_485 = arith.constant 0 : i32
    %dma_start3A_486 = tpu.memref_slice %arg8[%dma_start3A_483, %dma_start3A_484, %dma_start3A_485] : memref<4x512x32xf32, #tpu.memory_space<vmem>> -> memref<1x128x32xf32, #tpu.memory_space<vmem>>
    %dma_start3A_487 = tpu.memref_squeeze %dma_start3A_486 : memref<1x128x32xf32, #tpu.memory_space<vmem>> -> memref<128x32xf32, #tpu.memory_space<vmem>>
    %dma_start3A_488 = arith.constant 128 : i32
    %dma_start3A_489 = tpu.memref_slice %arg7[%dma_start3A_488] : memref<13312xi32, #tpu.memory_space<vmem>> -> memref<128xi32, #tpu.memory_space<vmem>>
    %dma_start3A_490 = arith.constant 0 : i32
    %dma_start3A_491 = arith.constant 0 : i32
    %dma_start3A_492 = tpu.memref_slice %arg4[%dma_start3A_490, %dma_start3A_491] : memref<1304576x32xf32, #tpu.memory_space<hbm>> -> memref<1304576x32xf32, #tpu.memory_space<hbm>>
    tpu.enqueue_indirect_dma source(%dma_start3A_492 : memref<1304576x32xf32, #tpu.memory_space<hbm>>) target(%dma_start3A_487 : memref<128x32xf32, #tpu.memory_space<vmem>>) offsets(%dma_start3A_489 : memref<128xi32, #tpu.memory_space<vmem>>) semaphore(%arg10 : memref<!tpu.dma_semaphore, #tpu.memory_space<semaphore_mem>>)
    %dma_start3A_493 = arith.constant 0 : i32
    %dma_start3A_494 = arith.constant 256 : i32
    %dma_start3A_495 = arith.constant 0 : i32
    %dma_start3A_496 = tpu.memref_slice %arg8[%dma_start3A_493, %dma_start3A_494, %dma_start3A_495] : memref<4x512x32xf32, #tpu.memory_space<vmem>> -> memref<1x128x32xf32, #tpu.memory_space<vmem>>
    %dma_start3A_497 = tpu.memref_squeeze %dma_start3A_496 : memref<1x128x32xf32, #tpu.memory_space<vmem>> -> memref<128x32xf32, #tpu.memory_space<vmem>>
    %dma_start3A_498 = arith.constant 256 : i32
    %dma_start3A_499 = tpu.memref_slice %arg7[%dma_start3A_498] : memref<13312xi32, #tpu.memory_space<vmem>> -> memref<128xi32, #tpu.memory_space<vmem>>
    %dma_start3A_500 = arith.constant 0 : i32
    %dma_start3A_501 = arith.constant 0 : i32
    %dma_start3A_502 = tpu.memref_slice %arg4[%dma_start3A_500, %dma_start3A_501] : memref<1304576x32xf32, #tpu.memory_space<hbm>> -> memref<1304576x32xf32, #tpu.memory_space<hbm>>
    tpu.enqueue_indirect_dma source(%dma_start3A_502 : memref<1304576x32xf32, #tpu.memory_space<hbm>>) target(%dma_start3A_497 : memref<128x32xf32, #tpu.memory_space<vmem>>) offsets(%dma_start3A_499 : memref<128xi32, #tpu.memory_space<vmem>>) semaphore(%arg10 : memref<!tpu.dma_semaphore, #tpu.memory_space<semaphore_mem>>)
    %dma_start3A_503 = arith.constant 0 : i32
    %dma_start3A_504 = arith.constant 384 : i32
    %dma_start3A_505 = arith.constant 0 : i32
    %dma_start3A_506 = tpu.memref_slice %arg8[%dma_start3A_503, %dma_start3A_504, %dma_start3A_505] : memref<4x512x32xf32, #tpu.memory_space<vmem>> -> memref<1x128x32xf32, #tpu.memory_space<vmem>>
    %dma_start3A_507 = tpu.memref_squeeze %dma_start3A_506 : memref<1x128x32xf32, #tpu.memory_space<vmem>> -> memref<128x32xf32, #tpu.memory_space<vmem>>
    %dma_start3A_508 = arith.constant 384 : i32
    %dma_start3A_509 = tpu.memref_slice %arg7[%dma_start3A_508] : memref<13312xi32, #tpu.memory_space<vmem>> -> memref<128xi32, #tpu.memory_space<vmem>>
    %dma_start3A_510 = arith.constant 0 : i32
    %dma_start3A_511 = arith.constant 0 : i32
    %dma_start3A_512 = tpu.memref_slice %arg4[%dma_start3A_510, %dma_start3A_511] : memref<1304576x32xf32, #tpu.memory_space<hbm>> -> memref<1304576x32xf32, #tpu.memory_space<hbm>>
    tpu.enqueue_indirect_dma source(%dma_start3A_512 : memref<1304576x32xf32, #tpu.memory_space<hbm>>) target(%dma_start3A_507 : memref<128x32xf32, #tpu.memory_space<vmem>>) offsets(%dma_start3A_509 : memref<128xi32, #tpu.memory_space<vmem>>) semaphore(%arg10 : memref<!tpu.dma_semaphore, #tpu.memory_space<semaphore_mem>>)
    %dma_start3A_513 = arith.constant 1 : i32
    %dma_start3A_514 = arith.constant 0 : i32
    %dma_start3A_515 = arith.constant 0 : i32
    %dma_start3A_516 = tpu.memref_slice %arg8[%dma_start3A_513, %dma_start3A_514, %dma_start3A_515] : memref<4x512x32xf32, #tpu.memory_space<vmem>> -> memref<1x128x32xf32, #tpu.memory_space<vmem>>
    %dma_start3A_517 = tpu.memref_squeeze %dma_start3A_516 : memref<1x128x32xf32, #tpu.memory_space<vmem>> -> memref<128x32xf32, #tpu.memory_space<vmem>>
    %dma_start3A_518 = arith.constant 512 : i32
    %dma_start3A_519 = tpu.memref_slice %arg7[%dma_start3A_518] : memref<13312xi32, #tpu.memory_space<vmem>> -> memref<128xi32, #tpu.memory_space<vmem>>
    %dma_start3A_520 = arith.constant 0 : i32
    %dma_start3A_521 = arith.constant 0 : i32
    %dma_start3A_522 = tpu.memref_slice %arg4[%dma_start3A_520, %dma_start3A_521] : memref<1304576x32xf32, #tpu.memory_space<hbm>> -> memref<1304576x32xf32, #tpu.memory_space<hbm>>
    tpu.enqueue_indirect_dma source(%dma_start3A_522 : memref<1304576x32xf32, #tpu.memory_space<hbm>>) target(%dma_start3A_517 : memref<128x32xf32, #tpu.memory_space<vmem>>) offsets(%dma_start3A_519 : memref<128xi32, #tpu.memory_space<vmem>>) semaphore(%arg11 : memref<!tpu.dma_semaphore, #tpu.memory_space<semaphore_mem>>)
    %dma_start3A_523 = arith.constant 1 : i32
    %dma_start3A_524 = arith.constant 128 : i32
    %dma_start3A_525 = arith.constant 0 : i32
    %dma_start3A_526 = tpu.memref_slice %arg8[%dma_start3A_523, %dma_start3A_524, %dma_start3A_525] : memref<4x512x32xf32, #tpu.memory_space<vmem>> -> memref<1x128x32xf32, #tpu.memory_space<vmem>>
    %dma_start3A_527 = tpu.memref_squeeze %dma_start3A_526 : memref<1x128x32xf32, #tpu.memory_space<vmem>> -> memref<128x32xf32, #tpu.memory_space<vmem>>
    %dma_start3A_528 = arith.constant 640 : i32
    %dma_start3A_529 = tpu.memref_slice %arg7[%dma_start3A_528] : memref<13312xi32, #tpu.memory_space<vmem>> -> memref<128xi32, #tpu.memory_space<vmem>>
    %dma_start3A_530 = arith.constant 0 : i32
    %dma_start3A_531 = arith.constant 0 : i32
    %dma_start3A_532 = tpu.memref_slice %arg4[%dma_start3A_530, %dma_start3A_531] : memref<1304576x32xf32, #tpu.memory_space<hbm>> -> memref<1304576x32xf32, #tpu.memory_space<hbm>>
    tpu.enqueue_indirect_dma source(%dma_start3A_532 : memref<1304576x32xf32, #tpu.memory_space<hbm>>) target(%dma_start3A_527 : memref<128x32xf32, #tpu.memory_space<vmem>>) offsets(%dma_start3A_529 : memref<128xi32, #tpu.memory_space<vmem>>) semaphore(%arg11 : memref<!tpu.dma_semaphore, #tpu.memory_space<semaphore_mem>>)
    %dma_start3A_533 = arith.constant 1 : i32
    %dma_start3A_534 = arith.constant 256 : i32
    %dma_start3A_535 = arith.constant 0 : i32
    %dma_start3A_536 = tpu.memref_slice %arg8[%dma_start3A_533, %dma_start3A_534, %dma_start3A_535] : memref<4x512x32xf32, #tpu.memory_space<vmem>> -> memref<1x128x32xf32, #tpu.memory_space<vmem>>
    %dma_start3A_537 = tpu.memref_squeeze %dma_start3A_536 : memref<1x128x32xf32, #tpu.memory_space<vmem>> -> memref<128x32xf32, #tpu.memory_space<vmem>>
    %dma_start3A_538 = arith.constant 768 : i32
    %dma_start3A_539 = tpu.memref_slice %arg7[%dma_start3A_538] : memref<13312xi32, #tpu.memory_space<vmem>> -> memref<128xi32, #tpu.memory_space<vmem>>
    %dma_start3A_540 = arith.constant 0 : i32
    %dma_start3A_541 = arith.constant 0 : i32
    %dma_start3A_542 = tpu.memref_slice %arg4[%dma_start3A_540, %dma_start3A_541] : memref<1304576x32xf32, #tpu.memory_space<hbm>> -> memref<1304576x32xf32, #tpu.memory_space<hbm>>
    tpu.enqueue_indirect_dma source(%dma_start3A_542 : memref<1304576x32xf32, #tpu.memory_space<hbm>>) target(%dma_start3A_537 : memref<128x32xf32, #tpu.memory_space<vmem>>) offsets(%dma_start3A_539 : memref<128xi32, #tpu.memory_space<vmem>>) semaphore(%arg11 : memref<!tpu.dma_semaphore, #tpu.memory_space<semaphore_mem>>)
    %dma_start3A_543 = arith.constant 1 : i32
    %dma_start3A_544 = arith.constant 384 : i32
    %dma_start3A_545 = arith.constant 0 : i32
    %dma_start3A_546 = tpu.memref_slice %arg8[%dma_start3A_543, %dma_start3A_544, %dma_start3A_545] : memref<4x512x32xf32, #tpu.memory_space<vmem>> -> memref<1x128x32xf32, #tpu.memory_space<vmem>>
    %dma_start3A_547 = tpu.memref_squeeze %dma_start3A_546 : memref<1x128x32xf32, #tpu.memory_space<vmem>> -> memref<128x32xf32, #tpu.memory_space<vmem>>
    %dma_start3A_548 = arith.constant 896 : i32
    %dma_start3A_549 = tpu.memref_slice %arg7[%dma_start3A_548] : memref<13312xi32, #tpu.memory_space<vmem>> -> memref<128xi32, #tpu.memory_space<vmem>>
    %dma_start3A_550 = arith.constant 0 : i32
    %dma_start3A_551 = arith.constant 0 : i32
    %dma_start3A_552 = tpu.memref_slice %arg4[%dma_start3A_550, %dma_start3A_551] : memref<1304576x32xf32, #tpu.memory_space<hbm>> -> memref<1304576x32xf32, #tpu.memory_space<hbm>>
    tpu.enqueue_indirect_dma source(%dma_start3A_552 : memref<1304576x32xf32, #tpu.memory_space<hbm>>) target(%dma_start3A_547 : memref<128x32xf32, #tpu.memory_space<vmem>>) offsets(%dma_start3A_549 : memref<128xi32, #tpu.memory_space<vmem>>) semaphore(%arg11 : memref<!tpu.dma_semaphore, #tpu.memory_space<semaphore_mem>>)
    %dma_start3A_553 = arith.constant 2 : i32
    %dma_start3A_554 = arith.constant 0 : i32
    %dma_start3A_555 = arith.constant 0 : i32
    %dma_start3A_556 = tpu.memref_slice %arg8[%dma_start3A_553, %dma_start3A_554, %dma_start3A_555] : memref<4x512x32xf32, #tpu.memory_space<vmem>> -> memref<1x128x32xf32, #tpu.memory_space<vmem>>
    %dma_start3A_557 = tpu.memref_squeeze %dma_start3A_556 : memref<1x128x32xf32, #tpu.memory_space<vmem>> -> memref<128x32xf32, #tpu.memory_space<vmem>>
    %dma_start3A_558 = arith.constant 1024 : i32
    %dma_start3A_559 = tpu.memref_slice %arg7[%dma_start3A_558] : memref<13312xi32, #tpu.memory_space<vmem>> -> memref<128xi32, #tpu.memory_space<vmem>>
    %dma_start3A_560 = arith.constant 0 : i32
    %dma_start3A_561 = arith.constant 0 : i32
    %dma_start3A_562 = tpu.memref_slice %arg4[%dma_start3A_560, %dma_start3A_561] : memref<1304576x32xf32, #tpu.memory_space<hbm>> -> memref<1304576x32xf32, #tpu.memory_space<hbm>>
    tpu.enqueue_indirect_dma source(%dma_start3A_562 : memref<1304576x32xf32, #tpu.memory_space<hbm>>) target(%dma_start3A_557 : memref<128x32xf32, #tpu.memory_space<vmem>>) offsets(%dma_start3A_559 : memref<128xi32, #tpu.memory_space<vmem>>) semaphore(%arg12 : memref<!tpu.dma_semaphore, #tpu.memory_space<semaphore_mem>>)
    %dma_start3A_563 = arith.constant 2 : i32
    %dma_start3A_564 = arith.constant 128 : i32
    %dma_start3A_565 = arith.constant 0 : i32
    %dma_start3A_566 = tpu.memref_slice %arg8[%dma_start3A_563, %dma_start3A_564, %dma_start3A_565] : memref<4x512x32xf32, #tpu.memory_space<vmem>> -> memref<1x128x32xf32, #tpu.memory_space<vmem>>
    %dma_start3A_567 = tpu.memref_squeeze %dma_start3A_566 : memref<1x128x32xf32, #tpu.memory_space<vmem>> -> memref<128x32xf32, #tpu.memory_space<vmem>>
    %dma_start3A_568 = arith.constant 1152 : i32
    %dma_start3A_569 = tpu.memref_slice %arg7[%dma_start3A_568] : memref<13312xi32, #tpu.memory_space<vmem>> -> memref<128xi32, #tpu.memory_space<vmem>>
    %dma_start3A_570 = arith.constant 0 : i32
    %dma_start3A_571 = arith.constant 0 : i32
    %dma_start3A_572 = tpu.memref_slice %arg4[%dma_start3A_570, %dma_start3A_571] : memref<1304576x32xf32, #tpu.memory_space<hbm>> -> memref<1304576x32xf32, #tpu.memory_space<hbm>>
    tpu.enqueue_indirect_dma source(%dma_start3A_572 : memref<1304576x32xf32, #tpu.memory_space<hbm>>) target(%dma_start3A_567 : memref<128x32xf32, #tpu.memory_space<vmem>>) offsets(%dma_start3A_569 : memref<128xi32, #tpu.memory_space<vmem>>) semaphore(%arg12 : memref<!tpu.dma_semaphore, #tpu.memory_space<semaphore_mem>>)
    %dma_start3A_573 = arith.constant 2 : i32
    %dma_start3A_574 = arith.constant 256 : i32
    %dma_start3A_575 = arith.constant 0 : i32
    %dma_start3A_576 = tpu.memref_slice %arg8[%dma_start3A_573, %dma_start3A_574, %dma_start3A_575] : memref<4x512x32xf32, #tpu.memory_space<vmem>> -> memref<1x128x32xf32, #tpu.memory_space<vmem>>
    %dma_start3A_577 = tpu.memref_squeeze %dma_start3A_576 : memref<1x128x32xf32, #tpu.memory_space<vmem>> -> memref<128x32xf32, #tpu.memory_space<vmem>>
    %dma_start3A_578 = arith.constant 1280 : i32
    %dma_start3A_579 = tpu.memref_slice %arg7[%dma_start3A_578] : memref<13312xi32, #tpu.memory_space<vmem>> -> memref<128xi32, #tpu.memory_space<vmem>>
    %dma_start3A_580 = arith.constant 0 : i32
    %dma_start3A_581 = arith.constant 0 : i32
    %dma_start3A_582 = tpu.memref_slice %arg4[%dma_start3A_580, %dma_start3A_581] : memref<1304576x32xf32, #tpu.memory_space<hbm>> -> memref<1304576x32xf32, #tpu.memory_space<hbm>>
    tpu.enqueue_indirect_dma source(%dma_start3A_582 : memref<1304576x32xf32, #tpu.memory_space<hbm>>) target(%dma_start3A_577 : memref<128x32xf32, #tpu.memory_space<vmem>>) offsets(%dma_start3A_579 : memref<128xi32, #tpu.memory_space<vmem>>) semaphore(%arg12 : memref<!tpu.dma_semaphore, #tpu.memory_space<semaphore_mem>>)
    %dma_start3A_583 = arith.constant 2 : i32
    %dma_start3A_584 = arith.constant 384 : i32
    %dma_start3A_585 = arith.constant 0 : i32
    %dma_start3A_586 = tpu.memref_slice %arg8[%dma_start3A_583, %dma_start3A_584, %dma_start3A_585] : memref<4x512x32xf32, #tpu.memory_space<vmem>> -> memref<1x128x32xf32, #tpu.memory_space<vmem>>
    %dma_start3A_587 = tpu.memref_squeeze %dma_start3A_586 : memref<1x128x32xf32, #tpu.memory_space<vmem>> -> memref<128x32xf32, #tpu.memory_space<vmem>>
    %dma_start3A_588 = arith.constant 1408 : i32
    %dma_start3A_589 = tpu.memref_slice %arg7[%dma_start3A_588] : memref<13312xi32, #tpu.memory_space<vmem>> -> memref<128xi32, #tpu.memory_space<vmem>>
    %dma_start3A_590 = arith.constant 0 : i32
    %dma_start3A_591 = arith.constant 0 : i32
    %dma_start3A_592 = tpu.memref_slice %arg4[%dma_start3A_590, %dma_start3A_591] : memref<1304576x32xf32, #tpu.memory_space<hbm>> -> memref<1304576x32xf32, #tpu.memory_space<hbm>>
    tpu.enqueue_indirect_dma source(%dma_start3A_592 : memref<1304576x32xf32, #tpu.memory_space<hbm>>) target(%dma_start3A_587 : memref<128x32xf32, #tpu.memory_space<vmem>>) offsets(%dma_start3A_589 : memref<128xi32, #tpu.memory_space<vmem>>) semaphore(%arg12 : memref<!tpu.dma_semaphore, #tpu.memory_space<semaphore_mem>>)
    %dma_start3A_593 = arith.constant 3 : i32
    %dma_start3A_594 = arith.constant 0 : i32
    %dma_start3A_595 = arith.constant 0 : i32
    %dma_start3A_596 = tpu.memref_slice %arg8[%dma_start3A_593, %dma_start3A_594, %dma_start3A_595] : memref<4x512x32xf32, #tpu.memory_space<vmem>> -> memref<1x128x32xf32, #tpu.memory_space<vmem>>
    %dma_start3A_597 = tpu.memref_squeeze %dma_start3A_596 : memref<1x128x32xf32, #tpu.memory_space<vmem>> -> memref<128x32xf32, #tpu.memory_space<vmem>>
    %dma_start3A_598 = arith.constant 1536 : i32
    %dma_start3A_599 = tpu.memref_slice %arg7[%dma_start3A_598] : memref<13312xi32, #tpu.memory_space<vmem>> -> memref<128xi32, #tpu.memory_space<vmem>>
    %dma_start3A_600 = arith.constant 0 : i32
    %dma_start3A_601 = arith.constant 0 : i32
    %dma_start3A_602 = tpu.memref_slice %arg4[%dma_start3A_600, %dma_start3A_601] : memref<1304576x32xf32, #tpu.memory_space<hbm>> -> memref<1304576x32xf32, #tpu.memory_space<hbm>>
    tpu.enqueue_indirect_dma source(%dma_start3A_602 : memref<1304576x32xf32, #tpu.memory_space<hbm>>) target(%dma_start3A_597 : memref<128x32xf32, #tpu.memory_space<vmem>>) offsets(%dma_start3A_599 : memref<128xi32, #tpu.memory_space<vmem>>) semaphore(%arg13 : memref<!tpu.dma_semaphore, #tpu.memory_space<semaphore_mem>>)
    %dma_start3A_603 = arith.constant 3 : i32
    %dma_start3A_604 = arith.constant 128 : i32
    %dma_start3A_605 = arith.constant 0 : i32
    %dma_start3A_606 = tpu.memref_slice %arg8[%dma_start3A_603, %dma_start3A_604, %dma_start3A_605] : memref<4x512x32xf32, #tpu.memory_space<vmem>> -> memref<1x128x32xf32, #tpu.memory_space<vmem>>
    %dma_start3A_607 = tpu.memref_squeeze %dma_start3A_606 : memref<1x128x32xf32, #tpu.memory_space<vmem>> -> memref<128x32xf32, #tpu.memory_space<vmem>>
    %dma_start3A_608 = arith.constant 1664 : i32
    %dma_start3A_609 = tpu.memref_slice %arg7[%dma_start3A_608] : memref<13312xi32, #tpu.memory_space<vmem>> -> memref<128xi32, #tpu.memory_space<vmem>>
    %dma_start3A_610 = arith.constant 0 : i32
    %dma_start3A_611 = arith.constant 0 : i32
    %dma_start3A_612 = tpu.memref_slice %arg4[%dma_start3A_610, %dma_start3A_611] : memref<1304576x32xf32, #tpu.memory_space<hbm>> -> memref<1304576x32xf32, #tpu.memory_space<hbm>>
    tpu.enqueue_indirect_dma source(%dma_start3A_612 : memref<1304576x32xf32, #tpu.memory_space<hbm>>) target(%dma_start3A_607 : memref<128x32xf32, #tpu.memory_space<vmem>>) offsets(%dma_start3A_609 : memref<128xi32, #tpu.memory_space<vmem>>) semaphore(%arg13 : memref<!tpu.dma_semaphore, #tpu.memory_space<semaphore_mem>>)
    %dma_start3A_613 = arith.constant 3 : i32
    %dma_start3A_614 = arith.constant 256 : i32
    %dma_start3A_615 = arith.constant 0 : i32
    %dma_start3A_616 = tpu.memref_slice %arg8[%dma_start3A_613, %dma_start3A_614, %dma_start3A_615] : memref<4x512x32xf32, #tpu.memory_space<vmem>> -> memref<1x128x32xf32, #tpu.memory_space<vmem>>
    %dma_start3A_617 = tpu.memref_squeeze %dma_start3A_616 : memref<1x128x32xf32, #tpu.memory_space<vmem>> -> memref<128x32xf32, #tpu.memory_space<vmem>>
    %dma_start3A_618 = arith.constant 1792 : i32
    %dma_start3A_619 = tpu.memref_slice %arg7[%dma_start3A_618] : memref<13312xi32, #tpu.memory_space<vmem>> -> memref<128xi32, #tpu.memory_space<vmem>>
    %dma_start3A_620 = arith.constant 0 : i32
    %dma_start3A_621 = arith.constant 0 : i32
    %dma_start3A_622 = tpu.memref_slice %arg4[%dma_start3A_620, %dma_start3A_621] : memref<1304576x32xf32, #tpu.memory_space<hbm>> -> memref<1304576x32xf32, #tpu.memory_space<hbm>>
    tpu.enqueue_indirect_dma source(%dma_start3A_622 : memref<1304576x32xf32, #tpu.memory_space<hbm>>) target(%dma_start3A_617 : memref<128x32xf32, #tpu.memory_space<vmem>>) offsets(%dma_start3A_619 : memref<128xi32, #tpu.memory_space<vmem>>) semaphore(%arg13 : memref<!tpu.dma_semaphore, #tpu.memory_space<semaphore_mem>>)
    %dma_start3A_623 = arith.constant 3 : i32
    %dma_start3A_624 = arith.constant 384 : i32
    %dma_start3A_625 = arith.constant 0 : i32
    %dma_start3A_626 = tpu.memref_slice %arg8[%dma_start3A_623, %dma_start3A_624, %dma_start3A_625] : memref<4x512x32xf32, #tpu.memory_space<vmem>> -> memref<1x128x32xf32, #tpu.memory_space<vmem>>
    %dma_start3A_627 = tpu.memref_squeeze %dma_start3A_626 : memref<1x128x32xf32, #tpu.memory_space<vmem>> -> memref<128x32xf32, #tpu.memory_space<vmem>>
    %dma_start3A_628 = arith.constant 1920 : i32
    %dma_start3A_629 = tpu.memref_slice %arg7[%dma_start3A_628] : memref<13312xi32, #tpu.memory_space<vmem>> -> memref<128xi32, #tpu.memory_space<vmem>>
    %dma_start3A_630 = arith.constant 0 : i32
    %dma_start3A_631 = arith.constant 0 : i32
    %dma_start3A_632 = tpu.memref_slice %arg4[%dma_start3A_630, %dma_start3A_631] : memref<1304576x32xf32, #tpu.memory_space<hbm>> -> memref<1304576x32xf32, #tpu.memory_space<hbm>>
    tpu.enqueue_indirect_dma source(%dma_start3A_632 : memref<1304576x32xf32, #tpu.memory_space<hbm>>) target(%dma_start3A_627 : memref<128x32xf32, #tpu.memory_space<vmem>>) offsets(%dma_start3A_629 : memref<128xi32, #tpu.memory_space<vmem>>) semaphore(%arg13 : memref<!tpu.dma_semaphore, #tpu.memory_space<semaphore_mem>>)
    %dma_wait3A_633 = arith.constant 0 : i32
    %dma_wait3A_634 = arith.constant 0 : i32
    %dma_wait3A_635 = arith.constant 0 : i32
    %dma_wait3A_636 = tpu.memref_slice %arg8[%dma_wait3A_633, %dma_wait3A_634, %dma_wait3A_635] : memref<4x512x32xf32, #tpu.memory_space<vmem>> -> memref<1x128x32xf32, #tpu.memory_space<vmem>>
    %dma_wait3A_637 = tpu.memref_squeeze %dma_wait3A_636 : memref<1x128x32xf32, #tpu.memory_space<vmem>> -> memref<128x32xf32, #tpu.memory_space<vmem>>
    %dma_wait3A_638 = arith.constant 0 : i32
    %dma_wait3A_639 = tpu.memref_slice %arg7[%dma_wait3A_638] : memref<13312xi32, #tpu.memory_space<vmem>> -> memref<128xi32, #tpu.memory_space<vmem>>
    %dma_wait3A_640 = arith.constant 0 : i32
    %dma_wait3A_641 = arith.constant 0 : i32
    %dma_wait3A_642 = tpu.memref_slice %arg4[%dma_wait3A_640, %dma_wait3A_641] : memref<1304576x32xf32, #tpu.memory_space<hbm>> -> memref<1304576x32xf32, #tpu.memory_space<hbm>>
    tpu.wait_indirect_dma semaphore(%arg10 : memref<!tpu.dma_semaphore, #tpu.memory_space<semaphore_mem>>) src(%dma_wait3A_642 : memref<1304576x32xf32, #tpu.memory_space<hbm>>) dst(%dma_wait3A_637 : memref<128x32xf32, #tpu.memory_space<vmem>>)
    %dma_wait3A_643 = arith.constant 0 : i32
    %dma_wait3A_644 = arith.constant 128 : i32
    %dma_wait3A_645 = arith.constant 0 : i32
    %dma_wait3A_646 = tpu.memref_slice %arg8[%dma_wait3A_643, %dma_wait3A_644, %dma_wait3A_645] : memref<4x512x32xf32, #tpu.memory_space<vmem>> -> memref<1x128x32xf32, #tpu.memory_space<vmem>>
    %dma_wait3A_647 = tpu.memref_squeeze %dma_wait3A_646 : memref<1x128x32xf32, #tpu.memory_space<vmem>> -> memref<128x32xf32, #tpu.memory_space<vmem>>
    %dma_wait3A_648 = arith.constant 128 : i32
    %dma_wait3A_649 = tpu.memref_slice %arg7[%dma_wait3A_648] : memref<13312xi32, #tpu.memory_space<vmem>> -> memref<128xi32, #tpu.memory_space<vmem>>
    %dma_wait3A_650 = arith.constant 0 : i32
    %dma_wait3A_651 = arith.constant 0 : i32
    %dma_wait3A_652 = tpu.memref_slice %arg4[%dma_wait3A_650, %dma_wait3A_651] : memref<1304576x32xf32, #tpu.memory_space<hbm>> -> memref<1304576x32xf32, #tpu.memory_space<hbm>>
    tpu.wait_indirect_dma semaphore(%arg10 : memref<!tpu.dma_semaphore, #tpu.memory_space<semaphore_mem>>) src(%dma_wait3A_652 : memref<1304576x32xf32, #tpu.memory_space<hbm>>) dst(%dma_wait3A_647 : memref<128x32xf32, #tpu.memory_space<vmem>>)
    %dma_wait3A_653 = arith.constant 0 : i32
    %dma_wait3A_654 = arith.constant 256 : i32
    %dma_wait3A_655 = arith.constant 0 : i32
    %dma_wait3A_656 = tpu.memref_slice %arg8[%dma_wait3A_653, %dma_wait3A_654, %dma_wait3A_655] : memref<4x512x32xf32, #tpu.memory_space<vmem>> -> memref<1x128x32xf32, #tpu.memory_space<vmem>>
    %dma_wait3A_657 = tpu.memref_squeeze %dma_wait3A_656 : memref<1x128x32xf32, #tpu.memory_space<vmem>> -> memref<128x32xf32, #tpu.memory_space<vmem>>
    %dma_wait3A_658 = arith.constant 256 : i32
    %dma_wait3A_659 = tpu.memref_slice %arg7[%dma_wait3A_658] : memref<13312xi32, #tpu.memory_space<vmem>> -> memref<128xi32, #tpu.memory_space<vmem>>
    %dma_wait3A_660 = arith.constant 0 : i32
    %dma_wait3A_661 = arith.constant 0 : i32
    %dma_wait3A_662 = tpu.memref_slice %arg4[%dma_wait3A_660, %dma_wait3A_661] : memref<1304576x32xf32, #tpu.memory_space<hbm>> -> memref<1304576x32xf32, #tpu.memory_space<hbm>>
    tpu.wait_indirect_dma semaphore(%arg10 : memref<!tpu.dma_semaphore, #tpu.memory_space<semaphore_mem>>) src(%dma_wait3A_662 : memref<1304576x32xf32, #tpu.memory_space<hbm>>) dst(%dma_wait3A_657 : memref<128x32xf32, #tpu.memory_space<vmem>>)
    %dma_wait3A_663 = arith.constant 0 : i32
    %dma_wait3A_664 = arith.constant 384 : i32
    %dma_wait3A_665 = arith.constant 0 : i32
    %dma_wait3A_666 = tpu.memref_slice %arg8[%dma_wait3A_663, %dma_wait3A_664, %dma_wait3A_665] : memref<4x512x32xf32, #tpu.memory_space<vmem>> -> memref<1x128x32xf32, #tpu.memory_space<vmem>>
    %dma_wait3A_667 = tpu.memref_squeeze %dma_wait3A_666 : memref<1x128x32xf32, #tpu.memory_space<vmem>> -> memref<128x32xf32, #tpu.memory_space<vmem>>
    %dma_wait3A_668 = arith.constant 384 : i32
    %dma_wait3A_669 = tpu.memref_slice %arg7[%dma_wait3A_668] : memref<13312xi32, #tpu.memory_space<vmem>> -> memref<128xi32, #tpu.memory_space<vmem>>
    %dma_wait3A_670 = arith.constant 0 : i32
    %dma_wait3A_671 = arith.constant 0 : i32
    %dma_wait3A_672 = tpu.memref_slice %arg4[%dma_wait3A_670, %dma_wait3A_671] : memref<1304576x32xf32, #tpu.memory_space<hbm>> -> memref<1304576x32xf32, #tpu.memory_space<hbm>>
    tpu.wait_indirect_dma semaphore(%arg10 : memref<!tpu.dma_semaphore, #tpu.memory_space<semaphore_mem>>) src(%dma_wait3A_672 : memref<1304576x32xf32, #tpu.memory_space<hbm>>) dst(%dma_wait3A_667 : memref<128x32xf32, #tpu.memory_space<vmem>>)
    %dma_start3A_673 = arith.constant 0 : i32
    %dma_start3A_674 = arith.constant 0 : i32
    %dma_start3A_675 = arith.constant 0 : i32
    %dma_start3A_676 = tpu.memref_slice %arg8[%dma_start3A_673, %dma_start3A_674, %dma_start3A_675] : memref<4x512x32xf32, #tpu.memory_space<vmem>> -> memref<1x512x32xf32, #tpu.memory_space<vmem>>
    %dma_start3A_677 = tpu.memref_squeeze %dma_start3A_676 : memref<1x512x32xf32, #tpu.memory_space<vmem>> -> memref<512x32xf32, #tpu.memory_space<vmem>>
    %dma_start3A_678 = arith.constant 0 : i32
    %dma_start3A_679 = tpu.memref_slice %arg6[%mul3A_2, %dma_start3A_678] : memref<16384x832xf32, #tpu.memory_space<hbm>> -> memref<512x32xf32, #tpu.memory_space<hbm>>
    %dma_start3A_680 = arith.constant 0 : i32
    %dma_start3A_681 = tpu.memref_slice %arg6[%mul3A_2, %dma_start3A_680] : memref<16384x832xf32, #tpu.memory_space<hbm>> -> memref<512x32xf32, #tpu.memory_space<hbm>>
    %dma_start3A_682 = arith.constant 0 : i32
    %dma_start3A_683 = arith.constant 0 : i32
    %dma_start3A_684 = tpu.memref_slice %arg8[%dma_start3A_673, %dma_start3A_682, %dma_start3A_683] : memref<4x512x32xf32, #tpu.memory_space<vmem>> -> memref<1x512x32xf32, #tpu.memory_space<vmem>>
    %dma_start3A_685 = tpu.memref_squeeze %dma_start3A_684 : memref<1x512x32xf32, #tpu.memory_space<vmem>> -> memref<512x32xf32, #tpu.memory_space<vmem>>
    tpu.enqueue_dma source(%dma_start3A_685 : memref<512x32xf32, #tpu.memory_space<vmem>>) target(%dma_start3A_681 : memref<512x32xf32, #tpu.memory_space<hbm>>) target_semaphore(%arg14 : memref<!tpu.dma_semaphore, #tpu.memory_space<semaphore_mem>>)
    %dma_wait3A_686 = arith.constant 0 : i32
    %dma_wait3A_687 = arith.constant 0 : i32
    %dma_wait3A_688 = arith.constant 0 : i32
    %dma_wait3A_689 = tpu.memref_slice %arg8[%dma_wait3A_686, %dma_wait3A_687, %dma_wait3A_688] : memref<4x512x32xf32, #tpu.memory_space<vmem>> -> memref<1x512x32xf32, #tpu.memory_space<vmem>>
    %dma_wait3A_690 = tpu.memref_squeeze %dma_wait3A_689 : memref<1x512x32xf32, #tpu.memory_space<vmem>> -> memref<512x32xf32, #tpu.memory_space<vmem>>
    %dma_wait3A_691 = arith.constant 0 : i32
    %dma_wait3A_692 = tpu.memref_slice %arg6[%mul3A_2, %dma_wait3A_691] : memref<16384x832xf32, #tpu.memory_space<hbm>> -> memref<512x32xf32, #tpu.memory_space<hbm>>
    %dma_wait3A_693 = arith.constant 0 : i32
    %dma_wait3A_694 = tpu.memref_slice %arg6[%mul3A_2, %dma_wait3A_693] : memref<16384x832xf32, #tpu.memory_space<hbm>> -> memref<512x32xf32, #tpu.memory_space<hbm>>
    %dma_wait3A_695 = arith.constant 0 : i32
    %dma_wait3A_696 = arith.constant 0 : i32
    %dma_wait3A_697 = tpu.memref_slice %arg8[%dma_wait3A_686, %dma_wait3A_695, %dma_wait3A_696] : memref<4x512x32xf32, #tpu.memory_space<vmem>> -> memref<1x512x32xf32, #tpu.memory_space<vmem>>
    %dma_wait3A_698 = tpu.memref_squeeze %dma_wait3A_697 : memref<1x512x32xf32, #tpu.memory_space<vmem>> -> memref<512x32xf32, #tpu.memory_space<vmem>>
    tpu.wait_dma2 semaphore(%arg14 : memref<!tpu.dma_semaphore, #tpu.memory_space<semaphore_mem>>) src(%dma_wait3A_698 : memref<512x32xf32, #tpu.memory_space<vmem>>) dst(%dma_wait3A_694 : memref<512x32xf32, #tpu.memory_space<hbm>>)
    %dma_start3A_699 = arith.constant 0 : i32
    %dma_start3A_700 = arith.constant 0 : i32
    %dma_start3A_701 = arith.constant 0 : i32
    %dma_start3A_702 = tpu.memref_slice %arg8[%dma_start3A_699, %dma_start3A_700, %dma_start3A_701] : memref<4x512x32xf32, #tpu.memory_space<vmem>> -> memref<1x128x32xf32, #tpu.memory_space<vmem>>
    %dma_start3A_703 = tpu.memref_squeeze %dma_start3A_702 : memref<1x128x32xf32, #tpu.memory_space<vmem>> -> memref<128x32xf32, #tpu.memory_space<vmem>>
    %dma_start3A_704 = arith.constant 2048 : i32
    %dma_start3A_705 = tpu.memref_slice %arg7[%dma_start3A_704] : memref<13312xi32, #tpu.memory_space<vmem>> -> memref<128xi32, #tpu.memory_space<vmem>>
    %dma_start3A_706 = arith.constant 0 : i32
    %dma_start3A_707 = arith.constant 0 : i32
    %dma_start3A_708 = tpu.memref_slice %arg4[%dma_start3A_706, %dma_start3A_707] : memref<1304576x32xf32, #tpu.memory_space<hbm>> -> memref<1304576x32xf32, #tpu.memory_space<hbm>>
    tpu.enqueue_indirect_dma source(%dma_start3A_708 : memref<1304576x32xf32, #tpu.memory_space<hbm>>) target(%dma_start3A_703 : memref<128x32xf32, #tpu.memory_space<vmem>>) offsets(%dma_start3A_705 : memref<128xi32, #tpu.memory_space<vmem>>) semaphore(%arg10 : memref<!tpu.dma_semaphore, #tpu.memory_space<semaphore_mem>>)
    %dma_start3A_709 = arith.constant 0 : i32
    %dma_start3A_710 = arith.constant 128 : i32
    %dma_start3A_711 = arith.constant 0 : i32
    %dma_start3A_712 = tpu.memref_slice %arg8[%dma_start3A_709, %dma_start3A_710, %dma_start3A_711] : memref<4x512x32xf32, #tpu.memory_space<vmem>> -> memref<1x128x32xf32, #tpu.memory_space<vmem>>
    %dma_start3A_713 = tpu.memref_squeeze %dma_start3A_712 : memref<1x128x32xf32, #tpu.memory_space<vmem>> -> memref<128x32xf32, #tpu.memory_space<vmem>>
    %dma_start3A_714 = arith.constant 2176 : i32
    %dma_start3A_715 = tpu.memref_slice %arg7[%dma_start3A_714] : memref<13312xi32, #tpu.memory_space<vmem>> -> memref<128xi32, #tpu.memory_space<vmem>>
    %dma_start3A_716 = arith.constant 0 : i32
    %dma_start3A_717 = arith.constant 0 : i32
    %dma_start3A_718 = tpu.memref_slice %arg4[%dma_start3A_716, %dma_start3A_717] : memref<1304576x32xf32, #tpu.memory_space<hbm>> -> memref<1304576x32xf32, #tpu.memory_space<hbm>>
    tpu.enqueue_indirect_dma source(%dma_start3A_718 : memref<1304576x32xf32, #tpu.memory_space<hbm>>) target(%dma_start3A_713 : memref<128x32xf32, #tpu.memory_space<vmem>>) offsets(%dma_start3A_715 : memref<128xi32, #tpu.memory_space<vmem>>) semaphore(%arg10 : memref<!tpu.dma_semaphore, #tpu.memory_space<semaphore_mem>>)
    %dma_start3A_719 = arith.constant 0 : i32
    %dma_start3A_720 = arith.constant 256 : i32
    %dma_start3A_721 = arith.constant 0 : i32
    %dma_start3A_722 = tpu.memref_slice %arg8[%dma_start3A_719, %dma_start3A_720, %dma_start3A_721] : memref<4x512x32xf32, #tpu.memory_space<vmem>> -> memref<1x128x32xf32, #tpu.memory_space<vmem>>
    %dma_start3A_723 = tpu.memref_squeeze %dma_start3A_722 : memref<1x128x32xf32, #tpu.memory_space<vmem>> -> memref<128x32xf32, #tpu.memory_space<vmem>>
    %dma_start3A_724 = arith.constant 2304 : i32
    %dma_start3A_725 = tpu.memref_slice %arg7[%dma_start3A_724] : memref<13312xi32, #tpu.memory_space<vmem>> -> memref<128xi32, #tpu.memory_space<vmem>>
    %dma_start3A_726 = arith.constant 0 : i32
    %dma_start3A_727 = arith.constant 0 : i32
    %dma_start3A_728 = tpu.memref_slice %arg4[%dma_start3A_726, %dma_start3A_727] : memref<1304576x32xf32, #tpu.memory_space<hbm>> -> memref<1304576x32xf32, #tpu.memory_space<hbm>>
    tpu.enqueue_indirect_dma source(%dma_start3A_728 : memref<1304576x32xf32, #tpu.memory_space<hbm>>) target(%dma_start3A_723 : memref<128x32xf32, #tpu.memory_space<vmem>>) offsets(%dma_start3A_725 : memref<128xi32, #tpu.memory_space<vmem>>) semaphore(%arg10 : memref<!tpu.dma_semaphore, #tpu.memory_space<semaphore_mem>>)
    %dma_start3A_729 = arith.constant 0 : i32
    %dma_start3A_730 = arith.constant 384 : i32
    %dma_start3A_731 = arith.constant 0 : i32
    %dma_start3A_732 = tpu.memref_slice %arg8[%dma_start3A_729, %dma_start3A_730, %dma_start3A_731] : memref<4x512x32xf32, #tpu.memory_space<vmem>> -> memref<1x128x32xf32, #tpu.memory_space<vmem>>
    %dma_start3A_733 = tpu.memref_squeeze %dma_start3A_732 : memref<1x128x32xf32, #tpu.memory_space<vmem>> -> memref<128x32xf32, #tpu.memory_space<vmem>>
    %dma_start3A_734 = arith.constant 2432 : i32
    %dma_start3A_735 = tpu.memref_slice %arg7[%dma_start3A_734] : memref<13312xi32, #tpu.memory_space<vmem>> -> memref<128xi32, #tpu.memory_space<vmem>>
    %dma_start3A_736 = arith.constant 0 : i32
    %dma_start3A_737 = arith.constant 0 : i32
    %dma_start3A_738 = tpu.memref_slice %arg4[%dma_start3A_736, %dma_start3A_737] : memref<1304576x32xf32, #tpu.memory_space<hbm>> -> memref<1304576x32xf32, #tpu.memory_space<hbm>>
    tpu.enqueue_indirect_dma source(%dma_start3A_738 : memref<1304576x32xf32, #tpu.memory_space<hbm>>) target(%dma_start3A_733 : memref<128x32xf32, #tpu.memory_space<vmem>>) offsets(%dma_start3A_735 : memref<128xi32, #tpu.memory_space<vmem>>) semaphore(%arg10 : memref<!tpu.dma_semaphore, #tpu.memory_space<semaphore_mem>>)
    %dma_wait3A_739 = arith.constant 1 : i32
    %dma_wait3A_740 = arith.constant 0 : i32
    %dma_wait3A_741 = arith.constant 0 : i32
    %dma_wait3A_742 = tpu.memref_slice %arg8[%dma_wait3A_739, %dma_wait3A_740, %dma_wait3A_741] : memref<4x512x32xf32, #tpu.memory_space<vmem>> -> memref<1x128x32xf32, #tpu.memory_space<vmem>>
    %dma_wait3A_743 = tpu.memref_squeeze %dma_wait3A_742 : memref<1x128x32xf32, #tpu.memory_space<vmem>> -> memref<128x32xf32, #tpu.memory_space<vmem>>
    %dma_wait3A_744 = arith.constant 512 : i32
    %dma_wait3A_745 = tpu.memref_slice %arg7[%dma_wait3A_744] : memref<13312xi32, #tpu.memory_space<vmem>> -> memref<128xi32, #tpu.memory_space<vmem>>
    %dma_wait3A_746 = arith.constant 0 : i32
    %dma_wait3A_747 = arith.constant 0 : i32
    %dma_wait3A_748 = tpu.memref_slice %arg4[%dma_wait3A_746, %dma_wait3A_747] : memref<1304576x32xf32, #tpu.memory_space<hbm>> -> memref<1304576x32xf32, #tpu.memory_space<hbm>>
    tpu.wait_indirect_dma semaphore(%arg11 : memref<!tpu.dma_semaphore, #tpu.memory_space<semaphore_mem>>) src(%dma_wait3A_748 : memref<1304576x32xf32, #tpu.memory_space<hbm>>) dst(%dma_wait3A_743 : memref<128x32xf32, #tpu.memory_space<vmem>>)
    %dma_wait3A_749 = arith.constant 1 : i32
    %dma_wait3A_750 = arith.constant 128 : i32
    %dma_wait3A_751 = arith.constant 0 : i32
    %dma_wait3A_752 = tpu.memref_slice %arg8[%dma_wait3A_749, %dma_wait3A_750, %dma_wait3A_751] : memref<4x512x32xf32, #tpu.memory_space<vmem>> -> memref<1x128x32xf32, #tpu.memory_space<vmem>>
    %dma_wait3A_753 = tpu.memref_squeeze %dma_wait3A_752 : memref<1x128x32xf32, #tpu.memory_space<vmem>> -> memref<128x32xf32, #tpu.memory_space<vmem>>
    %dma_wait3A_754 = arith.constant 640 : i32
    %dma_wait3A_755 = tpu.memref_slice %arg7[%dma_wait3A_754] : memref<13312xi32, #tpu.memory_space<vmem>> -> memref<128xi32, #tpu.memory_space<vmem>>
    %dma_wait3A_756 = arith.constant 0 : i32
    %dma_wait3A_757 = arith.constant 0 : i32
    %dma_wait3A_758 = tpu.memref_slice %arg4[%dma_wait3A_756, %dma_wait3A_757] : memref<1304576x32xf32, #tpu.memory_space<hbm>> -> memref<1304576x32xf32, #tpu.memory_space<hbm>>
    tpu.wait_indirect_dma semaphore(%arg11 : memref<!tpu.dma_semaphore, #tpu.memory_space<semaphore_mem>>) src(%dma_wait3A_758 : memref<1304576x32xf32, #tpu.memory_space<hbm>>) dst(%dma_wait3A_753 : memref<128x32xf32, #tpu.memory_space<vmem>>)
    %dma_wait3A_759 = arith.constant 1 : i32
    %dma_wait3A_760 = arith.constant 256 : i32
    %dma_wait3A_761 = arith.constant 0 : i32
    %dma_wait3A_762 = tpu.memref_slice %arg8[%dma_wait3A_759, %dma_wait3A_760, %dma_wait3A_761] : memref<4x512x32xf32, #tpu.memory_space<vmem>> -> memref<1x128x32xf32, #tpu.memory_space<vmem>>
    %dma_wait3A_763 = tpu.memref_squeeze %dma_wait3A_762 : memref<1x128x32xf32, #tpu.memory_space<vmem>> -> memref<128x32xf32, #tpu.memory_space<vmem>>
    %dma_wait3A_764 = arith.constant 768 : i32
    %dma_wait3A_765 = tpu.memref_slice %arg7[%dma_wait3A_764] : memref<13312xi32, #tpu.memory_space<vmem>> -> memref<128xi32, #tpu.memory_space<vmem>>
    %dma_wait3A_766 = arith.constant 0 : i32
    %dma_wait3A_767 = arith.constant 0 : i32
    %dma_wait3A_768 = tpu.memref_slice %arg4[%dma_wait3A_766, %dma_wait3A_767] : memref<1304576x32xf32, #tpu.memory_space<hbm>> -> memref<1304576x32xf32, #tpu.memory_space<hbm>>
    tpu.wait_indirect_dma semaphore(%arg11 : memref<!tpu.dma_semaphore, #tpu.memory_space<semaphore_mem>>) src(%dma_wait3A_768 : memref<1304576x32xf32, #tpu.memory_space<hbm>>) dst(%dma_wait3A_763 : memref<128x32xf32, #tpu.memory_space<vmem>>)
    %dma_wait3A_769 = arith.constant 1 : i32
    %dma_wait3A_770 = arith.constant 384 : i32
    %dma_wait3A_771 = arith.constant 0 : i32
    %dma_wait3A_772 = tpu.memref_slice %arg8[%dma_wait3A_769, %dma_wait3A_770, %dma_wait3A_771] : memref<4x512x32xf32, #tpu.memory_space<vmem>> -> memref<1x128x32xf32, #tpu.memory_space<vmem>>
    %dma_wait3A_773 = tpu.memref_squeeze %dma_wait3A_772 : memref<1x128x32xf32, #tpu.memory_space<vmem>> -> memref<128x32xf32, #tpu.memory_space<vmem>>
    %dma_wait3A_774 = arith.constant 896 : i32
    %dma_wait3A_775 = tpu.memref_slice %arg7[%dma_wait3A_774] : memref<13312xi32, #tpu.memory_space<vmem>> -> memref<128xi32, #tpu.memory_space<vmem>>
    %dma_wait3A_776 = arith.constant 0 : i32
    %dma_wait3A_777 = arith.constant 0 : i32
    %dma_wait3A_778 = tpu.memref_slice %arg4[%dma_wait3A_776, %dma_wait3A_777] : memref<1304576x32xf32, #tpu.memory_space<hbm>> -> memref<1304576x32xf32, #tpu.memory_space<hbm>>
    tpu.wait_indirect_dma semaphore(%arg11 : memref<!tpu.dma_semaphore, #tpu.memory_space<semaphore_mem>>) src(%dma_wait3A_778 : memref<1304576x32xf32, #tpu.memory_space<hbm>>) dst(%dma_wait3A_773 : memref<128x32xf32, #tpu.memory_space<vmem>>)
    %dma_start3A_779 = arith.constant 1 : i32
    %dma_start3A_780 = arith.constant 0 : i32
    %dma_start3A_781 = arith.constant 0 : i32
    %dma_start3A_782 = tpu.memref_slice %arg8[%dma_start3A_779, %dma_start3A_780, %dma_start3A_781] : memref<4x512x32xf32, #tpu.memory_space<vmem>> -> memref<1x512x32xf32, #tpu.memory_space<vmem>>
    %dma_start3A_783 = tpu.memref_squeeze %dma_start3A_782 : memref<1x512x32xf32, #tpu.memory_space<vmem>> -> memref<512x32xf32, #tpu.memory_space<vmem>>
    %dma_start3A_784 = arith.constant 32 : i32
    %dma_start3A_785 = tpu.memref_slice %arg6[%mul3A_2, %dma_start3A_784] : memref<16384x832xf32, #tpu.memory_space<hbm>> -> memref<512x32xf32, #tpu.memory_space<hbm>>
    %dma_start3A_786 = arith.constant 32 : i32
    %dma_start3A_787 = tpu.memref_slice %arg6[%mul3A_2, %dma_start3A_786] : memref<16384x832xf32, #tpu.memory_space<hbm>> -> memref<512x32xf32, #tpu.memory_space<hbm>>
    %dma_start3A_788 = arith.constant 0 : i32
    %dma_start3A_789 = arith.constant 0 : i32
    %dma_start3A_790 = tpu.memref_slice %arg8[%dma_start3A_779, %dma_start3A_788, %dma_start3A_789] : memref<4x512x32xf32, #tpu.memory_space<vmem>> -> memref<1x512x32xf32, #tpu.memory_space<vmem>>
    %dma_start3A_791 = tpu.memref_squeeze %dma_start3A_790 : memref<1x512x32xf32, #tpu.memory_space<vmem>> -> memref<512x32xf32, #tpu.memory_space<vmem>>
    tpu.enqueue_dma source(%dma_start3A_791 : memref<512x32xf32, #tpu.memory_space<vmem>>) target(%dma_start3A_787 : memref<512x32xf32, #tpu.memory_space<hbm>>) target_semaphore(%arg15 : memref<!tpu.dma_semaphore, #tpu.memory_space<semaphore_mem>>)
    %dma_wait3A_792 = arith.constant 1 : i32
    %dma_wait3A_793 = arith.constant 0 : i32
    %dma_wait3A_794 = arith.constant 0 : i32
    %dma_wait3A_795 = tpu.memref_slice %arg8[%dma_wait3A_792, %dma_wait3A_793, %dma_wait3A_794] : memref<4x512x32xf32, #tpu.memory_space<vmem>> -> memref<1x512x32xf32, #tpu.memory_space<vmem>>
    %dma_wait3A_796 = tpu.memref_squeeze %dma_wait3A_795 : memref<1x512x32xf32, #tpu.memory_space<vmem>> -> memref<512x32xf32, #tpu.memory_space<vmem>>
    %dma_wait3A_797 = arith.constant 32 : i32
    %dma_wait3A_798 = tpu.memref_slice %arg6[%mul3A_2, %dma_wait3A_797] : memref<16384x832xf32, #tpu.memory_space<hbm>> -> memref<512x32xf32, #tpu.memory_space<hbm>>
    %dma_wait3A_799 = arith.constant 32 : i32
    %dma_wait3A_800 = tpu.memref_slice %arg6[%mul3A_2, %dma_wait3A_799] : memref<16384x832xf32, #tpu.memory_space<hbm>> -> memref<512x32xf32, #tpu.memory_space<hbm>>
    %dma_wait3A_801 = arith.constant 0 : i32
    %dma_wait3A_802 = arith.constant 0 : i32
    %dma_wait3A_803 = tpu.memref_slice %arg8[%dma_wait3A_792, %dma_wait3A_801, %dma_wait3A_802] : memref<4x512x32xf32, #tpu.memory_space<vmem>> -> memref<1x512x32xf32, #tpu.memory_space<vmem>>
    %dma_wait3A_804 = tpu.memref_squeeze %dma_wait3A_803 : memref<1x512x32xf32, #tpu.memory_space<vmem>> -> memref<512x32xf32, #tpu.memory_space<vmem>>
    tpu.wait_dma2 semaphore(%arg15 : memref<!tpu.dma_semaphore, #tpu.memory_space<semaphore_mem>>) src(%dma_wait3A_804 : memref<512x32xf32, #tpu.memory_space<vmem>>) dst(%dma_wait3A_800 : memref<512x32xf32, #tpu.memory_space<hbm>>)
    %dma_start3A_805 = arith.constant 1 : i32
    %dma_start3A_806 = arith.constant 0 : i32
    %dma_start3A_807 = arith.constant 0 : i32
    %dma_start3A_808 = tpu.memref_slice %arg8[%dma_start3A_805, %dma_start3A_806, %dma_start3A_807] : memref<4x512x32xf32, #tpu.memory_space<vmem>> -> memref<1x128x32xf32, #tpu.memory_space<vmem>>
    %dma_start3A_809 = tpu.memref_squeeze %dma_start3A_808 : memref<1x128x32xf32, #tpu.memory_space<vmem>> -> memref<128x32xf32, #tpu.memory_space<vmem>>
    %dma_start3A_810 = arith.constant 2560 : i32
    %dma_start3A_811 = tpu.memref_slice %arg7[%dma_start3A_810] : memref<13312xi32, #tpu.memory_space<vmem>> -> memref<128xi32, #tpu.memory_space<vmem>>
    %dma_start3A_812 = arith.constant 0 : i32
    %dma_start3A_813 = arith.constant 0 : i32
    %dma_start3A_814 = tpu.memref_slice %arg4[%dma_start3A_812, %dma_start3A_813] : memref<1304576x32xf32, #tpu.memory_space<hbm>> -> memref<1304576x32xf32, #tpu.memory_space<hbm>>
    tpu.enqueue_indirect_dma source(%dma_start3A_814 : memref<1304576x32xf32, #tpu.memory_space<hbm>>) target(%dma_start3A_809 : memref<128x32xf32, #tpu.memory_space<vmem>>) offsets(%dma_start3A_811 : memref<128xi32, #tpu.memory_space<vmem>>) semaphore(%arg11 : memref<!tpu.dma_semaphore, #tpu.memory_space<semaphore_mem>>)
    %dma_start3A_815 = arith.constant 1 : i32
    %dma_start3A_816 = arith.constant 128 : i32
    %dma_start3A_817 = arith.constant 0 : i32
    %dma_start3A_818 = tpu.memref_slice %arg8[%dma_start3A_815, %dma_start3A_816, %dma_start3A_817] : memref<4x512x32xf32, #tpu.memory_space<vmem>> -> memref<1x128x32xf32, #tpu.memory_space<vmem>>
    %dma_start3A_819 = tpu.memref_squeeze %dma_start3A_818 : memref<1x128x32xf32, #tpu.memory_space<vmem>> -> memref<128x32xf32, #tpu.memory_space<vmem>>
    %dma_start3A_820 = arith.constant 2688 : i32
    %dma_start3A_821 = tpu.memref_slice %arg7[%dma_start3A_820] : memref<13312xi32, #tpu.memory_space<vmem>> -> memref<128xi32, #tpu.memory_space<vmem>>
    %dma_start3A_822 = arith.constant 0 : i32
    %dma_start3A_823 = arith.constant 0 : i32
    %dma_start3A_824 = tpu.memref_slice %arg4[%dma_start3A_822, %dma_start3A_823] : memref<1304576x32xf32, #tpu.memory_space<hbm>> -> memref<1304576x32xf32, #tpu.memory_space<hbm>>
    tpu.enqueue_indirect_dma source(%dma_start3A_824 : memref<1304576x32xf32, #tpu.memory_space<hbm>>) target(%dma_start3A_819 : memref<128x32xf32, #tpu.memory_space<vmem>>) offsets(%dma_start3A_821 : memref<128xi32, #tpu.memory_space<vmem>>) semaphore(%arg11 : memref<!tpu.dma_semaphore, #tpu.memory_space<semaphore_mem>>)
    %dma_start3A_825 = arith.constant 1 : i32
    %dma_start3A_826 = arith.constant 256 : i32
    %dma_start3A_827 = arith.constant 0 : i32
    %dma_start3A_828 = tpu.memref_slice %arg8[%dma_start3A_825, %dma_start3A_826, %dma_start3A_827] : memref<4x512x32xf32, #tpu.memory_space<vmem>> -> memref<1x128x32xf32, #tpu.memory_space<vmem>>
    %dma_start3A_829 = tpu.memref_squeeze %dma_start3A_828 : memref<1x128x32xf32, #tpu.memory_space<vmem>> -> memref<128x32xf32, #tpu.memory_space<vmem>>
    %dma_start3A_830 = arith.constant 2816 : i32
    %dma_start3A_831 = tpu.memref_slice %arg7[%dma_start3A_830] : memref<13312xi32, #tpu.memory_space<vmem>> -> memref<128xi32, #tpu.memory_space<vmem>>
    %dma_start3A_832 = arith.constant 0 : i32
    %dma_start3A_833 = arith.constant 0 : i32
    %dma_start3A_834 = tpu.memref_slice %arg4[%dma_start3A_832, %dma_start3A_833] : memref<1304576x32xf32, #tpu.memory_space<hbm>> -> memref<1304576x32xf32, #tpu.memory_space<hbm>>
    tpu.enqueue_indirect_dma source(%dma_start3A_834 : memref<1304576x32xf32, #tpu.memory_space<hbm>>) target(%dma_start3A_829 : memref<128x32xf32, #tpu.memory_space<vmem>>) offsets(%dma_start3A_831 : memref<128xi32, #tpu.memory_space<vmem>>) semaphore(%arg11 : memref<!tpu.dma_semaphore, #tpu.memory_space<semaphore_mem>>)
    %dma_start3A_835 = arith.constant 1 : i32
    %dma_start3A_836 = arith.constant 384 : i32
    %dma_start3A_837 = arith.constant 0 : i32
    %dma_start3A_838 = tpu.memref_slice %arg8[%dma_start3A_835, %dma_start3A_836, %dma_start3A_837] : memref<4x512x32xf32, #tpu.memory_space<vmem>> -> memref<1x128x32xf32, #tpu.memory_space<vmem>>
    %dma_start3A_839 = tpu.memref_squeeze %dma_start3A_838 : memref<1x128x32xf32, #tpu.memory_space<vmem>> -> memref<128x32xf32, #tpu.memory_space<vmem>>
    %dma_start3A_840 = arith.constant 2944 : i32
    %dma_start3A_841 = tpu.memref_slice %arg7[%dma_start3A_840] : memref<13312xi32, #tpu.memory_space<vmem>> -> memref<128xi32, #tpu.memory_space<vmem>>
    %dma_start3A_842 = arith.constant 0 : i32
    %dma_start3A_843 = arith.constant 0 : i32
    %dma_start3A_844 = tpu.memref_slice %arg4[%dma_start3A_842, %dma_start3A_843] : memref<1304576x32xf32, #tpu.memory_space<hbm>> -> memref<1304576x32xf32, #tpu.memory_space<hbm>>
    tpu.enqueue_indirect_dma source(%dma_start3A_844 : memref<1304576x32xf32, #tpu.memory_space<hbm>>) target(%dma_start3A_839 : memref<128x32xf32, #tpu.memory_space<vmem>>) offsets(%dma_start3A_841 : memref<128xi32, #tpu.memory_space<vmem>>) semaphore(%arg11 : memref<!tpu.dma_semaphore, #tpu.memory_space<semaphore_mem>>)
    %dma_wait3A_845 = arith.constant 2 : i32
    %dma_wait3A_846 = arith.constant 0 : i32
    %dma_wait3A_847 = arith.constant 0 : i32
    %dma_wait3A_848 = tpu.memref_slice %arg8[%dma_wait3A_845, %dma_wait3A_846, %dma_wait3A_847] : memref<4x512x32xf32, #tpu.memory_space<vmem>> -> memref<1x128x32xf32, #tpu.memory_space<vmem>>
    %dma_wait3A_849 = tpu.memref_squeeze %dma_wait3A_848 : memref<1x128x32xf32, #tpu.memory_space<vmem>> -> memref<128x32xf32, #tpu.memory_space<vmem>>
    %dma_wait3A_850 = arith.constant 1024 : i32
    %dma_wait3A_851 = tpu.memref_slice %arg7[%dma_wait3A_850] : memref<13312xi32, #tpu.memory_space<vmem>> -> memref<128xi32, #tpu.memory_space<vmem>>
    %dma_wait3A_852 = arith.constant 0 : i32
    %dma_wait3A_853 = arith.constant 0 : i32
    %dma_wait3A_854 = tpu.memref_slice %arg4[%dma_wait3A_852, %dma_wait3A_853] : memref<1304576x32xf32, #tpu.memory_space<hbm>> -> memref<1304576x32xf32, #tpu.memory_space<hbm>>
    tpu.wait_indirect_dma semaphore(%arg12 : memref<!tpu.dma_semaphore, #tpu.memory_space<semaphore_mem>>) src(%dma_wait3A_854 : memref<1304576x32xf32, #tpu.memory_space<hbm>>) dst(%dma_wait3A_849 : memref<128x32xf32, #tpu.memory_space<vmem>>)
    %dma_wait3A_855 = arith.constant 2 : i32
    %dma_wait3A_856 = arith.constant 128 : i32
    %dma_wait3A_857 = arith.constant 0 : i32
    %dma_wait3A_858 = tpu.memref_slice %arg8[%dma_wait3A_855, %dma_wait3A_856, %dma_wait3A_857] : memref<4x512x32xf32, #tpu.memory_space<vmem>> -> memref<1x128x32xf32, #tpu.memory_space<vmem>>
    %dma_wait3A_859 = tpu.memref_squeeze %dma_wait3A_858 : memref<1x128x32xf32, #tpu.memory_space<vmem>> -> memref<128x32xf32, #tpu.memory_space<vmem>>
    %dma_wait3A_860 = arith.constant 1152 : i32
    %dma_wait3A_861 = tpu.memref_slice %arg7[%dma_wait3A_860] : memref<13312xi32, #tpu.memory_space<vmem>> -> memref<128xi32, #tpu.memory_space<vmem>>
    %dma_wait3A_862 = arith.constant 0 : i32
    %dma_wait3A_863 = arith.constant 0 : i32
    %dma_wait3A_864 = tpu.memref_slice %arg4[%dma_wait3A_862, %dma_wait3A_863] : memref<1304576x32xf32, #tpu.memory_space<hbm>> -> memref<1304576x32xf32, #tpu.memory_space<hbm>>
    tpu.wait_indirect_dma semaphore(%arg12 : memref<!tpu.dma_semaphore, #tpu.memory_space<semaphore_mem>>) src(%dma_wait3A_864 : memref<1304576x32xf32, #tpu.memory_space<hbm>>) dst(%dma_wait3A_859 : memref<128x32xf32, #tpu.memory_space<vmem>>)
    %dma_wait3A_865 = arith.constant 2 : i32
    %dma_wait3A_866 = arith.constant 256 : i32
    %dma_wait3A_867 = arith.constant 0 : i32
    %dma_wait3A_868 = tpu.memref_slice %arg8[%dma_wait3A_865, %dma_wait3A_866, %dma_wait3A_867] : memref<4x512x32xf32, #tpu.memory_space<vmem>> -> memref<1x128x32xf32, #tpu.memory_space<vmem>>
    %dma_wait3A_869 = tpu.memref_squeeze %dma_wait3A_868 : memref<1x128x32xf32, #tpu.memory_space<vmem>> -> memref<128x32xf32, #tpu.memory_space<vmem>>
    %dma_wait3A_870 = arith.constant 1280 : i32
    %dma_wait3A_871 = tpu.memref_slice %arg7[%dma_wait3A_870] : memref<13312xi32, #tpu.memory_space<vmem>> -> memref<128xi32, #tpu.memory_space<vmem>>
    %dma_wait3A_872 = arith.constant 0 : i32
    %dma_wait3A_873 = arith.constant 0 : i32
    %dma_wait3A_874 = tpu.memref_slice %arg4[%dma_wait3A_872, %dma_wait3A_873] : memref<1304576x32xf32, #tpu.memory_space<hbm>> -> memref<1304576x32xf32, #tpu.memory_space<hbm>>
    tpu.wait_indirect_dma semaphore(%arg12 : memref<!tpu.dma_semaphore, #tpu.memory_space<semaphore_mem>>) src(%dma_wait3A_874 : memref<1304576x32xf32, #tpu.memory_space<hbm>>) dst(%dma_wait3A_869 : memref<128x32xf32, #tpu.memory_space<vmem>>)
    %dma_wait3A_875 = arith.constant 2 : i32
    %dma_wait3A_876 = arith.constant 384 : i32
    %dma_wait3A_877 = arith.constant 0 : i32
    %dma_wait3A_878 = tpu.memref_slice %arg8[%dma_wait3A_875, %dma_wait3A_876, %dma_wait3A_877] : memref<4x512x32xf32, #tpu.memory_space<vmem>> -> memref<1x128x32xf32, #tpu.memory_space<vmem>>
    %dma_wait3A_879 = tpu.memref_squeeze %dma_wait3A_878 : memref<1x128x32xf32, #tpu.memory_space<vmem>> -> memref<128x32xf32, #tpu.memory_space<vmem>>
    %dma_wait3A_880 = arith.constant 1408 : i32
    %dma_wait3A_881 = tpu.memref_slice %arg7[%dma_wait3A_880] : memref<13312xi32, #tpu.memory_space<vmem>> -> memref<128xi32, #tpu.memory_space<vmem>>
    %dma_wait3A_882 = arith.constant 0 : i32
    %dma_wait3A_883 = arith.constant 0 : i32
    %dma_wait3A_884 = tpu.memref_slice %arg4[%dma_wait3A_882, %dma_wait3A_883] : memref<1304576x32xf32, #tpu.memory_space<hbm>> -> memref<1304576x32xf32, #tpu.memory_space<hbm>>
    tpu.wait_indirect_dma semaphore(%arg12 : memref<!tpu.dma_semaphore, #tpu.memory_space<semaphore_mem>>) src(%dma_wait3A_884 : memref<1304576x32xf32, #tpu.memory_space<hbm>>) dst(%dma_wait3A_879 : memref<128x32xf32, #tpu.memory_space<vmem>>)
    %dma_start3A_885 = arith.constant 2 : i32
    %dma_start3A_886 = arith.constant 0 : i32
    %dma_start3A_887 = arith.constant 0 : i32
    %dma_start3A_888 = tpu.memref_slice %arg8[%dma_start3A_885, %dma_start3A_886, %dma_start3A_887] : memref<4x512x32xf32, #tpu.memory_space<vmem>> -> memref<1x512x32xf32, #tpu.memory_space<vmem>>
    %dma_start3A_889 = tpu.memref_squeeze %dma_start3A_888 : memref<1x512x32xf32, #tpu.memory_space<vmem>> -> memref<512x32xf32, #tpu.memory_space<vmem>>
    %dma_start3A_890 = arith.constant 64 : i32
    %dma_start3A_891 = tpu.memref_slice %arg6[%mul3A_2, %dma_start3A_890] : memref<16384x832xf32, #tpu.memory_space<hbm>> -> memref<512x32xf32, #tpu.memory_space<hbm>>
    %dma_start3A_892 = arith.constant 64 : i32
    %dma_start3A_893 = tpu.memref_slice %arg6[%mul3A_2, %dma_start3A_892] : memref<16384x832xf32, #tpu.memory_space<hbm>> -> memref<512x32xf32, #tpu.memory_space<hbm>>
    %dma_start3A_894 = arith.constant 0 : i32
    %dma_start3A_895 = arith.constant 0 : i32
    %dma_start3A_896 = tpu.memref_slice %arg8[%dma_start3A_885, %dma_start3A_894, %dma_start3A_895] : memref<4x512x32xf32, #tpu.memory_space<vmem>> -> memref<1x512x32xf32, #tpu.memory_space<vmem>>
    %dma_start3A_897 = tpu.memref_squeeze %dma_start3A_896 : memref<1x512x32xf32, #tpu.memory_space<vmem>> -> memref<512x32xf32, #tpu.memory_space<vmem>>
    tpu.enqueue_dma source(%dma_start3A_897 : memref<512x32xf32, #tpu.memory_space<vmem>>) target(%dma_start3A_893 : memref<512x32xf32, #tpu.memory_space<hbm>>) target_semaphore(%arg16 : memref<!tpu.dma_semaphore, #tpu.memory_space<semaphore_mem>>)
    %dma_wait3A_898 = arith.constant 2 : i32
    %dma_wait3A_899 = arith.constant 0 : i32
    %dma_wait3A_900 = arith.constant 0 : i32
    %dma_wait3A_901 = tpu.memref_slice %arg8[%dma_wait3A_898, %dma_wait3A_899, %dma_wait3A_900] : memref<4x512x32xf32, #tpu.memory_space<vmem>> -> memref<1x512x32xf32, #tpu.memory_space<vmem>>
    %dma_wait3A_902 = tpu.memref_squeeze %dma_wait3A_901 : memref<1x512x32xf32, #tpu.memory_space<vmem>> -> memref<512x32xf32, #tpu.memory_space<vmem>>
    %dma_wait3A_903 = arith.constant 64 : i32
    %dma_wait3A_904 = tpu.memref_slice %arg6[%mul3A_2, %dma_wait3A_903] : memref<16384x832xf32, #tpu.memory_space<hbm>> -> memref<512x32xf32, #tpu.memory_space<hbm>>
    %dma_wait3A_905 = arith.constant 64 : i32
    %dma_wait3A_906 = tpu.memref_slice %arg6[%mul3A_2, %dma_wait3A_905] : memref<16384x832xf32, #tpu.memory_space<hbm>> -> memref<512x32xf32, #tpu.memory_space<hbm>>
    %dma_wait3A_907 = arith.constant 0 : i32
    %dma_wait3A_908 = arith.constant 0 : i32
    %dma_wait3A_909 = tpu.memref_slice %arg8[%dma_wait3A_898, %dma_wait3A_907, %dma_wait3A_908] : memref<4x512x32xf32, #tpu.memory_space<vmem>> -> memref<1x512x32xf32, #tpu.memory_space<vmem>>
    %dma_wait3A_910 = tpu.memref_squeeze %dma_wait3A_909 : memref<1x512x32xf32, #tpu.memory_space<vmem>> -> memref<512x32xf32, #tpu.memory_space<vmem>>
    tpu.wait_dma2 semaphore(%arg16 : memref<!tpu.dma_semaphore, #tpu.memory_space<semaphore_mem>>) src(%dma_wait3A_910 : memref<512x32xf32, #tpu.memory_space<vmem>>) dst(%dma_wait3A_906 : memref<512x32xf32, #tpu.memory_space<hbm>>)
    %dma_start3A_911 = arith.constant 2 : i32
    %dma_start3A_912 = arith.constant 0 : i32
    %dma_start3A_913 = arith.constant 0 : i32
    %dma_start3A_914 = tpu.memref_slice %arg8[%dma_start3A_911, %dma_start3A_912, %dma_start3A_913] : memref<4x512x32xf32, #tpu.memory_space<vmem>> -> memref<1x128x32xf32, #tpu.memory_space<vmem>>
    %dma_start3A_915 = tpu.memref_squeeze %dma_start3A_914 : memref<1x128x32xf32, #tpu.memory_space<vmem>> -> memref<128x32xf32, #tpu.memory_space<vmem>>
    %dma_start3A_916 = arith.constant 3072 : i32
    %dma_start3A_917 = tpu.memref_slice %arg7[%dma_start3A_916] : memref<13312xi32, #tpu.memory_space<vmem>> -> memref<128xi32, #tpu.memory_space<vmem>>
    %dma_start3A_918 = arith.constant 0 : i32
    %dma_start3A_919 = arith.constant 0 : i32
    %dma_start3A_920 = tpu.memref_slice %arg4[%dma_start3A_918, %dma_start3A_919] : memref<1304576x32xf32, #tpu.memory_space<hbm>> -> memref<1304576x32xf32, #tpu.memory_space<hbm>>
    tpu.enqueue_indirect_dma source(%dma_start3A_920 : memref<1304576x32xf32, #tpu.memory_space<hbm>>) target(%dma_start3A_915 : memref<128x32xf32, #tpu.memory_space<vmem>>) offsets(%dma_start3A_917 : memref<128xi32, #tpu.memory_space<vmem>>) semaphore(%arg12 : memref<!tpu.dma_semaphore, #tpu.memory_space<semaphore_mem>>)
    %dma_start3A_921 = arith.constant 2 : i32
    %dma_start3A_922 = arith.constant 128 : i32
    %dma_start3A_923 = arith.constant 0 : i32
    %dma_start3A_924 = tpu.memref_slice %arg8[%dma_start3A_921, %dma_start3A_922, %dma_start3A_923] : memref<4x512x32xf32, #tpu.memory_space<vmem>> -> memref<1x128x32xf32, #tpu.memory_space<vmem>>
    %dma_start3A_925 = tpu.memref_squeeze %dma_start3A_924 : memref<1x128x32xf32, #tpu.memory_space<vmem>> -> memref<128x32xf32, #tpu.memory_space<vmem>>
    %dma_start3A_926 = arith.constant 3200 : i32
    %dma_start3A_927 = tpu.memref_slice %arg7[%dma_start3A_926] : memref<13312xi32, #tpu.memory_space<vmem>> -> memref<128xi32, #tpu.memory_space<vmem>>
    %dma_start3A_928 = arith.constant 0 : i32
    %dma_start3A_929 = arith.constant 0 : i32
    %dma_start3A_930 = tpu.memref_slice %arg4[%dma_start3A_928, %dma_start3A_929] : memref<1304576x32xf32, #tpu.memory_space<hbm>> -> memref<1304576x32xf32, #tpu.memory_space<hbm>>
    tpu.enqueue_indirect_dma source(%dma_start3A_930 : memref<1304576x32xf32, #tpu.memory_space<hbm>>) target(%dma_start3A_925 : memref<128x32xf32, #tpu.memory_space<vmem>>) offsets(%dma_start3A_927 : memref<128xi32, #tpu.memory_space<vmem>>) semaphore(%arg12 : memref<!tpu.dma_semaphore, #tpu.memory_space<semaphore_mem>>)
    %dma_start3A_931 = arith.constant 2 : i32
    %dma_start3A_932 = arith.constant 256 : i32
    %dma_start3A_933 = arith.constant 0 : i32
    %dma_start3A_934 = tpu.memref_slice %arg8[%dma_start3A_931, %dma_start3A_932, %dma_start3A_933] : memref<4x512x32xf32, #tpu.memory_space<vmem>> -> memref<1x128x32xf32, #tpu.memory_space<vmem>>
    %dma_start3A_935 = tpu.memref_squeeze %dma_start3A_934 : memref<1x128x32xf32, #tpu.memory_space<vmem>> -> memref<128x32xf32, #tpu.memory_space<vmem>>
    %dma_start3A_936 = arith.constant 3328 : i32
    %dma_start3A_937 = tpu.memref_slice %arg7[%dma_start3A_936] : memref<13312xi32, #tpu.memory_space<vmem>> -> memref<128xi32, #tpu.memory_space<vmem>>
    %dma_start3A_938 = arith.constant 0 : i32
    %dma_start3A_939 = arith.constant 0 : i32
    %dma_start3A_940 = tpu.memref_slice %arg4[%dma_start3A_938, %dma_start3A_939] : memref<1304576x32xf32, #tpu.memory_space<hbm>> -> memref<1304576x32xf32, #tpu.memory_space<hbm>>
    tpu.enqueue_indirect_dma source(%dma_start3A_940 : memref<1304576x32xf32, #tpu.memory_space<hbm>>) target(%dma_start3A_935 : memref<128x32xf32, #tpu.memory_space<vmem>>) offsets(%dma_start3A_937 : memref<128xi32, #tpu.memory_space<vmem>>) semaphore(%arg12 : memref<!tpu.dma_semaphore, #tpu.memory_space<semaphore_mem>>)
    %dma_start3A_941 = arith.constant 2 : i32
    %dma_start3A_942 = arith.constant 384 : i32
    %dma_start3A_943 = arith.constant 0 : i32
    %dma_start3A_944 = tpu.memref_slice %arg8[%dma_start3A_941, %dma_start3A_942, %dma_start3A_943] : memref<4x512x32xf32, #tpu.memory_space<vmem>> -> memref<1x128x32xf32, #tpu.memory_space<vmem>>
    %dma_start3A_945 = tpu.memref_squeeze %dma_start3A_944 : memref<1x128x32xf32, #tpu.memory_space<vmem>> -> memref<128x32xf32, #tpu.memory_space<vmem>>
    %dma_start3A_946 = arith.constant 3456 : i32
    %dma_start3A_947 = tpu.memref_slice %arg7[%dma_start3A_946] : memref<13312xi32, #tpu.memory_space<vmem>> -> memref<128xi32, #tpu.memory_space<vmem>>
    %dma_start3A_948 = arith.constant 0 : i32
    %dma_start3A_949 = arith.constant 0 : i32
    %dma_start3A_950 = tpu.memref_slice %arg4[%dma_start3A_948, %dma_start3A_949] : memref<1304576x32xf32, #tpu.memory_space<hbm>> -> memref<1304576x32xf32, #tpu.memory_space<hbm>>
    tpu.enqueue_indirect_dma source(%dma_start3A_950 : memref<1304576x32xf32, #tpu.memory_space<hbm>>) target(%dma_start3A_945 : memref<128x32xf32, #tpu.memory_space<vmem>>) offsets(%dma_start3A_947 : memref<128xi32, #tpu.memory_space<vmem>>) semaphore(%arg12 : memref<!tpu.dma_semaphore, #tpu.memory_space<semaphore_mem>>)
    %dma_wait3A_951 = arith.constant 3 : i32
    %dma_wait3A_952 = arith.constant 0 : i32
    %dma_wait3A_953 = arith.constant 0 : i32
    %dma_wait3A_954 = tpu.memref_slice %arg8[%dma_wait3A_951, %dma_wait3A_952, %dma_wait3A_953] : memref<4x512x32xf32, #tpu.memory_space<vmem>> -> memref<1x128x32xf32, #tpu.memory_space<vmem>>
    %dma_wait3A_955 = tpu.memref_squeeze %dma_wait3A_954 : memref<1x128x32xf32, #tpu.memory_space<vmem>> -> memref<128x32xf32, #tpu.memory_space<vmem>>
    %dma_wait3A_956 = arith.constant 1536 : i32
    %dma_wait3A_957 = tpu.memref_slice %arg7[%dma_wait3A_956] : memref<13312xi32, #tpu.memory_space<vmem>> -> memref<128xi32, #tpu.memory_space<vmem>>
    %dma_wait3A_958 = arith.constant 0 : i32
    %dma_wait3A_959 = arith.constant 0 : i32
    %dma_wait3A_960 = tpu.memref_slice %arg4[%dma_wait3A_958, %dma_wait3A_959] : memref<1304576x32xf32, #tpu.memory_space<hbm>> -> memref<1304576x32xf32, #tpu.memory_space<hbm>>
    tpu.wait_indirect_dma semaphore(%arg13 : memref<!tpu.dma_semaphore, #tpu.memory_space<semaphore_mem>>) src(%dma_wait3A_960 : memref<1304576x32xf32, #tpu.memory_space<hbm>>) dst(%dma_wait3A_955 : memref<128x32xf32, #tpu.memory_space<vmem>>)
    %dma_wait3A_961 = arith.constant 3 : i32
    %dma_wait3A_962 = arith.constant 128 : i32
    %dma_wait3A_963 = arith.constant 0 : i32
    %dma_wait3A_964 = tpu.memref_slice %arg8[%dma_wait3A_961, %dma_wait3A_962, %dma_wait3A_963] : memref<4x512x32xf32, #tpu.memory_space<vmem>> -> memref<1x128x32xf32, #tpu.memory_space<vmem>>
    %dma_wait3A_965 = tpu.memref_squeeze %dma_wait3A_964 : memref<1x128x32xf32, #tpu.memory_space<vmem>> -> memref<128x32xf32, #tpu.memory_space<vmem>>
    %dma_wait3A_966 = arith.constant 1664 : i32
    %dma_wait3A_967 = tpu.memref_slice %arg7[%dma_wait3A_966] : memref<13312xi32, #tpu.memory_space<vmem>> -> memref<128xi32, #tpu.memory_space<vmem>>
    %dma_wait3A_968 = arith.constant 0 : i32
    %dma_wait3A_969 = arith.constant 0 : i32
    %dma_wait3A_970 = tpu.memref_slice %arg4[%dma_wait3A_968, %dma_wait3A_969] : memref<1304576x32xf32, #tpu.memory_space<hbm>> -> memref<1304576x32xf32, #tpu.memory_space<hbm>>
    tpu.wait_indirect_dma semaphore(%arg13 : memref<!tpu.dma_semaphore, #tpu.memory_space<semaphore_mem>>) src(%dma_wait3A_970 : memref<1304576x32xf32, #tpu.memory_space<hbm>>) dst(%dma_wait3A_965 : memref<128x32xf32, #tpu.memory_space<vmem>>)
    %dma_wait3A_971 = arith.constant 3 : i32
    %dma_wait3A_972 = arith.constant 256 : i32
    %dma_wait3A_973 = arith.constant 0 : i32
    %dma_wait3A_974 = tpu.memref_slice %arg8[%dma_wait3A_971, %dma_wait3A_972, %dma_wait3A_973] : memref<4x512x32xf32, #tpu.memory_space<vmem>> -> memref<1x128x32xf32, #tpu.memory_space<vmem>>
    %dma_wait3A_975 = tpu.memref_squeeze %dma_wait3A_974 : memref<1x128x32xf32, #tpu.memory_space<vmem>> -> memref<128x32xf32, #tpu.memory_space<vmem>>
    %dma_wait3A_976 = arith.constant 1792 : i32
    %dma_wait3A_977 = tpu.memref_slice %arg7[%dma_wait3A_976] : memref<13312xi32, #tpu.memory_space<vmem>> -> memref<128xi32, #tpu.memory_space<vmem>>
    %dma_wait3A_978 = arith.constant 0 : i32
    %dma_wait3A_979 = arith.constant 0 : i32
    %dma_wait3A_980 = tpu.memref_slice %arg4[%dma_wait3A_978, %dma_wait3A_979] : memref<1304576x32xf32, #tpu.memory_space<hbm>> -> memref<1304576x32xf32, #tpu.memory_space<hbm>>
    tpu.wait_indirect_dma semaphore(%arg13 : memref<!tpu.dma_semaphore, #tpu.memory_space<semaphore_mem>>) src(%dma_wait3A_980 : memref<1304576x32xf32, #tpu.memory_space<hbm>>) dst(%dma_wait3A_975 : memref<128x32xf32, #tpu.memory_space<vmem>>)
    %dma_wait3A_981 = arith.constant 3 : i32
    %dma_wait3A_982 = arith.constant 384 : i32
    %dma_wait3A_983 = arith.constant 0 : i32
    %dma_wait3A_984 = tpu.memref_slice %arg8[%dma_wait3A_981, %dma_wait3A_982, %dma_wait3A_983] : memref<4x512x32xf32, #tpu.memory_space<vmem>> -> memref<1x128x32xf32, #tpu.memory_space<vmem>>
    %dma_wait3A_985 = tpu.memref_squeeze %dma_wait3A_984 : memref<1x128x32xf32, #tpu.memory_space<vmem>> -> memref<128x32xf32, #tpu.memory_space<vmem>>
    %dma_wait3A_986 = arith.constant 1920 : i32
    %dma_wait3A_987 = tpu.memref_slice %arg7[%dma_wait3A_986] : memref<13312xi32, #tpu.memory_space<vmem>> -> memref<128xi32, #tpu.memory_space<vmem>>
    %dma_wait3A_988 = arith.constant 0 : i32
    %dma_wait3A_989 = arith.constant 0 : i32
    %dma_wait3A_990 = tpu.memref_slice %arg4[%dma_wait3A_988, %dma_wait3A_989] : memref<1304576x32xf32, #tpu.memory_space<hbm>> -> memref<1304576x32xf32, #tpu.memory_space<hbm>>
    tpu.wait_indirect_dma semaphore(%arg13 : memref<!tpu.dma_semaphore, #tpu.memory_space<semaphore_mem>>) src(%dma_wait3A_990 : memref<1304576x32xf32, #tpu.memory_space<hbm>>) dst(%dma_wait3A_985 : memref<128x32xf32, #tpu.memory_space<vmem>>)
    %dma_start3A_991 = arith.constant 3 : i32
    %dma_start3A_992 = arith.constant 0 : i32
    %dma_start3A_993 = arith.constant 0 : i32
    %dma_start3A_994 = tpu.memref_slice %arg8[%dma_start3A_991, %dma_start3A_992, %dma_start3A_993] : memref<4x512x32xf32, #tpu.memory_space<vmem>> -> memref<1x512x32xf32, #tpu.memory_space<vmem>>
    %dma_start3A_995 = tpu.memref_squeeze %dma_start3A_994 : memref<1x512x32xf32, #tpu.memory_space<vmem>> -> memref<512x32xf32, #tpu.memory_space<vmem>>
    %dma_start3A_996 = arith.constant 96 : i32
    %dma_start3A_997 = tpu.memref_slice %arg6[%mul3A_2, %dma_start3A_996] : memref<16384x832xf32, #tpu.memory_space<hbm>> -> memref<512x32xf32, #tpu.memory_space<hbm>>
    %dma_start3A_998 = arith.constant 96 : i32
    %dma_start3A_999 = tpu.memref_slice %arg6[%mul3A_2, %dma_start3A_998] : memref<16384x832xf32, #tpu.memory_space<hbm>> -> memref<512x32xf32, #tpu.memory_space<hbm>>
    %dma_start3A_1000 = arith.constant 0 : i32
    %dma_start3A_1001 = arith.constant 0 : i32
    %dma_start3A_1002 = tpu.memref_slice %arg8[%dma_start3A_991, %dma_start3A_1000, %dma_start3A_1001] : memref<4x512x32xf32, #tpu.memory_space<vmem>> -> memref<1x512x32xf32, #tpu.memory_space<vmem>>
    %dma_start3A_1003 = tpu.memref_squeeze %dma_start3A_1002 : memref<1x512x32xf32, #tpu.memory_space<vmem>> -> memref<512x32xf32, #tpu.memory_space<vmem>>
    tpu.enqueue_dma source(%dma_start3A_1003 : memref<512x32xf32, #tpu.memory_space<vmem>>) target(%dma_start3A_999 : memref<512x32xf32, #tpu.memory_space<hbm>>) target_semaphore(%arg17 : memref<!tpu.dma_semaphore, #tpu.memory_space<semaphore_mem>>)
    %dma_wait3A_1004 = arith.constant 3 : i32
    %dma_wait3A_1005 = arith.constant 0 : i32
    %dma_wait3A_1006 = arith.constant 0 : i32
    %dma_wait3A_1007 = tpu.memref_slice %arg8[%dma_wait3A_1004, %dma_wait3A_1005, %dma_wait3A_1006] : memref<4x512x32xf32, #tpu.memory_space<vmem>> -> memref<1x512x32xf32, #tpu.memory_space<vmem>>
    %dma_wait3A_1008 = tpu.memref_squeeze %dma_wait3A_1007 : memref<1x512x32xf32, #tpu.memory_space<vmem>> -> memref<512x32xf32, #tpu.memory_space<vmem>>
    %dma_wait3A_1009 = arith.constant 96 : i32
    %dma_wait3A_1010 = tpu.memref_slice %arg6[%mul3A_2, %dma_wait3A_1009] : memref<16384x832xf32, #tpu.memory_space<hbm>> -> memref<512x32xf32, #tpu.memory_space<hbm>>
    %dma_wait3A_1011 = arith.constant 96 : i32
    %dma_wait3A_1012 = tpu.memref_slice %arg6[%mul3A_2, %dma_wait3A_1011] : memref<16384x832xf32, #tpu.memory_space<hbm>> -> memref<512x32xf32, #tpu.memory_space<hbm>>
    %dma_wait3A_1013 = arith.constant 0 : i32
    %dma_wait3A_1014 = arith.constant 0 : i32
    %dma_wait3A_1015 = tpu.memref_slice %arg8[%dma_wait3A_1004, %dma_wait3A_1013, %dma_wait3A_1014] : memref<4x512x32xf32, #tpu.memory_space<vmem>> -> memref<1x512x32xf32, #tpu.memory_space<vmem>>
    %dma_wait3A_1016 = tpu.memref_squeeze %dma_wait3A_1015 : memref<1x512x32xf32, #tpu.memory_space<vmem>> -> memref<512x32xf32, #tpu.memory_space<vmem>>
    tpu.wait_dma2 semaphore(%arg17 : memref<!tpu.dma_semaphore, #tpu.memory_space<semaphore_mem>>) src(%dma_wait3A_1016 : memref<512x32xf32, #tpu.memory_space<vmem>>) dst(%dma_wait3A_1012 : memref<512x32xf32, #tpu.memory_space<hbm>>)
    %dma_start3A_1017 = arith.constant 3 : i32
    %dma_start3A_1018 = arith.constant 0 : i32
    %dma_start3A_1019 = arith.constant 0 : i32
    %dma_start3A_1020 = tpu.memref_slice %arg8[%dma_start3A_1017, %dma_start3A_1018, %dma_start3A_1019] : memref<4x512x32xf32, #tpu.memory_space<vmem>> -> memref<1x128x32xf32, #tpu.memory_space<vmem>>
    %dma_start3A_1021 = tpu.memref_squeeze %dma_start3A_1020 : memref<1x128x32xf32, #tpu.memory_space<vmem>> -> memref<128x32xf32, #tpu.memory_space<vmem>>
    %dma_start3A_1022 = arith.constant 3584 : i32
    %dma_start3A_1023 = tpu.memref_slice %arg7[%dma_start3A_1022] : memref<13312xi32, #tpu.memory_space<vmem>> -> memref<128xi32, #tpu.memory_space<vmem>>
    %dma_start3A_1024 = arith.constant 0 : i32
    %dma_start3A_1025 = arith.constant 0 : i32
    %dma_start3A_1026 = tpu.memref_slice %arg4[%dma_start3A_1024, %dma_start3A_1025] : memref<1304576x32xf32, #tpu.memory_space<hbm>> -> memref<1304576x32xf32, #tpu.memory_space<hbm>>
    tpu.enqueue_indirect_dma source(%dma_start3A_1026 : memref<1304576x32xf32, #tpu.memory_space<hbm>>) target(%dma_start3A_1021 : memref<128x32xf32, #tpu.memory_space<vmem>>) offsets(%dma_start3A_1023 : memref<128xi32, #tpu.memory_space<vmem>>) semaphore(%arg13 : memref<!tpu.dma_semaphore, #tpu.memory_space<semaphore_mem>>)
    %dma_start3A_1027 = arith.constant 3 : i32
    %dma_start3A_1028 = arith.constant 128 : i32
    %dma_start3A_1029 = arith.constant 0 : i32
    %dma_start3A_1030 = tpu.memref_slice %arg8[%dma_start3A_1027, %dma_start3A_1028, %dma_start3A_1029] : memref<4x512x32xf32, #tpu.memory_space<vmem>> -> memref<1x128x32xf32, #tpu.memory_space<vmem>>
    %dma_start3A_1031 = tpu.memref_squeeze %dma_start3A_1030 : memref<1x128x32xf32, #tpu.memory_space<vmem>> -> memref<128x32xf32, #tpu.memory_space<vmem>>
    %dma_start3A_1032 = arith.constant 3712 : i32
    %dma_start3A_1033 = tpu.memref_slice %arg7[%dma_start3A_1032] : memref<13312xi32, #tpu.memory_space<vmem>> -> memref<128xi32, #tpu.memory_space<vmem>>
    %dma_start3A_1034 = arith.constant 0 : i32
    %dma_start3A_1035 = arith.constant 0 : i32
    %dma_start3A_1036 = tpu.memref_slice %arg4[%dma_start3A_1034, %dma_start3A_1035] : memref<1304576x32xf32, #tpu.memory_space<hbm>> -> memref<1304576x32xf32, #tpu.memory_space<hbm>>
    tpu.enqueue_indirect_dma source(%dma_start3A_1036 : memref<1304576x32xf32, #tpu.memory_space<hbm>>) target(%dma_start3A_1031 : memref<128x32xf32, #tpu.memory_space<vmem>>) offsets(%dma_start3A_1033 : memref<128xi32, #tpu.memory_space<vmem>>) semaphore(%arg13 : memref<!tpu.dma_semaphore, #tpu.memory_space<semaphore_mem>>)
    %dma_start3A_1037 = arith.constant 3 : i32
    %dma_start3A_1038 = arith.constant 256 : i32
    %dma_start3A_1039 = arith.constant 0 : i32
    %dma_start3A_1040 = tpu.memref_slice %arg8[%dma_start3A_1037, %dma_start3A_1038, %dma_start3A_1039] : memref<4x512x32xf32, #tpu.memory_space<vmem>> -> memref<1x128x32xf32, #tpu.memory_space<vmem>>
    %dma_start3A_1041 = tpu.memref_squeeze %dma_start3A_1040 : memref<1x128x32xf32, #tpu.memory_space<vmem>> -> memref<128x32xf32, #tpu.memory_space<vmem>>
    %dma_start3A_1042 = arith.constant 3840 : i32
    %dma_start3A_1043 = tpu.memref_slice %arg7[%dma_start3A_1042] : memref<13312xi32, #tpu.memory_space<vmem>> -> memref<128xi32, #tpu.memory_space<vmem>>
    %dma_start3A_1044 = arith.constant 0 : i32
    %dma_start3A_1045 = arith.constant 0 : i32
    %dma_start3A_1046 = tpu.memref_slice %arg4[%dma_start3A_1044, %dma_start3A_1045] : memref<1304576x32xf32, #tpu.memory_space<hbm>> -> memref<1304576x32xf32, #tpu.memory_space<hbm>>
    tpu.enqueue_indirect_dma source(%dma_start3A_1046 : memref<1304576x32xf32, #tpu.memory_space<hbm>>) target(%dma_start3A_1041 : memref<128x32xf32, #tpu.memory_space<vmem>>) offsets(%dma_start3A_1043 : memref<128xi32, #tpu.memory_space<vmem>>) semaphore(%arg13 : memref<!tpu.dma_semaphore, #tpu.memory_space<semaphore_mem>>)
    %dma_start3A_1047 = arith.constant 3 : i32
    %dma_start3A_1048 = arith.constant 384 : i32
    %dma_start3A_1049 = arith.constant 0 : i32
    %dma_start3A_1050 = tpu.memref_slice %arg8[%dma_start3A_1047, %dma_start3A_1048, %dma_start3A_1049] : memref<4x512x32xf32, #tpu.memory_space<vmem>> -> memref<1x128x32xf32, #tpu.memory_space<vmem>>
    %dma_start3A_1051 = tpu.memref_squeeze %dma_start3A_1050 : memref<1x128x32xf32, #tpu.memory_space<vmem>> -> memref<128x32xf32, #tpu.memory_space<vmem>>
    %dma_start3A_1052 = arith.constant 3968 : i32
    %dma_start3A_1053 = tpu.memref_slice %arg7[%dma_start3A_1052] : memref<13312xi32, #tpu.memory_space<vmem>> -> memref<128xi32, #tpu.memory_space<vmem>>
    %dma_start3A_1054 = arith.constant 0 : i32
    %dma_start3A_1055 = arith.constant 0 : i32
    %dma_start3A_1056 = tpu.memref_slice %arg4[%dma_start3A_1054, %dma_start3A_1055] : memref<1304576x32xf32, #tpu.memory_space<hbm>> -> memref<1304576x32xf32, #tpu.memory_space<hbm>>
    tpu.enqueue_indirect_dma source(%dma_start3A_1056 : memref<1304576x32xf32, #tpu.memory_space<hbm>>) target(%dma_start3A_1051 : memref<128x32xf32, #tpu.memory_space<vmem>>) offsets(%dma_start3A_1053 : memref<128xi32, #tpu.memory_space<vmem>>) semaphore(%arg13 : memref<!tpu.dma_semaphore, #tpu.memory_space<semaphore_mem>>)
    %dma_wait3A_1057 = arith.constant 0 : i32
    %dma_wait3A_1058 = arith.constant 0 : i32
    %dma_wait3A_1059 = arith.constant 0 : i32
    %dma_wait3A_1060 = tpu.memref_slice %arg8[%dma_wait3A_1057, %dma_wait3A_1058, %dma_wait3A_1059] : memref<4x512x32xf32, #tpu.memory_space<vmem>> -> memref<1x128x32xf32, #tpu.memory_space<vmem>>
    %dma_wait3A_1061 = tpu.memref_squeeze %dma_wait3A_1060 : memref<1x128x32xf32, #tpu.memory_space<vmem>> -> memref<128x32xf32, #tpu.memory_space<vmem>>
    %dma_wait3A_1062 = arith.constant 2048 : i32
    %dma_wait3A_1063 = tpu.memref_slice %arg7[%dma_wait3A_1062] : memref<13312xi32, #tpu.memory_space<vmem>> -> memref<128xi32, #tpu.memory_space<vmem>>
    %dma_wait3A_1064 = arith.constant 0 : i32
    %dma_wait3A_1065 = arith.constant 0 : i32
    %dma_wait3A_1066 = tpu.memref_slice %arg4[%dma_wait3A_1064, %dma_wait3A_1065] : memref<1304576x32xf32, #tpu.memory_space<hbm>> -> memref<1304576x32xf32, #tpu.memory_space<hbm>>
    tpu.wait_indirect_dma semaphore(%arg10 : memref<!tpu.dma_semaphore, #tpu.memory_space<semaphore_mem>>) src(%dma_wait3A_1066 : memref<1304576x32xf32, #tpu.memory_space<hbm>>) dst(%dma_wait3A_1061 : memref<128x32xf32, #tpu.memory_space<vmem>>)
    %dma_wait3A_1067 = arith.constant 0 : i32
    %dma_wait3A_1068 = arith.constant 128 : i32
    %dma_wait3A_1069 = arith.constant 0 : i32
    %dma_wait3A_1070 = tpu.memref_slice %arg8[%dma_wait3A_1067, %dma_wait3A_1068, %dma_wait3A_1069] : memref<4x512x32xf32, #tpu.memory_space<vmem>> -> memref<1x128x32xf32, #tpu.memory_space<vmem>>
    %dma_wait3A_1071 = tpu.memref_squeeze %dma_wait3A_1070 : memref<1x128x32xf32, #tpu.memory_space<vmem>> -> memref<128x32xf32, #tpu.memory_space<vmem>>
    %dma_wait3A_1072 = arith.constant 2176 : i32
    %dma_wait3A_1073 = tpu.memref_slice %arg7[%dma_wait3A_1072] : memref<13312xi32, #tpu.memory_space<vmem>> -> memref<128xi32, #tpu.memory_space<vmem>>
    %dma_wait3A_1074 = arith.constant 0 : i32
    %dma_wait3A_1075 = arith.constant 0 : i32
    %dma_wait3A_1076 = tpu.memref_slice %arg4[%dma_wait3A_1074, %dma_wait3A_1075] : memref<1304576x32xf32, #tpu.memory_space<hbm>> -> memref<1304576x32xf32, #tpu.memory_space<hbm>>
    tpu.wait_indirect_dma semaphore(%arg10 : memref<!tpu.dma_semaphore, #tpu.memory_space<semaphore_mem>>) src(%dma_wait3A_1076 : memref<1304576x32xf32, #tpu.memory_space<hbm>>) dst(%dma_wait3A_1071 : memref<128x32xf32, #tpu.memory_space<vmem>>)
    %dma_wait3A_1077 = arith.constant 0 : i32
    %dma_wait3A_1078 = arith.constant 256 : i32
    %dma_wait3A_1079 = arith.constant 0 : i32
    %dma_wait3A_1080 = tpu.memref_slice %arg8[%dma_wait3A_1077, %dma_wait3A_1078, %dma_wait3A_1079] : memref<4x512x32xf32, #tpu.memory_space<vmem>> -> memref<1x128x32xf32, #tpu.memory_space<vmem>>
    %dma_wait3A_1081 = tpu.memref_squeeze %dma_wait3A_1080 : memref<1x128x32xf32, #tpu.memory_space<vmem>> -> memref<128x32xf32, #tpu.memory_space<vmem>>
    %dma_wait3A_1082 = arith.constant 2304 : i32
    %dma_wait3A_1083 = tpu.memref_slice %arg7[%dma_wait3A_1082] : memref<13312xi32, #tpu.memory_space<vmem>> -> memref<128xi32, #tpu.memory_space<vmem>>
    %dma_wait3A_1084 = arith.constant 0 : i32
    %dma_wait3A_1085 = arith.constant 0 : i32
    %dma_wait3A_1086 = tpu.memref_slice %arg4[%dma_wait3A_1084, %dma_wait3A_1085] : memref<1304576x32xf32, #tpu.memory_space<hbm>> -> memref<1304576x32xf32, #tpu.memory_space<hbm>>
    tpu.wait_indirect_dma semaphore(%arg10 : memref<!tpu.dma_semaphore, #tpu.memory_space<semaphore_mem>>) src(%dma_wait3A_1086 : memref<1304576x32xf32, #tpu.memory_space<hbm>>) dst(%dma_wait3A_1081 : memref<128x32xf32, #tpu.memory_space<vmem>>)
    %dma_wait3A_1087 = arith.constant 0 : i32
    %dma_wait3A_1088 = arith.constant 384 : i32
    %dma_wait3A_1089 = arith.constant 0 : i32
    %dma_wait3A_1090 = tpu.memref_slice %arg8[%dma_wait3A_1087, %dma_wait3A_1088, %dma_wait3A_1089] : memref<4x512x32xf32, #tpu.memory_space<vmem>> -> memref<1x128x32xf32, #tpu.memory_space<vmem>>
    %dma_wait3A_1091 = tpu.memref_squeeze %dma_wait3A_1090 : memref<1x128x32xf32, #tpu.memory_space<vmem>> -> memref<128x32xf32, #tpu.memory_space<vmem>>
    %dma_wait3A_1092 = arith.constant 2432 : i32
    %dma_wait3A_1093 = tpu.memref_slice %arg7[%dma_wait3A_1092] : memref<13312xi32, #tpu.memory_space<vmem>> -> memref<128xi32, #tpu.memory_space<vmem>>
    %dma_wait3A_1094 = arith.constant 0 : i32
    %dma_wait3A_1095 = arith.constant 0 : i32
    %dma_wait3A_1096 = tpu.memref_slice %arg4[%dma_wait3A_1094, %dma_wait3A_1095] : memref<1304576x32xf32, #tpu.memory_space<hbm>> -> memref<1304576x32xf32, #tpu.memory_space<hbm>>
    tpu.wait_indirect_dma semaphore(%arg10 : memref<!tpu.dma_semaphore, #tpu.memory_space<semaphore_mem>>) src(%dma_wait3A_1096 : memref<1304576x32xf32, #tpu.memory_space<hbm>>) dst(%dma_wait3A_1091 : memref<128x32xf32, #tpu.memory_space<vmem>>)
    %dma_start3A_1097 = arith.constant 0 : i32
    %dma_start3A_1098 = arith.constant 0 : i32
    %dma_start3A_1099 = arith.constant 0 : i32
    %dma_start3A_1100 = tpu.memref_slice %arg8[%dma_start3A_1097, %dma_start3A_1098, %dma_start3A_1099] : memref<4x512x32xf32, #tpu.memory_space<vmem>> -> memref<1x512x32xf32, #tpu.memory_space<vmem>>
    %dma_start3A_1101 = tpu.memref_squeeze %dma_start3A_1100 : memref<1x512x32xf32, #tpu.memory_space<vmem>> -> memref<512x32xf32, #tpu.memory_space<vmem>>
    %dma_start3A_1102 = arith.constant 128 : i32
    %dma_start3A_1103 = tpu.memref_slice %arg6[%mul3A_2, %dma_start3A_1102] : memref<16384x832xf32, #tpu.memory_space<hbm>> -> memref<512x32xf32, #tpu.memory_space<hbm>>
    %dma_start3A_1104 = arith.constant 128 : i32
    %dma_start3A_1105 = tpu.memref_slice %arg6[%mul3A_2, %dma_start3A_1104] : memref<16384x832xf32, #tpu.memory_space<hbm>> -> memref<512x32xf32, #tpu.memory_space<hbm>>
    %dma_start3A_1106 = arith.constant 0 : i32
    %dma_start3A_1107 = arith.constant 0 : i32
    %dma_start3A_1108 = tpu.memref_slice %arg8[%dma_start3A_1097, %dma_start3A_1106, %dma_start3A_1107] : memref<4x512x32xf32, #tpu.memory_space<vmem>> -> memref<1x512x32xf32, #tpu.memory_space<vmem>>
    %dma_start3A_1109 = tpu.memref_squeeze %dma_start3A_1108 : memref<1x512x32xf32, #tpu.memory_space<vmem>> -> memref<512x32xf32, #tpu.memory_space<vmem>>
    tpu.enqueue_dma source(%dma_start3A_1109 : memref<512x32xf32, #tpu.memory_space<vmem>>) target(%dma_start3A_1105 : memref<512x32xf32, #tpu.memory_space<hbm>>) target_semaphore(%arg14 : memref<!tpu.dma_semaphore, #tpu.memory_space<semaphore_mem>>)
    %dma_wait3A_1110 = arith.constant 0 : i32
    %dma_wait3A_1111 = arith.constant 0 : i32
    %dma_wait3A_1112 = arith.constant 0 : i32
    %dma_wait3A_1113 = tpu.memref_slice %arg8[%dma_wait3A_1110, %dma_wait3A_1111, %dma_wait3A_1112] : memref<4x512x32xf32, #tpu.memory_space<vmem>> -> memref<1x512x32xf32, #tpu.memory_space<vmem>>
    %dma_wait3A_1114 = tpu.memref_squeeze %dma_wait3A_1113 : memref<1x512x32xf32, #tpu.memory_space<vmem>> -> memref<512x32xf32, #tpu.memory_space<vmem>>
    %dma_wait3A_1115 = arith.constant 128 : i32
    %dma_wait3A_1116 = tpu.memref_slice %arg6[%mul3A_2, %dma_wait3A_1115] : memref<16384x832xf32, #tpu.memory_space<hbm>> -> memref<512x32xf32, #tpu.memory_space<hbm>>
    %dma_wait3A_1117 = arith.constant 128 : i32
    %dma_wait3A_1118 = tpu.memref_slice %arg6[%mul3A_2, %dma_wait3A_1117] : memref<16384x832xf32, #tpu.memory_space<hbm>> -> memref<512x32xf32, #tpu.memory_space<hbm>>
    %dma_wait3A_1119 = arith.constant 0 : i32
    %dma_wait3A_1120 = arith.constant 0 : i32
    %dma_wait3A_1121 = tpu.memref_slice %arg8[%dma_wait3A_1110, %dma_wait3A_1119, %dma_wait3A_1120] : memref<4x512x32xf32, #tpu.memory_space<vmem>> -> memref<1x512x32xf32, #tpu.memory_space<vmem>>
    %dma_wait3A_1122 = tpu.memref_squeeze %dma_wait3A_1121 : memref<1x512x32xf32, #tpu.memory_space<vmem>> -> memref<512x32xf32, #tpu.memory_space<vmem>>
    tpu.wait_dma2 semaphore(%arg14 : memref<!tpu.dma_semaphore, #tpu.memory_space<semaphore_mem>>) src(%dma_wait3A_1122 : memref<512x32xf32, #tpu.memory_space<vmem>>) dst(%dma_wait3A_1118 : memref<512x32xf32, #tpu.memory_space<hbm>>)
    %dma_start3A_1123 = arith.constant 0 : i32
    %dma_start3A_1124 = arith.constant 0 : i32
    %dma_start3A_1125 = arith.constant 0 : i32
    %dma_start3A_1126 = tpu.memref_slice %arg8[%dma_start3A_1123, %dma_start3A_1124, %dma_start3A_1125] : memref<4x512x32xf32, #tpu.memory_space<vmem>> -> memref<1x128x32xf32, #tpu.memory_space<vmem>>
    %dma_start3A_1127 = tpu.memref_squeeze %dma_start3A_1126 : memref<1x128x32xf32, #tpu.memory_space<vmem>> -> memref<128x32xf32, #tpu.memory_space<vmem>>
    %dma_start3A_1128 = arith.constant 4096 : i32
    %dma_start3A_1129 = tpu.memref_slice %arg7[%dma_start3A_1128] : memref<13312xi32, #tpu.memory_space<vmem>> -> memref<128xi32, #tpu.memory_space<vmem>>
    %dma_start3A_1130 = arith.constant 0 : i32
    %dma_start3A_1131 = arith.constant 0 : i32
    %dma_start3A_1132 = tpu.memref_slice %arg4[%dma_start3A_1130, %dma_start3A_1131] : memref<1304576x32xf32, #tpu.memory_space<hbm>> -> memref<1304576x32xf32, #tpu.memory_space<hbm>>
    tpu.enqueue_indirect_dma source(%dma_start3A_1132 : memref<1304576x32xf32, #tpu.memory_space<hbm>>) target(%dma_start3A_1127 : memref<128x32xf32, #tpu.memory_space<vmem>>) offsets(%dma_start3A_1129 : memref<128xi32, #tpu.memory_space<vmem>>) semaphore(%arg10 : memref<!tpu.dma_semaphore, #tpu.memory_space<semaphore_mem>>)
    %dma_start3A_1133 = arith.constant 0 : i32
    %dma_start3A_1134 = arith.constant 128 : i32
    %dma_start3A_1135 = arith.constant 0 : i32
    %dma_start3A_1136 = tpu.memref_slice %arg8[%dma_start3A_1133, %dma_start3A_1134, %dma_start3A_1135] : memref<4x512x32xf32, #tpu.memory_space<vmem>> -> memref<1x128x32xf32, #tpu.memory_space<vmem>>
    %dma_start3A_1137 = tpu.memref_squeeze %dma_start3A_1136 : memref<1x128x32xf32, #tpu.memory_space<vmem>> -> memref<128x32xf32, #tpu.memory_space<vmem>>
    %dma_start3A_1138 = arith.constant 4224 : i32
    %dma_start3A_1139 = tpu.memref_slice %arg7[%dma_start3A_1138] : memref<13312xi32, #tpu.memory_space<vmem>> -> memref<128xi32, #tpu.memory_space<vmem>>
    %dma_start3A_1140 = arith.constant 0 : i32
    %dma_start3A_1141 = arith.constant 0 : i32
    %dma_start3A_1142 = tpu.memref_slice %arg4[%dma_start3A_1140, %dma_start3A_1141] : memref<1304576x32xf32, #tpu.memory_space<hbm>> -> memref<1304576x32xf32, #tpu.memory_space<hbm>>
    tpu.enqueue_indirect_dma source(%dma_start3A_1142 : memref<1304576x32xf32, #tpu.memory_space<hbm>>) target(%dma_start3A_1137 : memref<128x32xf32, #tpu.memory_space<vmem>>) offsets(%dma_start3A_1139 : memref<128xi32, #tpu.memory_space<vmem>>) semaphore(%arg10 : memref<!tpu.dma_semaphore, #tpu.memory_space<semaphore_mem>>)
    %dma_start3A_1143 = arith.constant 0 : i32
    %dma_start3A_1144 = arith.constant 256 : i32
    %dma_start3A_1145 = arith.constant 0 : i32
    %dma_start3A_1146 = tpu.memref_slice %arg8[%dma_start3A_1143, %dma_start3A_1144, %dma_start3A_1145] : memref<4x512x32xf32, #tpu.memory_space<vmem>> -> memref<1x128x32xf32, #tpu.memory_space<vmem>>
    %dma_start3A_1147 = tpu.memref_squeeze %dma_start3A_1146 : memref<1x128x32xf32, #tpu.memory_space<vmem>> -> memref<128x32xf32, #tpu.memory_space<vmem>>
    %dma_start3A_1148 = arith.constant 4352 : i32
    %dma_start3A_1149 = tpu.memref_slice %arg7[%dma_start3A_1148] : memref<13312xi32, #tpu.memory_space<vmem>> -> memref<128xi32, #tpu.memory_space<vmem>>
    %dma_start3A_1150 = arith.constant 0 : i32
    %dma_start3A_1151 = arith.constant 0 : i32
    %dma_start3A_1152 = tpu.memref_slice %arg4[%dma_start3A_1150, %dma_start3A_1151] : memref<1304576x32xf32, #tpu.memory_space<hbm>> -> memref<1304576x32xf32, #tpu.memory_space<hbm>>
    tpu.enqueue_indirect_dma source(%dma_start3A_1152 : memref<1304576x32xf32, #tpu.memory_space<hbm>>) target(%dma_start3A_1147 : memref<128x32xf32, #tpu.memory_space<vmem>>) offsets(%dma_start3A_1149 : memref<128xi32, #tpu.memory_space<vmem>>) semaphore(%arg10 : memref<!tpu.dma_semaphore, #tpu.memory_space<semaphore_mem>>)
    %dma_start3A_1153 = arith.constant 0 : i32
    %dma_start3A_1154 = arith.constant 384 : i32
    %dma_start3A_1155 = arith.constant 0 : i32
    %dma_start3A_1156 = tpu.memref_slice %arg8[%dma_start3A_1153, %dma_start3A_1154, %dma_start3A_1155] : memref<4x512x32xf32, #tpu.memory_space<vmem>> -> memref<1x128x32xf32, #tpu.memory_space<vmem>>
    %dma_start3A_1157 = tpu.memref_squeeze %dma_start3A_1156 : memref<1x128x32xf32, #tpu.memory_space<vmem>> -> memref<128x32xf32, #tpu.memory_space<vmem>>
    %dma_start3A_1158 = arith.constant 4480 : i32
    %dma_start3A_1159 = tpu.memref_slice %arg7[%dma_start3A_1158] : memref<13312xi32, #tpu.memory_space<vmem>> -> memref<128xi32, #tpu.memory_space<vmem>>
    %dma_start3A_1160 = arith.constant 0 : i32
    %dma_start3A_1161 = arith.constant 0 : i32
    %dma_start3A_1162 = tpu.memref_slice %arg4[%dma_start3A_1160, %dma_start3A_1161] : memref<1304576x32xf32, #tpu.memory_space<hbm>> -> memref<1304576x32xf32, #tpu.memory_space<hbm>>
    tpu.enqueue_indirect_dma source(%dma_start3A_1162 : memref<1304576x32xf32, #tpu.memory_space<hbm>>) target(%dma_start3A_1157 : memref<128x32xf32, #tpu.memory_space<vmem>>) offsets(%dma_start3A_1159 : memref<128xi32, #tpu.memory_space<vmem>>) semaphore(%arg10 : memref<!tpu.dma_semaphore, #tpu.memory_space<semaphore_mem>>)
    %dma_wait3A_1163 = arith.constant 1 : i32
    %dma_wait3A_1164 = arith.constant 0 : i32
    %dma_wait3A_1165 = arith.constant 0 : i32
    %dma_wait3A_1166 = tpu.memref_slice %arg8[%dma_wait3A_1163, %dma_wait3A_1164, %dma_wait3A_1165] : memref<4x512x32xf32, #tpu.memory_space<vmem>> -> memref<1x128x32xf32, #tpu.memory_space<vmem>>
    %dma_wait3A_1167 = tpu.memref_squeeze %dma_wait3A_1166 : memref<1x128x32xf32, #tpu.memory_space<vmem>> -> memref<128x32xf32, #tpu.memory_space<vmem>>
    %dma_wait3A_1168 = arith.constant 2560 : i32
    %dma_wait3A_1169 = tpu.memref_slice %arg7[%dma_wait3A_1168] : memref<13312xi32, #tpu.memory_space<vmem>> -> memref<128xi32, #tpu.memory_space<vmem>>
    %dma_wait3A_1170 = arith.constant 0 : i32
    %dma_wait3A_1171 = arith.constant 0 : i32
    %dma_wait3A_1172 = tpu.memref_slice %arg4[%dma_wait3A_1170, %dma_wait3A_1171] : memref<1304576x32xf32, #tpu.memory_space<hbm>> -> memref<1304576x32xf32, #tpu.memory_space<hbm>>
    tpu.wait_indirect_dma semaphore(%arg11 : memref<!tpu.dma_semaphore, #tpu.memory_space<semaphore_mem>>) src(%dma_wait3A_1172 : memref<1304576x32xf32, #tpu.memory_space<hbm>>) dst(%dma_wait3A_1167 : memref<128x32xf32, #tpu.memory_space<vmem>>)
    %dma_wait3A_1173 = arith.constant 1 : i32
    %dma_wait3A_1174 = arith.constant 128 : i32
    %dma_wait3A_1175 = arith.constant 0 : i32
    %dma_wait3A_1176 = tpu.memref_slice %arg8[%dma_wait3A_1173, %dma_wait3A_1174, %dma_wait3A_1175] : memref<4x512x32xf32, #tpu.memory_space<vmem>> -> memref<1x128x32xf32, #tpu.memory_space<vmem>>
    %dma_wait3A_1177 = tpu.memref_squeeze %dma_wait3A_1176 : memref<1x128x32xf32, #tpu.memory_space<vmem>> -> memref<128x32xf32, #tpu.memory_space<vmem>>
    %dma_wait3A_1178 = arith.constant 2688 : i32
    %dma_wait3A_1179 = tpu.memref_slice %arg7[%dma_wait3A_1178] : memref<13312xi32, #tpu.memory_space<vmem>> -> memref<128xi32, #tpu.memory_space<vmem>>
    %dma_wait3A_1180 = arith.constant 0 : i32
    %dma_wait3A_1181 = arith.constant 0 : i32
    %dma_wait3A_1182 = tpu.memref_slice %arg4[%dma_wait3A_1180, %dma_wait3A_1181] : memref<1304576x32xf32, #tpu.memory_space<hbm>> -> memref<1304576x32xf32, #tpu.memory_space<hbm>>
    tpu.wait_indirect_dma semaphore(%arg11 : memref<!tpu.dma_semaphore, #tpu.memory_space<semaphore_mem>>) src(%dma_wait3A_1182 : memref<1304576x32xf32, #tpu.memory_space<hbm>>) dst(%dma_wait3A_1177 : memref<128x32xf32, #tpu.memory_space<vmem>>)
    %dma_wait3A_1183 = arith.constant 1 : i32
    %dma_wait3A_1184 = arith.constant 256 : i32
    %dma_wait3A_1185 = arith.constant 0 : i32
    %dma_wait3A_1186 = tpu.memref_slice %arg8[%dma_wait3A_1183, %dma_wait3A_1184, %dma_wait3A_1185] : memref<4x512x32xf32, #tpu.memory_space<vmem>> -> memref<1x128x32xf32, #tpu.memory_space<vmem>>
    %dma_wait3A_1187 = tpu.memref_squeeze %dma_wait3A_1186 : memref<1x128x32xf32, #tpu.memory_space<vmem>> -> memref<128x32xf32, #tpu.memory_space<vmem>>
    %dma_wait3A_1188 = arith.constant 2816 : i32
    %dma_wait3A_1189 = tpu.memref_slice %arg7[%dma_wait3A_1188] : memref<13312xi32, #tpu.memory_space<vmem>> -> memref<128xi32, #tpu.memory_space<vmem>>
    %dma_wait3A_1190 = arith.constant 0 : i32
    %dma_wait3A_1191 = arith.constant 0 : i32
    %dma_wait3A_1192 = tpu.memref_slice %arg4[%dma_wait3A_1190, %dma_wait3A_1191] : memref<1304576x32xf32, #tpu.memory_space<hbm>> -> memref<1304576x32xf32, #tpu.memory_space<hbm>>
    tpu.wait_indirect_dma semaphore(%arg11 : memref<!tpu.dma_semaphore, #tpu.memory_space<semaphore_mem>>) src(%dma_wait3A_1192 : memref<1304576x32xf32, #tpu.memory_space<hbm>>) dst(%dma_wait3A_1187 : memref<128x32xf32, #tpu.memory_space<vmem>>)
    %dma_wait3A_1193 = arith.constant 1 : i32
    %dma_wait3A_1194 = arith.constant 384 : i32
    %dma_wait3A_1195 = arith.constant 0 : i32
    %dma_wait3A_1196 = tpu.memref_slice %arg8[%dma_wait3A_1193, %dma_wait3A_1194, %dma_wait3A_1195] : memref<4x512x32xf32, #tpu.memory_space<vmem>> -> memref<1x128x32xf32, #tpu.memory_space<vmem>>
    %dma_wait3A_1197 = tpu.memref_squeeze %dma_wait3A_1196 : memref<1x128x32xf32, #tpu.memory_space<vmem>> -> memref<128x32xf32, #tpu.memory_space<vmem>>
    %dma_wait3A_1198 = arith.constant 2944 : i32
    %dma_wait3A_1199 = tpu.memref_slice %arg7[%dma_wait3A_1198] : memref<13312xi32, #tpu.memory_space<vmem>> -> memref<128xi32, #tpu.memory_space<vmem>>
    %dma_wait3A_1200 = arith.constant 0 : i32
    %dma_wait3A_1201 = arith.constant 0 : i32
    %dma_wait3A_1202 = tpu.memref_slice %arg4[%dma_wait3A_1200, %dma_wait3A_1201] : memref<1304576x32xf32, #tpu.memory_space<hbm>> -> memref<1304576x32xf32, #tpu.memory_space<hbm>>
    tpu.wait_indirect_dma semaphore(%arg11 : memref<!tpu.dma_semaphore, #tpu.memory_space<semaphore_mem>>) src(%dma_wait3A_1202 : memref<1304576x32xf32, #tpu.memory_space<hbm>>) dst(%dma_wait3A_1197 : memref<128x32xf32, #tpu.memory_space<vmem>>)
    %dma_start3A_1203 = arith.constant 1 : i32
    %dma_start3A_1204 = arith.constant 0 : i32
    %dma_start3A_1205 = arith.constant 0 : i32
    %dma_start3A_1206 = tpu.memref_slice %arg8[%dma_start3A_1203, %dma_start3A_1204, %dma_start3A_1205] : memref<4x512x32xf32, #tpu.memory_space<vmem>> -> memref<1x512x32xf32, #tpu.memory_space<vmem>>
    %dma_start3A_1207 = tpu.memref_squeeze %dma_start3A_1206 : memref<1x512x32xf32, #tpu.memory_space<vmem>> -> memref<512x32xf32, #tpu.memory_space<vmem>>
    %dma_start3A_1208 = arith.constant 160 : i32
    %dma_start3A_1209 = tpu.memref_slice %arg6[%mul3A_2, %dma_start3A_1208] : memref<16384x832xf32, #tpu.memory_space<hbm>> -> memref<512x32xf32, #tpu.memory_space<hbm>>
    %dma_start3A_1210 = arith.constant 160 : i32
    %dma_start3A_1211 = tpu.memref_slice %arg6[%mul3A_2, %dma_start3A_1210] : memref<16384x832xf32, #tpu.memory_space<hbm>> -> memref<512x32xf32, #tpu.memory_space<hbm>>
    %dma_start3A_1212 = arith.constant 0 : i32
    %dma_start3A_1213 = arith.constant 0 : i32
    %dma_start3A_1214 = tpu.memref_slice %arg8[%dma_start3A_1203, %dma_start3A_1212, %dma_start3A_1213] : memref<4x512x32xf32, #tpu.memory_space<vmem>> -> memref<1x512x32xf32, #tpu.memory_space<vmem>>
    %dma_start3A_1215 = tpu.memref_squeeze %dma_start3A_1214 : memref<1x512x32xf32, #tpu.memory_space<vmem>> -> memref<512x32xf32, #tpu.memory_space<vmem>>
    tpu.enqueue_dma source(%dma_start3A_1215 : memref<512x32xf32, #tpu.memory_space<vmem>>) target(%dma_start3A_1211 : memref<512x32xf32, #tpu.memory_space<hbm>>) target_semaphore(%arg15 : memref<!tpu.dma_semaphore, #tpu.memory_space<semaphore_mem>>)
    %dma_wait3A_1216 = arith.constant 1 : i32
    %dma_wait3A_1217 = arith.constant 0 : i32
    %dma_wait3A_1218 = arith.constant 0 : i32
    %dma_wait3A_1219 = tpu.memref_slice %arg8[%dma_wait3A_1216, %dma_wait3A_1217, %dma_wait3A_1218] : memref<4x512x32xf32, #tpu.memory_space<vmem>> -> memref<1x512x32xf32, #tpu.memory_space<vmem>>
    %dma_wait3A_1220 = tpu.memref_squeeze %dma_wait3A_1219 : memref<1x512x32xf32, #tpu.memory_space<vmem>> -> memref<512x32xf32, #tpu.memory_space<vmem>>
    %dma_wait3A_1221 = arith.constant 160 : i32
    %dma_wait3A_1222 = tpu.memref_slice %arg6[%mul3A_2, %dma_wait3A_1221] : memref<16384x832xf32, #tpu.memory_space<hbm>> -> memref<512x32xf32, #tpu.memory_space<hbm>>
    %dma_wait3A_1223 = arith.constant 160 : i32
    %dma_wait3A_1224 = tpu.memref_slice %arg6[%mul3A_2, %dma_wait3A_1223] : memref<16384x832xf32, #tpu.memory_space<hbm>> -> memref<512x32xf32, #tpu.memory_space<hbm>>
    %dma_wait3A_1225 = arith.constant 0 : i32
    %dma_wait3A_1226 = arith.constant 0 : i32
    %dma_wait3A_1227 = tpu.memref_slice %arg8[%dma_wait3A_1216, %dma_wait3A_1225, %dma_wait3A_1226] : memref<4x512x32xf32, #tpu.memory_space<vmem>> -> memref<1x512x32xf32, #tpu.memory_space<vmem>>
    %dma_wait3A_1228 = tpu.memref_squeeze %dma_wait3A_1227 : memref<1x512x32xf32, #tpu.memory_space<vmem>> -> memref<512x32xf32, #tpu.memory_space<vmem>>
    tpu.wait_dma2 semaphore(%arg15 : memref<!tpu.dma_semaphore, #tpu.memory_space<semaphore_mem>>) src(%dma_wait3A_1228 : memref<512x32xf32, #tpu.memory_space<vmem>>) dst(%dma_wait3A_1224 : memref<512x32xf32, #tpu.memory_space<hbm>>)
    %dma_start3A_1229 = arith.constant 1 : i32
    %dma_start3A_1230 = arith.constant 0 : i32
    %dma_start3A_1231 = arith.constant 0 : i32
    %dma_start3A_1232 = tpu.memref_slice %arg8[%dma_start3A_1229, %dma_start3A_1230, %dma_start3A_1231] : memref<4x512x32xf32, #tpu.memory_space<vmem>> -> memref<1x128x32xf32, #tpu.memory_space<vmem>>
    %dma_start3A_1233 = tpu.memref_squeeze %dma_start3A_1232 : memref<1x128x32xf32, #tpu.memory_space<vmem>> -> memref<128x32xf32, #tpu.memory_space<vmem>>
    %dma_start3A_1234 = arith.constant 4608 : i32
    %dma_start3A_1235 = tpu.memref_slice %arg7[%dma_start3A_1234] : memref<13312xi32, #tpu.memory_space<vmem>> -> memref<128xi32, #tpu.memory_space<vmem>>
    %dma_start3A_1236 = arith.constant 0 : i32
    %dma_start3A_1237 = arith.constant 0 : i32
    %dma_start3A_1238 = tpu.memref_slice %arg4[%dma_start3A_1236, %dma_start3A_1237] : memref<1304576x32xf32, #tpu.memory_space<hbm>> -> memref<1304576x32xf32, #tpu.memory_space<hbm>>
    tpu.enqueue_indirect_dma source(%dma_start3A_1238 : memref<1304576x32xf32, #tpu.memory_space<hbm>>) target(%dma_start3A_1233 : memref<128x32xf32, #tpu.memory_space<vmem>>) offsets(%dma_start3A_1235 : memref<128xi32, #tpu.memory_space<vmem>>) semaphore(%arg11 : memref<!tpu.dma_semaphore, #tpu.memory_space<semaphore_mem>>)
    %dma_start3A_1239 = arith.constant 1 : i32
    %dma_start3A_1240 = arith.constant 128 : i32
    %dma_start3A_1241 = arith.constant 0 : i32
    %dma_start3A_1242 = tpu.memref_slice %arg8[%dma_start3A_1239, %dma_start3A_1240, %dma_start3A_1241] : memref<4x512x32xf32, #tpu.memory_space<vmem>> -> memref<1x128x32xf32, #tpu.memory_space<vmem>>
    %dma_start3A_1243 = tpu.memref_squeeze %dma_start3A_1242 : memref<1x128x32xf32, #tpu.memory_space<vmem>> -> memref<128x32xf32, #tpu.memory_space<vmem>>
    %dma_start3A_1244 = arith.constant 4736 : i32
    %dma_start3A_1245 = tpu.memref_slice %arg7[%dma_start3A_1244] : memref<13312xi32, #tpu.memory_space<vmem>> -> memref<128xi32, #tpu.memory_space<vmem>>
    %dma_start3A_1246 = arith.constant 0 : i32
    %dma_start3A_1247 = arith.constant 0 : i32
    %dma_start3A_1248 = tpu.memref_slice %arg4[%dma_start3A_1246, %dma_start3A_1247] : memref<1304576x32xf32, #tpu.memory_space<hbm>> -> memref<1304576x32xf32, #tpu.memory_space<hbm>>
    tpu.enqueue_indirect_dma source(%dma_start3A_1248 : memref<1304576x32xf32, #tpu.memory_space<hbm>>) target(%dma_start3A_1243 : memref<128x32xf32, #tpu.memory_space<vmem>>) offsets(%dma_start3A_1245 : memref<128xi32, #tpu.memory_space<vmem>>) semaphore(%arg11 : memref<!tpu.dma_semaphore, #tpu.memory_space<semaphore_mem>>)
    %dma_start3A_1249 = arith.constant 1 : i32
    %dma_start3A_1250 = arith.constant 256 : i32
    %dma_start3A_1251 = arith.constant 0 : i32
    %dma_start3A_1252 = tpu.memref_slice %arg8[%dma_start3A_1249, %dma_start3A_1250, %dma_start3A_1251] : memref<4x512x32xf32, #tpu.memory_space<vmem>> -> memref<1x128x32xf32, #tpu.memory_space<vmem>>
    %dma_start3A_1253 = tpu.memref_squeeze %dma_start3A_1252 : memref<1x128x32xf32, #tpu.memory_space<vmem>> -> memref<128x32xf32, #tpu.memory_space<vmem>>
    %dma_start3A_1254 = arith.constant 4864 : i32
    %dma_start3A_1255 = tpu.memref_slice %arg7[%dma_start3A_1254] : memref<13312xi32, #tpu.memory_space<vmem>> -> memref<128xi32, #tpu.memory_space<vmem>>
    %dma_start3A_1256 = arith.constant 0 : i32
    %dma_start3A_1257 = arith.constant 0 : i32
    %dma_start3A_1258 = tpu.memref_slice %arg4[%dma_start3A_1256, %dma_start3A_1257] : memref<1304576x32xf32, #tpu.memory_space<hbm>> -> memref<1304576x32xf32, #tpu.memory_space<hbm>>
    tpu.enqueue_indirect_dma source(%dma_start3A_1258 : memref<1304576x32xf32, #tpu.memory_space<hbm>>) target(%dma_start3A_1253 : memref<128x32xf32, #tpu.memory_space<vmem>>) offsets(%dma_start3A_1255 : memref<128xi32, #tpu.memory_space<vmem>>) semaphore(%arg11 : memref<!tpu.dma_semaphore, #tpu.memory_space<semaphore_mem>>)
    %dma_start3A_1259 = arith.constant 1 : i32
    %dma_start3A_1260 = arith.constant 384 : i32
    %dma_start3A_1261 = arith.constant 0 : i32
    %dma_start3A_1262 = tpu.memref_slice %arg8[%dma_start3A_1259, %dma_start3A_1260, %dma_start3A_1261] : memref<4x512x32xf32, #tpu.memory_space<vmem>> -> memref<1x128x32xf32, #tpu.memory_space<vmem>>
    %dma_start3A_1263 = tpu.memref_squeeze %dma_start3A_1262 : memref<1x128x32xf32, #tpu.memory_space<vmem>> -> memref<128x32xf32, #tpu.memory_space<vmem>>
    %dma_start3A_1264 = arith.constant 4992 : i32
    %dma_start3A_1265 = tpu.memref_slice %arg7[%dma_start3A_1264] : memref<13312xi32, #tpu.memory_space<vmem>> -> memref<128xi32, #tpu.memory_space<vmem>>
    %dma_start3A_1266 = arith.constant 0 : i32
    %dma_start3A_1267 = arith.constant 0 : i32
    %dma_start3A_1268 = tpu.memref_slice %arg4[%dma_start3A_1266, %dma_start3A_1267] : memref<1304576x32xf32, #tpu.memory_space<hbm>> -> memref<1304576x32xf32, #tpu.memory_space<hbm>>
    tpu.enqueue_indirect_dma source(%dma_start3A_1268 : memref<1304576x32xf32, #tpu.memory_space<hbm>>) target(%dma_start3A_1263 : memref<128x32xf32, #tpu.memory_space<vmem>>) offsets(%dma_start3A_1265 : memref<128xi32, #tpu.memory_space<vmem>>) semaphore(%arg11 : memref<!tpu.dma_semaphore, #tpu.memory_space<semaphore_mem>>)
    %dma_wait3A_1269 = arith.constant 2 : i32
    %dma_wait3A_1270 = arith.constant 0 : i32
    %dma_wait3A_1271 = arith.constant 0 : i32
    %dma_wait3A_1272 = tpu.memref_slice %arg8[%dma_wait3A_1269, %dma_wait3A_1270, %dma_wait3A_1271] : memref<4x512x32xf32, #tpu.memory_space<vmem>> -> memref<1x128x32xf32, #tpu.memory_space<vmem>>
    %dma_wait3A_1273 = tpu.memref_squeeze %dma_wait3A_1272 : memref<1x128x32xf32, #tpu.memory_space<vmem>> -> memref<128x32xf32, #tpu.memory_space<vmem>>
    %dma_wait3A_1274 = arith.constant 3072 : i32
    %dma_wait3A_1275 = tpu.memref_slice %arg7[%dma_wait3A_1274] : memref<13312xi32, #tpu.memory_space<vmem>> -> memref<128xi32, #tpu.memory_space<vmem>>
    %dma_wait3A_1276 = arith.constant 0 : i32
    %dma_wait3A_1277 = arith.constant 0 : i32
    %dma_wait3A_1278 = tpu.memref_slice %arg4[%dma_wait3A_1276, %dma_wait3A_1277] : memref<1304576x32xf32, #tpu.memory_space<hbm>> -> memref<1304576x32xf32, #tpu.memory_space<hbm>>
    tpu.wait_indirect_dma semaphore(%arg12 : memref<!tpu.dma_semaphore, #tpu.memory_space<semaphore_mem>>) src(%dma_wait3A_1278 : memref<1304576x32xf32, #tpu.memory_space<hbm>>) dst(%dma_wait3A_1273 : memref<128x32xf32, #tpu.memory_space<vmem>>)
    %dma_wait3A_1279 = arith.constant 2 : i32
    %dma_wait3A_1280 = arith.constant 128 : i32
    %dma_wait3A_1281 = arith.constant 0 : i32
    %dma_wait3A_1282 = tpu.memref_slice %arg8[%dma_wait3A_1279, %dma_wait3A_1280, %dma_wait3A_1281] : memref<4x512x32xf32, #tpu.memory_space<vmem>> -> memref<1x128x32xf32, #tpu.memory_space<vmem>>
    %dma_wait3A_1283 = tpu.memref_squeeze %dma_wait3A_1282 : memref<1x128x32xf32, #tpu.memory_space<vmem>> -> memref<128x32xf32, #tpu.memory_space<vmem>>
    %dma_wait3A_1284 = arith.constant 3200 : i32
    %dma_wait3A_1285 = tpu.memref_slice %arg7[%dma_wait3A_1284] : memref<13312xi32, #tpu.memory_space<vmem>> -> memref<128xi32, #tpu.memory_space<vmem>>
    %dma_wait3A_1286 = arith.constant 0 : i32
    %dma_wait3A_1287 = arith.constant 0 : i32
    %dma_wait3A_1288 = tpu.memref_slice %arg4[%dma_wait3A_1286, %dma_wait3A_1287] : memref<1304576x32xf32, #tpu.memory_space<hbm>> -> memref<1304576x32xf32, #tpu.memory_space<hbm>>
    tpu.wait_indirect_dma semaphore(%arg12 : memref<!tpu.dma_semaphore, #tpu.memory_space<semaphore_mem>>) src(%dma_wait3A_1288 : memref<1304576x32xf32, #tpu.memory_space<hbm>>) dst(%dma_wait3A_1283 : memref<128x32xf32, #tpu.memory_space<vmem>>)
    %dma_wait3A_1289 = arith.constant 2 : i32
    %dma_wait3A_1290 = arith.constant 256 : i32
    %dma_wait3A_1291 = arith.constant 0 : i32
    %dma_wait3A_1292 = tpu.memref_slice %arg8[%dma_wait3A_1289, %dma_wait3A_1290, %dma_wait3A_1291] : memref<4x512x32xf32, #tpu.memory_space<vmem>> -> memref<1x128x32xf32, #tpu.memory_space<vmem>>
    %dma_wait3A_1293 = tpu.memref_squeeze %dma_wait3A_1292 : memref<1x128x32xf32, #tpu.memory_space<vmem>> -> memref<128x32xf32, #tpu.memory_space<vmem>>
    %dma_wait3A_1294 = arith.constant 3328 : i32
    %dma_wait3A_1295 = tpu.memref_slice %arg7[%dma_wait3A_1294] : memref<13312xi32, #tpu.memory_space<vmem>> -> memref<128xi32, #tpu.memory_space<vmem>>
    %dma_wait3A_1296 = arith.constant 0 : i32
    %dma_wait3A_1297 = arith.constant 0 : i32
    %dma_wait3A_1298 = tpu.memref_slice %arg4[%dma_wait3A_1296, %dma_wait3A_1297] : memref<1304576x32xf32, #tpu.memory_space<hbm>> -> memref<1304576x32xf32, #tpu.memory_space<hbm>>
    tpu.wait_indirect_dma semaphore(%arg12 : memref<!tpu.dma_semaphore, #tpu.memory_space<semaphore_mem>>) src(%dma_wait3A_1298 : memref<1304576x32xf32, #tpu.memory_space<hbm>>) dst(%dma_wait3A_1293 : memref<128x32xf32, #tpu.memory_space<vmem>>)
    %dma_wait3A_1299 = arith.constant 2 : i32
    %dma_wait3A_1300 = arith.constant 384 : i32
    %dma_wait3A_1301 = arith.constant 0 : i32
    %dma_wait3A_1302 = tpu.memref_slice %arg8[%dma_wait3A_1299, %dma_wait3A_1300, %dma_wait3A_1301] : memref<4x512x32xf32, #tpu.memory_space<vmem>> -> memref<1x128x32xf32, #tpu.memory_space<vmem>>
    %dma_wait3A_1303 = tpu.memref_squeeze %dma_wait3A_1302 : memref<1x128x32xf32, #tpu.memory_space<vmem>> -> memref<128x32xf32, #tpu.memory_space<vmem>>
    %dma_wait3A_1304 = arith.constant 3456 : i32
    %dma_wait3A_1305 = tpu.memref_slice %arg7[%dma_wait3A_1304] : memref<13312xi32, #tpu.memory_space<vmem>> -> memref<128xi32, #tpu.memory_space<vmem>>
    %dma_wait3A_1306 = arith.constant 0 : i32
    %dma_wait3A_1307 = arith.constant 0 : i32
    %dma_wait3A_1308 = tpu.memref_slice %arg4[%dma_wait3A_1306, %dma_wait3A_1307] : memref<1304576x32xf32, #tpu.memory_space<hbm>> -> memref<1304576x32xf32, #tpu.memory_space<hbm>>
    tpu.wait_indirect_dma semaphore(%arg12 : memref<!tpu.dma_semaphore, #tpu.memory_space<semaphore_mem>>) src(%dma_wait3A_1308 : memref<1304576x32xf32, #tpu.memory_space<hbm>>) dst(%dma_wait3A_1303 : memref<128x32xf32, #tpu.memory_space<vmem>>)
    %dma_start3A_1309 = arith.constant 2 : i32
    %dma_start3A_1310 = arith.constant 0 : i32
    %dma_start3A_1311 = arith.constant 0 : i32
    %dma_start3A_1312 = tpu.memref_slice %arg8[%dma_start3A_1309, %dma_start3A_1310, %dma_start3A_1311] : memref<4x512x32xf32, #tpu.memory_space<vmem>> -> memref<1x512x32xf32, #tpu.memory_space<vmem>>
    %dma_start3A_1313 = tpu.memref_squeeze %dma_start3A_1312 : memref<1x512x32xf32, #tpu.memory_space<vmem>> -> memref<512x32xf32, #tpu.memory_space<vmem>>
    %dma_start3A_1314 = arith.constant 192 : i32
    %dma_start3A_1315 = tpu.memref_slice %arg6[%mul3A_2, %dma_start3A_1314] : memref<16384x832xf32, #tpu.memory_space<hbm>> -> memref<512x32xf32, #tpu.memory_space<hbm>>
    %dma_start3A_1316 = arith.constant 192 : i32
    %dma_start3A_1317 = tpu.memref_slice %arg6[%mul3A_2, %dma_start3A_1316] : memref<16384x832xf32, #tpu.memory_space<hbm>> -> memref<512x32xf32, #tpu.memory_space<hbm>>
    %dma_start3A_1318 = arith.constant 0 : i32
    %dma_start3A_1319 = arith.constant 0 : i32
    %dma_start3A_1320 = tpu.memref_slice %arg8[%dma_start3A_1309, %dma_start3A_1318, %dma_start3A_1319] : memref<4x512x32xf32, #tpu.memory_space<vmem>> -> memref<1x512x32xf32, #tpu.memory_space<vmem>>
    %dma_start3A_1321 = tpu.memref_squeeze %dma_start3A_1320 : memref<1x512x32xf32, #tpu.memory_space<vmem>> -> memref<512x32xf32, #tpu.memory_space<vmem>>
    tpu.enqueue_dma source(%dma_start3A_1321 : memref<512x32xf32, #tpu.memory_space<vmem>>) target(%dma_start3A_1317 : memref<512x32xf32, #tpu.memory_space<hbm>>) target_semaphore(%arg16 : memref<!tpu.dma_semaphore, #tpu.memory_space<semaphore_mem>>)
    %dma_wait3A_1322 = arith.constant 2 : i32
    %dma_wait3A_1323 = arith.constant 0 : i32
    %dma_wait3A_1324 = arith.constant 0 : i32
    %dma_wait3A_1325 = tpu.memref_slice %arg8[%dma_wait3A_1322, %dma_wait3A_1323, %dma_wait3A_1324] : memref<4x512x32xf32, #tpu.memory_space<vmem>> -> memref<1x512x32xf32, #tpu.memory_space<vmem>>
    %dma_wait3A_1326 = tpu.memref_squeeze %dma_wait3A_1325 : memref<1x512x32xf32, #tpu.memory_space<vmem>> -> memref<512x32xf32, #tpu.memory_space<vmem>>
    %dma_wait3A_1327 = arith.constant 192 : i32
    %dma_wait3A_1328 = tpu.memref_slice %arg6[%mul3A_2, %dma_wait3A_1327] : memref<16384x832xf32, #tpu.memory_space<hbm>> -> memref<512x32xf32, #tpu.memory_space<hbm>>
    %dma_wait3A_1329 = arith.constant 192 : i32
    %dma_wait3A_1330 = tpu.memref_slice %arg6[%mul3A_2, %dma_wait3A_1329] : memref<16384x832xf32, #tpu.memory_space<hbm>> -> memref<512x32xf32, #tpu.memory_space<hbm>>
    %dma_wait3A_1331 = arith.constant 0 : i32
    %dma_wait3A_1332 = arith.constant 0 : i32
    %dma_wait3A_1333 = tpu.memref_slice %arg8[%dma_wait3A_1322, %dma_wait3A_1331, %dma_wait3A_1332] : memref<4x512x32xf32, #tpu.memory_space<vmem>> -> memref<1x512x32xf32, #tpu.memory_space<vmem>>
    %dma_wait3A_1334 = tpu.memref_squeeze %dma_wait3A_1333 : memref<1x512x32xf32, #tpu.memory_space<vmem>> -> memref<512x32xf32, #tpu.memory_space<vmem>>
    tpu.wait_dma2 semaphore(%arg16 : memref<!tpu.dma_semaphore, #tpu.memory_space<semaphore_mem>>) src(%dma_wait3A_1334 : memref<512x32xf32, #tpu.memory_space<vmem>>) dst(%dma_wait3A_1330 : memref<512x32xf32, #tpu.memory_space<hbm>>)
    %dma_start3A_1335 = arith.constant 2 : i32
    %dma_start3A_1336 = arith.constant 0 : i32
    %dma_start3A_1337 = arith.constant 0 : i32
    %dma_start3A_1338 = tpu.memref_slice %arg8[%dma_start3A_1335, %dma_start3A_1336, %dma_start3A_1337] : memref<4x512x32xf32, #tpu.memory_space<vmem>> -> memref<1x128x32xf32, #tpu.memory_space<vmem>>
    %dma_start3A_1339 = tpu.memref_squeeze %dma_start3A_1338 : memref<1x128x32xf32, #tpu.memory_space<vmem>> -> memref<128x32xf32, #tpu.memory_space<vmem>>
    %dma_start3A_1340 = arith.constant 5120 : i32
    %dma_start3A_1341 = tpu.memref_slice %arg7[%dma_start3A_1340] : memref<13312xi32, #tpu.memory_space<vmem>> -> memref<128xi32, #tpu.memory_space<vmem>>
    %dma_start3A_1342 = arith.constant 0 : i32
    %dma_start3A_1343 = arith.constant 0 : i32
    %dma_start3A_1344 = tpu.memref_slice %arg4[%dma_start3A_1342, %dma_start3A_1343] : memref<1304576x32xf32, #tpu.memory_space<hbm>> -> memref<1304576x32xf32, #tpu.memory_space<hbm>>
    tpu.enqueue_indirect_dma source(%dma_start3A_1344 : memref<1304576x32xf32, #tpu.memory_space<hbm>>) target(%dma_start3A_1339 : memref<128x32xf32, #tpu.memory_space<vmem>>) offsets(%dma_start3A_1341 : memref<128xi32, #tpu.memory_space<vmem>>) semaphore(%arg12 : memref<!tpu.dma_semaphore, #tpu.memory_space<semaphore_mem>>)
    %dma_start3A_1345 = arith.constant 2 : i32
    %dma_start3A_1346 = arith.constant 128 : i32
    %dma_start3A_1347 = arith.constant 0 : i32
    %dma_start3A_1348 = tpu.memref_slice %arg8[%dma_start3A_1345, %dma_start3A_1346, %dma_start3A_1347] : memref<4x512x32xf32, #tpu.memory_space<vmem>> -> memref<1x128x32xf32, #tpu.memory_space<vmem>>
    %dma_start3A_1349 = tpu.memref_squeeze %dma_start3A_1348 : memref<1x128x32xf32, #tpu.memory_space<vmem>> -> memref<128x32xf32, #tpu.memory_space<vmem>>
    %dma_start3A_1350 = arith.constant 5248 : i32
    %dma_start3A_1351 = tpu.memref_slice %arg7[%dma_start3A_1350] : memref<13312xi32, #tpu.memory_space<vmem>> -> memref<128xi32, #tpu.memory_space<vmem>>
    %dma_start3A_1352 = arith.constant 0 : i32
    %dma_start3A_1353 = arith.constant 0 : i32
    %dma_start3A_1354 = tpu.memref_slice %arg4[%dma_start3A_1352, %dma_start3A_1353] : memref<1304576x32xf32, #tpu.memory_space<hbm>> -> memref<1304576x32xf32, #tpu.memory_space<hbm>>
    tpu.enqueue_indirect_dma source(%dma_start3A_1354 : memref<1304576x32xf32, #tpu.memory_space<hbm>>) target(%dma_start3A_1349 : memref<128x32xf32, #tpu.memory_space<vmem>>) offsets(%dma_start3A_1351 : memref<128xi32, #tpu.memory_space<vmem>>) semaphore(%arg12 : memref<!tpu.dma_semaphore, #tpu.memory_space<semaphore_mem>>)
    %dma_start3A_1355 = arith.constant 2 : i32
    %dma_start3A_1356 = arith.constant 256 : i32
    %dma_start3A_1357 = arith.constant 0 : i32
    %dma_start3A_1358 = tpu.memref_slice %arg8[%dma_start3A_1355, %dma_start3A_1356, %dma_start3A_1357] : memref<4x512x32xf32, #tpu.memory_space<vmem>> -> memref<1x128x32xf32, #tpu.memory_space<vmem>>
    %dma_start3A_1359 = tpu.memref_squeeze %dma_start3A_1358 : memref<1x128x32xf32, #tpu.memory_space<vmem>> -> memref<128x32xf32, #tpu.memory_space<vmem>>
    %dma_start3A_1360 = arith.constant 5376 : i32
    %dma_start3A_1361 = tpu.memref_slice %arg7[%dma_start3A_1360] : memref<13312xi32, #tpu.memory_space<vmem>> -> memref<128xi32, #tpu.memory_space<vmem>>
    %dma_start3A_1362 = arith.constant 0 : i32
    %dma_start3A_1363 = arith.constant 0 : i32
    %dma_start3A_1364 = tpu.memref_slice %arg4[%dma_start3A_1362, %dma_start3A_1363] : memref<1304576x32xf32, #tpu.memory_space<hbm>> -> memref<1304576x32xf32, #tpu.memory_space<hbm>>
    tpu.enqueue_indirect_dma source(%dma_start3A_1364 : memref<1304576x32xf32, #tpu.memory_space<hbm>>) target(%dma_start3A_1359 : memref<128x32xf32, #tpu.memory_space<vmem>>) offsets(%dma_start3A_1361 : memref<128xi32, #tpu.memory_space<vmem>>) semaphore(%arg12 : memref<!tpu.dma_semaphore, #tpu.memory_space<semaphore_mem>>)
    %dma_start3A_1365 = arith.constant 2 : i32
    %dma_start3A_1366 = arith.constant 384 : i32
    %dma_start3A_1367 = arith.constant 0 : i32
    %dma_start3A_1368 = tpu.memref_slice %arg8[%dma_start3A_1365, %dma_start3A_1366, %dma_start3A_1367] : memref<4x512x32xf32, #tpu.memory_space<vmem>> -> memref<1x128x32xf32, #tpu.memory_space<vmem>>
    %dma_start3A_1369 = tpu.memref_squeeze %dma_start3A_1368 : memref<1x128x32xf32, #tpu.memory_space<vmem>> -> memref<128x32xf32, #tpu.memory_space<vmem>>
    %dma_start3A_1370 = arith.constant 5504 : i32
    %dma_start3A_1371 = tpu.memref_slice %arg7[%dma_start3A_1370] : memref<13312xi32, #tpu.memory_space<vmem>> -> memref<128xi32, #tpu.memory_space<vmem>>
    %dma_start3A_1372 = arith.constant 0 : i32
    %dma_start3A_1373 = arith.constant 0 : i32
    %dma_start3A_1374 = tpu.memref_slice %arg4[%dma_start3A_1372, %dma_start3A_1373] : memref<1304576x32xf32, #tpu.memory_space<hbm>> -> memref<1304576x32xf32, #tpu.memory_space<hbm>>
    tpu.enqueue_indirect_dma source(%dma_start3A_1374 : memref<1304576x32xf32, #tpu.memory_space<hbm>>) target(%dma_start3A_1369 : memref<128x32xf32, #tpu.memory_space<vmem>>) offsets(%dma_start3A_1371 : memref<128xi32, #tpu.memory_space<vmem>>) semaphore(%arg12 : memref<!tpu.dma_semaphore, #tpu.memory_space<semaphore_mem>>)
    %dma_wait3A_1375 = arith.constant 3 : i32
    %dma_wait3A_1376 = arith.constant 0 : i32
    %dma_wait3A_1377 = arith.constant 0 : i32
    %dma_wait3A_1378 = tpu.memref_slice %arg8[%dma_wait3A_1375, %dma_wait3A_1376, %dma_wait3A_1377] : memref<4x512x32xf32, #tpu.memory_space<vmem>> -> memref<1x128x32xf32, #tpu.memory_space<vmem>>
    %dma_wait3A_1379 = tpu.memref_squeeze %dma_wait3A_1378 : memref<1x128x32xf32, #tpu.memory_space<vmem>> -> memref<128x32xf32, #tpu.memory_space<vmem>>
    %dma_wait3A_1380 = arith.constant 3584 : i32
    %dma_wait3A_1381 = tpu.memref_slice %arg7[%dma_wait3A_1380] : memref<13312xi32, #tpu.memory_space<vmem>> -> memref<128xi32, #tpu.memory_space<vmem>>
    %dma_wait3A_1382 = arith.constant 0 : i32
    %dma_wait3A_1383 = arith.constant 0 : i32
    %dma_wait3A_1384 = tpu.memref_slice %arg4[%dma_wait3A_1382, %dma_wait3A_1383] : memref<1304576x32xf32, #tpu.memory_space<hbm>> -> memref<1304576x32xf32, #tpu.memory_space<hbm>>
    tpu.wait_indirect_dma semaphore(%arg13 : memref<!tpu.dma_semaphore, #tpu.memory_space<semaphore_mem>>) src(%dma_wait3A_1384 : memref<1304576x32xf32, #tpu.memory_space<hbm>>) dst(%dma_wait3A_1379 : memref<128x32xf32, #tpu.memory_space<vmem>>)
    %dma_wait3A_1385 = arith.constant 3 : i32
    %dma_wait3A_1386 = arith.constant 128 : i32
    %dma_wait3A_1387 = arith.constant 0 : i32
    %dma_wait3A_1388 = tpu.memref_slice %arg8[%dma_wait3A_1385, %dma_wait3A_1386, %dma_wait3A_1387] : memref<4x512x32xf32, #tpu.memory_space<vmem>> -> memref<1x128x32xf32, #tpu.memory_space<vmem>>
    %dma_wait3A_1389 = tpu.memref_squeeze %dma_wait3A_1388 : memref<1x128x32xf32, #tpu.memory_space<vmem>> -> memref<128x32xf32, #tpu.memory_space<vmem>>
    %dma_wait3A_1390 = arith.constant 3712 : i32
    %dma_wait3A_1391 = tpu.memref_slice %arg7[%dma_wait3A_1390] : memref<13312xi32, #tpu.memory_space<vmem>> -> memref<128xi32, #tpu.memory_space<vmem>>
    %dma_wait3A_1392 = arith.constant 0 : i32
    %dma_wait3A_1393 = arith.constant 0 : i32
    %dma_wait3A_1394 = tpu.memref_slice %arg4[%dma_wait3A_1392, %dma_wait3A_1393] : memref<1304576x32xf32, #tpu.memory_space<hbm>> -> memref<1304576x32xf32, #tpu.memory_space<hbm>>
    tpu.wait_indirect_dma semaphore(%arg13 : memref<!tpu.dma_semaphore, #tpu.memory_space<semaphore_mem>>) src(%dma_wait3A_1394 : memref<1304576x32xf32, #tpu.memory_space<hbm>>) dst(%dma_wait3A_1389 : memref<128x32xf32, #tpu.memory_space<vmem>>)
    %dma_wait3A_1395 = arith.constant 3 : i32
    %dma_wait3A_1396 = arith.constant 256 : i32
    %dma_wait3A_1397 = arith.constant 0 : i32
    %dma_wait3A_1398 = tpu.memref_slice %arg8[%dma_wait3A_1395, %dma_wait3A_1396, %dma_wait3A_1397] : memref<4x512x32xf32, #tpu.memory_space<vmem>> -> memref<1x128x32xf32, #tpu.memory_space<vmem>>
    %dma_wait3A_1399 = tpu.memref_squeeze %dma_wait3A_1398 : memref<1x128x32xf32, #tpu.memory_space<vmem>> -> memref<128x32xf32, #tpu.memory_space<vmem>>
    %dma_wait3A_1400 = arith.constant 3840 : i32
    %dma_wait3A_1401 = tpu.memref_slice %arg7[%dma_wait3A_1400] : memref<13312xi32, #tpu.memory_space<vmem>> -> memref<128xi32, #tpu.memory_space<vmem>>
    %dma_wait3A_1402 = arith.constant 0 : i32
    %dma_wait3A_1403 = arith.constant 0 : i32
    %dma_wait3A_1404 = tpu.memref_slice %arg4[%dma_wait3A_1402, %dma_wait3A_1403] : memref<1304576x32xf32, #tpu.memory_space<hbm>> -> memref<1304576x32xf32, #tpu.memory_space<hbm>>
    tpu.wait_indirect_dma semaphore(%arg13 : memref<!tpu.dma_semaphore, #tpu.memory_space<semaphore_mem>>) src(%dma_wait3A_1404 : memref<1304576x32xf32, #tpu.memory_space<hbm>>) dst(%dma_wait3A_1399 : memref<128x32xf32, #tpu.memory_space<vmem>>)
    %dma_wait3A_1405 = arith.constant 3 : i32
    %dma_wait3A_1406 = arith.constant 384 : i32
    %dma_wait3A_1407 = arith.constant 0 : i32
    %dma_wait3A_1408 = tpu.memref_slice %arg8[%dma_wait3A_1405, %dma_wait3A_1406, %dma_wait3A_1407] : memref<4x512x32xf32, #tpu.memory_space<vmem>> -> memref<1x128x32xf32, #tpu.memory_space<vmem>>
    %dma_wait3A_1409 = tpu.memref_squeeze %dma_wait3A_1408 : memref<1x128x32xf32, #tpu.memory_space<vmem>> -> memref<128x32xf32, #tpu.memory_space<vmem>>
    %dma_wait3A_1410 = arith.constant 3968 : i32
    %dma_wait3A_1411 = tpu.memref_slice %arg7[%dma_wait3A_1410] : memref<13312xi32, #tpu.memory_space<vmem>> -> memref<128xi32, #tpu.memory_space<vmem>>
    %dma_wait3A_1412 = arith.constant 0 : i32
    %dma_wait3A_1413 = arith.constant 0 : i32
    %dma_wait3A_1414 = tpu.memref_slice %arg4[%dma_wait3A_1412, %dma_wait3A_1413] : memref<1304576x32xf32, #tpu.memory_space<hbm>> -> memref<1304576x32xf32, #tpu.memory_space<hbm>>
    tpu.wait_indirect_dma semaphore(%arg13 : memref<!tpu.dma_semaphore, #tpu.memory_space<semaphore_mem>>) src(%dma_wait3A_1414 : memref<1304576x32xf32, #tpu.memory_space<hbm>>) dst(%dma_wait3A_1409 : memref<128x32xf32, #tpu.memory_space<vmem>>)
    %dma_start3A_1415 = arith.constant 3 : i32
    %dma_start3A_1416 = arith.constant 0 : i32
    %dma_start3A_1417 = arith.constant 0 : i32
    %dma_start3A_1418 = tpu.memref_slice %arg8[%dma_start3A_1415, %dma_start3A_1416, %dma_start3A_1417] : memref<4x512x32xf32, #tpu.memory_space<vmem>> -> memref<1x512x32xf32, #tpu.memory_space<vmem>>
    %dma_start3A_1419 = tpu.memref_squeeze %dma_start3A_1418 : memref<1x512x32xf32, #tpu.memory_space<vmem>> -> memref<512x32xf32, #tpu.memory_space<vmem>>
    %dma_start3A_1420 = arith.constant 224 : i32
    %dma_start3A_1421 = tpu.memref_slice %arg6[%mul3A_2, %dma_start3A_1420] : memref<16384x832xf32, #tpu.memory_space<hbm>> -> memref<512x32xf32, #tpu.memory_space<hbm>>
    %dma_start3A_1422 = arith.constant 224 : i32
    %dma_start3A_1423 = tpu.memref_slice %arg6[%mul3A_2, %dma_start3A_1422] : memref<16384x832xf32, #tpu.memory_space<hbm>> -> memref<512x32xf32, #tpu.memory_space<hbm>>
    %dma_start3A_1424 = arith.constant 0 : i32
    %dma_start3A_1425 = arith.constant 0 : i32
    %dma_start3A_1426 = tpu.memref_slice %arg8[%dma_start3A_1415, %dma_start3A_1424, %dma_start3A_1425] : memref<4x512x32xf32, #tpu.memory_space<vmem>> -> memref<1x512x32xf32, #tpu.memory_space<vmem>>
    %dma_start3A_1427 = tpu.memref_squeeze %dma_start3A_1426 : memref<1x512x32xf32, #tpu.memory_space<vmem>> -> memref<512x32xf32, #tpu.memory_space<vmem>>
    tpu.enqueue_dma source(%dma_start3A_1427 : memref<512x32xf32, #tpu.memory_space<vmem>>) target(%dma_start3A_1423 : memref<512x32xf32, #tpu.memory_space<hbm>>) target_semaphore(%arg17 : memref<!tpu.dma_semaphore, #tpu.memory_space<semaphore_mem>>)
    %dma_wait3A_1428 = arith.constant 3 : i32
    %dma_wait3A_1429 = arith.constant 0 : i32
    %dma_wait3A_1430 = arith.constant 0 : i32
    %dma_wait3A_1431 = tpu.memref_slice %arg8[%dma_wait3A_1428, %dma_wait3A_1429, %dma_wait3A_1430] : memref<4x512x32xf32, #tpu.memory_space<vmem>> -> memref<1x512x32xf32, #tpu.memory_space<vmem>>
    %dma_wait3A_1432 = tpu.memref_squeeze %dma_wait3A_1431 : memref<1x512x32xf32, #tpu.memory_space<vmem>> -> memref<512x32xf32, #tpu.memory_space<vmem>>
    %dma_wait3A_1433 = arith.constant 224 : i32
    %dma_wait3A_1434 = tpu.memref_slice %arg6[%mul3A_2, %dma_wait3A_1433] : memref<16384x832xf32, #tpu.memory_space<hbm>> -> memref<512x32xf32, #tpu.memory_space<hbm>>
    %dma_wait3A_1435 = arith.constant 224 : i32
    %dma_wait3A_1436 = tpu.memref_slice %arg6[%mul3A_2, %dma_wait3A_1435] : memref<16384x832xf32, #tpu.memory_space<hbm>> -> memref<512x32xf32, #tpu.memory_space<hbm>>
    %dma_wait3A_1437 = arith.constant 0 : i32
    %dma_wait3A_1438 = arith.constant 0 : i32
    %dma_wait3A_1439 = tpu.memref_slice %arg8[%dma_wait3A_1428, %dma_wait3A_1437, %dma_wait3A_1438] : memref<4x512x32xf32, #tpu.memory_space<vmem>> -> memref<1x512x32xf32, #tpu.memory_space<vmem>>
    %dma_wait3A_1440 = tpu.memref_squeeze %dma_wait3A_1439 : memref<1x512x32xf32, #tpu.memory_space<vmem>> -> memref<512x32xf32, #tpu.memory_space<vmem>>
    tpu.wait_dma2 semaphore(%arg17 : memref<!tpu.dma_semaphore, #tpu.memory_space<semaphore_mem>>) src(%dma_wait3A_1440 : memref<512x32xf32, #tpu.memory_space<vmem>>) dst(%dma_wait3A_1436 : memref<512x32xf32, #tpu.memory_space<hbm>>)
    %dma_start3A_1441 = arith.constant 3 : i32
    %dma_start3A_1442 = arith.constant 0 : i32
    %dma_start3A_1443 = arith.constant 0 : i32
    %dma_start3A_1444 = tpu.memref_slice %arg8[%dma_start3A_1441, %dma_start3A_1442, %dma_start3A_1443] : memref<4x512x32xf32, #tpu.memory_space<vmem>> -> memref<1x128x32xf32, #tpu.memory_space<vmem>>
    %dma_start3A_1445 = tpu.memref_squeeze %dma_start3A_1444 : memref<1x128x32xf32, #tpu.memory_space<vmem>> -> memref<128x32xf32, #tpu.memory_space<vmem>>
    %dma_start3A_1446 = arith.constant 5632 : i32
    %dma_start3A_1447 = tpu.memref_slice %arg7[%dma_start3A_1446] : memref<13312xi32, #tpu.memory_space<vmem>> -> memref<128xi32, #tpu.memory_space<vmem>>
    %dma_start3A_1448 = arith.constant 0 : i32
    %dma_start3A_1449 = arith.constant 0 : i32
    %dma_start3A_1450 = tpu.memref_slice %arg4[%dma_start3A_1448, %dma_start3A_1449] : memref<1304576x32xf32, #tpu.memory_space<hbm>> -> memref<1304576x32xf32, #tpu.memory_space<hbm>>
    tpu.enqueue_indirect_dma source(%dma_start3A_1450 : memref<1304576x32xf32, #tpu.memory_space<hbm>>) target(%dma_start3A_1445 : memref<128x32xf32, #tpu.memory_space<vmem>>) offsets(%dma_start3A_1447 : memref<128xi32, #tpu.memory_space<vmem>>) semaphore(%arg13 : memref<!tpu.dma_semaphore, #tpu.memory_space<semaphore_mem>>)
    %dma_start3A_1451 = arith.constant 3 : i32
    %dma_start3A_1452 = arith.constant 128 : i32
    %dma_start3A_1453 = arith.constant 0 : i32
    %dma_start3A_1454 = tpu.memref_slice %arg8[%dma_start3A_1451, %dma_start3A_1452, %dma_start3A_1453] : memref<4x512x32xf32, #tpu.memory_space<vmem>> -> memref<1x128x32xf32, #tpu.memory_space<vmem>>
    %dma_start3A_1455 = tpu.memref_squeeze %dma_start3A_1454 : memref<1x128x32xf32, #tpu.memory_space<vmem>> -> memref<128x32xf32, #tpu.memory_space<vmem>>
    %dma_start3A_1456 = arith.constant 5760 : i32
    %dma_start3A_1457 = tpu.memref_slice %arg7[%dma_start3A_1456] : memref<13312xi32, #tpu.memory_space<vmem>> -> memref<128xi32, #tpu.memory_space<vmem>>
    %dma_start3A_1458 = arith.constant 0 : i32
    %dma_start3A_1459 = arith.constant 0 : i32
    %dma_start3A_1460 = tpu.memref_slice %arg4[%dma_start3A_1458, %dma_start3A_1459] : memref<1304576x32xf32, #tpu.memory_space<hbm>> -> memref<1304576x32xf32, #tpu.memory_space<hbm>>
    tpu.enqueue_indirect_dma source(%dma_start3A_1460 : memref<1304576x32xf32, #tpu.memory_space<hbm>>) target(%dma_start3A_1455 : memref<128x32xf32, #tpu.memory_space<vmem>>) offsets(%dma_start3A_1457 : memref<128xi32, #tpu.memory_space<vmem>>) semaphore(%arg13 : memref<!tpu.dma_semaphore, #tpu.memory_space<semaphore_mem>>)
    %dma_start3A_1461 = arith.constant 3 : i32
    %dma_start3A_1462 = arith.constant 256 : i32
    %dma_start3A_1463 = arith.constant 0 : i32
    %dma_start3A_1464 = tpu.memref_slice %arg8[%dma_start3A_1461, %dma_start3A_1462, %dma_start3A_1463] : memref<4x512x32xf32, #tpu.memory_space<vmem>> -> memref<1x128x32xf32, #tpu.memory_space<vmem>>
    %dma_start3A_1465 = tpu.memref_squeeze %dma_start3A_1464 : memref<1x128x32xf32, #tpu.memory_space<vmem>> -> memref<128x32xf32, #tpu.memory_space<vmem>>
    %dma_start3A_1466 = arith.constant 5888 : i32
    %dma_start3A_1467 = tpu.memref_slice %arg7[%dma_start3A_1466] : memref<13312xi32, #tpu.memory_space<vmem>> -> memref<128xi32, #tpu.memory_space<vmem>>
    %dma_start3A_1468 = arith.constant 0 : i32
    %dma_start3A_1469 = arith.constant 0 : i32
    %dma_start3A_1470 = tpu.memref_slice %arg4[%dma_start3A_1468, %dma_start3A_1469] : memref<1304576x32xf32, #tpu.memory_space<hbm>> -> memref<1304576x32xf32, #tpu.memory_space<hbm>>
    tpu.enqueue_indirect_dma source(%dma_start3A_1470 : memref<1304576x32xf32, #tpu.memory_space<hbm>>) target(%dma_start3A_1465 : memref<128x32xf32, #tpu.memory_space<vmem>>) offsets(%dma_start3A_1467 : memref<128xi32, #tpu.memory_space<vmem>>) semaphore(%arg13 : memref<!tpu.dma_semaphore, #tpu.memory_space<semaphore_mem>>)
    %dma_start3A_1471 = arith.constant 3 : i32
    %dma_start3A_1472 = arith.constant 384 : i32
    %dma_start3A_1473 = arith.constant 0 : i32
    %dma_start3A_1474 = tpu.memref_slice %arg8[%dma_start3A_1471, %dma_start3A_1472, %dma_start3A_1473] : memref<4x512x32xf32, #tpu.memory_space<vmem>> -> memref<1x128x32xf32, #tpu.memory_space<vmem>>
    %dma_start3A_1475 = tpu.memref_squeeze %dma_start3A_1474 : memref<1x128x32xf32, #tpu.memory_space<vmem>> -> memref<128x32xf32, #tpu.memory_space<vmem>>
    %dma_start3A_1476 = arith.constant 6016 : i32
    %dma_start3A_1477 = tpu.memref_slice %arg7[%dma_start3A_1476] : memref<13312xi32, #tpu.memory_space<vmem>> -> memref<128xi32, #tpu.memory_space<vmem>>
    %dma_start3A_1478 = arith.constant 0 : i32
    %dma_start3A_1479 = arith.constant 0 : i32
    %dma_start3A_1480 = tpu.memref_slice %arg4[%dma_start3A_1478, %dma_start3A_1479] : memref<1304576x32xf32, #tpu.memory_space<hbm>> -> memref<1304576x32xf32, #tpu.memory_space<hbm>>
    tpu.enqueue_indirect_dma source(%dma_start3A_1480 : memref<1304576x32xf32, #tpu.memory_space<hbm>>) target(%dma_start3A_1475 : memref<128x32xf32, #tpu.memory_space<vmem>>) offsets(%dma_start3A_1477 : memref<128xi32, #tpu.memory_space<vmem>>) semaphore(%arg13 : memref<!tpu.dma_semaphore, #tpu.memory_space<semaphore_mem>>)
    %dma_wait3A_1481 = arith.constant 0 : i32
    %dma_wait3A_1482 = arith.constant 0 : i32
    %dma_wait3A_1483 = arith.constant 0 : i32
    %dma_wait3A_1484 = tpu.memref_slice %arg8[%dma_wait3A_1481, %dma_wait3A_1482, %dma_wait3A_1483] : memref<4x512x32xf32, #tpu.memory_space<vmem>> -> memref<1x128x32xf32, #tpu.memory_space<vmem>>
    %dma_wait3A_1485 = tpu.memref_squeeze %dma_wait3A_1484 : memref<1x128x32xf32, #tpu.memory_space<vmem>> -> memref<128x32xf32, #tpu.memory_space<vmem>>
    %dma_wait3A_1486 = arith.constant 4096 : i32
    %dma_wait3A_1487 = tpu.memref_slice %arg7[%dma_wait3A_1486] : memref<13312xi32, #tpu.memory_space<vmem>> -> memref<128xi32, #tpu.memory_space<vmem>>
    %dma_wait3A_1488 = arith.constant 0 : i32
    %dma_wait3A_1489 = arith.constant 0 : i32
    %dma_wait3A_1490 = tpu.memref_slice %arg4[%dma_wait3A_1488, %dma_wait3A_1489] : memref<1304576x32xf32, #tpu.memory_space<hbm>> -> memref<1304576x32xf32, #tpu.memory_space<hbm>>
    tpu.wait_indirect_dma semaphore(%arg10 : memref<!tpu.dma_semaphore, #tpu.memory_space<semaphore_mem>>) src(%dma_wait3A_1490 : memref<1304576x32xf32, #tpu.memory_space<hbm>>) dst(%dma_wait3A_1485 : memref<128x32xf32, #tpu.memory_space<vmem>>)
    %dma_wait3A_1491 = arith.constant 0 : i32
    %dma_wait3A_1492 = arith.constant 128 : i32
    %dma_wait3A_1493 = arith.constant 0 : i32
    %dma_wait3A_1494 = tpu.memref_slice %arg8[%dma_wait3A_1491, %dma_wait3A_1492, %dma_wait3A_1493] : memref<4x512x32xf32, #tpu.memory_space<vmem>> -> memref<1x128x32xf32, #tpu.memory_space<vmem>>
    %dma_wait3A_1495 = tpu.memref_squeeze %dma_wait3A_1494 : memref<1x128x32xf32, #tpu.memory_space<vmem>> -> memref<128x32xf32, #tpu.memory_space<vmem>>
    %dma_wait3A_1496 = arith.constant 4224 : i32
    %dma_wait3A_1497 = tpu.memref_slice %arg7[%dma_wait3A_1496] : memref<13312xi32, #tpu.memory_space<vmem>> -> memref<128xi32, #tpu.memory_space<vmem>>
    %dma_wait3A_1498 = arith.constant 0 : i32
    %dma_wait3A_1499 = arith.constant 0 : i32
    %dma_wait3A_1500 = tpu.memref_slice %arg4[%dma_wait3A_1498, %dma_wait3A_1499] : memref<1304576x32xf32, #tpu.memory_space<hbm>> -> memref<1304576x32xf32, #tpu.memory_space<hbm>>
    tpu.wait_indirect_dma semaphore(%arg10 : memref<!tpu.dma_semaphore, #tpu.memory_space<semaphore_mem>>) src(%dma_wait3A_1500 : memref<1304576x32xf32, #tpu.memory_space<hbm>>) dst(%dma_wait3A_1495 : memref<128x32xf32, #tpu.memory_space<vmem>>)
    %dma_wait3A_1501 = arith.constant 0 : i32
    %dma_wait3A_1502 = arith.constant 256 : i32
    %dma_wait3A_1503 = arith.constant 0 : i32
    %dma_wait3A_1504 = tpu.memref_slice %arg8[%dma_wait3A_1501, %dma_wait3A_1502, %dma_wait3A_1503] : memref<4x512x32xf32, #tpu.memory_space<vmem>> -> memref<1x128x32xf32, #tpu.memory_space<vmem>>
    %dma_wait3A_1505 = tpu.memref_squeeze %dma_wait3A_1504 : memref<1x128x32xf32, #tpu.memory_space<vmem>> -> memref<128x32xf32, #tpu.memory_space<vmem>>
    %dma_wait3A_1506 = arith.constant 4352 : i32
    %dma_wait3A_1507 = tpu.memref_slice %arg7[%dma_wait3A_1506] : memref<13312xi32, #tpu.memory_space<vmem>> -> memref<128xi32, #tpu.memory_space<vmem>>
    %dma_wait3A_1508 = arith.constant 0 : i32
    %dma_wait3A_1509 = arith.constant 0 : i32
    %dma_wait3A_1510 = tpu.memref_slice %arg4[%dma_wait3A_1508, %dma_wait3A_1509] : memref<1304576x32xf32, #tpu.memory_space<hbm>> -> memref<1304576x32xf32, #tpu.memory_space<hbm>>
    tpu.wait_indirect_dma semaphore(%arg10 : memref<!tpu.dma_semaphore, #tpu.memory_space<semaphore_mem>>) src(%dma_wait3A_1510 : memref<1304576x32xf32, #tpu.memory_space<hbm>>) dst(%dma_wait3A_1505 : memref<128x32xf32, #tpu.memory_space<vmem>>)
    %dma_wait3A_1511 = arith.constant 0 : i32
    %dma_wait3A_1512 = arith.constant 384 : i32
    %dma_wait3A_1513 = arith.constant 0 : i32
    %dma_wait3A_1514 = tpu.memref_slice %arg8[%dma_wait3A_1511, %dma_wait3A_1512, %dma_wait3A_1513] : memref<4x512x32xf32, #tpu.memory_space<vmem>> -> memref<1x128x32xf32, #tpu.memory_space<vmem>>
    %dma_wait3A_1515 = tpu.memref_squeeze %dma_wait3A_1514 : memref<1x128x32xf32, #tpu.memory_space<vmem>> -> memref<128x32xf32, #tpu.memory_space<vmem>>
    %dma_wait3A_1516 = arith.constant 4480 : i32
    %dma_wait3A_1517 = tpu.memref_slice %arg7[%dma_wait3A_1516] : memref<13312xi32, #tpu.memory_space<vmem>> -> memref<128xi32, #tpu.memory_space<vmem>>
    %dma_wait3A_1518 = arith.constant 0 : i32
    %dma_wait3A_1519 = arith.constant 0 : i32
    %dma_wait3A_1520 = tpu.memref_slice %arg4[%dma_wait3A_1518, %dma_wait3A_1519] : memref<1304576x32xf32, #tpu.memory_space<hbm>> -> memref<1304576x32xf32, #tpu.memory_space<hbm>>
    tpu.wait_indirect_dma semaphore(%arg10 : memref<!tpu.dma_semaphore, #tpu.memory_space<semaphore_mem>>) src(%dma_wait3A_1520 : memref<1304576x32xf32, #tpu.memory_space<hbm>>) dst(%dma_wait3A_1515 : memref<128x32xf32, #tpu.memory_space<vmem>>)
    %dma_start3A_1521 = arith.constant 0 : i32
    %dma_start3A_1522 = arith.constant 0 : i32
    %dma_start3A_1523 = arith.constant 0 : i32
    %dma_start3A_1524 = tpu.memref_slice %arg8[%dma_start3A_1521, %dma_start3A_1522, %dma_start3A_1523] : memref<4x512x32xf32, #tpu.memory_space<vmem>> -> memref<1x512x32xf32, #tpu.memory_space<vmem>>
    %dma_start3A_1525 = tpu.memref_squeeze %dma_start3A_1524 : memref<1x512x32xf32, #tpu.memory_space<vmem>> -> memref<512x32xf32, #tpu.memory_space<vmem>>
    %dma_start3A_1526 = arith.constant 256 : i32
    %dma_start3A_1527 = tpu.memref_slice %arg6[%mul3A_2, %dma_start3A_1526] : memref<16384x832xf32, #tpu.memory_space<hbm>> -> memref<512x32xf32, #tpu.memory_space<hbm>>
    %dma_start3A_1528 = arith.constant 256 : i32
    %dma_start3A_1529 = tpu.memref_slice %arg6[%mul3A_2, %dma_start3A_1528] : memref<16384x832xf32, #tpu.memory_space<hbm>> -> memref<512x32xf32, #tpu.memory_space<hbm>>
    %dma_start3A_1530 = arith.constant 0 : i32
    %dma_start3A_1531 = arith.constant 0 : i32
    %dma_start3A_1532 = tpu.memref_slice %arg8[%dma_start3A_1521, %dma_start3A_1530, %dma_start3A_1531] : memref<4x512x32xf32, #tpu.memory_space<vmem>> -> memref<1x512x32xf32, #tpu.memory_space<vmem>>
    %dma_start3A_1533 = tpu.memref_squeeze %dma_start3A_1532 : memref<1x512x32xf32, #tpu.memory_space<vmem>> -> memref<512x32xf32, #tpu.memory_space<vmem>>
    tpu.enqueue_dma source(%dma_start3A_1533 : memref<512x32xf32, #tpu.memory_space<vmem>>) target(%dma_start3A_1529 : memref<512x32xf32, #tpu.memory_space<hbm>>) target_semaphore(%arg14 : memref<!tpu.dma_semaphore, #tpu.memory_space<semaphore_mem>>)
    %dma_wait3A_1534 = arith.constant 0 : i32
    %dma_wait3A_1535 = arith.constant 0 : i32
    %dma_wait3A_1536 = arith.constant 0 : i32
    %dma_wait3A_1537 = tpu.memref_slice %arg8[%dma_wait3A_1534, %dma_wait3A_1535, %dma_wait3A_1536] : memref<4x512x32xf32, #tpu.memory_space<vmem>> -> memref<1x512x32xf32, #tpu.memory_space<vmem>>
    %dma_wait3A_1538 = tpu.memref_squeeze %dma_wait3A_1537 : memref<1x512x32xf32, #tpu.memory_space<vmem>> -> memref<512x32xf32, #tpu.memory_space<vmem>>
    %dma_wait3A_1539 = arith.constant 256 : i32
    %dma_wait3A_1540 = tpu.memref_slice %arg6[%mul3A_2, %dma_wait3A_1539] : memref<16384x832xf32, #tpu.memory_space<hbm>> -> memref<512x32xf32, #tpu.memory_space<hbm>>
    %dma_wait3A_1541 = arith.constant 256 : i32
    %dma_wait3A_1542 = tpu.memref_slice %arg6[%mul3A_2, %dma_wait3A_1541] : memref<16384x832xf32, #tpu.memory_space<hbm>> -> memref<512x32xf32, #tpu.memory_space<hbm>>
    %dma_wait3A_1543 = arith.constant 0 : i32
    %dma_wait3A_1544 = arith.constant 0 : i32
    %dma_wait3A_1545 = tpu.memref_slice %arg8[%dma_wait3A_1534, %dma_wait3A_1543, %dma_wait3A_1544] : memref<4x512x32xf32, #tpu.memory_space<vmem>> -> memref<1x512x32xf32, #tpu.memory_space<vmem>>
    %dma_wait3A_1546 = tpu.memref_squeeze %dma_wait3A_1545 : memref<1x512x32xf32, #tpu.memory_space<vmem>> -> memref<512x32xf32, #tpu.memory_space<vmem>>
    tpu.wait_dma2 semaphore(%arg14 : memref<!tpu.dma_semaphore, #tpu.memory_space<semaphore_mem>>) src(%dma_wait3A_1546 : memref<512x32xf32, #tpu.memory_space<vmem>>) dst(%dma_wait3A_1542 : memref<512x32xf32, #tpu.memory_space<hbm>>)
    %dma_start3A_1547 = arith.constant 0 : i32
    %dma_start3A_1548 = arith.constant 0 : i32
    %dma_start3A_1549 = arith.constant 0 : i32
    %dma_start3A_1550 = tpu.memref_slice %arg8[%dma_start3A_1547, %dma_start3A_1548, %dma_start3A_1549] : memref<4x512x32xf32, #tpu.memory_space<vmem>> -> memref<1x128x32xf32, #tpu.memory_space<vmem>>
    %dma_start3A_1551 = tpu.memref_squeeze %dma_start3A_1550 : memref<1x128x32xf32, #tpu.memory_space<vmem>> -> memref<128x32xf32, #tpu.memory_space<vmem>>
    %dma_start3A_1552 = arith.constant 6144 : i32
    %dma_start3A_1553 = tpu.memref_slice %arg7[%dma_start3A_1552] : memref<13312xi32, #tpu.memory_space<vmem>> -> memref<128xi32, #tpu.memory_space<vmem>>
    %dma_start3A_1554 = arith.constant 0 : i32
    %dma_start3A_1555 = arith.constant 0 : i32
    %dma_start3A_1556 = tpu.memref_slice %arg4[%dma_start3A_1554, %dma_start3A_1555] : memref<1304576x32xf32, #tpu.memory_space<hbm>> -> memref<1304576x32xf32, #tpu.memory_space<hbm>>
    tpu.enqueue_indirect_dma source(%dma_start3A_1556 : memref<1304576x32xf32, #tpu.memory_space<hbm>>) target(%dma_start3A_1551 : memref<128x32xf32, #tpu.memory_space<vmem>>) offsets(%dma_start3A_1553 : memref<128xi32, #tpu.memory_space<vmem>>) semaphore(%arg10 : memref<!tpu.dma_semaphore, #tpu.memory_space<semaphore_mem>>)
    %dma_start3A_1557 = arith.constant 0 : i32
    %dma_start3A_1558 = arith.constant 128 : i32
    %dma_start3A_1559 = arith.constant 0 : i32
    %dma_start3A_1560 = tpu.memref_slice %arg8[%dma_start3A_1557, %dma_start3A_1558, %dma_start3A_1559] : memref<4x512x32xf32, #tpu.memory_space<vmem>> -> memref<1x128x32xf32, #tpu.memory_space<vmem>>
    %dma_start3A_1561 = tpu.memref_squeeze %dma_start3A_1560 : memref<1x128x32xf32, #tpu.memory_space<vmem>> -> memref<128x32xf32, #tpu.memory_space<vmem>>
    %dma_start3A_1562 = arith.constant 6272 : i32
    %dma_start3A_1563 = tpu.memref_slice %arg7[%dma_start3A_1562] : memref<13312xi32, #tpu.memory_space<vmem>> -> memref<128xi32, #tpu.memory_space<vmem>>
    %dma_start3A_1564 = arith.constant 0 : i32
    %dma_start3A_1565 = arith.constant 0 : i32
    %dma_start3A_1566 = tpu.memref_slice %arg4[%dma_start3A_1564, %dma_start3A_1565] : memref<1304576x32xf32, #tpu.memory_space<hbm>> -> memref<1304576x32xf32, #tpu.memory_space<hbm>>
    tpu.enqueue_indirect_dma source(%dma_start3A_1566 : memref<1304576x32xf32, #tpu.memory_space<hbm>>) target(%dma_start3A_1561 : memref<128x32xf32, #tpu.memory_space<vmem>>) offsets(%dma_start3A_1563 : memref<128xi32, #tpu.memory_space<vmem>>) semaphore(%arg10 : memref<!tpu.dma_semaphore, #tpu.memory_space<semaphore_mem>>)
    %dma_start3A_1567 = arith.constant 0 : i32
    %dma_start3A_1568 = arith.constant 256 : i32
    %dma_start3A_1569 = arith.constant 0 : i32
    %dma_start3A_1570 = tpu.memref_slice %arg8[%dma_start3A_1567, %dma_start3A_1568, %dma_start3A_1569] : memref<4x512x32xf32, #tpu.memory_space<vmem>> -> memref<1x128x32xf32, #tpu.memory_space<vmem>>
    %dma_start3A_1571 = tpu.memref_squeeze %dma_start3A_1570 : memref<1x128x32xf32, #tpu.memory_space<vmem>> -> memref<128x32xf32, #tpu.memory_space<vmem>>
    %dma_start3A_1572 = arith.constant 6400 : i32
    %dma_start3A_1573 = tpu.memref_slice %arg7[%dma_start3A_1572] : memref<13312xi32, #tpu.memory_space<vmem>> -> memref<128xi32, #tpu.memory_space<vmem>>
    %dma_start3A_1574 = arith.constant 0 : i32
    %dma_start3A_1575 = arith.constant 0 : i32
    %dma_start3A_1576 = tpu.memref_slice %arg4[%dma_start3A_1574, %dma_start3A_1575] : memref<1304576x32xf32, #tpu.memory_space<hbm>> -> memref<1304576x32xf32, #tpu.memory_space<hbm>>
    tpu.enqueue_indirect_dma source(%dma_start3A_1576 : memref<1304576x32xf32, #tpu.memory_space<hbm>>) target(%dma_start3A_1571 : memref<128x32xf32, #tpu.memory_space<vmem>>) offsets(%dma_start3A_1573 : memref<128xi32, #tpu.memory_space<vmem>>) semaphore(%arg10 : memref<!tpu.dma_semaphore, #tpu.memory_space<semaphore_mem>>)
    %dma_start3A_1577 = arith.constant 0 : i32
    %dma_start3A_1578 = arith.constant 384 : i32
    %dma_start3A_1579 = arith.constant 0 : i32
    %dma_start3A_1580 = tpu.memref_slice %arg8[%dma_start3A_1577, %dma_start3A_1578, %dma_start3A_1579] : memref<4x512x32xf32, #tpu.memory_space<vmem>> -> memref<1x128x32xf32, #tpu.memory_space<vmem>>
    %dma_start3A_1581 = tpu.memref_squeeze %dma_start3A_1580 : memref<1x128x32xf32, #tpu.memory_space<vmem>> -> memref<128x32xf32, #tpu.memory_space<vmem>>
    %dma_start3A_1582 = arith.constant 6528 : i32
    %dma_start3A_1583 = tpu.memref_slice %arg7[%dma_start3A_1582] : memref<13312xi32, #tpu.memory_space<vmem>> -> memref<128xi32, #tpu.memory_space<vmem>>
    %dma_start3A_1584 = arith.constant 0 : i32
    %dma_start3A_1585 = arith.constant 0 : i32
    %dma_start3A_1586 = tpu.memref_slice %arg4[%dma_start3A_1584, %dma_start3A_1585] : memref<1304576x32xf32, #tpu.memory_space<hbm>> -> memref<1304576x32xf32, #tpu.memory_space<hbm>>
    tpu.enqueue_indirect_dma source(%dma_start3A_1586 : memref<1304576x32xf32, #tpu.memory_space<hbm>>) target(%dma_start3A_1581 : memref<128x32xf32, #tpu.memory_space<vmem>>) offsets(%dma_start3A_1583 : memref<128xi32, #tpu.memory_space<vmem>>) semaphore(%arg10 : memref<!tpu.dma_semaphore, #tpu.memory_space<semaphore_mem>>)
    %dma_wait3A_1587 = arith.constant 1 : i32
    %dma_wait3A_1588 = arith.constant 0 : i32
    %dma_wait3A_1589 = arith.constant 0 : i32
    %dma_wait3A_1590 = tpu.memref_slice %arg8[%dma_wait3A_1587, %dma_wait3A_1588, %dma_wait3A_1589] : memref<4x512x32xf32, #tpu.memory_space<vmem>> -> memref<1x128x32xf32, #tpu.memory_space<vmem>>
    %dma_wait3A_1591 = tpu.memref_squeeze %dma_wait3A_1590 : memref<1x128x32xf32, #tpu.memory_space<vmem>> -> memref<128x32xf32, #tpu.memory_space<vmem>>
    %dma_wait3A_1592 = arith.constant 4608 : i32
    %dma_wait3A_1593 = tpu.memref_slice %arg7[%dma_wait3A_1592] : memref<13312xi32, #tpu.memory_space<vmem>> -> memref<128xi32, #tpu.memory_space<vmem>>
    %dma_wait3A_1594 = arith.constant 0 : i32
    %dma_wait3A_1595 = arith.constant 0 : i32
    %dma_wait3A_1596 = tpu.memref_slice %arg4[%dma_wait3A_1594, %dma_wait3A_1595] : memref<1304576x32xf32, #tpu.memory_space<hbm>> -> memref<1304576x32xf32, #tpu.memory_space<hbm>>
    tpu.wait_indirect_dma semaphore(%arg11 : memref<!tpu.dma_semaphore, #tpu.memory_space<semaphore_mem>>) src(%dma_wait3A_1596 : memref<1304576x32xf32, #tpu.memory_space<hbm>>) dst(%dma_wait3A_1591 : memref<128x32xf32, #tpu.memory_space<vmem>>)
    %dma_wait3A_1597 = arith.constant 1 : i32
    %dma_wait3A_1598 = arith.constant 128 : i32
    %dma_wait3A_1599 = arith.constant 0 : i32
    %dma_wait3A_1600 = tpu.memref_slice %arg8[%dma_wait3A_1597, %dma_wait3A_1598, %dma_wait3A_1599] : memref<4x512x32xf32, #tpu.memory_space<vmem>> -> memref<1x128x32xf32, #tpu.memory_space<vmem>>
    %dma_wait3A_1601 = tpu.memref_squeeze %dma_wait3A_1600 : memref<1x128x32xf32, #tpu.memory_space<vmem>> -> memref<128x32xf32, #tpu.memory_space<vmem>>
    %dma_wait3A_1602 = arith.constant 4736 : i32
    %dma_wait3A_1603 = tpu.memref_slice %arg7[%dma_wait3A_1602] : memref<13312xi32, #tpu.memory_space<vmem>> -> memref<128xi32, #tpu.memory_space<vmem>>
    %dma_wait3A_1604 = arith.constant 0 : i32
    %dma_wait3A_1605 = arith.constant 0 : i32
    %dma_wait3A_1606 = tpu.memref_slice %arg4[%dma_wait3A_1604, %dma_wait3A_1605] : memref<1304576x32xf32, #tpu.memory_space<hbm>> -> memref<1304576x32xf32, #tpu.memory_space<hbm>>
    tpu.wait_indirect_dma semaphore(%arg11 : memref<!tpu.dma_semaphore, #tpu.memory_space<semaphore_mem>>) src(%dma_wait3A_1606 : memref<1304576x32xf32, #tpu.memory_space<hbm>>) dst(%dma_wait3A_1601 : memref<128x32xf32, #tpu.memory_space<vmem>>)
    %dma_wait3A_1607 = arith.constant 1 : i32
    %dma_wait3A_1608 = arith.constant 256 : i32
    %dma_wait3A_1609 = arith.constant 0 : i32
    %dma_wait3A_1610 = tpu.memref_slice %arg8[%dma_wait3A_1607, %dma_wait3A_1608, %dma_wait3A_1609] : memref<4x512x32xf32, #tpu.memory_space<vmem>> -> memref<1x128x32xf32, #tpu.memory_space<vmem>>
    %dma_wait3A_1611 = tpu.memref_squeeze %dma_wait3A_1610 : memref<1x128x32xf32, #tpu.memory_space<vmem>> -> memref<128x32xf32, #tpu.memory_space<vmem>>
    %dma_wait3A_1612 = arith.constant 4864 : i32
    %dma_wait3A_1613 = tpu.memref_slice %arg7[%dma_wait3A_1612] : memref<13312xi32, #tpu.memory_space<vmem>> -> memref<128xi32, #tpu.memory_space<vmem>>
    %dma_wait3A_1614 = arith.constant 0 : i32
    %dma_wait3A_1615 = arith.constant 0 : i32
    %dma_wait3A_1616 = tpu.memref_slice %arg4[%dma_wait3A_1614, %dma_wait3A_1615] : memref<1304576x32xf32, #tpu.memory_space<hbm>> -> memref<1304576x32xf32, #tpu.memory_space<hbm>>
    tpu.wait_indirect_dma semaphore(%arg11 : memref<!tpu.dma_semaphore, #tpu.memory_space<semaphore_mem>>) src(%dma_wait3A_1616 : memref<1304576x32xf32, #tpu.memory_space<hbm>>) dst(%dma_wait3A_1611 : memref<128x32xf32, #tpu.memory_space<vmem>>)
    %dma_wait3A_1617 = arith.constant 1 : i32
    %dma_wait3A_1618 = arith.constant 384 : i32
    %dma_wait3A_1619 = arith.constant 0 : i32
    %dma_wait3A_1620 = tpu.memref_slice %arg8[%dma_wait3A_1617, %dma_wait3A_1618, %dma_wait3A_1619] : memref<4x512x32xf32, #tpu.memory_space<vmem>> -> memref<1x128x32xf32, #tpu.memory_space<vmem>>
    %dma_wait3A_1621 = tpu.memref_squeeze %dma_wait3A_1620 : memref<1x128x32xf32, #tpu.memory_space<vmem>> -> memref<128x32xf32, #tpu.memory_space<vmem>>
    %dma_wait3A_1622 = arith.constant 4992 : i32
    %dma_wait3A_1623 = tpu.memref_slice %arg7[%dma_wait3A_1622] : memref<13312xi32, #tpu.memory_space<vmem>> -> memref<128xi32, #tpu.memory_space<vmem>>
    %dma_wait3A_1624 = arith.constant 0 : i32
    %dma_wait3A_1625 = arith.constant 0 : i32
    %dma_wait3A_1626 = tpu.memref_slice %arg4[%dma_wait3A_1624, %dma_wait3A_1625] : memref<1304576x32xf32, #tpu.memory_space<hbm>> -> memref<1304576x32xf32, #tpu.memory_space<hbm>>
    tpu.wait_indirect_dma semaphore(%arg11 : memref<!tpu.dma_semaphore, #tpu.memory_space<semaphore_mem>>) src(%dma_wait3A_1626 : memref<1304576x32xf32, #tpu.memory_space<hbm>>) dst(%dma_wait3A_1621 : memref<128x32xf32, #tpu.memory_space<vmem>>)
    %dma_start3A_1627 = arith.constant 1 : i32
    %dma_start3A_1628 = arith.constant 0 : i32
    %dma_start3A_1629 = arith.constant 0 : i32
    %dma_start3A_1630 = tpu.memref_slice %arg8[%dma_start3A_1627, %dma_start3A_1628, %dma_start3A_1629] : memref<4x512x32xf32, #tpu.memory_space<vmem>> -> memref<1x512x32xf32, #tpu.memory_space<vmem>>
    %dma_start3A_1631 = tpu.memref_squeeze %dma_start3A_1630 : memref<1x512x32xf32, #tpu.memory_space<vmem>> -> memref<512x32xf32, #tpu.memory_space<vmem>>
    %dma_start3A_1632 = arith.constant 288 : i32
    %dma_start3A_1633 = tpu.memref_slice %arg6[%mul3A_2, %dma_start3A_1632] : memref<16384x832xf32, #tpu.memory_space<hbm>> -> memref<512x32xf32, #tpu.memory_space<hbm>>
    %dma_start3A_1634 = arith.constant 288 : i32
    %dma_start3A_1635 = tpu.memref_slice %arg6[%mul3A_2, %dma_start3A_1634] : memref<16384x832xf32, #tpu.memory_space<hbm>> -> memref<512x32xf32, #tpu.memory_space<hbm>>
    %dma_start3A_1636 = arith.constant 0 : i32
    %dma_start3A_1637 = arith.constant 0 : i32
    %dma_start3A_1638 = tpu.memref_slice %arg8[%dma_start3A_1627, %dma_start3A_1636, %dma_start3A_1637] : memref<4x512x32xf32, #tpu.memory_space<vmem>> -> memref<1x512x32xf32, #tpu.memory_space<vmem>>
    %dma_start3A_1639 = tpu.memref_squeeze %dma_start3A_1638 : memref<1x512x32xf32, #tpu.memory_space<vmem>> -> memref<512x32xf32, #tpu.memory_space<vmem>>
    tpu.enqueue_dma source(%dma_start3A_1639 : memref<512x32xf32, #tpu.memory_space<vmem>>) target(%dma_start3A_1635 : memref<512x32xf32, #tpu.memory_space<hbm>>) target_semaphore(%arg15 : memref<!tpu.dma_semaphore, #tpu.memory_space<semaphore_mem>>)
    %dma_wait3A_1640 = arith.constant 1 : i32
    %dma_wait3A_1641 = arith.constant 0 : i32
    %dma_wait3A_1642 = arith.constant 0 : i32
    %dma_wait3A_1643 = tpu.memref_slice %arg8[%dma_wait3A_1640, %dma_wait3A_1641, %dma_wait3A_1642] : memref<4x512x32xf32, #tpu.memory_space<vmem>> -> memref<1x512x32xf32, #tpu.memory_space<vmem>>
    %dma_wait3A_1644 = tpu.memref_squeeze %dma_wait3A_1643 : memref<1x512x32xf32, #tpu.memory_space<vmem>> -> memref<512x32xf32, #tpu.memory_space<vmem>>
    %dma_wait3A_1645 = arith.constant 288 : i32
    %dma_wait3A_1646 = tpu.memref_slice %arg6[%mul3A_2, %dma_wait3A_1645] : memref<16384x832xf32, #tpu.memory_space<hbm>> -> memref<512x32xf32, #tpu.memory_space<hbm>>
    %dma_wait3A_1647 = arith.constant 288 : i32
    %dma_wait3A_1648 = tpu.memref_slice %arg6[%mul3A_2, %dma_wait3A_1647] : memref<16384x832xf32, #tpu.memory_space<hbm>> -> memref<512x32xf32, #tpu.memory_space<hbm>>
    %dma_wait3A_1649 = arith.constant 0 : i32
    %dma_wait3A_1650 = arith.constant 0 : i32
    %dma_wait3A_1651 = tpu.memref_slice %arg8[%dma_wait3A_1640, %dma_wait3A_1649, %dma_wait3A_1650] : memref<4x512x32xf32, #tpu.memory_space<vmem>> -> memref<1x512x32xf32, #tpu.memory_space<vmem>>
    %dma_wait3A_1652 = tpu.memref_squeeze %dma_wait3A_1651 : memref<1x512x32xf32, #tpu.memory_space<vmem>> -> memref<512x32xf32, #tpu.memory_space<vmem>>
    tpu.wait_dma2 semaphore(%arg15 : memref<!tpu.dma_semaphore, #tpu.memory_space<semaphore_mem>>) src(%dma_wait3A_1652 : memref<512x32xf32, #tpu.memory_space<vmem>>) dst(%dma_wait3A_1648 : memref<512x32xf32, #tpu.memory_space<hbm>>)
    %dma_start3A_1653 = arith.constant 1 : i32
    %dma_start3A_1654 = arith.constant 0 : i32
    %dma_start3A_1655 = arith.constant 0 : i32
    %dma_start3A_1656 = tpu.memref_slice %arg8[%dma_start3A_1653, %dma_start3A_1654, %dma_start3A_1655] : memref<4x512x32xf32, #tpu.memory_space<vmem>> -> memref<1x128x32xf32, #tpu.memory_space<vmem>>
    %dma_start3A_1657 = tpu.memref_squeeze %dma_start3A_1656 : memref<1x128x32xf32, #tpu.memory_space<vmem>> -> memref<128x32xf32, #tpu.memory_space<vmem>>
    %dma_start3A_1658 = arith.constant 6656 : i32
    %dma_start3A_1659 = tpu.memref_slice %arg7[%dma_start3A_1658] : memref<13312xi32, #tpu.memory_space<vmem>> -> memref<128xi32, #tpu.memory_space<vmem>>
    %dma_start3A_1660 = arith.constant 0 : i32
    %dma_start3A_1661 = arith.constant 0 : i32
    %dma_start3A_1662 = tpu.memref_slice %arg5[%dma_start3A_1660, %dma_start3A_1661] : memref<1304576x32xf32, #tpu.memory_space<hbm>> -> memref<1304576x32xf32, #tpu.memory_space<hbm>>
    tpu.enqueue_indirect_dma source(%dma_start3A_1662 : memref<1304576x32xf32, #tpu.memory_space<hbm>>) target(%dma_start3A_1657 : memref<128x32xf32, #tpu.memory_space<vmem>>) offsets(%dma_start3A_1659 : memref<128xi32, #tpu.memory_space<vmem>>) semaphore(%arg11 : memref<!tpu.dma_semaphore, #tpu.memory_space<semaphore_mem>>)
    %dma_start3A_1663 = arith.constant 1 : i32
    %dma_start3A_1664 = arith.constant 128 : i32
    %dma_start3A_1665 = arith.constant 0 : i32
    %dma_start3A_1666 = tpu.memref_slice %arg8[%dma_start3A_1663, %dma_start3A_1664, %dma_start3A_1665] : memref<4x512x32xf32, #tpu.memory_space<vmem>> -> memref<1x128x32xf32, #tpu.memory_space<vmem>>
    %dma_start3A_1667 = tpu.memref_squeeze %dma_start3A_1666 : memref<1x128x32xf32, #tpu.memory_space<vmem>> -> memref<128x32xf32, #tpu.memory_space<vmem>>
    %dma_start3A_1668 = arith.constant 6784 : i32
    %dma_start3A_1669 = tpu.memref_slice %arg7[%dma_start3A_1668] : memref<13312xi32, #tpu.memory_space<vmem>> -> memref<128xi32, #tpu.memory_space<vmem>>
    %dma_start3A_1670 = arith.constant 0 : i32
    %dma_start3A_1671 = arith.constant 0 : i32
    %dma_start3A_1672 = tpu.memref_slice %arg5[%dma_start3A_1670, %dma_start3A_1671] : memref<1304576x32xf32, #tpu.memory_space<hbm>> -> memref<1304576x32xf32, #tpu.memory_space<hbm>>
    tpu.enqueue_indirect_dma source(%dma_start3A_1672 : memref<1304576x32xf32, #tpu.memory_space<hbm>>) target(%dma_start3A_1667 : memref<128x32xf32, #tpu.memory_space<vmem>>) offsets(%dma_start3A_1669 : memref<128xi32, #tpu.memory_space<vmem>>) semaphore(%arg11 : memref<!tpu.dma_semaphore, #tpu.memory_space<semaphore_mem>>)
    %dma_start3A_1673 = arith.constant 1 : i32
    %dma_start3A_1674 = arith.constant 256 : i32
    %dma_start3A_1675 = arith.constant 0 : i32
    %dma_start3A_1676 = tpu.memref_slice %arg8[%dma_start3A_1673, %dma_start3A_1674, %dma_start3A_1675] : memref<4x512x32xf32, #tpu.memory_space<vmem>> -> memref<1x128x32xf32, #tpu.memory_space<vmem>>
    %dma_start3A_1677 = tpu.memref_squeeze %dma_start3A_1676 : memref<1x128x32xf32, #tpu.memory_space<vmem>> -> memref<128x32xf32, #tpu.memory_space<vmem>>
    %dma_start3A_1678 = arith.constant 6912 : i32
    %dma_start3A_1679 = tpu.memref_slice %arg7[%dma_start3A_1678] : memref<13312xi32, #tpu.memory_space<vmem>> -> memref<128xi32, #tpu.memory_space<vmem>>
    %dma_start3A_1680 = arith.constant 0 : i32
    %dma_start3A_1681 = arith.constant 0 : i32
    %dma_start3A_1682 = tpu.memref_slice %arg5[%dma_start3A_1680, %dma_start3A_1681] : memref<1304576x32xf32, #tpu.memory_space<hbm>> -> memref<1304576x32xf32, #tpu.memory_space<hbm>>
    tpu.enqueue_indirect_dma source(%dma_start3A_1682 : memref<1304576x32xf32, #tpu.memory_space<hbm>>) target(%dma_start3A_1677 : memref<128x32xf32, #tpu.memory_space<vmem>>) offsets(%dma_start3A_1679 : memref<128xi32, #tpu.memory_space<vmem>>) semaphore(%arg11 : memref<!tpu.dma_semaphore, #tpu.memory_space<semaphore_mem>>)
    %dma_start3A_1683 = arith.constant 1 : i32
    %dma_start3A_1684 = arith.constant 384 : i32
    %dma_start3A_1685 = arith.constant 0 : i32
    %dma_start3A_1686 = tpu.memref_slice %arg8[%dma_start3A_1683, %dma_start3A_1684, %dma_start3A_1685] : memref<4x512x32xf32, #tpu.memory_space<vmem>> -> memref<1x128x32xf32, #tpu.memory_space<vmem>>
    %dma_start3A_1687 = tpu.memref_squeeze %dma_start3A_1686 : memref<1x128x32xf32, #tpu.memory_space<vmem>> -> memref<128x32xf32, #tpu.memory_space<vmem>>
    %dma_start3A_1688 = arith.constant 7040 : i32
    %dma_start3A_1689 = tpu.memref_slice %arg7[%dma_start3A_1688] : memref<13312xi32, #tpu.memory_space<vmem>> -> memref<128xi32, #tpu.memory_space<vmem>>
    %dma_start3A_1690 = arith.constant 0 : i32
    %dma_start3A_1691 = arith.constant 0 : i32
    %dma_start3A_1692 = tpu.memref_slice %arg5[%dma_start3A_1690, %dma_start3A_1691] : memref<1304576x32xf32, #tpu.memory_space<hbm>> -> memref<1304576x32xf32, #tpu.memory_space<hbm>>
    tpu.enqueue_indirect_dma source(%dma_start3A_1692 : memref<1304576x32xf32, #tpu.memory_space<hbm>>) target(%dma_start3A_1687 : memref<128x32xf32, #tpu.memory_space<vmem>>) offsets(%dma_start3A_1689 : memref<128xi32, #tpu.memory_space<vmem>>) semaphore(%arg11 : memref<!tpu.dma_semaphore, #tpu.memory_space<semaphore_mem>>)
    %dma_wait3A_1693 = arith.constant 2 : i32
    %dma_wait3A_1694 = arith.constant 0 : i32
    %dma_wait3A_1695 = arith.constant 0 : i32
    %dma_wait3A_1696 = tpu.memref_slice %arg8[%dma_wait3A_1693, %dma_wait3A_1694, %dma_wait3A_1695] : memref<4x512x32xf32, #tpu.memory_space<vmem>> -> memref<1x128x32xf32, #tpu.memory_space<vmem>>
    %dma_wait3A_1697 = tpu.memref_squeeze %dma_wait3A_1696 : memref<1x128x32xf32, #tpu.memory_space<vmem>> -> memref<128x32xf32, #tpu.memory_space<vmem>>
    %dma_wait3A_1698 = arith.constant 5120 : i32
    %dma_wait3A_1699 = tpu.memref_slice %arg7[%dma_wait3A_1698] : memref<13312xi32, #tpu.memory_space<vmem>> -> memref<128xi32, #tpu.memory_space<vmem>>
    %dma_wait3A_1700 = arith.constant 0 : i32
    %dma_wait3A_1701 = arith.constant 0 : i32
    %dma_wait3A_1702 = tpu.memref_slice %arg4[%dma_wait3A_1700, %dma_wait3A_1701] : memref<1304576x32xf32, #tpu.memory_space<hbm>> -> memref<1304576x32xf32, #tpu.memory_space<hbm>>
    tpu.wait_indirect_dma semaphore(%arg12 : memref<!tpu.dma_semaphore, #tpu.memory_space<semaphore_mem>>) src(%dma_wait3A_1702 : memref<1304576x32xf32, #tpu.memory_space<hbm>>) dst(%dma_wait3A_1697 : memref<128x32xf32, #tpu.memory_space<vmem>>)
    %dma_wait3A_1703 = arith.constant 2 : i32
    %dma_wait3A_1704 = arith.constant 128 : i32
    %dma_wait3A_1705 = arith.constant 0 : i32
    %dma_wait3A_1706 = tpu.memref_slice %arg8[%dma_wait3A_1703, %dma_wait3A_1704, %dma_wait3A_1705] : memref<4x512x32xf32, #tpu.memory_space<vmem>> -> memref<1x128x32xf32, #tpu.memory_space<vmem>>
    %dma_wait3A_1707 = tpu.memref_squeeze %dma_wait3A_1706 : memref<1x128x32xf32, #tpu.memory_space<vmem>> -> memref<128x32xf32, #tpu.memory_space<vmem>>
    %dma_wait3A_1708 = arith.constant 5248 : i32
    %dma_wait3A_1709 = tpu.memref_slice %arg7[%dma_wait3A_1708] : memref<13312xi32, #tpu.memory_space<vmem>> -> memref<128xi32, #tpu.memory_space<vmem>>
    %dma_wait3A_1710 = arith.constant 0 : i32
    %dma_wait3A_1711 = arith.constant 0 : i32
    %dma_wait3A_1712 = tpu.memref_slice %arg4[%dma_wait3A_1710, %dma_wait3A_1711] : memref<1304576x32xf32, #tpu.memory_space<hbm>> -> memref<1304576x32xf32, #tpu.memory_space<hbm>>
    tpu.wait_indirect_dma semaphore(%arg12 : memref<!tpu.dma_semaphore, #tpu.memory_space<semaphore_mem>>) src(%dma_wait3A_1712 : memref<1304576x32xf32, #tpu.memory_space<hbm>>) dst(%dma_wait3A_1707 : memref<128x32xf32, #tpu.memory_space<vmem>>)
    %dma_wait3A_1713 = arith.constant 2 : i32
    %dma_wait3A_1714 = arith.constant 256 : i32
    %dma_wait3A_1715 = arith.constant 0 : i32
    %dma_wait3A_1716 = tpu.memref_slice %arg8[%dma_wait3A_1713, %dma_wait3A_1714, %dma_wait3A_1715] : memref<4x512x32xf32, #tpu.memory_space<vmem>> -> memref<1x128x32xf32, #tpu.memory_space<vmem>>
    %dma_wait3A_1717 = tpu.memref_squeeze %dma_wait3A_1716 : memref<1x128x32xf32, #tpu.memory_space<vmem>> -> memref<128x32xf32, #tpu.memory_space<vmem>>
    %dma_wait3A_1718 = arith.constant 5376 : i32
    %dma_wait3A_1719 = tpu.memref_slice %arg7[%dma_wait3A_1718] : memref<13312xi32, #tpu.memory_space<vmem>> -> memref<128xi32, #tpu.memory_space<vmem>>
    %dma_wait3A_1720 = arith.constant 0 : i32
    %dma_wait3A_1721 = arith.constant 0 : i32
    %dma_wait3A_1722 = tpu.memref_slice %arg4[%dma_wait3A_1720, %dma_wait3A_1721] : memref<1304576x32xf32, #tpu.memory_space<hbm>> -> memref<1304576x32xf32, #tpu.memory_space<hbm>>
    tpu.wait_indirect_dma semaphore(%arg12 : memref<!tpu.dma_semaphore, #tpu.memory_space<semaphore_mem>>) src(%dma_wait3A_1722 : memref<1304576x32xf32, #tpu.memory_space<hbm>>) dst(%dma_wait3A_1717 : memref<128x32xf32, #tpu.memory_space<vmem>>)
    %dma_wait3A_1723 = arith.constant 2 : i32
    %dma_wait3A_1724 = arith.constant 384 : i32
    %dma_wait3A_1725 = arith.constant 0 : i32
    %dma_wait3A_1726 = tpu.memref_slice %arg8[%dma_wait3A_1723, %dma_wait3A_1724, %dma_wait3A_1725] : memref<4x512x32xf32, #tpu.memory_space<vmem>> -> memref<1x128x32xf32, #tpu.memory_space<vmem>>
    %dma_wait3A_1727 = tpu.memref_squeeze %dma_wait3A_1726 : memref<1x128x32xf32, #tpu.memory_space<vmem>> -> memref<128x32xf32, #tpu.memory_space<vmem>>
    %dma_wait3A_1728 = arith.constant 5504 : i32
    %dma_wait3A_1729 = tpu.memref_slice %arg7[%dma_wait3A_1728] : memref<13312xi32, #tpu.memory_space<vmem>> -> memref<128xi32, #tpu.memory_space<vmem>>
    %dma_wait3A_1730 = arith.constant 0 : i32
    %dma_wait3A_1731 = arith.constant 0 : i32
    %dma_wait3A_1732 = tpu.memref_slice %arg4[%dma_wait3A_1730, %dma_wait3A_1731] : memref<1304576x32xf32, #tpu.memory_space<hbm>> -> memref<1304576x32xf32, #tpu.memory_space<hbm>>
    tpu.wait_indirect_dma semaphore(%arg12 : memref<!tpu.dma_semaphore, #tpu.memory_space<semaphore_mem>>) src(%dma_wait3A_1732 : memref<1304576x32xf32, #tpu.memory_space<hbm>>) dst(%dma_wait3A_1727 : memref<128x32xf32, #tpu.memory_space<vmem>>)
    %dma_start3A_1733 = arith.constant 2 : i32
    %dma_start3A_1734 = arith.constant 0 : i32
    %dma_start3A_1735 = arith.constant 0 : i32
    %dma_start3A_1736 = tpu.memref_slice %arg8[%dma_start3A_1733, %dma_start3A_1734, %dma_start3A_1735] : memref<4x512x32xf32, #tpu.memory_space<vmem>> -> memref<1x512x32xf32, #tpu.memory_space<vmem>>
    %dma_start3A_1737 = tpu.memref_squeeze %dma_start3A_1736 : memref<1x512x32xf32, #tpu.memory_space<vmem>> -> memref<512x32xf32, #tpu.memory_space<vmem>>
    %dma_start3A_1738 = arith.constant 320 : i32
    %dma_start3A_1739 = tpu.memref_slice %arg6[%mul3A_2, %dma_start3A_1738] : memref<16384x832xf32, #tpu.memory_space<hbm>> -> memref<512x32xf32, #tpu.memory_space<hbm>>
    %dma_start3A_1740 = arith.constant 320 : i32
    %dma_start3A_1741 = tpu.memref_slice %arg6[%mul3A_2, %dma_start3A_1740] : memref<16384x832xf32, #tpu.memory_space<hbm>> -> memref<512x32xf32, #tpu.memory_space<hbm>>
    %dma_start3A_1742 = arith.constant 0 : i32
    %dma_start3A_1743 = arith.constant 0 : i32
    %dma_start3A_1744 = tpu.memref_slice %arg8[%dma_start3A_1733, %dma_start3A_1742, %dma_start3A_1743] : memref<4x512x32xf32, #tpu.memory_space<vmem>> -> memref<1x512x32xf32, #tpu.memory_space<vmem>>
    %dma_start3A_1745 = tpu.memref_squeeze %dma_start3A_1744 : memref<1x512x32xf32, #tpu.memory_space<vmem>> -> memref<512x32xf32, #tpu.memory_space<vmem>>
    tpu.enqueue_dma source(%dma_start3A_1745 : memref<512x32xf32, #tpu.memory_space<vmem>>) target(%dma_start3A_1741 : memref<512x32xf32, #tpu.memory_space<hbm>>) target_semaphore(%arg16 : memref<!tpu.dma_semaphore, #tpu.memory_space<semaphore_mem>>)
    %dma_wait3A_1746 = arith.constant 2 : i32
    %dma_wait3A_1747 = arith.constant 0 : i32
    %dma_wait3A_1748 = arith.constant 0 : i32
    %dma_wait3A_1749 = tpu.memref_slice %arg8[%dma_wait3A_1746, %dma_wait3A_1747, %dma_wait3A_1748] : memref<4x512x32xf32, #tpu.memory_space<vmem>> -> memref<1x512x32xf32, #tpu.memory_space<vmem>>
    %dma_wait3A_1750 = tpu.memref_squeeze %dma_wait3A_1749 : memref<1x512x32xf32, #tpu.memory_space<vmem>> -> memref<512x32xf32, #tpu.memory_space<vmem>>
    %dma_wait3A_1751 = arith.constant 320 : i32
    %dma_wait3A_1752 = tpu.memref_slice %arg6[%mul3A_2, %dma_wait3A_1751] : memref<16384x832xf32, #tpu.memory_space<hbm>> -> memref<512x32xf32, #tpu.memory_space<hbm>>
    %dma_wait3A_1753 = arith.constant 320 : i32
    %dma_wait3A_1754 = tpu.memref_slice %arg6[%mul3A_2, %dma_wait3A_1753] : memref<16384x832xf32, #tpu.memory_space<hbm>> -> memref<512x32xf32, #tpu.memory_space<hbm>>
    %dma_wait3A_1755 = arith.constant 0 : i32
    %dma_wait3A_1756 = arith.constant 0 : i32
    %dma_wait3A_1757 = tpu.memref_slice %arg8[%dma_wait3A_1746, %dma_wait3A_1755, %dma_wait3A_1756] : memref<4x512x32xf32, #tpu.memory_space<vmem>> -> memref<1x512x32xf32, #tpu.memory_space<vmem>>
    %dma_wait3A_1758 = tpu.memref_squeeze %dma_wait3A_1757 : memref<1x512x32xf32, #tpu.memory_space<vmem>> -> memref<512x32xf32, #tpu.memory_space<vmem>>
    tpu.wait_dma2 semaphore(%arg16 : memref<!tpu.dma_semaphore, #tpu.memory_space<semaphore_mem>>) src(%dma_wait3A_1758 : memref<512x32xf32, #tpu.memory_space<vmem>>) dst(%dma_wait3A_1754 : memref<512x32xf32, #tpu.memory_space<hbm>>)
    %dma_start3A_1759 = arith.constant 2 : i32
    %dma_start3A_1760 = arith.constant 0 : i32
    %dma_start3A_1761 = arith.constant 0 : i32
    %dma_start3A_1762 = tpu.memref_slice %arg8[%dma_start3A_1759, %dma_start3A_1760, %dma_start3A_1761] : memref<4x512x32xf32, #tpu.memory_space<vmem>> -> memref<1x128x32xf32, #tpu.memory_space<vmem>>
    %dma_start3A_1763 = tpu.memref_squeeze %dma_start3A_1762 : memref<1x128x32xf32, #tpu.memory_space<vmem>> -> memref<128x32xf32, #tpu.memory_space<vmem>>
    %dma_start3A_1764 = arith.constant 7168 : i32
    %dma_start3A_1765 = tpu.memref_slice %arg7[%dma_start3A_1764] : memref<13312xi32, #tpu.memory_space<vmem>> -> memref<128xi32, #tpu.memory_space<vmem>>
    %dma_start3A_1766 = arith.constant 0 : i32
    %dma_start3A_1767 = arith.constant 0 : i32
    %dma_start3A_1768 = tpu.memref_slice %arg5[%dma_start3A_1766, %dma_start3A_1767] : memref<1304576x32xf32, #tpu.memory_space<hbm>> -> memref<1304576x32xf32, #tpu.memory_space<hbm>>
    tpu.enqueue_indirect_dma source(%dma_start3A_1768 : memref<1304576x32xf32, #tpu.memory_space<hbm>>) target(%dma_start3A_1763 : memref<128x32xf32, #tpu.memory_space<vmem>>) offsets(%dma_start3A_1765 : memref<128xi32, #tpu.memory_space<vmem>>) semaphore(%arg12 : memref<!tpu.dma_semaphore, #tpu.memory_space<semaphore_mem>>)
    %dma_start3A_1769 = arith.constant 2 : i32
    %dma_start3A_1770 = arith.constant 128 : i32
    %dma_start3A_1771 = arith.constant 0 : i32
    %dma_start3A_1772 = tpu.memref_slice %arg8[%dma_start3A_1769, %dma_start3A_1770, %dma_start3A_1771] : memref<4x512x32xf32, #tpu.memory_space<vmem>> -> memref<1x128x32xf32, #tpu.memory_space<vmem>>
    %dma_start3A_1773 = tpu.memref_squeeze %dma_start3A_1772 : memref<1x128x32xf32, #tpu.memory_space<vmem>> -> memref<128x32xf32, #tpu.memory_space<vmem>>
    %dma_start3A_1774 = arith.constant 7296 : i32
    %dma_start3A_1775 = tpu.memref_slice %arg7[%dma_start3A_1774] : memref<13312xi32, #tpu.memory_space<vmem>> -> memref<128xi32, #tpu.memory_space<vmem>>
    %dma_start3A_1776 = arith.constant 0 : i32
    %dma_start3A_1777 = arith.constant 0 : i32
    %dma_start3A_1778 = tpu.memref_slice %arg5[%dma_start3A_1776, %dma_start3A_1777] : memref<1304576x32xf32, #tpu.memory_space<hbm>> -> memref<1304576x32xf32, #tpu.memory_space<hbm>>
    tpu.enqueue_indirect_dma source(%dma_start3A_1778 : memref<1304576x32xf32, #tpu.memory_space<hbm>>) target(%dma_start3A_1773 : memref<128x32xf32, #tpu.memory_space<vmem>>) offsets(%dma_start3A_1775 : memref<128xi32, #tpu.memory_space<vmem>>) semaphore(%arg12 : memref<!tpu.dma_semaphore, #tpu.memory_space<semaphore_mem>>)
    %dma_start3A_1779 = arith.constant 2 : i32
    %dma_start3A_1780 = arith.constant 256 : i32
    %dma_start3A_1781 = arith.constant 0 : i32
    %dma_start3A_1782 = tpu.memref_slice %arg8[%dma_start3A_1779, %dma_start3A_1780, %dma_start3A_1781] : memref<4x512x32xf32, #tpu.memory_space<vmem>> -> memref<1x128x32xf32, #tpu.memory_space<vmem>>
    %dma_start3A_1783 = tpu.memref_squeeze %dma_start3A_1782 : memref<1x128x32xf32, #tpu.memory_space<vmem>> -> memref<128x32xf32, #tpu.memory_space<vmem>>
    %dma_start3A_1784 = arith.constant 7424 : i32
    %dma_start3A_1785 = tpu.memref_slice %arg7[%dma_start3A_1784] : memref<13312xi32, #tpu.memory_space<vmem>> -> memref<128xi32, #tpu.memory_space<vmem>>
    %dma_start3A_1786 = arith.constant 0 : i32
    %dma_start3A_1787 = arith.constant 0 : i32
    %dma_start3A_1788 = tpu.memref_slice %arg5[%dma_start3A_1786, %dma_start3A_1787] : memref<1304576x32xf32, #tpu.memory_space<hbm>> -> memref<1304576x32xf32, #tpu.memory_space<hbm>>
    tpu.enqueue_indirect_dma source(%dma_start3A_1788 : memref<1304576x32xf32, #tpu.memory_space<hbm>>) target(%dma_start3A_1783 : memref<128x32xf32, #tpu.memory_space<vmem>>) offsets(%dma_start3A_1785 : memref<128xi32, #tpu.memory_space<vmem>>) semaphore(%arg12 : memref<!tpu.dma_semaphore, #tpu.memory_space<semaphore_mem>>)
    %dma_start3A_1789 = arith.constant 2 : i32
    %dma_start3A_1790 = arith.constant 384 : i32
    %dma_start3A_1791 = arith.constant 0 : i32
    %dma_start3A_1792 = tpu.memref_slice %arg8[%dma_start3A_1789, %dma_start3A_1790, %dma_start3A_1791] : memref<4x512x32xf32, #tpu.memory_space<vmem>> -> memref<1x128x32xf32, #tpu.memory_space<vmem>>
    %dma_start3A_1793 = tpu.memref_squeeze %dma_start3A_1792 : memref<1x128x32xf32, #tpu.memory_space<vmem>> -> memref<128x32xf32, #tpu.memory_space<vmem>>
    %dma_start3A_1794 = arith.constant 7552 : i32
    %dma_start3A_1795 = tpu.memref_slice %arg7[%dma_start3A_1794] : memref<13312xi32, #tpu.memory_space<vmem>> -> memref<128xi32, #tpu.memory_space<vmem>>
    %dma_start3A_1796 = arith.constant 0 : i32
    %dma_start3A_1797 = arith.constant 0 : i32
    %dma_start3A_1798 = tpu.memref_slice %arg5[%dma_start3A_1796, %dma_start3A_1797] : memref<1304576x32xf32, #tpu.memory_space<hbm>> -> memref<1304576x32xf32, #tpu.memory_space<hbm>>
    tpu.enqueue_indirect_dma source(%dma_start3A_1798 : memref<1304576x32xf32, #tpu.memory_space<hbm>>) target(%dma_start3A_1793 : memref<128x32xf32, #tpu.memory_space<vmem>>) offsets(%dma_start3A_1795 : memref<128xi32, #tpu.memory_space<vmem>>) semaphore(%arg12 : memref<!tpu.dma_semaphore, #tpu.memory_space<semaphore_mem>>)
    %dma_wait3A_1799 = arith.constant 3 : i32
    %dma_wait3A_1800 = arith.constant 0 : i32
    %dma_wait3A_1801 = arith.constant 0 : i32
    %dma_wait3A_1802 = tpu.memref_slice %arg8[%dma_wait3A_1799, %dma_wait3A_1800, %dma_wait3A_1801] : memref<4x512x32xf32, #tpu.memory_space<vmem>> -> memref<1x128x32xf32, #tpu.memory_space<vmem>>
    %dma_wait3A_1803 = tpu.memref_squeeze %dma_wait3A_1802 : memref<1x128x32xf32, #tpu.memory_space<vmem>> -> memref<128x32xf32, #tpu.memory_space<vmem>>
    %dma_wait3A_1804 = arith.constant 5632 : i32
    %dma_wait3A_1805 = tpu.memref_slice %arg7[%dma_wait3A_1804] : memref<13312xi32, #tpu.memory_space<vmem>> -> memref<128xi32, #tpu.memory_space<vmem>>
    %dma_wait3A_1806 = arith.constant 0 : i32
    %dma_wait3A_1807 = arith.constant 0 : i32
    %dma_wait3A_1808 = tpu.memref_slice %arg4[%dma_wait3A_1806, %dma_wait3A_1807] : memref<1304576x32xf32, #tpu.memory_space<hbm>> -> memref<1304576x32xf32, #tpu.memory_space<hbm>>
    tpu.wait_indirect_dma semaphore(%arg13 : memref<!tpu.dma_semaphore, #tpu.memory_space<semaphore_mem>>) src(%dma_wait3A_1808 : memref<1304576x32xf32, #tpu.memory_space<hbm>>) dst(%dma_wait3A_1803 : memref<128x32xf32, #tpu.memory_space<vmem>>)
    %dma_wait3A_1809 = arith.constant 3 : i32
    %dma_wait3A_1810 = arith.constant 128 : i32
    %dma_wait3A_1811 = arith.constant 0 : i32
    %dma_wait3A_1812 = tpu.memref_slice %arg8[%dma_wait3A_1809, %dma_wait3A_1810, %dma_wait3A_1811] : memref<4x512x32xf32, #tpu.memory_space<vmem>> -> memref<1x128x32xf32, #tpu.memory_space<vmem>>
    %dma_wait3A_1813 = tpu.memref_squeeze %dma_wait3A_1812 : memref<1x128x32xf32, #tpu.memory_space<vmem>> -> memref<128x32xf32, #tpu.memory_space<vmem>>
    %dma_wait3A_1814 = arith.constant 5760 : i32
    %dma_wait3A_1815 = tpu.memref_slice %arg7[%dma_wait3A_1814] : memref<13312xi32, #tpu.memory_space<vmem>> -> memref<128xi32, #tpu.memory_space<vmem>>
    %dma_wait3A_1816 = arith.constant 0 : i32
    %dma_wait3A_1817 = arith.constant 0 : i32
    %dma_wait3A_1818 = tpu.memref_slice %arg4[%dma_wait3A_1816, %dma_wait3A_1817] : memref<1304576x32xf32, #tpu.memory_space<hbm>> -> memref<1304576x32xf32, #tpu.memory_space<hbm>>
    tpu.wait_indirect_dma semaphore(%arg13 : memref<!tpu.dma_semaphore, #tpu.memory_space<semaphore_mem>>) src(%dma_wait3A_1818 : memref<1304576x32xf32, #tpu.memory_space<hbm>>) dst(%dma_wait3A_1813 : memref<128x32xf32, #tpu.memory_space<vmem>>)
    %dma_wait3A_1819 = arith.constant 3 : i32
    %dma_wait3A_1820 = arith.constant 256 : i32
    %dma_wait3A_1821 = arith.constant 0 : i32
    %dma_wait3A_1822 = tpu.memref_slice %arg8[%dma_wait3A_1819, %dma_wait3A_1820, %dma_wait3A_1821] : memref<4x512x32xf32, #tpu.memory_space<vmem>> -> memref<1x128x32xf32, #tpu.memory_space<vmem>>
    %dma_wait3A_1823 = tpu.memref_squeeze %dma_wait3A_1822 : memref<1x128x32xf32, #tpu.memory_space<vmem>> -> memref<128x32xf32, #tpu.memory_space<vmem>>
    %dma_wait3A_1824 = arith.constant 5888 : i32
    %dma_wait3A_1825 = tpu.memref_slice %arg7[%dma_wait3A_1824] : memref<13312xi32, #tpu.memory_space<vmem>> -> memref<128xi32, #tpu.memory_space<vmem>>
    %dma_wait3A_1826 = arith.constant 0 : i32
    %dma_wait3A_1827 = arith.constant 0 : i32
    %dma_wait3A_1828 = tpu.memref_slice %arg4[%dma_wait3A_1826, %dma_wait3A_1827] : memref<1304576x32xf32, #tpu.memory_space<hbm>> -> memref<1304576x32xf32, #tpu.memory_space<hbm>>
    tpu.wait_indirect_dma semaphore(%arg13 : memref<!tpu.dma_semaphore, #tpu.memory_space<semaphore_mem>>) src(%dma_wait3A_1828 : memref<1304576x32xf32, #tpu.memory_space<hbm>>) dst(%dma_wait3A_1823 : memref<128x32xf32, #tpu.memory_space<vmem>>)
    %dma_wait3A_1829 = arith.constant 3 : i32
    %dma_wait3A_1830 = arith.constant 384 : i32
    %dma_wait3A_1831 = arith.constant 0 : i32
    %dma_wait3A_1832 = tpu.memref_slice %arg8[%dma_wait3A_1829, %dma_wait3A_1830, %dma_wait3A_1831] : memref<4x512x32xf32, #tpu.memory_space<vmem>> -> memref<1x128x32xf32, #tpu.memory_space<vmem>>
    %dma_wait3A_1833 = tpu.memref_squeeze %dma_wait3A_1832 : memref<1x128x32xf32, #tpu.memory_space<vmem>> -> memref<128x32xf32, #tpu.memory_space<vmem>>
    %dma_wait3A_1834 = arith.constant 6016 : i32
    %dma_wait3A_1835 = tpu.memref_slice %arg7[%dma_wait3A_1834] : memref<13312xi32, #tpu.memory_space<vmem>> -> memref<128xi32, #tpu.memory_space<vmem>>
    %dma_wait3A_1836 = arith.constant 0 : i32
    %dma_wait3A_1837 = arith.constant 0 : i32
    %dma_wait3A_1838 = tpu.memref_slice %arg4[%dma_wait3A_1836, %dma_wait3A_1837] : memref<1304576x32xf32, #tpu.memory_space<hbm>> -> memref<1304576x32xf32, #tpu.memory_space<hbm>>
    tpu.wait_indirect_dma semaphore(%arg13 : memref<!tpu.dma_semaphore, #tpu.memory_space<semaphore_mem>>) src(%dma_wait3A_1838 : memref<1304576x32xf32, #tpu.memory_space<hbm>>) dst(%dma_wait3A_1833 : memref<128x32xf32, #tpu.memory_space<vmem>>)
    %dma_start3A_1839 = arith.constant 3 : i32
    %dma_start3A_1840 = arith.constant 0 : i32
    %dma_start3A_1841 = arith.constant 0 : i32
    %dma_start3A_1842 = tpu.memref_slice %arg8[%dma_start3A_1839, %dma_start3A_1840, %dma_start3A_1841] : memref<4x512x32xf32, #tpu.memory_space<vmem>> -> memref<1x512x32xf32, #tpu.memory_space<vmem>>
    %dma_start3A_1843 = tpu.memref_squeeze %dma_start3A_1842 : memref<1x512x32xf32, #tpu.memory_space<vmem>> -> memref<512x32xf32, #tpu.memory_space<vmem>>
    %dma_start3A_1844 = arith.constant 352 : i32
    %dma_start3A_1845 = tpu.memref_slice %arg6[%mul3A_2, %dma_start3A_1844] : memref<16384x832xf32, #tpu.memory_space<hbm>> -> memref<512x32xf32, #tpu.memory_space<hbm>>
    %dma_start3A_1846 = arith.constant 352 : i32
    %dma_start3A_1847 = tpu.memref_slice %arg6[%mul3A_2, %dma_start3A_1846] : memref<16384x832xf32, #tpu.memory_space<hbm>> -> memref<512x32xf32, #tpu.memory_space<hbm>>
    %dma_start3A_1848 = arith.constant 0 : i32
    %dma_start3A_1849 = arith.constant 0 : i32
    %dma_start3A_1850 = tpu.memref_slice %arg8[%dma_start3A_1839, %dma_start3A_1848, %dma_start3A_1849] : memref<4x512x32xf32, #tpu.memory_space<vmem>> -> memref<1x512x32xf32, #tpu.memory_space<vmem>>
    %dma_start3A_1851 = tpu.memref_squeeze %dma_start3A_1850 : memref<1x512x32xf32, #tpu.memory_space<vmem>> -> memref<512x32xf32, #tpu.memory_space<vmem>>
    tpu.enqueue_dma source(%dma_start3A_1851 : memref<512x32xf32, #tpu.memory_space<vmem>>) target(%dma_start3A_1847 : memref<512x32xf32, #tpu.memory_space<hbm>>) target_semaphore(%arg17 : memref<!tpu.dma_semaphore, #tpu.memory_space<semaphore_mem>>)
    %dma_wait3A_1852 = arith.constant 3 : i32
    %dma_wait3A_1853 = arith.constant 0 : i32
    %dma_wait3A_1854 = arith.constant 0 : i32
    %dma_wait3A_1855 = tpu.memref_slice %arg8[%dma_wait3A_1852, %dma_wait3A_1853, %dma_wait3A_1854] : memref<4x512x32xf32, #tpu.memory_space<vmem>> -> memref<1x512x32xf32, #tpu.memory_space<vmem>>
    %dma_wait3A_1856 = tpu.memref_squeeze %dma_wait3A_1855 : memref<1x512x32xf32, #tpu.memory_space<vmem>> -> memref<512x32xf32, #tpu.memory_space<vmem>>
    %dma_wait3A_1857 = arith.constant 352 : i32
    %dma_wait3A_1858 = tpu.memref_slice %arg6[%mul3A_2, %dma_wait3A_1857] : memref<16384x832xf32, #tpu.memory_space<hbm>> -> memref<512x32xf32, #tpu.memory_space<hbm>>
    %dma_wait3A_1859 = arith.constant 352 : i32
    %dma_wait3A_1860 = tpu.memref_slice %arg6[%mul3A_2, %dma_wait3A_1859] : memref<16384x832xf32, #tpu.memory_space<hbm>> -> memref<512x32xf32, #tpu.memory_space<hbm>>
    %dma_wait3A_1861 = arith.constant 0 : i32
    %dma_wait3A_1862 = arith.constant 0 : i32
    %dma_wait3A_1863 = tpu.memref_slice %arg8[%dma_wait3A_1852, %dma_wait3A_1861, %dma_wait3A_1862] : memref<4x512x32xf32, #tpu.memory_space<vmem>> -> memref<1x512x32xf32, #tpu.memory_space<vmem>>
    %dma_wait3A_1864 = tpu.memref_squeeze %dma_wait3A_1863 : memref<1x512x32xf32, #tpu.memory_space<vmem>> -> memref<512x32xf32, #tpu.memory_space<vmem>>
    tpu.wait_dma2 semaphore(%arg17 : memref<!tpu.dma_semaphore, #tpu.memory_space<semaphore_mem>>) src(%dma_wait3A_1864 : memref<512x32xf32, #tpu.memory_space<vmem>>) dst(%dma_wait3A_1860 : memref<512x32xf32, #tpu.memory_space<hbm>>)
    %dma_start3A_1865 = arith.constant 3 : i32
    %dma_start3A_1866 = arith.constant 0 : i32
    %dma_start3A_1867 = arith.constant 0 : i32
    %dma_start3A_1868 = tpu.memref_slice %arg8[%dma_start3A_1865, %dma_start3A_1866, %dma_start3A_1867] : memref<4x512x32xf32, #tpu.memory_space<vmem>> -> memref<1x128x32xf32, #tpu.memory_space<vmem>>
    %dma_start3A_1869 = tpu.memref_squeeze %dma_start3A_1868 : memref<1x128x32xf32, #tpu.memory_space<vmem>> -> memref<128x32xf32, #tpu.memory_space<vmem>>
    %dma_start3A_1870 = arith.constant 7680 : i32
    %dma_start3A_1871 = tpu.memref_slice %arg7[%dma_start3A_1870] : memref<13312xi32, #tpu.memory_space<vmem>> -> memref<128xi32, #tpu.memory_space<vmem>>
    %dma_start3A_1872 = arith.constant 0 : i32
    %dma_start3A_1873 = arith.constant 0 : i32
    %dma_start3A_1874 = tpu.memref_slice %arg5[%dma_start3A_1872, %dma_start3A_1873] : memref<1304576x32xf32, #tpu.memory_space<hbm>> -> memref<1304576x32xf32, #tpu.memory_space<hbm>>
    tpu.enqueue_indirect_dma source(%dma_start3A_1874 : memref<1304576x32xf32, #tpu.memory_space<hbm>>) target(%dma_start3A_1869 : memref<128x32xf32, #tpu.memory_space<vmem>>) offsets(%dma_start3A_1871 : memref<128xi32, #tpu.memory_space<vmem>>) semaphore(%arg13 : memref<!tpu.dma_semaphore, #tpu.memory_space<semaphore_mem>>)
    %dma_start3A_1875 = arith.constant 3 : i32
    %dma_start3A_1876 = arith.constant 128 : i32
    %dma_start3A_1877 = arith.constant 0 : i32
    %dma_start3A_1878 = tpu.memref_slice %arg8[%dma_start3A_1875, %dma_start3A_1876, %dma_start3A_1877] : memref<4x512x32xf32, #tpu.memory_space<vmem>> -> memref<1x128x32xf32, #tpu.memory_space<vmem>>
    %dma_start3A_1879 = tpu.memref_squeeze %dma_start3A_1878 : memref<1x128x32xf32, #tpu.memory_space<vmem>> -> memref<128x32xf32, #tpu.memory_space<vmem>>
    %dma_start3A_1880 = arith.constant 7808 : i32
    %dma_start3A_1881 = tpu.memref_slice %arg7[%dma_start3A_1880] : memref<13312xi32, #tpu.memory_space<vmem>> -> memref<128xi32, #tpu.memory_space<vmem>>
    %dma_start3A_1882 = arith.constant 0 : i32
    %dma_start3A_1883 = arith.constant 0 : i32
    %dma_start3A_1884 = tpu.memref_slice %arg5[%dma_start3A_1882, %dma_start3A_1883] : memref<1304576x32xf32, #tpu.memory_space<hbm>> -> memref<1304576x32xf32, #tpu.memory_space<hbm>>
    tpu.enqueue_indirect_dma source(%dma_start3A_1884 : memref<1304576x32xf32, #tpu.memory_space<hbm>>) target(%dma_start3A_1879 : memref<128x32xf32, #tpu.memory_space<vmem>>) offsets(%dma_start3A_1881 : memref<128xi32, #tpu.memory_space<vmem>>) semaphore(%arg13 : memref<!tpu.dma_semaphore, #tpu.memory_space<semaphore_mem>>)
    %dma_start3A_1885 = arith.constant 3 : i32
    %dma_start3A_1886 = arith.constant 256 : i32
    %dma_start3A_1887 = arith.constant 0 : i32
    %dma_start3A_1888 = tpu.memref_slice %arg8[%dma_start3A_1885, %dma_start3A_1886, %dma_start3A_1887] : memref<4x512x32xf32, #tpu.memory_space<vmem>> -> memref<1x128x32xf32, #tpu.memory_space<vmem>>
    %dma_start3A_1889 = tpu.memref_squeeze %dma_start3A_1888 : memref<1x128x32xf32, #tpu.memory_space<vmem>> -> memref<128x32xf32, #tpu.memory_space<vmem>>
    %dma_start3A_1890 = arith.constant 7936 : i32
    %dma_start3A_1891 = tpu.memref_slice %arg7[%dma_start3A_1890] : memref<13312xi32, #tpu.memory_space<vmem>> -> memref<128xi32, #tpu.memory_space<vmem>>
    %dma_start3A_1892 = arith.constant 0 : i32
    %dma_start3A_1893 = arith.constant 0 : i32
    %dma_start3A_1894 = tpu.memref_slice %arg5[%dma_start3A_1892, %dma_start3A_1893] : memref<1304576x32xf32, #tpu.memory_space<hbm>> -> memref<1304576x32xf32, #tpu.memory_space<hbm>>
    tpu.enqueue_indirect_dma source(%dma_start3A_1894 : memref<1304576x32xf32, #tpu.memory_space<hbm>>) target(%dma_start3A_1889 : memref<128x32xf32, #tpu.memory_space<vmem>>) offsets(%dma_start3A_1891 : memref<128xi32, #tpu.memory_space<vmem>>) semaphore(%arg13 : memref<!tpu.dma_semaphore, #tpu.memory_space<semaphore_mem>>)
    %dma_start3A_1895 = arith.constant 3 : i32
    %dma_start3A_1896 = arith.constant 384 : i32
    %dma_start3A_1897 = arith.constant 0 : i32
    %dma_start3A_1898 = tpu.memref_slice %arg8[%dma_start3A_1895, %dma_start3A_1896, %dma_start3A_1897] : memref<4x512x32xf32, #tpu.memory_space<vmem>> -> memref<1x128x32xf32, #tpu.memory_space<vmem>>
    %dma_start3A_1899 = tpu.memref_squeeze %dma_start3A_1898 : memref<1x128x32xf32, #tpu.memory_space<vmem>> -> memref<128x32xf32, #tpu.memory_space<vmem>>
    %dma_start3A_1900 = arith.constant 8064 : i32
    %dma_start3A_1901 = tpu.memref_slice %arg7[%dma_start3A_1900] : memref<13312xi32, #tpu.memory_space<vmem>> -> memref<128xi32, #tpu.memory_space<vmem>>
    %dma_start3A_1902 = arith.constant 0 : i32
    %dma_start3A_1903 = arith.constant 0 : i32
    %dma_start3A_1904 = tpu.memref_slice %arg5[%dma_start3A_1902, %dma_start3A_1903] : memref<1304576x32xf32, #tpu.memory_space<hbm>> -> memref<1304576x32xf32, #tpu.memory_space<hbm>>
    tpu.enqueue_indirect_dma source(%dma_start3A_1904 : memref<1304576x32xf32, #tpu.memory_space<hbm>>) target(%dma_start3A_1899 : memref<128x32xf32, #tpu.memory_space<vmem>>) offsets(%dma_start3A_1901 : memref<128xi32, #tpu.memory_space<vmem>>) semaphore(%arg13 : memref<!tpu.dma_semaphore, #tpu.memory_space<semaphore_mem>>)
    %dma_wait3A_1905 = arith.constant 0 : i32
    %dma_wait3A_1906 = arith.constant 0 : i32
    %dma_wait3A_1907 = arith.constant 0 : i32
    %dma_wait3A_1908 = tpu.memref_slice %arg8[%dma_wait3A_1905, %dma_wait3A_1906, %dma_wait3A_1907] : memref<4x512x32xf32, #tpu.memory_space<vmem>> -> memref<1x128x32xf32, #tpu.memory_space<vmem>>
    %dma_wait3A_1909 = tpu.memref_squeeze %dma_wait3A_1908 : memref<1x128x32xf32, #tpu.memory_space<vmem>> -> memref<128x32xf32, #tpu.memory_space<vmem>>
    %dma_wait3A_1910 = arith.constant 6144 : i32
    %dma_wait3A_1911 = tpu.memref_slice %arg7[%dma_wait3A_1910] : memref<13312xi32, #tpu.memory_space<vmem>> -> memref<128xi32, #tpu.memory_space<vmem>>
    %dma_wait3A_1912 = arith.constant 0 : i32
    %dma_wait3A_1913 = arith.constant 0 : i32
    %dma_wait3A_1914 = tpu.memref_slice %arg4[%dma_wait3A_1912, %dma_wait3A_1913] : memref<1304576x32xf32, #tpu.memory_space<hbm>> -> memref<1304576x32xf32, #tpu.memory_space<hbm>>
    tpu.wait_indirect_dma semaphore(%arg10 : memref<!tpu.dma_semaphore, #tpu.memory_space<semaphore_mem>>) src(%dma_wait3A_1914 : memref<1304576x32xf32, #tpu.memory_space<hbm>>) dst(%dma_wait3A_1909 : memref<128x32xf32, #tpu.memory_space<vmem>>)
    %dma_wait3A_1915 = arith.constant 0 : i32
    %dma_wait3A_1916 = arith.constant 128 : i32
    %dma_wait3A_1917 = arith.constant 0 : i32
    %dma_wait3A_1918 = tpu.memref_slice %arg8[%dma_wait3A_1915, %dma_wait3A_1916, %dma_wait3A_1917] : memref<4x512x32xf32, #tpu.memory_space<vmem>> -> memref<1x128x32xf32, #tpu.memory_space<vmem>>
    %dma_wait3A_1919 = tpu.memref_squeeze %dma_wait3A_1918 : memref<1x128x32xf32, #tpu.memory_space<vmem>> -> memref<128x32xf32, #tpu.memory_space<vmem>>
    %dma_wait3A_1920 = arith.constant 6272 : i32
    %dma_wait3A_1921 = tpu.memref_slice %arg7[%dma_wait3A_1920] : memref<13312xi32, #tpu.memory_space<vmem>> -> memref<128xi32, #tpu.memory_space<vmem>>
    %dma_wait3A_1922 = arith.constant 0 : i32
    %dma_wait3A_1923 = arith.constant 0 : i32
    %dma_wait3A_1924 = tpu.memref_slice %arg4[%dma_wait3A_1922, %dma_wait3A_1923] : memref<1304576x32xf32, #tpu.memory_space<hbm>> -> memref<1304576x32xf32, #tpu.memory_space<hbm>>
    tpu.wait_indirect_dma semaphore(%arg10 : memref<!tpu.dma_semaphore, #tpu.memory_space<semaphore_mem>>) src(%dma_wait3A_1924 : memref<1304576x32xf32, #tpu.memory_space<hbm>>) dst(%dma_wait3A_1919 : memref<128x32xf32, #tpu.memory_space<vmem>>)
    %dma_wait3A_1925 = arith.constant 0 : i32
    %dma_wait3A_1926 = arith.constant 256 : i32
    %dma_wait3A_1927 = arith.constant 0 : i32
    %dma_wait3A_1928 = tpu.memref_slice %arg8[%dma_wait3A_1925, %dma_wait3A_1926, %dma_wait3A_1927] : memref<4x512x32xf32, #tpu.memory_space<vmem>> -> memref<1x128x32xf32, #tpu.memory_space<vmem>>
    %dma_wait3A_1929 = tpu.memref_squeeze %dma_wait3A_1928 : memref<1x128x32xf32, #tpu.memory_space<vmem>> -> memref<128x32xf32, #tpu.memory_space<vmem>>
    %dma_wait3A_1930 = arith.constant 6400 : i32
    %dma_wait3A_1931 = tpu.memref_slice %arg7[%dma_wait3A_1930] : memref<13312xi32, #tpu.memory_space<vmem>> -> memref<128xi32, #tpu.memory_space<vmem>>
    %dma_wait3A_1932 = arith.constant 0 : i32
    %dma_wait3A_1933 = arith.constant 0 : i32
    %dma_wait3A_1934 = tpu.memref_slice %arg4[%dma_wait3A_1932, %dma_wait3A_1933] : memref<1304576x32xf32, #tpu.memory_space<hbm>> -> memref<1304576x32xf32, #tpu.memory_space<hbm>>
    tpu.wait_indirect_dma semaphore(%arg10 : memref<!tpu.dma_semaphore, #tpu.memory_space<semaphore_mem>>) src(%dma_wait3A_1934 : memref<1304576x32xf32, #tpu.memory_space<hbm>>) dst(%dma_wait3A_1929 : memref<128x32xf32, #tpu.memory_space<vmem>>)
    %dma_wait3A_1935 = arith.constant 0 : i32
    %dma_wait3A_1936 = arith.constant 384 : i32
    %dma_wait3A_1937 = arith.constant 0 : i32
    %dma_wait3A_1938 = tpu.memref_slice %arg8[%dma_wait3A_1935, %dma_wait3A_1936, %dma_wait3A_1937] : memref<4x512x32xf32, #tpu.memory_space<vmem>> -> memref<1x128x32xf32, #tpu.memory_space<vmem>>
    %dma_wait3A_1939 = tpu.memref_squeeze %dma_wait3A_1938 : memref<1x128x32xf32, #tpu.memory_space<vmem>> -> memref<128x32xf32, #tpu.memory_space<vmem>>
    %dma_wait3A_1940 = arith.constant 6528 : i32
    %dma_wait3A_1941 = tpu.memref_slice %arg7[%dma_wait3A_1940] : memref<13312xi32, #tpu.memory_space<vmem>> -> memref<128xi32, #tpu.memory_space<vmem>>
    %dma_wait3A_1942 = arith.constant 0 : i32
    %dma_wait3A_1943 = arith.constant 0 : i32
    %dma_wait3A_1944 = tpu.memref_slice %arg4[%dma_wait3A_1942, %dma_wait3A_1943] : memref<1304576x32xf32, #tpu.memory_space<hbm>> -> memref<1304576x32xf32, #tpu.memory_space<hbm>>
    tpu.wait_indirect_dma semaphore(%arg10 : memref<!tpu.dma_semaphore, #tpu.memory_space<semaphore_mem>>) src(%dma_wait3A_1944 : memref<1304576x32xf32, #tpu.memory_space<hbm>>) dst(%dma_wait3A_1939 : memref<128x32xf32, #tpu.memory_space<vmem>>)
    %dma_start3A_1945 = arith.constant 0 : i32
    %dma_start3A_1946 = arith.constant 0 : i32
    %dma_start3A_1947 = arith.constant 0 : i32
    %dma_start3A_1948 = tpu.memref_slice %arg8[%dma_start3A_1945, %dma_start3A_1946, %dma_start3A_1947] : memref<4x512x32xf32, #tpu.memory_space<vmem>> -> memref<1x512x32xf32, #tpu.memory_space<vmem>>
    %dma_start3A_1949 = tpu.memref_squeeze %dma_start3A_1948 : memref<1x512x32xf32, #tpu.memory_space<vmem>> -> memref<512x32xf32, #tpu.memory_space<vmem>>
    %dma_start3A_1950 = arith.constant 384 : i32
    %dma_start3A_1951 = tpu.memref_slice %arg6[%mul3A_2, %dma_start3A_1950] : memref<16384x832xf32, #tpu.memory_space<hbm>> -> memref<512x32xf32, #tpu.memory_space<hbm>>
    %dma_start3A_1952 = arith.constant 384 : i32
    %dma_start3A_1953 = tpu.memref_slice %arg6[%mul3A_2, %dma_start3A_1952] : memref<16384x832xf32, #tpu.memory_space<hbm>> -> memref<512x32xf32, #tpu.memory_space<hbm>>
    %dma_start3A_1954 = arith.constant 0 : i32
    %dma_start3A_1955 = arith.constant 0 : i32
    %dma_start3A_1956 = tpu.memref_slice %arg8[%dma_start3A_1945, %dma_start3A_1954, %dma_start3A_1955] : memref<4x512x32xf32, #tpu.memory_space<vmem>> -> memref<1x512x32xf32, #tpu.memory_space<vmem>>
    %dma_start3A_1957 = tpu.memref_squeeze %dma_start3A_1956 : memref<1x512x32xf32, #tpu.memory_space<vmem>> -> memref<512x32xf32, #tpu.memory_space<vmem>>
    tpu.enqueue_dma source(%dma_start3A_1957 : memref<512x32xf32, #tpu.memory_space<vmem>>) target(%dma_start3A_1953 : memref<512x32xf32, #tpu.memory_space<hbm>>) target_semaphore(%arg14 : memref<!tpu.dma_semaphore, #tpu.memory_space<semaphore_mem>>)
    %dma_wait3A_1958 = arith.constant 0 : i32
    %dma_wait3A_1959 = arith.constant 0 : i32
    %dma_wait3A_1960 = arith.constant 0 : i32
    %dma_wait3A_1961 = tpu.memref_slice %arg8[%dma_wait3A_1958, %dma_wait3A_1959, %dma_wait3A_1960] : memref<4x512x32xf32, #tpu.memory_space<vmem>> -> memref<1x512x32xf32, #tpu.memory_space<vmem>>
    %dma_wait3A_1962 = tpu.memref_squeeze %dma_wait3A_1961 : memref<1x512x32xf32, #tpu.memory_space<vmem>> -> memref<512x32xf32, #tpu.memory_space<vmem>>
    %dma_wait3A_1963 = arith.constant 384 : i32
    %dma_wait3A_1964 = tpu.memref_slice %arg6[%mul3A_2, %dma_wait3A_1963] : memref<16384x832xf32, #tpu.memory_space<hbm>> -> memref<512x32xf32, #tpu.memory_space<hbm>>
    %dma_wait3A_1965 = arith.constant 384 : i32
    %dma_wait3A_1966 = tpu.memref_slice %arg6[%mul3A_2, %dma_wait3A_1965] : memref<16384x832xf32, #tpu.memory_space<hbm>> -> memref<512x32xf32, #tpu.memory_space<hbm>>
    %dma_wait3A_1967 = arith.constant 0 : i32
    %dma_wait3A_1968 = arith.constant 0 : i32
    %dma_wait3A_1969 = tpu.memref_slice %arg8[%dma_wait3A_1958, %dma_wait3A_1967, %dma_wait3A_1968] : memref<4x512x32xf32, #tpu.memory_space<vmem>> -> memref<1x512x32xf32, #tpu.memory_space<vmem>>
    %dma_wait3A_1970 = tpu.memref_squeeze %dma_wait3A_1969 : memref<1x512x32xf32, #tpu.memory_space<vmem>> -> memref<512x32xf32, #tpu.memory_space<vmem>>
    tpu.wait_dma2 semaphore(%arg14 : memref<!tpu.dma_semaphore, #tpu.memory_space<semaphore_mem>>) src(%dma_wait3A_1970 : memref<512x32xf32, #tpu.memory_space<vmem>>) dst(%dma_wait3A_1966 : memref<512x32xf32, #tpu.memory_space<hbm>>)
    %dma_start3A_1971 = arith.constant 0 : i32
    %dma_start3A_1972 = arith.constant 0 : i32
    %dma_start3A_1973 = arith.constant 0 : i32
    %dma_start3A_1974 = tpu.memref_slice %arg8[%dma_start3A_1971, %dma_start3A_1972, %dma_start3A_1973] : memref<4x512x32xf32, #tpu.memory_space<vmem>> -> memref<1x128x32xf32, #tpu.memory_space<vmem>>
    %dma_start3A_1975 = tpu.memref_squeeze %dma_start3A_1974 : memref<1x128x32xf32, #tpu.memory_space<vmem>> -> memref<128x32xf32, #tpu.memory_space<vmem>>
    %dma_start3A_1976 = arith.constant 8192 : i32
    %dma_start3A_1977 = tpu.memref_slice %arg7[%dma_start3A_1976] : memref<13312xi32, #tpu.memory_space<vmem>> -> memref<128xi32, #tpu.memory_space<vmem>>
    %dma_start3A_1978 = arith.constant 0 : i32
    %dma_start3A_1979 = arith.constant 0 : i32
    %dma_start3A_1980 = tpu.memref_slice %arg5[%dma_start3A_1978, %dma_start3A_1979] : memref<1304576x32xf32, #tpu.memory_space<hbm>> -> memref<1304576x32xf32, #tpu.memory_space<hbm>>
    tpu.enqueue_indirect_dma source(%dma_start3A_1980 : memref<1304576x32xf32, #tpu.memory_space<hbm>>) target(%dma_start3A_1975 : memref<128x32xf32, #tpu.memory_space<vmem>>) offsets(%dma_start3A_1977 : memref<128xi32, #tpu.memory_space<vmem>>) semaphore(%arg10 : memref<!tpu.dma_semaphore, #tpu.memory_space<semaphore_mem>>)
    %dma_start3A_1981 = arith.constant 0 : i32
    %dma_start3A_1982 = arith.constant 128 : i32
    %dma_start3A_1983 = arith.constant 0 : i32
    %dma_start3A_1984 = tpu.memref_slice %arg8[%dma_start3A_1981, %dma_start3A_1982, %dma_start3A_1983] : memref<4x512x32xf32, #tpu.memory_space<vmem>> -> memref<1x128x32xf32, #tpu.memory_space<vmem>>
    %dma_start3A_1985 = tpu.memref_squeeze %dma_start3A_1984 : memref<1x128x32xf32, #tpu.memory_space<vmem>> -> memref<128x32xf32, #tpu.memory_space<vmem>>
    %dma_start3A_1986 = arith.constant 8320 : i32
    %dma_start3A_1987 = tpu.memref_slice %arg7[%dma_start3A_1986] : memref<13312xi32, #tpu.memory_space<vmem>> -> memref<128xi32, #tpu.memory_space<vmem>>
    %dma_start3A_1988 = arith.constant 0 : i32
    %dma_start3A_1989 = arith.constant 0 : i32
    %dma_start3A_1990 = tpu.memref_slice %arg5[%dma_start3A_1988, %dma_start3A_1989] : memref<1304576x32xf32, #tpu.memory_space<hbm>> -> memref<1304576x32xf32, #tpu.memory_space<hbm>>
    tpu.enqueue_indirect_dma source(%dma_start3A_1990 : memref<1304576x32xf32, #tpu.memory_space<hbm>>) target(%dma_start3A_1985 : memref<128x32xf32, #tpu.memory_space<vmem>>) offsets(%dma_start3A_1987 : memref<128xi32, #tpu.memory_space<vmem>>) semaphore(%arg10 : memref<!tpu.dma_semaphore, #tpu.memory_space<semaphore_mem>>)
    %dma_start3A_1991 = arith.constant 0 : i32
    %dma_start3A_1992 = arith.constant 256 : i32
    %dma_start3A_1993 = arith.constant 0 : i32
    %dma_start3A_1994 = tpu.memref_slice %arg8[%dma_start3A_1991, %dma_start3A_1992, %dma_start3A_1993] : memref<4x512x32xf32, #tpu.memory_space<vmem>> -> memref<1x128x32xf32, #tpu.memory_space<vmem>>
    %dma_start3A_1995 = tpu.memref_squeeze %dma_start3A_1994 : memref<1x128x32xf32, #tpu.memory_space<vmem>> -> memref<128x32xf32, #tpu.memory_space<vmem>>
    %dma_start3A_1996 = arith.constant 8448 : i32
    %dma_start3A_1997 = tpu.memref_slice %arg7[%dma_start3A_1996] : memref<13312xi32, #tpu.memory_space<vmem>> -> memref<128xi32, #tpu.memory_space<vmem>>
    %dma_start3A_1998 = arith.constant 0 : i32
    %dma_start3A_1999 = arith.constant 0 : i32
    %dma_start3A_2000 = tpu.memref_slice %arg5[%dma_start3A_1998, %dma_start3A_1999] : memref<1304576x32xf32, #tpu.memory_space<hbm>> -> memref<1304576x32xf32, #tpu.memory_space<hbm>>
    tpu.enqueue_indirect_dma source(%dma_start3A_2000 : memref<1304576x32xf32, #tpu.memory_space<hbm>>) target(%dma_start3A_1995 : memref<128x32xf32, #tpu.memory_space<vmem>>) offsets(%dma_start3A_1997 : memref<128xi32, #tpu.memory_space<vmem>>) semaphore(%arg10 : memref<!tpu.dma_semaphore, #tpu.memory_space<semaphore_mem>>)
    %dma_start3A_2001 = arith.constant 0 : i32
    %dma_start3A_2002 = arith.constant 384 : i32
    %dma_start3A_2003 = arith.constant 0 : i32
    %dma_start3A_2004 = tpu.memref_slice %arg8[%dma_start3A_2001, %dma_start3A_2002, %dma_start3A_2003] : memref<4x512x32xf32, #tpu.memory_space<vmem>> -> memref<1x128x32xf32, #tpu.memory_space<vmem>>
    %dma_start3A_2005 = tpu.memref_squeeze %dma_start3A_2004 : memref<1x128x32xf32, #tpu.memory_space<vmem>> -> memref<128x32xf32, #tpu.memory_space<vmem>>
    %dma_start3A_2006 = arith.constant 8576 : i32
    %dma_start3A_2007 = tpu.memref_slice %arg7[%dma_start3A_2006] : memref<13312xi32, #tpu.memory_space<vmem>> -> memref<128xi32, #tpu.memory_space<vmem>>
    %dma_start3A_2008 = arith.constant 0 : i32
    %dma_start3A_2009 = arith.constant 0 : i32
    %dma_start3A_2010 = tpu.memref_slice %arg5[%dma_start3A_2008, %dma_start3A_2009] : memref<1304576x32xf32, #tpu.memory_space<hbm>> -> memref<1304576x32xf32, #tpu.memory_space<hbm>>
    tpu.enqueue_indirect_dma source(%dma_start3A_2010 : memref<1304576x32xf32, #tpu.memory_space<hbm>>) target(%dma_start3A_2005 : memref<128x32xf32, #tpu.memory_space<vmem>>) offsets(%dma_start3A_2007 : memref<128xi32, #tpu.memory_space<vmem>>) semaphore(%arg10 : memref<!tpu.dma_semaphore, #tpu.memory_space<semaphore_mem>>)
    %dma_wait3A_2011 = arith.constant 1 : i32
    %dma_wait3A_2012 = arith.constant 0 : i32
    %dma_wait3A_2013 = arith.constant 0 : i32
    %dma_wait3A_2014 = tpu.memref_slice %arg8[%dma_wait3A_2011, %dma_wait3A_2012, %dma_wait3A_2013] : memref<4x512x32xf32, #tpu.memory_space<vmem>> -> memref<1x128x32xf32, #tpu.memory_space<vmem>>
    %dma_wait3A_2015 = tpu.memref_squeeze %dma_wait3A_2014 : memref<1x128x32xf32, #tpu.memory_space<vmem>> -> memref<128x32xf32, #tpu.memory_space<vmem>>
    %dma_wait3A_2016 = arith.constant 6656 : i32
    %dma_wait3A_2017 = tpu.memref_slice %arg7[%dma_wait3A_2016] : memref<13312xi32, #tpu.memory_space<vmem>> -> memref<128xi32, #tpu.memory_space<vmem>>
    %dma_wait3A_2018 = arith.constant 0 : i32
    %dma_wait3A_2019 = arith.constant 0 : i32
    %dma_wait3A_2020 = tpu.memref_slice %arg5[%dma_wait3A_2018, %dma_wait3A_2019] : memref<1304576x32xf32, #tpu.memory_space<hbm>> -> memref<1304576x32xf32, #tpu.memory_space<hbm>>
    tpu.wait_indirect_dma semaphore(%arg11 : memref<!tpu.dma_semaphore, #tpu.memory_space<semaphore_mem>>) src(%dma_wait3A_2020 : memref<1304576x32xf32, #tpu.memory_space<hbm>>) dst(%dma_wait3A_2015 : memref<128x32xf32, #tpu.memory_space<vmem>>)
    %dma_wait3A_2021 = arith.constant 1 : i32
    %dma_wait3A_2022 = arith.constant 128 : i32
    %dma_wait3A_2023 = arith.constant 0 : i32
    %dma_wait3A_2024 = tpu.memref_slice %arg8[%dma_wait3A_2021, %dma_wait3A_2022, %dma_wait3A_2023] : memref<4x512x32xf32, #tpu.memory_space<vmem>> -> memref<1x128x32xf32, #tpu.memory_space<vmem>>
    %dma_wait3A_2025 = tpu.memref_squeeze %dma_wait3A_2024 : memref<1x128x32xf32, #tpu.memory_space<vmem>> -> memref<128x32xf32, #tpu.memory_space<vmem>>
    %dma_wait3A_2026 = arith.constant 6784 : i32
    %dma_wait3A_2027 = tpu.memref_slice %arg7[%dma_wait3A_2026] : memref<13312xi32, #tpu.memory_space<vmem>> -> memref<128xi32, #tpu.memory_space<vmem>>
    %dma_wait3A_2028 = arith.constant 0 : i32
    %dma_wait3A_2029 = arith.constant 0 : i32
    %dma_wait3A_2030 = tpu.memref_slice %arg5[%dma_wait3A_2028, %dma_wait3A_2029] : memref<1304576x32xf32, #tpu.memory_space<hbm>> -> memref<1304576x32xf32, #tpu.memory_space<hbm>>
    tpu.wait_indirect_dma semaphore(%arg11 : memref<!tpu.dma_semaphore, #tpu.memory_space<semaphore_mem>>) src(%dma_wait3A_2030 : memref<1304576x32xf32, #tpu.memory_space<hbm>>) dst(%dma_wait3A_2025 : memref<128x32xf32, #tpu.memory_space<vmem>>)
    %dma_wait3A_2031 = arith.constant 1 : i32
    %dma_wait3A_2032 = arith.constant 256 : i32
    %dma_wait3A_2033 = arith.constant 0 : i32
    %dma_wait3A_2034 = tpu.memref_slice %arg8[%dma_wait3A_2031, %dma_wait3A_2032, %dma_wait3A_2033] : memref<4x512x32xf32, #tpu.memory_space<vmem>> -> memref<1x128x32xf32, #tpu.memory_space<vmem>>
    %dma_wait3A_2035 = tpu.memref_squeeze %dma_wait3A_2034 : memref<1x128x32xf32, #tpu.memory_space<vmem>> -> memref<128x32xf32, #tpu.memory_space<vmem>>
    %dma_wait3A_2036 = arith.constant 6912 : i32
    %dma_wait3A_2037 = tpu.memref_slice %arg7[%dma_wait3A_2036] : memref<13312xi32, #tpu.memory_space<vmem>> -> memref<128xi32, #tpu.memory_space<vmem>>
    %dma_wait3A_2038 = arith.constant 0 : i32
    %dma_wait3A_2039 = arith.constant 0 : i32
    %dma_wait3A_2040 = tpu.memref_slice %arg5[%dma_wait3A_2038, %dma_wait3A_2039] : memref<1304576x32xf32, #tpu.memory_space<hbm>> -> memref<1304576x32xf32, #tpu.memory_space<hbm>>
    tpu.wait_indirect_dma semaphore(%arg11 : memref<!tpu.dma_semaphore, #tpu.memory_space<semaphore_mem>>) src(%dma_wait3A_2040 : memref<1304576x32xf32, #tpu.memory_space<hbm>>) dst(%dma_wait3A_2035 : memref<128x32xf32, #tpu.memory_space<vmem>>)
    %dma_wait3A_2041 = arith.constant 1 : i32
    %dma_wait3A_2042 = arith.constant 384 : i32
    %dma_wait3A_2043 = arith.constant 0 : i32
    %dma_wait3A_2044 = tpu.memref_slice %arg8[%dma_wait3A_2041, %dma_wait3A_2042, %dma_wait3A_2043] : memref<4x512x32xf32, #tpu.memory_space<vmem>> -> memref<1x128x32xf32, #tpu.memory_space<vmem>>
    %dma_wait3A_2045 = tpu.memref_squeeze %dma_wait3A_2044 : memref<1x128x32xf32, #tpu.memory_space<vmem>> -> memref<128x32xf32, #tpu.memory_space<vmem>>
    %dma_wait3A_2046 = arith.constant 7040 : i32
    %dma_wait3A_2047 = tpu.memref_slice %arg7[%dma_wait3A_2046] : memref<13312xi32, #tpu.memory_space<vmem>> -> memref<128xi32, #tpu.memory_space<vmem>>
    %dma_wait3A_2048 = arith.constant 0 : i32
    %dma_wait3A_2049 = arith.constant 0 : i32
    %dma_wait3A_2050 = tpu.memref_slice %arg5[%dma_wait3A_2048, %dma_wait3A_2049] : memref<1304576x32xf32, #tpu.memory_space<hbm>> -> memref<1304576x32xf32, #tpu.memory_space<hbm>>
    tpu.wait_indirect_dma semaphore(%arg11 : memref<!tpu.dma_semaphore, #tpu.memory_space<semaphore_mem>>) src(%dma_wait3A_2050 : memref<1304576x32xf32, #tpu.memory_space<hbm>>) dst(%dma_wait3A_2045 : memref<128x32xf32, #tpu.memory_space<vmem>>)
    %dma_start3A_2051 = arith.constant 1 : i32
    %dma_start3A_2052 = arith.constant 0 : i32
    %dma_start3A_2053 = arith.constant 0 : i32
    %dma_start3A_2054 = tpu.memref_slice %arg8[%dma_start3A_2051, %dma_start3A_2052, %dma_start3A_2053] : memref<4x512x32xf32, #tpu.memory_space<vmem>> -> memref<1x512x32xf32, #tpu.memory_space<vmem>>
    %dma_start3A_2055 = tpu.memref_squeeze %dma_start3A_2054 : memref<1x512x32xf32, #tpu.memory_space<vmem>> -> memref<512x32xf32, #tpu.memory_space<vmem>>
    %dma_start3A_2056 = arith.constant 416 : i32
    %dma_start3A_2057 = tpu.memref_slice %arg6[%mul3A_2, %dma_start3A_2056] : memref<16384x832xf32, #tpu.memory_space<hbm>> -> memref<512x32xf32, #tpu.memory_space<hbm>>
    %dma_start3A_2058 = arith.constant 416 : i32
    %dma_start3A_2059 = tpu.memref_slice %arg6[%mul3A_2, %dma_start3A_2058] : memref<16384x832xf32, #tpu.memory_space<hbm>> -> memref<512x32xf32, #tpu.memory_space<hbm>>
    %dma_start3A_2060 = arith.constant 0 : i32
    %dma_start3A_2061 = arith.constant 0 : i32
    %dma_start3A_2062 = tpu.memref_slice %arg8[%dma_start3A_2051, %dma_start3A_2060, %dma_start3A_2061] : memref<4x512x32xf32, #tpu.memory_space<vmem>> -> memref<1x512x32xf32, #tpu.memory_space<vmem>>
    %dma_start3A_2063 = tpu.memref_squeeze %dma_start3A_2062 : memref<1x512x32xf32, #tpu.memory_space<vmem>> -> memref<512x32xf32, #tpu.memory_space<vmem>>
    tpu.enqueue_dma source(%dma_start3A_2063 : memref<512x32xf32, #tpu.memory_space<vmem>>) target(%dma_start3A_2059 : memref<512x32xf32, #tpu.memory_space<hbm>>) target_semaphore(%arg15 : memref<!tpu.dma_semaphore, #tpu.memory_space<semaphore_mem>>)
    %dma_wait3A_2064 = arith.constant 1 : i32
    %dma_wait3A_2065 = arith.constant 0 : i32
    %dma_wait3A_2066 = arith.constant 0 : i32
    %dma_wait3A_2067 = tpu.memref_slice %arg8[%dma_wait3A_2064, %dma_wait3A_2065, %dma_wait3A_2066] : memref<4x512x32xf32, #tpu.memory_space<vmem>> -> memref<1x512x32xf32, #tpu.memory_space<vmem>>
    %dma_wait3A_2068 = tpu.memref_squeeze %dma_wait3A_2067 : memref<1x512x32xf32, #tpu.memory_space<vmem>> -> memref<512x32xf32, #tpu.memory_space<vmem>>
    %dma_wait3A_2069 = arith.constant 416 : i32
    %dma_wait3A_2070 = tpu.memref_slice %arg6[%mul3A_2, %dma_wait3A_2069] : memref<16384x832xf32, #tpu.memory_space<hbm>> -> memref<512x32xf32, #tpu.memory_space<hbm>>
    %dma_wait3A_2071 = arith.constant 416 : i32
    %dma_wait3A_2072 = tpu.memref_slice %arg6[%mul3A_2, %dma_wait3A_2071] : memref<16384x832xf32, #tpu.memory_space<hbm>> -> memref<512x32xf32, #tpu.memory_space<hbm>>
    %dma_wait3A_2073 = arith.constant 0 : i32
    %dma_wait3A_2074 = arith.constant 0 : i32
    %dma_wait3A_2075 = tpu.memref_slice %arg8[%dma_wait3A_2064, %dma_wait3A_2073, %dma_wait3A_2074] : memref<4x512x32xf32, #tpu.memory_space<vmem>> -> memref<1x512x32xf32, #tpu.memory_space<vmem>>
    %dma_wait3A_2076 = tpu.memref_squeeze %dma_wait3A_2075 : memref<1x512x32xf32, #tpu.memory_space<vmem>> -> memref<512x32xf32, #tpu.memory_space<vmem>>
    tpu.wait_dma2 semaphore(%arg15 : memref<!tpu.dma_semaphore, #tpu.memory_space<semaphore_mem>>) src(%dma_wait3A_2076 : memref<512x32xf32, #tpu.memory_space<vmem>>) dst(%dma_wait3A_2072 : memref<512x32xf32, #tpu.memory_space<hbm>>)
    %dma_start3A_2077 = arith.constant 1 : i32
    %dma_start3A_2078 = arith.constant 0 : i32
    %dma_start3A_2079 = arith.constant 0 : i32
    %dma_start3A_2080 = tpu.memref_slice %arg8[%dma_start3A_2077, %dma_start3A_2078, %dma_start3A_2079] : memref<4x512x32xf32, #tpu.memory_space<vmem>> -> memref<1x128x32xf32, #tpu.memory_space<vmem>>
    %dma_start3A_2081 = tpu.memref_squeeze %dma_start3A_2080 : memref<1x128x32xf32, #tpu.memory_space<vmem>> -> memref<128x32xf32, #tpu.memory_space<vmem>>
    %dma_start3A_2082 = arith.constant 8704 : i32
    %dma_start3A_2083 = tpu.memref_slice %arg7[%dma_start3A_2082] : memref<13312xi32, #tpu.memory_space<vmem>> -> memref<128xi32, #tpu.memory_space<vmem>>
    %dma_start3A_2084 = arith.constant 0 : i32
    %dma_start3A_2085 = arith.constant 0 : i32
    %dma_start3A_2086 = tpu.memref_slice %arg5[%dma_start3A_2084, %dma_start3A_2085] : memref<1304576x32xf32, #tpu.memory_space<hbm>> -> memref<1304576x32xf32, #tpu.memory_space<hbm>>
    tpu.enqueue_indirect_dma source(%dma_start3A_2086 : memref<1304576x32xf32, #tpu.memory_space<hbm>>) target(%dma_start3A_2081 : memref<128x32xf32, #tpu.memory_space<vmem>>) offsets(%dma_start3A_2083 : memref<128xi32, #tpu.memory_space<vmem>>) semaphore(%arg11 : memref<!tpu.dma_semaphore, #tpu.memory_space<semaphore_mem>>)
    %dma_start3A_2087 = arith.constant 1 : i32
    %dma_start3A_2088 = arith.constant 128 : i32
    %dma_start3A_2089 = arith.constant 0 : i32
    %dma_start3A_2090 = tpu.memref_slice %arg8[%dma_start3A_2087, %dma_start3A_2088, %dma_start3A_2089] : memref<4x512x32xf32, #tpu.memory_space<vmem>> -> memref<1x128x32xf32, #tpu.memory_space<vmem>>
    %dma_start3A_2091 = tpu.memref_squeeze %dma_start3A_2090 : memref<1x128x32xf32, #tpu.memory_space<vmem>> -> memref<128x32xf32, #tpu.memory_space<vmem>>
    %dma_start3A_2092 = arith.constant 8832 : i32
    %dma_start3A_2093 = tpu.memref_slice %arg7[%dma_start3A_2092] : memref<13312xi32, #tpu.memory_space<vmem>> -> memref<128xi32, #tpu.memory_space<vmem>>
    %dma_start3A_2094 = arith.constant 0 : i32
    %dma_start3A_2095 = arith.constant 0 : i32
    %dma_start3A_2096 = tpu.memref_slice %arg5[%dma_start3A_2094, %dma_start3A_2095] : memref<1304576x32xf32, #tpu.memory_space<hbm>> -> memref<1304576x32xf32, #tpu.memory_space<hbm>>
    tpu.enqueue_indirect_dma source(%dma_start3A_2096 : memref<1304576x32xf32, #tpu.memory_space<hbm>>) target(%dma_start3A_2091 : memref<128x32xf32, #tpu.memory_space<vmem>>) offsets(%dma_start3A_2093 : memref<128xi32, #tpu.memory_space<vmem>>) semaphore(%arg11 : memref<!tpu.dma_semaphore, #tpu.memory_space<semaphore_mem>>)
    %dma_start3A_2097 = arith.constant 1 : i32
    %dma_start3A_2098 = arith.constant 256 : i32
    %dma_start3A_2099 = arith.constant 0 : i32
    %dma_start3A_2100 = tpu.memref_slice %arg8[%dma_start3A_2097, %dma_start3A_2098, %dma_start3A_2099] : memref<4x512x32xf32, #tpu.memory_space<vmem>> -> memref<1x128x32xf32, #tpu.memory_space<vmem>>
    %dma_start3A_2101 = tpu.memref_squeeze %dma_start3A_2100 : memref<1x128x32xf32, #tpu.memory_space<vmem>> -> memref<128x32xf32, #tpu.memory_space<vmem>>
    %dma_start3A_2102 = arith.constant 8960 : i32
    %dma_start3A_2103 = tpu.memref_slice %arg7[%dma_start3A_2102] : memref<13312xi32, #tpu.memory_space<vmem>> -> memref<128xi32, #tpu.memory_space<vmem>>
    %dma_start3A_2104 = arith.constant 0 : i32
    %dma_start3A_2105 = arith.constant 0 : i32
    %dma_start3A_2106 = tpu.memref_slice %arg5[%dma_start3A_2104, %dma_start3A_2105] : memref<1304576x32xf32, #tpu.memory_space<hbm>> -> memref<1304576x32xf32, #tpu.memory_space<hbm>>
    tpu.enqueue_indirect_dma source(%dma_start3A_2106 : memref<1304576x32xf32, #tpu.memory_space<hbm>>) target(%dma_start3A_2101 : memref<128x32xf32, #tpu.memory_space<vmem>>) offsets(%dma_start3A_2103 : memref<128xi32, #tpu.memory_space<vmem>>) semaphore(%arg11 : memref<!tpu.dma_semaphore, #tpu.memory_space<semaphore_mem>>)
    %dma_start3A_2107 = arith.constant 1 : i32
    %dma_start3A_2108 = arith.constant 384 : i32
    %dma_start3A_2109 = arith.constant 0 : i32
    %dma_start3A_2110 = tpu.memref_slice %arg8[%dma_start3A_2107, %dma_start3A_2108, %dma_start3A_2109] : memref<4x512x32xf32, #tpu.memory_space<vmem>> -> memref<1x128x32xf32, #tpu.memory_space<vmem>>
    %dma_start3A_2111 = tpu.memref_squeeze %dma_start3A_2110 : memref<1x128x32xf32, #tpu.memory_space<vmem>> -> memref<128x32xf32, #tpu.memory_space<vmem>>
    %dma_start3A_2112 = arith.constant 9088 : i32
    %dma_start3A_2113 = tpu.memref_slice %arg7[%dma_start3A_2112] : memref<13312xi32, #tpu.memory_space<vmem>> -> memref<128xi32, #tpu.memory_space<vmem>>
    %dma_start3A_2114 = arith.constant 0 : i32
    %dma_start3A_2115 = arith.constant 0 : i32
    %dma_start3A_2116 = tpu.memref_slice %arg5[%dma_start3A_2114, %dma_start3A_2115] : memref<1304576x32xf32, #tpu.memory_space<hbm>> -> memref<1304576x32xf32, #tpu.memory_space<hbm>>
    tpu.enqueue_indirect_dma source(%dma_start3A_2116 : memref<1304576x32xf32, #tpu.memory_space<hbm>>) target(%dma_start3A_2111 : memref<128x32xf32, #tpu.memory_space<vmem>>) offsets(%dma_start3A_2113 : memref<128xi32, #tpu.memory_space<vmem>>) semaphore(%arg11 : memref<!tpu.dma_semaphore, #tpu.memory_space<semaphore_mem>>)
    %dma_wait3A_2117 = arith.constant 2 : i32
    %dma_wait3A_2118 = arith.constant 0 : i32
    %dma_wait3A_2119 = arith.constant 0 : i32
    %dma_wait3A_2120 = tpu.memref_slice %arg8[%dma_wait3A_2117, %dma_wait3A_2118, %dma_wait3A_2119] : memref<4x512x32xf32, #tpu.memory_space<vmem>> -> memref<1x128x32xf32, #tpu.memory_space<vmem>>
    %dma_wait3A_2121 = tpu.memref_squeeze %dma_wait3A_2120 : memref<1x128x32xf32, #tpu.memory_space<vmem>> -> memref<128x32xf32, #tpu.memory_space<vmem>>
    %dma_wait3A_2122 = arith.constant 7168 : i32
    %dma_wait3A_2123 = tpu.memref_slice %arg7[%dma_wait3A_2122] : memref<13312xi32, #tpu.memory_space<vmem>> -> memref<128xi32, #tpu.memory_space<vmem>>
    %dma_wait3A_2124 = arith.constant 0 : i32
    %dma_wait3A_2125 = arith.constant 0 : i32
    %dma_wait3A_2126 = tpu.memref_slice %arg5[%dma_wait3A_2124, %dma_wait3A_2125] : memref<1304576x32xf32, #tpu.memory_space<hbm>> -> memref<1304576x32xf32, #tpu.memory_space<hbm>>
    tpu.wait_indirect_dma semaphore(%arg12 : memref<!tpu.dma_semaphore, #tpu.memory_space<semaphore_mem>>) src(%dma_wait3A_2126 : memref<1304576x32xf32, #tpu.memory_space<hbm>>) dst(%dma_wait3A_2121 : memref<128x32xf32, #tpu.memory_space<vmem>>)
    %dma_wait3A_2127 = arith.constant 2 : i32
    %dma_wait3A_2128 = arith.constant 128 : i32
    %dma_wait3A_2129 = arith.constant 0 : i32
    %dma_wait3A_2130 = tpu.memref_slice %arg8[%dma_wait3A_2127, %dma_wait3A_2128, %dma_wait3A_2129] : memref<4x512x32xf32, #tpu.memory_space<vmem>> -> memref<1x128x32xf32, #tpu.memory_space<vmem>>
    %dma_wait3A_2131 = tpu.memref_squeeze %dma_wait3A_2130 : memref<1x128x32xf32, #tpu.memory_space<vmem>> -> memref<128x32xf32, #tpu.memory_space<vmem>>
    %dma_wait3A_2132 = arith.constant 7296 : i32
    %dma_wait3A_2133 = tpu.memref_slice %arg7[%dma_wait3A_2132] : memref<13312xi32, #tpu.memory_space<vmem>> -> memref<128xi32, #tpu.memory_space<vmem>>
    %dma_wait3A_2134 = arith.constant 0 : i32
    %dma_wait3A_2135 = arith.constant 0 : i32
    %dma_wait3A_2136 = tpu.memref_slice %arg5[%dma_wait3A_2134, %dma_wait3A_2135] : memref<1304576x32xf32, #tpu.memory_space<hbm>> -> memref<1304576x32xf32, #tpu.memory_space<hbm>>
    tpu.wait_indirect_dma semaphore(%arg12 : memref<!tpu.dma_semaphore, #tpu.memory_space<semaphore_mem>>) src(%dma_wait3A_2136 : memref<1304576x32xf32, #tpu.memory_space<hbm>>) dst(%dma_wait3A_2131 : memref<128x32xf32, #tpu.memory_space<vmem>>)
    %dma_wait3A_2137 = arith.constant 2 : i32
    %dma_wait3A_2138 = arith.constant 256 : i32
    %dma_wait3A_2139 = arith.constant 0 : i32
    %dma_wait3A_2140 = tpu.memref_slice %arg8[%dma_wait3A_2137, %dma_wait3A_2138, %dma_wait3A_2139] : memref<4x512x32xf32, #tpu.memory_space<vmem>> -> memref<1x128x32xf32, #tpu.memory_space<vmem>>
    %dma_wait3A_2141 = tpu.memref_squeeze %dma_wait3A_2140 : memref<1x128x32xf32, #tpu.memory_space<vmem>> -> memref<128x32xf32, #tpu.memory_space<vmem>>
    %dma_wait3A_2142 = arith.constant 7424 : i32
    %dma_wait3A_2143 = tpu.memref_slice %arg7[%dma_wait3A_2142] : memref<13312xi32, #tpu.memory_space<vmem>> -> memref<128xi32, #tpu.memory_space<vmem>>
    %dma_wait3A_2144 = arith.constant 0 : i32
    %dma_wait3A_2145 = arith.constant 0 : i32
    %dma_wait3A_2146 = tpu.memref_slice %arg5[%dma_wait3A_2144, %dma_wait3A_2145] : memref<1304576x32xf32, #tpu.memory_space<hbm>> -> memref<1304576x32xf32, #tpu.memory_space<hbm>>
    tpu.wait_indirect_dma semaphore(%arg12 : memref<!tpu.dma_semaphore, #tpu.memory_space<semaphore_mem>>) src(%dma_wait3A_2146 : memref<1304576x32xf32, #tpu.memory_space<hbm>>) dst(%dma_wait3A_2141 : memref<128x32xf32, #tpu.memory_space<vmem>>)
    %dma_wait3A_2147 = arith.constant 2 : i32
    %dma_wait3A_2148 = arith.constant 384 : i32
    %dma_wait3A_2149 = arith.constant 0 : i32
    %dma_wait3A_2150 = tpu.memref_slice %arg8[%dma_wait3A_2147, %dma_wait3A_2148, %dma_wait3A_2149] : memref<4x512x32xf32, #tpu.memory_space<vmem>> -> memref<1x128x32xf32, #tpu.memory_space<vmem>>
    %dma_wait3A_2151 = tpu.memref_squeeze %dma_wait3A_2150 : memref<1x128x32xf32, #tpu.memory_space<vmem>> -> memref<128x32xf32, #tpu.memory_space<vmem>>
    %dma_wait3A_2152 = arith.constant 7552 : i32
    %dma_wait3A_2153 = tpu.memref_slice %arg7[%dma_wait3A_2152] : memref<13312xi32, #tpu.memory_space<vmem>> -> memref<128xi32, #tpu.memory_space<vmem>>
    %dma_wait3A_2154 = arith.constant 0 : i32
    %dma_wait3A_2155 = arith.constant 0 : i32
    %dma_wait3A_2156 = tpu.memref_slice %arg5[%dma_wait3A_2154, %dma_wait3A_2155] : memref<1304576x32xf32, #tpu.memory_space<hbm>> -> memref<1304576x32xf32, #tpu.memory_space<hbm>>
    tpu.wait_indirect_dma semaphore(%arg12 : memref<!tpu.dma_semaphore, #tpu.memory_space<semaphore_mem>>) src(%dma_wait3A_2156 : memref<1304576x32xf32, #tpu.memory_space<hbm>>) dst(%dma_wait3A_2151 : memref<128x32xf32, #tpu.memory_space<vmem>>)
    %dma_start3A_2157 = arith.constant 2 : i32
    %dma_start3A_2158 = arith.constant 0 : i32
    %dma_start3A_2159 = arith.constant 0 : i32
    %dma_start3A_2160 = tpu.memref_slice %arg8[%dma_start3A_2157, %dma_start3A_2158, %dma_start3A_2159] : memref<4x512x32xf32, #tpu.memory_space<vmem>> -> memref<1x512x32xf32, #tpu.memory_space<vmem>>
    %dma_start3A_2161 = tpu.memref_squeeze %dma_start3A_2160 : memref<1x512x32xf32, #tpu.memory_space<vmem>> -> memref<512x32xf32, #tpu.memory_space<vmem>>
    %dma_start3A_2162 = arith.constant 448 : i32
    %dma_start3A_2163 = tpu.memref_slice %arg6[%mul3A_2, %dma_start3A_2162] : memref<16384x832xf32, #tpu.memory_space<hbm>> -> memref<512x32xf32, #tpu.memory_space<hbm>>
    %dma_start3A_2164 = arith.constant 448 : i32
    %dma_start3A_2165 = tpu.memref_slice %arg6[%mul3A_2, %dma_start3A_2164] : memref<16384x832xf32, #tpu.memory_space<hbm>> -> memref<512x32xf32, #tpu.memory_space<hbm>>
    %dma_start3A_2166 = arith.constant 0 : i32
    %dma_start3A_2167 = arith.constant 0 : i32
    %dma_start3A_2168 = tpu.memref_slice %arg8[%dma_start3A_2157, %dma_start3A_2166, %dma_start3A_2167] : memref<4x512x32xf32, #tpu.memory_space<vmem>> -> memref<1x512x32xf32, #tpu.memory_space<vmem>>
    %dma_start3A_2169 = tpu.memref_squeeze %dma_start3A_2168 : memref<1x512x32xf32, #tpu.memory_space<vmem>> -> memref<512x32xf32, #tpu.memory_space<vmem>>
    tpu.enqueue_dma source(%dma_start3A_2169 : memref<512x32xf32, #tpu.memory_space<vmem>>) target(%dma_start3A_2165 : memref<512x32xf32, #tpu.memory_space<hbm>>) target_semaphore(%arg16 : memref<!tpu.dma_semaphore, #tpu.memory_space<semaphore_mem>>)
    %dma_wait3A_2170 = arith.constant 2 : i32
    %dma_wait3A_2171 = arith.constant 0 : i32
    %dma_wait3A_2172 = arith.constant 0 : i32
    %dma_wait3A_2173 = tpu.memref_slice %arg8[%dma_wait3A_2170, %dma_wait3A_2171, %dma_wait3A_2172] : memref<4x512x32xf32, #tpu.memory_space<vmem>> -> memref<1x512x32xf32, #tpu.memory_space<vmem>>
    %dma_wait3A_2174 = tpu.memref_squeeze %dma_wait3A_2173 : memref<1x512x32xf32, #tpu.memory_space<vmem>> -> memref<512x32xf32, #tpu.memory_space<vmem>>
    %dma_wait3A_2175 = arith.constant 448 : i32
    %dma_wait3A_2176 = tpu.memref_slice %arg6[%mul3A_2, %dma_wait3A_2175] : memref<16384x832xf32, #tpu.memory_space<hbm>> -> memref<512x32xf32, #tpu.memory_space<hbm>>
    %dma_wait3A_2177 = arith.constant 448 : i32
    %dma_wait3A_2178 = tpu.memref_slice %arg6[%mul3A_2, %dma_wait3A_2177] : memref<16384x832xf32, #tpu.memory_space<hbm>> -> memref<512x32xf32, #tpu.memory_space<hbm>>
    %dma_wait3A_2179 = arith.constant 0 : i32
    %dma_wait3A_2180 = arith.constant 0 : i32
    %dma_wait3A_2181 = tpu.memref_slice %arg8[%dma_wait3A_2170, %dma_wait3A_2179, %dma_wait3A_2180] : memref<4x512x32xf32, #tpu.memory_space<vmem>> -> memref<1x512x32xf32, #tpu.memory_space<vmem>>
    %dma_wait3A_2182 = tpu.memref_squeeze %dma_wait3A_2181 : memref<1x512x32xf32, #tpu.memory_space<vmem>> -> memref<512x32xf32, #tpu.memory_space<vmem>>
    tpu.wait_dma2 semaphore(%arg16 : memref<!tpu.dma_semaphore, #tpu.memory_space<semaphore_mem>>) src(%dma_wait3A_2182 : memref<512x32xf32, #tpu.memory_space<vmem>>) dst(%dma_wait3A_2178 : memref<512x32xf32, #tpu.memory_space<hbm>>)
    %dma_start3A_2183 = arith.constant 2 : i32
    %dma_start3A_2184 = arith.constant 0 : i32
    %dma_start3A_2185 = arith.constant 0 : i32
    %dma_start3A_2186 = tpu.memref_slice %arg8[%dma_start3A_2183, %dma_start3A_2184, %dma_start3A_2185] : memref<4x512x32xf32, #tpu.memory_space<vmem>> -> memref<1x128x32xf32, #tpu.memory_space<vmem>>
    %dma_start3A_2187 = tpu.memref_squeeze %dma_start3A_2186 : memref<1x128x32xf32, #tpu.memory_space<vmem>> -> memref<128x32xf32, #tpu.memory_space<vmem>>
    %dma_start3A_2188 = arith.constant 9216 : i32
    %dma_start3A_2189 = tpu.memref_slice %arg7[%dma_start3A_2188] : memref<13312xi32, #tpu.memory_space<vmem>> -> memref<128xi32, #tpu.memory_space<vmem>>
    %dma_start3A_2190 = arith.constant 0 : i32
    %dma_start3A_2191 = arith.constant 0 : i32
    %dma_start3A_2192 = tpu.memref_slice %arg5[%dma_start3A_2190, %dma_start3A_2191] : memref<1304576x32xf32, #tpu.memory_space<hbm>> -> memref<1304576x32xf32, #tpu.memory_space<hbm>>
    tpu.enqueue_indirect_dma source(%dma_start3A_2192 : memref<1304576x32xf32, #tpu.memory_space<hbm>>) target(%dma_start3A_2187 : memref<128x32xf32, #tpu.memory_space<vmem>>) offsets(%dma_start3A_2189 : memref<128xi32, #tpu.memory_space<vmem>>) semaphore(%arg12 : memref<!tpu.dma_semaphore, #tpu.memory_space<semaphore_mem>>)
    %dma_start3A_2193 = arith.constant 2 : i32
    %dma_start3A_2194 = arith.constant 128 : i32
    %dma_start3A_2195 = arith.constant 0 : i32
    %dma_start3A_2196 = tpu.memref_slice %arg8[%dma_start3A_2193, %dma_start3A_2194, %dma_start3A_2195] : memref<4x512x32xf32, #tpu.memory_space<vmem>> -> memref<1x128x32xf32, #tpu.memory_space<vmem>>
    %dma_start3A_2197 = tpu.memref_squeeze %dma_start3A_2196 : memref<1x128x32xf32, #tpu.memory_space<vmem>> -> memref<128x32xf32, #tpu.memory_space<vmem>>
    %dma_start3A_2198 = arith.constant 9344 : i32
    %dma_start3A_2199 = tpu.memref_slice %arg7[%dma_start3A_2198] : memref<13312xi32, #tpu.memory_space<vmem>> -> memref<128xi32, #tpu.memory_space<vmem>>
    %dma_start3A_2200 = arith.constant 0 : i32
    %dma_start3A_2201 = arith.constant 0 : i32
    %dma_start3A_2202 = tpu.memref_slice %arg5[%dma_start3A_2200, %dma_start3A_2201] : memref<1304576x32xf32, #tpu.memory_space<hbm>> -> memref<1304576x32xf32, #tpu.memory_space<hbm>>
    tpu.enqueue_indirect_dma source(%dma_start3A_2202 : memref<1304576x32xf32, #tpu.memory_space<hbm>>) target(%dma_start3A_2197 : memref<128x32xf32, #tpu.memory_space<vmem>>) offsets(%dma_start3A_2199 : memref<128xi32, #tpu.memory_space<vmem>>) semaphore(%arg12 : memref<!tpu.dma_semaphore, #tpu.memory_space<semaphore_mem>>)
    %dma_start3A_2203 = arith.constant 2 : i32
    %dma_start3A_2204 = arith.constant 256 : i32
    %dma_start3A_2205 = arith.constant 0 : i32
    %dma_start3A_2206 = tpu.memref_slice %arg8[%dma_start3A_2203, %dma_start3A_2204, %dma_start3A_2205] : memref<4x512x32xf32, #tpu.memory_space<vmem>> -> memref<1x128x32xf32, #tpu.memory_space<vmem>>
    %dma_start3A_2207 = tpu.memref_squeeze %dma_start3A_2206 : memref<1x128x32xf32, #tpu.memory_space<vmem>> -> memref<128x32xf32, #tpu.memory_space<vmem>>
    %dma_start3A_2208 = arith.constant 9472 : i32
    %dma_start3A_2209 = tpu.memref_slice %arg7[%dma_start3A_2208] : memref<13312xi32, #tpu.memory_space<vmem>> -> memref<128xi32, #tpu.memory_space<vmem>>
    %dma_start3A_2210 = arith.constant 0 : i32
    %dma_start3A_2211 = arith.constant 0 : i32
    %dma_start3A_2212 = tpu.memref_slice %arg5[%dma_start3A_2210, %dma_start3A_2211] : memref<1304576x32xf32, #tpu.memory_space<hbm>> -> memref<1304576x32xf32, #tpu.memory_space<hbm>>
    tpu.enqueue_indirect_dma source(%dma_start3A_2212 : memref<1304576x32xf32, #tpu.memory_space<hbm>>) target(%dma_start3A_2207 : memref<128x32xf32, #tpu.memory_space<vmem>>) offsets(%dma_start3A_2209 : memref<128xi32, #tpu.memory_space<vmem>>) semaphore(%arg12 : memref<!tpu.dma_semaphore, #tpu.memory_space<semaphore_mem>>)
    %dma_start3A_2213 = arith.constant 2 : i32
    %dma_start3A_2214 = arith.constant 384 : i32
    %dma_start3A_2215 = arith.constant 0 : i32
    %dma_start3A_2216 = tpu.memref_slice %arg8[%dma_start3A_2213, %dma_start3A_2214, %dma_start3A_2215] : memref<4x512x32xf32, #tpu.memory_space<vmem>> -> memref<1x128x32xf32, #tpu.memory_space<vmem>>
    %dma_start3A_2217 = tpu.memref_squeeze %dma_start3A_2216 : memref<1x128x32xf32, #tpu.memory_space<vmem>> -> memref<128x32xf32, #tpu.memory_space<vmem>>
    %dma_start3A_2218 = arith.constant 9600 : i32
    %dma_start3A_2219 = tpu.memref_slice %arg7[%dma_start3A_2218] : memref<13312xi32, #tpu.memory_space<vmem>> -> memref<128xi32, #tpu.memory_space<vmem>>
    %dma_start3A_2220 = arith.constant 0 : i32
    %dma_start3A_2221 = arith.constant 0 : i32
    %dma_start3A_2222 = tpu.memref_slice %arg5[%dma_start3A_2220, %dma_start3A_2221] : memref<1304576x32xf32, #tpu.memory_space<hbm>> -> memref<1304576x32xf32, #tpu.memory_space<hbm>>
    tpu.enqueue_indirect_dma source(%dma_start3A_2222 : memref<1304576x32xf32, #tpu.memory_space<hbm>>) target(%dma_start3A_2217 : memref<128x32xf32, #tpu.memory_space<vmem>>) offsets(%dma_start3A_2219 : memref<128xi32, #tpu.memory_space<vmem>>) semaphore(%arg12 : memref<!tpu.dma_semaphore, #tpu.memory_space<semaphore_mem>>)
    %dma_wait3A_2223 = arith.constant 3 : i32
    %dma_wait3A_2224 = arith.constant 0 : i32
    %dma_wait3A_2225 = arith.constant 0 : i32
    %dma_wait3A_2226 = tpu.memref_slice %arg8[%dma_wait3A_2223, %dma_wait3A_2224, %dma_wait3A_2225] : memref<4x512x32xf32, #tpu.memory_space<vmem>> -> memref<1x128x32xf32, #tpu.memory_space<vmem>>
    %dma_wait3A_2227 = tpu.memref_squeeze %dma_wait3A_2226 : memref<1x128x32xf32, #tpu.memory_space<vmem>> -> memref<128x32xf32, #tpu.memory_space<vmem>>
    %dma_wait3A_2228 = arith.constant 7680 : i32
    %dma_wait3A_2229 = tpu.memref_slice %arg7[%dma_wait3A_2228] : memref<13312xi32, #tpu.memory_space<vmem>> -> memref<128xi32, #tpu.memory_space<vmem>>
    %dma_wait3A_2230 = arith.constant 0 : i32
    %dma_wait3A_2231 = arith.constant 0 : i32
    %dma_wait3A_2232 = tpu.memref_slice %arg5[%dma_wait3A_2230, %dma_wait3A_2231] : memref<1304576x32xf32, #tpu.memory_space<hbm>> -> memref<1304576x32xf32, #tpu.memory_space<hbm>>
    tpu.wait_indirect_dma semaphore(%arg13 : memref<!tpu.dma_semaphore, #tpu.memory_space<semaphore_mem>>) src(%dma_wait3A_2232 : memref<1304576x32xf32, #tpu.memory_space<hbm>>) dst(%dma_wait3A_2227 : memref<128x32xf32, #tpu.memory_space<vmem>>)
    %dma_wait3A_2233 = arith.constant 3 : i32
    %dma_wait3A_2234 = arith.constant 128 : i32
    %dma_wait3A_2235 = arith.constant 0 : i32
    %dma_wait3A_2236 = tpu.memref_slice %arg8[%dma_wait3A_2233, %dma_wait3A_2234, %dma_wait3A_2235] : memref<4x512x32xf32, #tpu.memory_space<vmem>> -> memref<1x128x32xf32, #tpu.memory_space<vmem>>
    %dma_wait3A_2237 = tpu.memref_squeeze %dma_wait3A_2236 : memref<1x128x32xf32, #tpu.memory_space<vmem>> -> memref<128x32xf32, #tpu.memory_space<vmem>>
    %dma_wait3A_2238 = arith.constant 7808 : i32
    %dma_wait3A_2239 = tpu.memref_slice %arg7[%dma_wait3A_2238] : memref<13312xi32, #tpu.memory_space<vmem>> -> memref<128xi32, #tpu.memory_space<vmem>>
    %dma_wait3A_2240 = arith.constant 0 : i32
    %dma_wait3A_2241 = arith.constant 0 : i32
    %dma_wait3A_2242 = tpu.memref_slice %arg5[%dma_wait3A_2240, %dma_wait3A_2241] : memref<1304576x32xf32, #tpu.memory_space<hbm>> -> memref<1304576x32xf32, #tpu.memory_space<hbm>>
    tpu.wait_indirect_dma semaphore(%arg13 : memref<!tpu.dma_semaphore, #tpu.memory_space<semaphore_mem>>) src(%dma_wait3A_2242 : memref<1304576x32xf32, #tpu.memory_space<hbm>>) dst(%dma_wait3A_2237 : memref<128x32xf32, #tpu.memory_space<vmem>>)
    %dma_wait3A_2243 = arith.constant 3 : i32
    %dma_wait3A_2244 = arith.constant 256 : i32
    %dma_wait3A_2245 = arith.constant 0 : i32
    %dma_wait3A_2246 = tpu.memref_slice %arg8[%dma_wait3A_2243, %dma_wait3A_2244, %dma_wait3A_2245] : memref<4x512x32xf32, #tpu.memory_space<vmem>> -> memref<1x128x32xf32, #tpu.memory_space<vmem>>
    %dma_wait3A_2247 = tpu.memref_squeeze %dma_wait3A_2246 : memref<1x128x32xf32, #tpu.memory_space<vmem>> -> memref<128x32xf32, #tpu.memory_space<vmem>>
    %dma_wait3A_2248 = arith.constant 7936 : i32
    %dma_wait3A_2249 = tpu.memref_slice %arg7[%dma_wait3A_2248] : memref<13312xi32, #tpu.memory_space<vmem>> -> memref<128xi32, #tpu.memory_space<vmem>>
    %dma_wait3A_2250 = arith.constant 0 : i32
    %dma_wait3A_2251 = arith.constant 0 : i32
    %dma_wait3A_2252 = tpu.memref_slice %arg5[%dma_wait3A_2250, %dma_wait3A_2251] : memref<1304576x32xf32, #tpu.memory_space<hbm>> -> memref<1304576x32xf32, #tpu.memory_space<hbm>>
    tpu.wait_indirect_dma semaphore(%arg13 : memref<!tpu.dma_semaphore, #tpu.memory_space<semaphore_mem>>) src(%dma_wait3A_2252 : memref<1304576x32xf32, #tpu.memory_space<hbm>>) dst(%dma_wait3A_2247 : memref<128x32xf32, #tpu.memory_space<vmem>>)
    %dma_wait3A_2253 = arith.constant 3 : i32
    %dma_wait3A_2254 = arith.constant 384 : i32
    %dma_wait3A_2255 = arith.constant 0 : i32
    %dma_wait3A_2256 = tpu.memref_slice %arg8[%dma_wait3A_2253, %dma_wait3A_2254, %dma_wait3A_2255] : memref<4x512x32xf32, #tpu.memory_space<vmem>> -> memref<1x128x32xf32, #tpu.memory_space<vmem>>
    %dma_wait3A_2257 = tpu.memref_squeeze %dma_wait3A_2256 : memref<1x128x32xf32, #tpu.memory_space<vmem>> -> memref<128x32xf32, #tpu.memory_space<vmem>>
    %dma_wait3A_2258 = arith.constant 8064 : i32
    %dma_wait3A_2259 = tpu.memref_slice %arg7[%dma_wait3A_2258] : memref<13312xi32, #tpu.memory_space<vmem>> -> memref<128xi32, #tpu.memory_space<vmem>>
    %dma_wait3A_2260 = arith.constant 0 : i32
    %dma_wait3A_2261 = arith.constant 0 : i32
    %dma_wait3A_2262 = tpu.memref_slice %arg5[%dma_wait3A_2260, %dma_wait3A_2261] : memref<1304576x32xf32, #tpu.memory_space<hbm>> -> memref<1304576x32xf32, #tpu.memory_space<hbm>>
    tpu.wait_indirect_dma semaphore(%arg13 : memref<!tpu.dma_semaphore, #tpu.memory_space<semaphore_mem>>) src(%dma_wait3A_2262 : memref<1304576x32xf32, #tpu.memory_space<hbm>>) dst(%dma_wait3A_2257 : memref<128x32xf32, #tpu.memory_space<vmem>>)
    %dma_start3A_2263 = arith.constant 3 : i32
    %dma_start3A_2264 = arith.constant 0 : i32
    %dma_start3A_2265 = arith.constant 0 : i32
    %dma_start3A_2266 = tpu.memref_slice %arg8[%dma_start3A_2263, %dma_start3A_2264, %dma_start3A_2265] : memref<4x512x32xf32, #tpu.memory_space<vmem>> -> memref<1x512x32xf32, #tpu.memory_space<vmem>>
    %dma_start3A_2267 = tpu.memref_squeeze %dma_start3A_2266 : memref<1x512x32xf32, #tpu.memory_space<vmem>> -> memref<512x32xf32, #tpu.memory_space<vmem>>
    %dma_start3A_2268 = arith.constant 480 : i32
    %dma_start3A_2269 = tpu.memref_slice %arg6[%mul3A_2, %dma_start3A_2268] : memref<16384x832xf32, #tpu.memory_space<hbm>> -> memref<512x32xf32, #tpu.memory_space<hbm>>
    %dma_start3A_2270 = arith.constant 480 : i32
    %dma_start3A_2271 = tpu.memref_slice %arg6[%mul3A_2, %dma_start3A_2270] : memref<16384x832xf32, #tpu.memory_space<hbm>> -> memref<512x32xf32, #tpu.memory_space<hbm>>
    %dma_start3A_2272 = arith.constant 0 : i32
    %dma_start3A_2273 = arith.constant 0 : i32
    %dma_start3A_2274 = tpu.memref_slice %arg8[%dma_start3A_2263, %dma_start3A_2272, %dma_start3A_2273] : memref<4x512x32xf32, #tpu.memory_space<vmem>> -> memref<1x512x32xf32, #tpu.memory_space<vmem>>
    %dma_start3A_2275 = tpu.memref_squeeze %dma_start3A_2274 : memref<1x512x32xf32, #tpu.memory_space<vmem>> -> memref<512x32xf32, #tpu.memory_space<vmem>>
    tpu.enqueue_dma source(%dma_start3A_2275 : memref<512x32xf32, #tpu.memory_space<vmem>>) target(%dma_start3A_2271 : memref<512x32xf32, #tpu.memory_space<hbm>>) target_semaphore(%arg17 : memref<!tpu.dma_semaphore, #tpu.memory_space<semaphore_mem>>)
    %dma_wait3A_2276 = arith.constant 3 : i32
    %dma_wait3A_2277 = arith.constant 0 : i32
    %dma_wait3A_2278 = arith.constant 0 : i32
    %dma_wait3A_2279 = tpu.memref_slice %arg8[%dma_wait3A_2276, %dma_wait3A_2277, %dma_wait3A_2278] : memref<4x512x32xf32, #tpu.memory_space<vmem>> -> memref<1x512x32xf32, #tpu.memory_space<vmem>>
    %dma_wait3A_2280 = tpu.memref_squeeze %dma_wait3A_2279 : memref<1x512x32xf32, #tpu.memory_space<vmem>> -> memref<512x32xf32, #tpu.memory_space<vmem>>
    %dma_wait3A_2281 = arith.constant 480 : i32
    %dma_wait3A_2282 = tpu.memref_slice %arg6[%mul3A_2, %dma_wait3A_2281] : memref<16384x832xf32, #tpu.memory_space<hbm>> -> memref<512x32xf32, #tpu.memory_space<hbm>>
    %dma_wait3A_2283 = arith.constant 480 : i32
    %dma_wait3A_2284 = tpu.memref_slice %arg6[%mul3A_2, %dma_wait3A_2283] : memref<16384x832xf32, #tpu.memory_space<hbm>> -> memref<512x32xf32, #tpu.memory_space<hbm>>
    %dma_wait3A_2285 = arith.constant 0 : i32
    %dma_wait3A_2286 = arith.constant 0 : i32
    %dma_wait3A_2287 = tpu.memref_slice %arg8[%dma_wait3A_2276, %dma_wait3A_2285, %dma_wait3A_2286] : memref<4x512x32xf32, #tpu.memory_space<vmem>> -> memref<1x512x32xf32, #tpu.memory_space<vmem>>
    %dma_wait3A_2288 = tpu.memref_squeeze %dma_wait3A_2287 : memref<1x512x32xf32, #tpu.memory_space<vmem>> -> memref<512x32xf32, #tpu.memory_space<vmem>>
    tpu.wait_dma2 semaphore(%arg17 : memref<!tpu.dma_semaphore, #tpu.memory_space<semaphore_mem>>) src(%dma_wait3A_2288 : memref<512x32xf32, #tpu.memory_space<vmem>>) dst(%dma_wait3A_2284 : memref<512x32xf32, #tpu.memory_space<hbm>>)
    %dma_start3A_2289 = arith.constant 3 : i32
    %dma_start3A_2290 = arith.constant 0 : i32
    %dma_start3A_2291 = arith.constant 0 : i32
    %dma_start3A_2292 = tpu.memref_slice %arg8[%dma_start3A_2289, %dma_start3A_2290, %dma_start3A_2291] : memref<4x512x32xf32, #tpu.memory_space<vmem>> -> memref<1x128x32xf32, #tpu.memory_space<vmem>>
    %dma_start3A_2293 = tpu.memref_squeeze %dma_start3A_2292 : memref<1x128x32xf32, #tpu.memory_space<vmem>> -> memref<128x32xf32, #tpu.memory_space<vmem>>
    %dma_start3A_2294 = arith.constant 9728 : i32
    %dma_start3A_2295 = tpu.memref_slice %arg7[%dma_start3A_2294] : memref<13312xi32, #tpu.memory_space<vmem>> -> memref<128xi32, #tpu.memory_space<vmem>>
    %dma_start3A_2296 = arith.constant 0 : i32
    %dma_start3A_2297 = arith.constant 0 : i32
    %dma_start3A_2298 = tpu.memref_slice %arg5[%dma_start3A_2296, %dma_start3A_2297] : memref<1304576x32xf32, #tpu.memory_space<hbm>> -> memref<1304576x32xf32, #tpu.memory_space<hbm>>
    tpu.enqueue_indirect_dma source(%dma_start3A_2298 : memref<1304576x32xf32, #tpu.memory_space<hbm>>) target(%dma_start3A_2293 : memref<128x32xf32, #tpu.memory_space<vmem>>) offsets(%dma_start3A_2295 : memref<128xi32, #tpu.memory_space<vmem>>) semaphore(%arg13 : memref<!tpu.dma_semaphore, #tpu.memory_space<semaphore_mem>>)
    %dma_start3A_2299 = arith.constant 3 : i32
    %dma_start3A_2300 = arith.constant 128 : i32
    %dma_start3A_2301 = arith.constant 0 : i32
    %dma_start3A_2302 = tpu.memref_slice %arg8[%dma_start3A_2299, %dma_start3A_2300, %dma_start3A_2301] : memref<4x512x32xf32, #tpu.memory_space<vmem>> -> memref<1x128x32xf32, #tpu.memory_space<vmem>>
    %dma_start3A_2303 = tpu.memref_squeeze %dma_start3A_2302 : memref<1x128x32xf32, #tpu.memory_space<vmem>> -> memref<128x32xf32, #tpu.memory_space<vmem>>
    %dma_start3A_2304 = arith.constant 9856 : i32
    %dma_start3A_2305 = tpu.memref_slice %arg7[%dma_start3A_2304] : memref<13312xi32, #tpu.memory_space<vmem>> -> memref<128xi32, #tpu.memory_space<vmem>>
    %dma_start3A_2306 = arith.constant 0 : i32
    %dma_start3A_2307 = arith.constant 0 : i32
    %dma_start3A_2308 = tpu.memref_slice %arg5[%dma_start3A_2306, %dma_start3A_2307] : memref<1304576x32xf32, #tpu.memory_space<hbm>> -> memref<1304576x32xf32, #tpu.memory_space<hbm>>
    tpu.enqueue_indirect_dma source(%dma_start3A_2308 : memref<1304576x32xf32, #tpu.memory_space<hbm>>) target(%dma_start3A_2303 : memref<128x32xf32, #tpu.memory_space<vmem>>) offsets(%dma_start3A_2305 : memref<128xi32, #tpu.memory_space<vmem>>) semaphore(%arg13 : memref<!tpu.dma_semaphore, #tpu.memory_space<semaphore_mem>>)
    %dma_start3A_2309 = arith.constant 3 : i32
    %dma_start3A_2310 = arith.constant 256 : i32
    %dma_start3A_2311 = arith.constant 0 : i32
    %dma_start3A_2312 = tpu.memref_slice %arg8[%dma_start3A_2309, %dma_start3A_2310, %dma_start3A_2311] : memref<4x512x32xf32, #tpu.memory_space<vmem>> -> memref<1x128x32xf32, #tpu.memory_space<vmem>>
    %dma_start3A_2313 = tpu.memref_squeeze %dma_start3A_2312 : memref<1x128x32xf32, #tpu.memory_space<vmem>> -> memref<128x32xf32, #tpu.memory_space<vmem>>
    %dma_start3A_2314 = arith.constant 9984 : i32
    %dma_start3A_2315 = tpu.memref_slice %arg7[%dma_start3A_2314] : memref<13312xi32, #tpu.memory_space<vmem>> -> memref<128xi32, #tpu.memory_space<vmem>>
    %dma_start3A_2316 = arith.constant 0 : i32
    %dma_start3A_2317 = arith.constant 0 : i32
    %dma_start3A_2318 = tpu.memref_slice %arg5[%dma_start3A_2316, %dma_start3A_2317] : memref<1304576x32xf32, #tpu.memory_space<hbm>> -> memref<1304576x32xf32, #tpu.memory_space<hbm>>
    tpu.enqueue_indirect_dma source(%dma_start3A_2318 : memref<1304576x32xf32, #tpu.memory_space<hbm>>) target(%dma_start3A_2313 : memref<128x32xf32, #tpu.memory_space<vmem>>) offsets(%dma_start3A_2315 : memref<128xi32, #tpu.memory_space<vmem>>) semaphore(%arg13 : memref<!tpu.dma_semaphore, #tpu.memory_space<semaphore_mem>>)
    %dma_start3A_2319 = arith.constant 3 : i32
    %dma_start3A_2320 = arith.constant 384 : i32
    %dma_start3A_2321 = arith.constant 0 : i32
    %dma_start3A_2322 = tpu.memref_slice %arg8[%dma_start3A_2319, %dma_start3A_2320, %dma_start3A_2321] : memref<4x512x32xf32, #tpu.memory_space<vmem>> -> memref<1x128x32xf32, #tpu.memory_space<vmem>>
    %dma_start3A_2323 = tpu.memref_squeeze %dma_start3A_2322 : memref<1x128x32xf32, #tpu.memory_space<vmem>> -> memref<128x32xf32, #tpu.memory_space<vmem>>
    %dma_start3A_2324 = arith.constant 10112 : i32
    %dma_start3A_2325 = tpu.memref_slice %arg7[%dma_start3A_2324] : memref<13312xi32, #tpu.memory_space<vmem>> -> memref<128xi32, #tpu.memory_space<vmem>>
    %dma_start3A_2326 = arith.constant 0 : i32
    %dma_start3A_2327 = arith.constant 0 : i32
    %dma_start3A_2328 = tpu.memref_slice %arg5[%dma_start3A_2326, %dma_start3A_2327] : memref<1304576x32xf32, #tpu.memory_space<hbm>> -> memref<1304576x32xf32, #tpu.memory_space<hbm>>
    tpu.enqueue_indirect_dma source(%dma_start3A_2328 : memref<1304576x32xf32, #tpu.memory_space<hbm>>) target(%dma_start3A_2323 : memref<128x32xf32, #tpu.memory_space<vmem>>) offsets(%dma_start3A_2325 : memref<128xi32, #tpu.memory_space<vmem>>) semaphore(%arg13 : memref<!tpu.dma_semaphore, #tpu.memory_space<semaphore_mem>>)
    %dma_wait3A_2329 = arith.constant 0 : i32
    %dma_wait3A_2330 = arith.constant 0 : i32
    %dma_wait3A_2331 = arith.constant 0 : i32
    %dma_wait3A_2332 = tpu.memref_slice %arg8[%dma_wait3A_2329, %dma_wait3A_2330, %dma_wait3A_2331] : memref<4x512x32xf32, #tpu.memory_space<vmem>> -> memref<1x128x32xf32, #tpu.memory_space<vmem>>
    %dma_wait3A_2333 = tpu.memref_squeeze %dma_wait3A_2332 : memref<1x128x32xf32, #tpu.memory_space<vmem>> -> memref<128x32xf32, #tpu.memory_space<vmem>>
    %dma_wait3A_2334 = arith.constant 8192 : i32
    %dma_wait3A_2335 = tpu.memref_slice %arg7[%dma_wait3A_2334] : memref<13312xi32, #tpu.memory_space<vmem>> -> memref<128xi32, #tpu.memory_space<vmem>>
    %dma_wait3A_2336 = arith.constant 0 : i32
    %dma_wait3A_2337 = arith.constant 0 : i32
    %dma_wait3A_2338 = tpu.memref_slice %arg5[%dma_wait3A_2336, %dma_wait3A_2337] : memref<1304576x32xf32, #tpu.memory_space<hbm>> -> memref<1304576x32xf32, #tpu.memory_space<hbm>>
    tpu.wait_indirect_dma semaphore(%arg10 : memref<!tpu.dma_semaphore, #tpu.memory_space<semaphore_mem>>) src(%dma_wait3A_2338 : memref<1304576x32xf32, #tpu.memory_space<hbm>>) dst(%dma_wait3A_2333 : memref<128x32xf32, #tpu.memory_space<vmem>>)
    %dma_wait3A_2339 = arith.constant 0 : i32
    %dma_wait3A_2340 = arith.constant 128 : i32
    %dma_wait3A_2341 = arith.constant 0 : i32
    %dma_wait3A_2342 = tpu.memref_slice %arg8[%dma_wait3A_2339, %dma_wait3A_2340, %dma_wait3A_2341] : memref<4x512x32xf32, #tpu.memory_space<vmem>> -> memref<1x128x32xf32, #tpu.memory_space<vmem>>
    %dma_wait3A_2343 = tpu.memref_squeeze %dma_wait3A_2342 : memref<1x128x32xf32, #tpu.memory_space<vmem>> -> memref<128x32xf32, #tpu.memory_space<vmem>>
    %dma_wait3A_2344 = arith.constant 8320 : i32
    %dma_wait3A_2345 = tpu.memref_slice %arg7[%dma_wait3A_2344] : memref<13312xi32, #tpu.memory_space<vmem>> -> memref<128xi32, #tpu.memory_space<vmem>>
    %dma_wait3A_2346 = arith.constant 0 : i32
    %dma_wait3A_2347 = arith.constant 0 : i32
    %dma_wait3A_2348 = tpu.memref_slice %arg5[%dma_wait3A_2346, %dma_wait3A_2347] : memref<1304576x32xf32, #tpu.memory_space<hbm>> -> memref<1304576x32xf32, #tpu.memory_space<hbm>>
    tpu.wait_indirect_dma semaphore(%arg10 : memref<!tpu.dma_semaphore, #tpu.memory_space<semaphore_mem>>) src(%dma_wait3A_2348 : memref<1304576x32xf32, #tpu.memory_space<hbm>>) dst(%dma_wait3A_2343 : memref<128x32xf32, #tpu.memory_space<vmem>>)
    %dma_wait3A_2349 = arith.constant 0 : i32
    %dma_wait3A_2350 = arith.constant 256 : i32
    %dma_wait3A_2351 = arith.constant 0 : i32
    %dma_wait3A_2352 = tpu.memref_slice %arg8[%dma_wait3A_2349, %dma_wait3A_2350, %dma_wait3A_2351] : memref<4x512x32xf32, #tpu.memory_space<vmem>> -> memref<1x128x32xf32, #tpu.memory_space<vmem>>
    %dma_wait3A_2353 = tpu.memref_squeeze %dma_wait3A_2352 : memref<1x128x32xf32, #tpu.memory_space<vmem>> -> memref<128x32xf32, #tpu.memory_space<vmem>>
    %dma_wait3A_2354 = arith.constant 8448 : i32
    %dma_wait3A_2355 = tpu.memref_slice %arg7[%dma_wait3A_2354] : memref<13312xi32, #tpu.memory_space<vmem>> -> memref<128xi32, #tpu.memory_space<vmem>>
    %dma_wait3A_2356 = arith.constant 0 : i32
    %dma_wait3A_2357 = arith.constant 0 : i32
    %dma_wait3A_2358 = tpu.memref_slice %arg5[%dma_wait3A_2356, %dma_wait3A_2357] : memref<1304576x32xf32, #tpu.memory_space<hbm>> -> memref<1304576x32xf32, #tpu.memory_space<hbm>>
    tpu.wait_indirect_dma semaphore(%arg10 : memref<!tpu.dma_semaphore, #tpu.memory_space<semaphore_mem>>) src(%dma_wait3A_2358 : memref<1304576x32xf32, #tpu.memory_space<hbm>>) dst(%dma_wait3A_2353 : memref<128x32xf32, #tpu.memory_space<vmem>>)
    %dma_wait3A_2359 = arith.constant 0 : i32
    %dma_wait3A_2360 = arith.constant 384 : i32
    %dma_wait3A_2361 = arith.constant 0 : i32
    %dma_wait3A_2362 = tpu.memref_slice %arg8[%dma_wait3A_2359, %dma_wait3A_2360, %dma_wait3A_2361] : memref<4x512x32xf32, #tpu.memory_space<vmem>> -> memref<1x128x32xf32, #tpu.memory_space<vmem>>
    %dma_wait3A_2363 = tpu.memref_squeeze %dma_wait3A_2362 : memref<1x128x32xf32, #tpu.memory_space<vmem>> -> memref<128x32xf32, #tpu.memory_space<vmem>>
    %dma_wait3A_2364 = arith.constant 8576 : i32
    %dma_wait3A_2365 = tpu.memref_slice %arg7[%dma_wait3A_2364] : memref<13312xi32, #tpu.memory_space<vmem>> -> memref<128xi32, #tpu.memory_space<vmem>>
    %dma_wait3A_2366 = arith.constant 0 : i32
    %dma_wait3A_2367 = arith.constant 0 : i32
    %dma_wait3A_2368 = tpu.memref_slice %arg5[%dma_wait3A_2366, %dma_wait3A_2367] : memref<1304576x32xf32, #tpu.memory_space<hbm>> -> memref<1304576x32xf32, #tpu.memory_space<hbm>>
    tpu.wait_indirect_dma semaphore(%arg10 : memref<!tpu.dma_semaphore, #tpu.memory_space<semaphore_mem>>) src(%dma_wait3A_2368 : memref<1304576x32xf32, #tpu.memory_space<hbm>>) dst(%dma_wait3A_2363 : memref<128x32xf32, #tpu.memory_space<vmem>>)
    %dma_start3A_2369 = arith.constant 0 : i32
    %dma_start3A_2370 = arith.constant 0 : i32
    %dma_start3A_2371 = arith.constant 0 : i32
    %dma_start3A_2372 = tpu.memref_slice %arg8[%dma_start3A_2369, %dma_start3A_2370, %dma_start3A_2371] : memref<4x512x32xf32, #tpu.memory_space<vmem>> -> memref<1x512x32xf32, #tpu.memory_space<vmem>>
    %dma_start3A_2373 = tpu.memref_squeeze %dma_start3A_2372 : memref<1x512x32xf32, #tpu.memory_space<vmem>> -> memref<512x32xf32, #tpu.memory_space<vmem>>
    %dma_start3A_2374 = arith.constant 512 : i32
    %dma_start3A_2375 = tpu.memref_slice %arg6[%mul3A_2, %dma_start3A_2374] : memref<16384x832xf32, #tpu.memory_space<hbm>> -> memref<512x32xf32, #tpu.memory_space<hbm>>
    %dma_start3A_2376 = arith.constant 512 : i32
    %dma_start3A_2377 = tpu.memref_slice %arg6[%mul3A_2, %dma_start3A_2376] : memref<16384x832xf32, #tpu.memory_space<hbm>> -> memref<512x32xf32, #tpu.memory_space<hbm>>
    %dma_start3A_2378 = arith.constant 0 : i32
    %dma_start3A_2379 = arith.constant 0 : i32
    %dma_start3A_2380 = tpu.memref_slice %arg8[%dma_start3A_2369, %dma_start3A_2378, %dma_start3A_2379] : memref<4x512x32xf32, #tpu.memory_space<vmem>> -> memref<1x512x32xf32, #tpu.memory_space<vmem>>
    %dma_start3A_2381 = tpu.memref_squeeze %dma_start3A_2380 : memref<1x512x32xf32, #tpu.memory_space<vmem>> -> memref<512x32xf32, #tpu.memory_space<vmem>>
    tpu.enqueue_dma source(%dma_start3A_2381 : memref<512x32xf32, #tpu.memory_space<vmem>>) target(%dma_start3A_2377 : memref<512x32xf32, #tpu.memory_space<hbm>>) target_semaphore(%arg14 : memref<!tpu.dma_semaphore, #tpu.memory_space<semaphore_mem>>)
    %dma_wait3A_2382 = arith.constant 0 : i32
    %dma_wait3A_2383 = arith.constant 0 : i32
    %dma_wait3A_2384 = arith.constant 0 : i32
    %dma_wait3A_2385 = tpu.memref_slice %arg8[%dma_wait3A_2382, %dma_wait3A_2383, %dma_wait3A_2384] : memref<4x512x32xf32, #tpu.memory_space<vmem>> -> memref<1x512x32xf32, #tpu.memory_space<vmem>>
    %dma_wait3A_2386 = tpu.memref_squeeze %dma_wait3A_2385 : memref<1x512x32xf32, #tpu.memory_space<vmem>> -> memref<512x32xf32, #tpu.memory_space<vmem>>
    %dma_wait3A_2387 = arith.constant 512 : i32
    %dma_wait3A_2388 = tpu.memref_slice %arg6[%mul3A_2, %dma_wait3A_2387] : memref<16384x832xf32, #tpu.memory_space<hbm>> -> memref<512x32xf32, #tpu.memory_space<hbm>>
    %dma_wait3A_2389 = arith.constant 512 : i32
    %dma_wait3A_2390 = tpu.memref_slice %arg6[%mul3A_2, %dma_wait3A_2389] : memref<16384x832xf32, #tpu.memory_space<hbm>> -> memref<512x32xf32, #tpu.memory_space<hbm>>
    %dma_wait3A_2391 = arith.constant 0 : i32
    %dma_wait3A_2392 = arith.constant 0 : i32
    %dma_wait3A_2393 = tpu.memref_slice %arg8[%dma_wait3A_2382, %dma_wait3A_2391, %dma_wait3A_2392] : memref<4x512x32xf32, #tpu.memory_space<vmem>> -> memref<1x512x32xf32, #tpu.memory_space<vmem>>
    %dma_wait3A_2394 = tpu.memref_squeeze %dma_wait3A_2393 : memref<1x512x32xf32, #tpu.memory_space<vmem>> -> memref<512x32xf32, #tpu.memory_space<vmem>>
    tpu.wait_dma2 semaphore(%arg14 : memref<!tpu.dma_semaphore, #tpu.memory_space<semaphore_mem>>) src(%dma_wait3A_2394 : memref<512x32xf32, #tpu.memory_space<vmem>>) dst(%dma_wait3A_2390 : memref<512x32xf32, #tpu.memory_space<hbm>>)
    %dma_start3A_2395 = arith.constant 0 : i32
    %dma_start3A_2396 = arith.constant 0 : i32
    %dma_start3A_2397 = arith.constant 0 : i32
    %dma_start3A_2398 = tpu.memref_slice %arg8[%dma_start3A_2395, %dma_start3A_2396, %dma_start3A_2397] : memref<4x512x32xf32, #tpu.memory_space<vmem>> -> memref<1x128x32xf32, #tpu.memory_space<vmem>>
    %dma_start3A_2399 = tpu.memref_squeeze %dma_start3A_2398 : memref<1x128x32xf32, #tpu.memory_space<vmem>> -> memref<128x32xf32, #tpu.memory_space<vmem>>
    %dma_start3A_2400 = arith.constant 10240 : i32
    %dma_start3A_2401 = tpu.memref_slice %arg7[%dma_start3A_2400] : memref<13312xi32, #tpu.memory_space<vmem>> -> memref<128xi32, #tpu.memory_space<vmem>>
    %dma_start3A_2402 = arith.constant 0 : i32
    %dma_start3A_2403 = arith.constant 0 : i32
    %dma_start3A_2404 = tpu.memref_slice %arg5[%dma_start3A_2402, %dma_start3A_2403] : memref<1304576x32xf32, #tpu.memory_space<hbm>> -> memref<1304576x32xf32, #tpu.memory_space<hbm>>
    tpu.enqueue_indirect_dma source(%dma_start3A_2404 : memref<1304576x32xf32, #tpu.memory_space<hbm>>) target(%dma_start3A_2399 : memref<128x32xf32, #tpu.memory_space<vmem>>) offsets(%dma_start3A_2401 : memref<128xi32, #tpu.memory_space<vmem>>) semaphore(%arg10 : memref<!tpu.dma_semaphore, #tpu.memory_space<semaphore_mem>>)
    %dma_start3A_2405 = arith.constant 0 : i32
    %dma_start3A_2406 = arith.constant 128 : i32
    %dma_start3A_2407 = arith.constant 0 : i32
    %dma_start3A_2408 = tpu.memref_slice %arg8[%dma_start3A_2405, %dma_start3A_2406, %dma_start3A_2407] : memref<4x512x32xf32, #tpu.memory_space<vmem>> -> memref<1x128x32xf32, #tpu.memory_space<vmem>>
    %dma_start3A_2409 = tpu.memref_squeeze %dma_start3A_2408 : memref<1x128x32xf32, #tpu.memory_space<vmem>> -> memref<128x32xf32, #tpu.memory_space<vmem>>
    %dma_start3A_2410 = arith.constant 10368 : i32
    %dma_start3A_2411 = tpu.memref_slice %arg7[%dma_start3A_2410] : memref<13312xi32, #tpu.memory_space<vmem>> -> memref<128xi32, #tpu.memory_space<vmem>>
    %dma_start3A_2412 = arith.constant 0 : i32
    %dma_start3A_2413 = arith.constant 0 : i32
    %dma_start3A_2414 = tpu.memref_slice %arg5[%dma_start3A_2412, %dma_start3A_2413] : memref<1304576x32xf32, #tpu.memory_space<hbm>> -> memref<1304576x32xf32, #tpu.memory_space<hbm>>
    tpu.enqueue_indirect_dma source(%dma_start3A_2414 : memref<1304576x32xf32, #tpu.memory_space<hbm>>) target(%dma_start3A_2409 : memref<128x32xf32, #tpu.memory_space<vmem>>) offsets(%dma_start3A_2411 : memref<128xi32, #tpu.memory_space<vmem>>) semaphore(%arg10 : memref<!tpu.dma_semaphore, #tpu.memory_space<semaphore_mem>>)
    %dma_start3A_2415 = arith.constant 0 : i32
    %dma_start3A_2416 = arith.constant 256 : i32
    %dma_start3A_2417 = arith.constant 0 : i32
    %dma_start3A_2418 = tpu.memref_slice %arg8[%dma_start3A_2415, %dma_start3A_2416, %dma_start3A_2417] : memref<4x512x32xf32, #tpu.memory_space<vmem>> -> memref<1x128x32xf32, #tpu.memory_space<vmem>>
    %dma_start3A_2419 = tpu.memref_squeeze %dma_start3A_2418 : memref<1x128x32xf32, #tpu.memory_space<vmem>> -> memref<128x32xf32, #tpu.memory_space<vmem>>
    %dma_start3A_2420 = arith.constant 10496 : i32
    %dma_start3A_2421 = tpu.memref_slice %arg7[%dma_start3A_2420] : memref<13312xi32, #tpu.memory_space<vmem>> -> memref<128xi32, #tpu.memory_space<vmem>>
    %dma_start3A_2422 = arith.constant 0 : i32
    %dma_start3A_2423 = arith.constant 0 : i32
    %dma_start3A_2424 = tpu.memref_slice %arg5[%dma_start3A_2422, %dma_start3A_2423] : memref<1304576x32xf32, #tpu.memory_space<hbm>> -> memref<1304576x32xf32, #tpu.memory_space<hbm>>
    tpu.enqueue_indirect_dma source(%dma_start3A_2424 : memref<1304576x32xf32, #tpu.memory_space<hbm>>) target(%dma_start3A_2419 : memref<128x32xf32, #tpu.memory_space<vmem>>) offsets(%dma_start3A_2421 : memref<128xi32, #tpu.memory_space<vmem>>) semaphore(%arg10 : memref<!tpu.dma_semaphore, #tpu.memory_space<semaphore_mem>>)
    %dma_start3A_2425 = arith.constant 0 : i32
    %dma_start3A_2426 = arith.constant 384 : i32
    %dma_start3A_2427 = arith.constant 0 : i32
    %dma_start3A_2428 = tpu.memref_slice %arg8[%dma_start3A_2425, %dma_start3A_2426, %dma_start3A_2427] : memref<4x512x32xf32, #tpu.memory_space<vmem>> -> memref<1x128x32xf32, #tpu.memory_space<vmem>>
    %dma_start3A_2429 = tpu.memref_squeeze %dma_start3A_2428 : memref<1x128x32xf32, #tpu.memory_space<vmem>> -> memref<128x32xf32, #tpu.memory_space<vmem>>
    %dma_start3A_2430 = arith.constant 10624 : i32
    %dma_start3A_2431 = tpu.memref_slice %arg7[%dma_start3A_2430] : memref<13312xi32, #tpu.memory_space<vmem>> -> memref<128xi32, #tpu.memory_space<vmem>>
    %dma_start3A_2432 = arith.constant 0 : i32
    %dma_start3A_2433 = arith.constant 0 : i32
    %dma_start3A_2434 = tpu.memref_slice %arg5[%dma_start3A_2432, %dma_start3A_2433] : memref<1304576x32xf32, #tpu.memory_space<hbm>> -> memref<1304576x32xf32, #tpu.memory_space<hbm>>
    tpu.enqueue_indirect_dma source(%dma_start3A_2434 : memref<1304576x32xf32, #tpu.memory_space<hbm>>) target(%dma_start3A_2429 : memref<128x32xf32, #tpu.memory_space<vmem>>) offsets(%dma_start3A_2431 : memref<128xi32, #tpu.memory_space<vmem>>) semaphore(%arg10 : memref<!tpu.dma_semaphore, #tpu.memory_space<semaphore_mem>>)
    %dma_wait3A_2435 = arith.constant 1 : i32
    %dma_wait3A_2436 = arith.constant 0 : i32
    %dma_wait3A_2437 = arith.constant 0 : i32
    %dma_wait3A_2438 = tpu.memref_slice %arg8[%dma_wait3A_2435, %dma_wait3A_2436, %dma_wait3A_2437] : memref<4x512x32xf32, #tpu.memory_space<vmem>> -> memref<1x128x32xf32, #tpu.memory_space<vmem>>
    %dma_wait3A_2439 = tpu.memref_squeeze %dma_wait3A_2438 : memref<1x128x32xf32, #tpu.memory_space<vmem>> -> memref<128x32xf32, #tpu.memory_space<vmem>>
    %dma_wait3A_2440 = arith.constant 8704 : i32
    %dma_wait3A_2441 = tpu.memref_slice %arg7[%dma_wait3A_2440] : memref<13312xi32, #tpu.memory_space<vmem>> -> memref<128xi32, #tpu.memory_space<vmem>>
    %dma_wait3A_2442 = arith.constant 0 : i32
    %dma_wait3A_2443 = arith.constant 0 : i32
    %dma_wait3A_2444 = tpu.memref_slice %arg5[%dma_wait3A_2442, %dma_wait3A_2443] : memref<1304576x32xf32, #tpu.memory_space<hbm>> -> memref<1304576x32xf32, #tpu.memory_space<hbm>>
    tpu.wait_indirect_dma semaphore(%arg11 : memref<!tpu.dma_semaphore, #tpu.memory_space<semaphore_mem>>) src(%dma_wait3A_2444 : memref<1304576x32xf32, #tpu.memory_space<hbm>>) dst(%dma_wait3A_2439 : memref<128x32xf32, #tpu.memory_space<vmem>>)
    %dma_wait3A_2445 = arith.constant 1 : i32
    %dma_wait3A_2446 = arith.constant 128 : i32
    %dma_wait3A_2447 = arith.constant 0 : i32
    %dma_wait3A_2448 = tpu.memref_slice %arg8[%dma_wait3A_2445, %dma_wait3A_2446, %dma_wait3A_2447] : memref<4x512x32xf32, #tpu.memory_space<vmem>> -> memref<1x128x32xf32, #tpu.memory_space<vmem>>
    %dma_wait3A_2449 = tpu.memref_squeeze %dma_wait3A_2448 : memref<1x128x32xf32, #tpu.memory_space<vmem>> -> memref<128x32xf32, #tpu.memory_space<vmem>>
    %dma_wait3A_2450 = arith.constant 8832 : i32
    %dma_wait3A_2451 = tpu.memref_slice %arg7[%dma_wait3A_2450] : memref<13312xi32, #tpu.memory_space<vmem>> -> memref<128xi32, #tpu.memory_space<vmem>>
    %dma_wait3A_2452 = arith.constant 0 : i32
    %dma_wait3A_2453 = arith.constant 0 : i32
    %dma_wait3A_2454 = tpu.memref_slice %arg5[%dma_wait3A_2452, %dma_wait3A_2453] : memref<1304576x32xf32, #tpu.memory_space<hbm>> -> memref<1304576x32xf32, #tpu.memory_space<hbm>>
    tpu.wait_indirect_dma semaphore(%arg11 : memref<!tpu.dma_semaphore, #tpu.memory_space<semaphore_mem>>) src(%dma_wait3A_2454 : memref<1304576x32xf32, #tpu.memory_space<hbm>>) dst(%dma_wait3A_2449 : memref<128x32xf32, #tpu.memory_space<vmem>>)
    %dma_wait3A_2455 = arith.constant 1 : i32
    %dma_wait3A_2456 = arith.constant 256 : i32
    %dma_wait3A_2457 = arith.constant 0 : i32
    %dma_wait3A_2458 = tpu.memref_slice %arg8[%dma_wait3A_2455, %dma_wait3A_2456, %dma_wait3A_2457] : memref<4x512x32xf32, #tpu.memory_space<vmem>> -> memref<1x128x32xf32, #tpu.memory_space<vmem>>
    %dma_wait3A_2459 = tpu.memref_squeeze %dma_wait3A_2458 : memref<1x128x32xf32, #tpu.memory_space<vmem>> -> memref<128x32xf32, #tpu.memory_space<vmem>>
    %dma_wait3A_2460 = arith.constant 8960 : i32
    %dma_wait3A_2461 = tpu.memref_slice %arg7[%dma_wait3A_2460] : memref<13312xi32, #tpu.memory_space<vmem>> -> memref<128xi32, #tpu.memory_space<vmem>>
    %dma_wait3A_2462 = arith.constant 0 : i32
    %dma_wait3A_2463 = arith.constant 0 : i32
    %dma_wait3A_2464 = tpu.memref_slice %arg5[%dma_wait3A_2462, %dma_wait3A_2463] : memref<1304576x32xf32, #tpu.memory_space<hbm>> -> memref<1304576x32xf32, #tpu.memory_space<hbm>>
    tpu.wait_indirect_dma semaphore(%arg11 : memref<!tpu.dma_semaphore, #tpu.memory_space<semaphore_mem>>) src(%dma_wait3A_2464 : memref<1304576x32xf32, #tpu.memory_space<hbm>>) dst(%dma_wait3A_2459 : memref<128x32xf32, #tpu.memory_space<vmem>>)
    %dma_wait3A_2465 = arith.constant 1 : i32
    %dma_wait3A_2466 = arith.constant 384 : i32
    %dma_wait3A_2467 = arith.constant 0 : i32
    %dma_wait3A_2468 = tpu.memref_slice %arg8[%dma_wait3A_2465, %dma_wait3A_2466, %dma_wait3A_2467] : memref<4x512x32xf32, #tpu.memory_space<vmem>> -> memref<1x128x32xf32, #tpu.memory_space<vmem>>
    %dma_wait3A_2469 = tpu.memref_squeeze %dma_wait3A_2468 : memref<1x128x32xf32, #tpu.memory_space<vmem>> -> memref<128x32xf32, #tpu.memory_space<vmem>>
    %dma_wait3A_2470 = arith.constant 9088 : i32
    %dma_wait3A_2471 = tpu.memref_slice %arg7[%dma_wait3A_2470] : memref<13312xi32, #tpu.memory_space<vmem>> -> memref<128xi32, #tpu.memory_space<vmem>>
    %dma_wait3A_2472 = arith.constant 0 : i32
    %dma_wait3A_2473 = arith.constant 0 : i32
    %dma_wait3A_2474 = tpu.memref_slice %arg5[%dma_wait3A_2472, %dma_wait3A_2473] : memref<1304576x32xf32, #tpu.memory_space<hbm>> -> memref<1304576x32xf32, #tpu.memory_space<hbm>>
    tpu.wait_indirect_dma semaphore(%arg11 : memref<!tpu.dma_semaphore, #tpu.memory_space<semaphore_mem>>) src(%dma_wait3A_2474 : memref<1304576x32xf32, #tpu.memory_space<hbm>>) dst(%dma_wait3A_2469 : memref<128x32xf32, #tpu.memory_space<vmem>>)
    %dma_start3A_2475 = arith.constant 1 : i32
    %dma_start3A_2476 = arith.constant 0 : i32
    %dma_start3A_2477 = arith.constant 0 : i32
    %dma_start3A_2478 = tpu.memref_slice %arg8[%dma_start3A_2475, %dma_start3A_2476, %dma_start3A_2477] : memref<4x512x32xf32, #tpu.memory_space<vmem>> -> memref<1x512x32xf32, #tpu.memory_space<vmem>>
    %dma_start3A_2479 = tpu.memref_squeeze %dma_start3A_2478 : memref<1x512x32xf32, #tpu.memory_space<vmem>> -> memref<512x32xf32, #tpu.memory_space<vmem>>
    %dma_start3A_2480 = arith.constant 544 : i32
    %dma_start3A_2481 = tpu.memref_slice %arg6[%mul3A_2, %dma_start3A_2480] : memref<16384x832xf32, #tpu.memory_space<hbm>> -> memref<512x32xf32, #tpu.memory_space<hbm>>
    %dma_start3A_2482 = arith.constant 544 : i32
    %dma_start3A_2483 = tpu.memref_slice %arg6[%mul3A_2, %dma_start3A_2482] : memref<16384x832xf32, #tpu.memory_space<hbm>> -> memref<512x32xf32, #tpu.memory_space<hbm>>
    %dma_start3A_2484 = arith.constant 0 : i32
    %dma_start3A_2485 = arith.constant 0 : i32
    %dma_start3A_2486 = tpu.memref_slice %arg8[%dma_start3A_2475, %dma_start3A_2484, %dma_start3A_2485] : memref<4x512x32xf32, #tpu.memory_space<vmem>> -> memref<1x512x32xf32, #tpu.memory_space<vmem>>
    %dma_start3A_2487 = tpu.memref_squeeze %dma_start3A_2486 : memref<1x512x32xf32, #tpu.memory_space<vmem>> -> memref<512x32xf32, #tpu.memory_space<vmem>>
    tpu.enqueue_dma source(%dma_start3A_2487 : memref<512x32xf32, #tpu.memory_space<vmem>>) target(%dma_start3A_2483 : memref<512x32xf32, #tpu.memory_space<hbm>>) target_semaphore(%arg15 : memref<!tpu.dma_semaphore, #tpu.memory_space<semaphore_mem>>)
    %dma_wait3A_2488 = arith.constant 1 : i32
    %dma_wait3A_2489 = arith.constant 0 : i32
    %dma_wait3A_2490 = arith.constant 0 : i32
    %dma_wait3A_2491 = tpu.memref_slice %arg8[%dma_wait3A_2488, %dma_wait3A_2489, %dma_wait3A_2490] : memref<4x512x32xf32, #tpu.memory_space<vmem>> -> memref<1x512x32xf32, #tpu.memory_space<vmem>>
    %dma_wait3A_2492 = tpu.memref_squeeze %dma_wait3A_2491 : memref<1x512x32xf32, #tpu.memory_space<vmem>> -> memref<512x32xf32, #tpu.memory_space<vmem>>
    %dma_wait3A_2493 = arith.constant 544 : i32
    %dma_wait3A_2494 = tpu.memref_slice %arg6[%mul3A_2, %dma_wait3A_2493] : memref<16384x832xf32, #tpu.memory_space<hbm>> -> memref<512x32xf32, #tpu.memory_space<hbm>>
    %dma_wait3A_2495 = arith.constant 544 : i32
    %dma_wait3A_2496 = tpu.memref_slice %arg6[%mul3A_2, %dma_wait3A_2495] : memref<16384x832xf32, #tpu.memory_space<hbm>> -> memref<512x32xf32, #tpu.memory_space<hbm>>
    %dma_wait3A_2497 = arith.constant 0 : i32
    %dma_wait3A_2498 = arith.constant 0 : i32
    %dma_wait3A_2499 = tpu.memref_slice %arg8[%dma_wait3A_2488, %dma_wait3A_2497, %dma_wait3A_2498] : memref<4x512x32xf32, #tpu.memory_space<vmem>> -> memref<1x512x32xf32, #tpu.memory_space<vmem>>
    %dma_wait3A_2500 = tpu.memref_squeeze %dma_wait3A_2499 : memref<1x512x32xf32, #tpu.memory_space<vmem>> -> memref<512x32xf32, #tpu.memory_space<vmem>>
    tpu.wait_dma2 semaphore(%arg15 : memref<!tpu.dma_semaphore, #tpu.memory_space<semaphore_mem>>) src(%dma_wait3A_2500 : memref<512x32xf32, #tpu.memory_space<vmem>>) dst(%dma_wait3A_2496 : memref<512x32xf32, #tpu.memory_space<hbm>>)
    %dma_start3A_2501 = arith.constant 1 : i32
    %dma_start3A_2502 = arith.constant 0 : i32
    %dma_start3A_2503 = arith.constant 0 : i32
    %dma_start3A_2504 = tpu.memref_slice %arg8[%dma_start3A_2501, %dma_start3A_2502, %dma_start3A_2503] : memref<4x512x32xf32, #tpu.memory_space<vmem>> -> memref<1x128x32xf32, #tpu.memory_space<vmem>>
    %dma_start3A_2505 = tpu.memref_squeeze %dma_start3A_2504 : memref<1x128x32xf32, #tpu.memory_space<vmem>> -> memref<128x32xf32, #tpu.memory_space<vmem>>
    %dma_start3A_2506 = arith.constant 10752 : i32
    %dma_start3A_2507 = tpu.memref_slice %arg7[%dma_start3A_2506] : memref<13312xi32, #tpu.memory_space<vmem>> -> memref<128xi32, #tpu.memory_space<vmem>>
    %dma_start3A_2508 = arith.constant 0 : i32
    %dma_start3A_2509 = arith.constant 0 : i32
    %dma_start3A_2510 = tpu.memref_slice %arg5[%dma_start3A_2508, %dma_start3A_2509] : memref<1304576x32xf32, #tpu.memory_space<hbm>> -> memref<1304576x32xf32, #tpu.memory_space<hbm>>
    tpu.enqueue_indirect_dma source(%dma_start3A_2510 : memref<1304576x32xf32, #tpu.memory_space<hbm>>) target(%dma_start3A_2505 : memref<128x32xf32, #tpu.memory_space<vmem>>) offsets(%dma_start3A_2507 : memref<128xi32, #tpu.memory_space<vmem>>) semaphore(%arg11 : memref<!tpu.dma_semaphore, #tpu.memory_space<semaphore_mem>>)
    %dma_start3A_2511 = arith.constant 1 : i32
    %dma_start3A_2512 = arith.constant 128 : i32
    %dma_start3A_2513 = arith.constant 0 : i32
    %dma_start3A_2514 = tpu.memref_slice %arg8[%dma_start3A_2511, %dma_start3A_2512, %dma_start3A_2513] : memref<4x512x32xf32, #tpu.memory_space<vmem>> -> memref<1x128x32xf32, #tpu.memory_space<vmem>>
    %dma_start3A_2515 = tpu.memref_squeeze %dma_start3A_2514 : memref<1x128x32xf32, #tpu.memory_space<vmem>> -> memref<128x32xf32, #tpu.memory_space<vmem>>
    %dma_start3A_2516 = arith.constant 10880 : i32
    %dma_start3A_2517 = tpu.memref_slice %arg7[%dma_start3A_2516] : memref<13312xi32, #tpu.memory_space<vmem>> -> memref<128xi32, #tpu.memory_space<vmem>>
    %dma_start3A_2518 = arith.constant 0 : i32
    %dma_start3A_2519 = arith.constant 0 : i32
    %dma_start3A_2520 = tpu.memref_slice %arg5[%dma_start3A_2518, %dma_start3A_2519] : memref<1304576x32xf32, #tpu.memory_space<hbm>> -> memref<1304576x32xf32, #tpu.memory_space<hbm>>
    tpu.enqueue_indirect_dma source(%dma_start3A_2520 : memref<1304576x32xf32, #tpu.memory_space<hbm>>) target(%dma_start3A_2515 : memref<128x32xf32, #tpu.memory_space<vmem>>) offsets(%dma_start3A_2517 : memref<128xi32, #tpu.memory_space<vmem>>) semaphore(%arg11 : memref<!tpu.dma_semaphore, #tpu.memory_space<semaphore_mem>>)
    %dma_start3A_2521 = arith.constant 1 : i32
    %dma_start3A_2522 = arith.constant 256 : i32
    %dma_start3A_2523 = arith.constant 0 : i32
    %dma_start3A_2524 = tpu.memref_slice %arg8[%dma_start3A_2521, %dma_start3A_2522, %dma_start3A_2523] : memref<4x512x32xf32, #tpu.memory_space<vmem>> -> memref<1x128x32xf32, #tpu.memory_space<vmem>>
    %dma_start3A_2525 = tpu.memref_squeeze %dma_start3A_2524 : memref<1x128x32xf32, #tpu.memory_space<vmem>> -> memref<128x32xf32, #tpu.memory_space<vmem>>
    %dma_start3A_2526 = arith.constant 11008 : i32
    %dma_start3A_2527 = tpu.memref_slice %arg7[%dma_start3A_2526] : memref<13312xi32, #tpu.memory_space<vmem>> -> memref<128xi32, #tpu.memory_space<vmem>>
    %dma_start3A_2528 = arith.constant 0 : i32
    %dma_start3A_2529 = arith.constant 0 : i32
    %dma_start3A_2530 = tpu.memref_slice %arg5[%dma_start3A_2528, %dma_start3A_2529] : memref<1304576x32xf32, #tpu.memory_space<hbm>> -> memref<1304576x32xf32, #tpu.memory_space<hbm>>
    tpu.enqueue_indirect_dma source(%dma_start3A_2530 : memref<1304576x32xf32, #tpu.memory_space<hbm>>) target(%dma_start3A_2525 : memref<128x32xf32, #tpu.memory_space<vmem>>) offsets(%dma_start3A_2527 : memref<128xi32, #tpu.memory_space<vmem>>) semaphore(%arg11 : memref<!tpu.dma_semaphore, #tpu.memory_space<semaphore_mem>>)
    %dma_start3A_2531 = arith.constant 1 : i32
    %dma_start3A_2532 = arith.constant 384 : i32
    %dma_start3A_2533 = arith.constant 0 : i32
    %dma_start3A_2534 = tpu.memref_slice %arg8[%dma_start3A_2531, %dma_start3A_2532, %dma_start3A_2533] : memref<4x512x32xf32, #tpu.memory_space<vmem>> -> memref<1x128x32xf32, #tpu.memory_space<vmem>>
    %dma_start3A_2535 = tpu.memref_squeeze %dma_start3A_2534 : memref<1x128x32xf32, #tpu.memory_space<vmem>> -> memref<128x32xf32, #tpu.memory_space<vmem>>
    %dma_start3A_2536 = arith.constant 11136 : i32
    %dma_start3A_2537 = tpu.memref_slice %arg7[%dma_start3A_2536] : memref<13312xi32, #tpu.memory_space<vmem>> -> memref<128xi32, #tpu.memory_space<vmem>>
    %dma_start3A_2538 = arith.constant 0 : i32
    %dma_start3A_2539 = arith.constant 0 : i32
    %dma_start3A_2540 = tpu.memref_slice %arg5[%dma_start3A_2538, %dma_start3A_2539] : memref<1304576x32xf32, #tpu.memory_space<hbm>> -> memref<1304576x32xf32, #tpu.memory_space<hbm>>
    tpu.enqueue_indirect_dma source(%dma_start3A_2540 : memref<1304576x32xf32, #tpu.memory_space<hbm>>) target(%dma_start3A_2535 : memref<128x32xf32, #tpu.memory_space<vmem>>) offsets(%dma_start3A_2537 : memref<128xi32, #tpu.memory_space<vmem>>) semaphore(%arg11 : memref<!tpu.dma_semaphore, #tpu.memory_space<semaphore_mem>>)
    %dma_wait3A_2541 = arith.constant 2 : i32
    %dma_wait3A_2542 = arith.constant 0 : i32
    %dma_wait3A_2543 = arith.constant 0 : i32
    %dma_wait3A_2544 = tpu.memref_slice %arg8[%dma_wait3A_2541, %dma_wait3A_2542, %dma_wait3A_2543] : memref<4x512x32xf32, #tpu.memory_space<vmem>> -> memref<1x128x32xf32, #tpu.memory_space<vmem>>
    %dma_wait3A_2545 = tpu.memref_squeeze %dma_wait3A_2544 : memref<1x128x32xf32, #tpu.memory_space<vmem>> -> memref<128x32xf32, #tpu.memory_space<vmem>>
    %dma_wait3A_2546 = arith.constant 9216 : i32
    %dma_wait3A_2547 = tpu.memref_slice %arg7[%dma_wait3A_2546] : memref<13312xi32, #tpu.memory_space<vmem>> -> memref<128xi32, #tpu.memory_space<vmem>>
    %dma_wait3A_2548 = arith.constant 0 : i32
    %dma_wait3A_2549 = arith.constant 0 : i32
    %dma_wait3A_2550 = tpu.memref_slice %arg5[%dma_wait3A_2548, %dma_wait3A_2549] : memref<1304576x32xf32, #tpu.memory_space<hbm>> -> memref<1304576x32xf32, #tpu.memory_space<hbm>>
    tpu.wait_indirect_dma semaphore(%arg12 : memref<!tpu.dma_semaphore, #tpu.memory_space<semaphore_mem>>) src(%dma_wait3A_2550 : memref<1304576x32xf32, #tpu.memory_space<hbm>>) dst(%dma_wait3A_2545 : memref<128x32xf32, #tpu.memory_space<vmem>>)
    %dma_wait3A_2551 = arith.constant 2 : i32
    %dma_wait3A_2552 = arith.constant 128 : i32
    %dma_wait3A_2553 = arith.constant 0 : i32
    %dma_wait3A_2554 = tpu.memref_slice %arg8[%dma_wait3A_2551, %dma_wait3A_2552, %dma_wait3A_2553] : memref<4x512x32xf32, #tpu.memory_space<vmem>> -> memref<1x128x32xf32, #tpu.memory_space<vmem>>
    %dma_wait3A_2555 = tpu.memref_squeeze %dma_wait3A_2554 : memref<1x128x32xf32, #tpu.memory_space<vmem>> -> memref<128x32xf32, #tpu.memory_space<vmem>>
    %dma_wait3A_2556 = arith.constant 9344 : i32
    %dma_wait3A_2557 = tpu.memref_slice %arg7[%dma_wait3A_2556] : memref<13312xi32, #tpu.memory_space<vmem>> -> memref<128xi32, #tpu.memory_space<vmem>>
    %dma_wait3A_2558 = arith.constant 0 : i32
    %dma_wait3A_2559 = arith.constant 0 : i32
    %dma_wait3A_2560 = tpu.memref_slice %arg5[%dma_wait3A_2558, %dma_wait3A_2559] : memref<1304576x32xf32, #tpu.memory_space<hbm>> -> memref<1304576x32xf32, #tpu.memory_space<hbm>>
    tpu.wait_indirect_dma semaphore(%arg12 : memref<!tpu.dma_semaphore, #tpu.memory_space<semaphore_mem>>) src(%dma_wait3A_2560 : memref<1304576x32xf32, #tpu.memory_space<hbm>>) dst(%dma_wait3A_2555 : memref<128x32xf32, #tpu.memory_space<vmem>>)
    %dma_wait3A_2561 = arith.constant 2 : i32
    %dma_wait3A_2562 = arith.constant 256 : i32
    %dma_wait3A_2563 = arith.constant 0 : i32
    %dma_wait3A_2564 = tpu.memref_slice %arg8[%dma_wait3A_2561, %dma_wait3A_2562, %dma_wait3A_2563] : memref<4x512x32xf32, #tpu.memory_space<vmem>> -> memref<1x128x32xf32, #tpu.memory_space<vmem>>
    %dma_wait3A_2565 = tpu.memref_squeeze %dma_wait3A_2564 : memref<1x128x32xf32, #tpu.memory_space<vmem>> -> memref<128x32xf32, #tpu.memory_space<vmem>>
    %dma_wait3A_2566 = arith.constant 9472 : i32
    %dma_wait3A_2567 = tpu.memref_slice %arg7[%dma_wait3A_2566] : memref<13312xi32, #tpu.memory_space<vmem>> -> memref<128xi32, #tpu.memory_space<vmem>>
    %dma_wait3A_2568 = arith.constant 0 : i32
    %dma_wait3A_2569 = arith.constant 0 : i32
    %dma_wait3A_2570 = tpu.memref_slice %arg5[%dma_wait3A_2568, %dma_wait3A_2569] : memref<1304576x32xf32, #tpu.memory_space<hbm>> -> memref<1304576x32xf32, #tpu.memory_space<hbm>>
    tpu.wait_indirect_dma semaphore(%arg12 : memref<!tpu.dma_semaphore, #tpu.memory_space<semaphore_mem>>) src(%dma_wait3A_2570 : memref<1304576x32xf32, #tpu.memory_space<hbm>>) dst(%dma_wait3A_2565 : memref<128x32xf32, #tpu.memory_space<vmem>>)
    %dma_wait3A_2571 = arith.constant 2 : i32
    %dma_wait3A_2572 = arith.constant 384 : i32
    %dma_wait3A_2573 = arith.constant 0 : i32
    %dma_wait3A_2574 = tpu.memref_slice %arg8[%dma_wait3A_2571, %dma_wait3A_2572, %dma_wait3A_2573] : memref<4x512x32xf32, #tpu.memory_space<vmem>> -> memref<1x128x32xf32, #tpu.memory_space<vmem>>
    %dma_wait3A_2575 = tpu.memref_squeeze %dma_wait3A_2574 : memref<1x128x32xf32, #tpu.memory_space<vmem>> -> memref<128x32xf32, #tpu.memory_space<vmem>>
    %dma_wait3A_2576 = arith.constant 9600 : i32
    %dma_wait3A_2577 = tpu.memref_slice %arg7[%dma_wait3A_2576] : memref<13312xi32, #tpu.memory_space<vmem>> -> memref<128xi32, #tpu.memory_space<vmem>>
    %dma_wait3A_2578 = arith.constant 0 : i32
    %dma_wait3A_2579 = arith.constant 0 : i32
    %dma_wait3A_2580 = tpu.memref_slice %arg5[%dma_wait3A_2578, %dma_wait3A_2579] : memref<1304576x32xf32, #tpu.memory_space<hbm>> -> memref<1304576x32xf32, #tpu.memory_space<hbm>>
    tpu.wait_indirect_dma semaphore(%arg12 : memref<!tpu.dma_semaphore, #tpu.memory_space<semaphore_mem>>) src(%dma_wait3A_2580 : memref<1304576x32xf32, #tpu.memory_space<hbm>>) dst(%dma_wait3A_2575 : memref<128x32xf32, #tpu.memory_space<vmem>>)
    %dma_start3A_2581 = arith.constant 2 : i32
    %dma_start3A_2582 = arith.constant 0 : i32
    %dma_start3A_2583 = arith.constant 0 : i32
    %dma_start3A_2584 = tpu.memref_slice %arg8[%dma_start3A_2581, %dma_start3A_2582, %dma_start3A_2583] : memref<4x512x32xf32, #tpu.memory_space<vmem>> -> memref<1x512x32xf32, #tpu.memory_space<vmem>>
    %dma_start3A_2585 = tpu.memref_squeeze %dma_start3A_2584 : memref<1x512x32xf32, #tpu.memory_space<vmem>> -> memref<512x32xf32, #tpu.memory_space<vmem>>
    %dma_start3A_2586 = arith.constant 576 : i32
    %dma_start3A_2587 = tpu.memref_slice %arg6[%mul3A_2, %dma_start3A_2586] : memref<16384x832xf32, #tpu.memory_space<hbm>> -> memref<512x32xf32, #tpu.memory_space<hbm>>
    %dma_start3A_2588 = arith.constant 576 : i32
    %dma_start3A_2589 = tpu.memref_slice %arg6[%mul3A_2, %dma_start3A_2588] : memref<16384x832xf32, #tpu.memory_space<hbm>> -> memref<512x32xf32, #tpu.memory_space<hbm>>
    %dma_start3A_2590 = arith.constant 0 : i32
    %dma_start3A_2591 = arith.constant 0 : i32
    %dma_start3A_2592 = tpu.memref_slice %arg8[%dma_start3A_2581, %dma_start3A_2590, %dma_start3A_2591] : memref<4x512x32xf32, #tpu.memory_space<vmem>> -> memref<1x512x32xf32, #tpu.memory_space<vmem>>
    %dma_start3A_2593 = tpu.memref_squeeze %dma_start3A_2592 : memref<1x512x32xf32, #tpu.memory_space<vmem>> -> memref<512x32xf32, #tpu.memory_space<vmem>>
    tpu.enqueue_dma source(%dma_start3A_2593 : memref<512x32xf32, #tpu.memory_space<vmem>>) target(%dma_start3A_2589 : memref<512x32xf32, #tpu.memory_space<hbm>>) target_semaphore(%arg16 : memref<!tpu.dma_semaphore, #tpu.memory_space<semaphore_mem>>)
    %dma_wait3A_2594 = arith.constant 2 : i32
    %dma_wait3A_2595 = arith.constant 0 : i32
    %dma_wait3A_2596 = arith.constant 0 : i32
    %dma_wait3A_2597 = tpu.memref_slice %arg8[%dma_wait3A_2594, %dma_wait3A_2595, %dma_wait3A_2596] : memref<4x512x32xf32, #tpu.memory_space<vmem>> -> memref<1x512x32xf32, #tpu.memory_space<vmem>>
    %dma_wait3A_2598 = tpu.memref_squeeze %dma_wait3A_2597 : memref<1x512x32xf32, #tpu.memory_space<vmem>> -> memref<512x32xf32, #tpu.memory_space<vmem>>
    %dma_wait3A_2599 = arith.constant 576 : i32
    %dma_wait3A_2600 = tpu.memref_slice %arg6[%mul3A_2, %dma_wait3A_2599] : memref<16384x832xf32, #tpu.memory_space<hbm>> -> memref<512x32xf32, #tpu.memory_space<hbm>>
    %dma_wait3A_2601 = arith.constant 576 : i32
    %dma_wait3A_2602 = tpu.memref_slice %arg6[%mul3A_2, %dma_wait3A_2601] : memref<16384x832xf32, #tpu.memory_space<hbm>> -> memref<512x32xf32, #tpu.memory_space<hbm>>
    %dma_wait3A_2603 = arith.constant 0 : i32
    %dma_wait3A_2604 = arith.constant 0 : i32
    %dma_wait3A_2605 = tpu.memref_slice %arg8[%dma_wait3A_2594, %dma_wait3A_2603, %dma_wait3A_2604] : memref<4x512x32xf32, #tpu.memory_space<vmem>> -> memref<1x512x32xf32, #tpu.memory_space<vmem>>
    %dma_wait3A_2606 = tpu.memref_squeeze %dma_wait3A_2605 : memref<1x512x32xf32, #tpu.memory_space<vmem>> -> memref<512x32xf32, #tpu.memory_space<vmem>>
    tpu.wait_dma2 semaphore(%arg16 : memref<!tpu.dma_semaphore, #tpu.memory_space<semaphore_mem>>) src(%dma_wait3A_2606 : memref<512x32xf32, #tpu.memory_space<vmem>>) dst(%dma_wait3A_2602 : memref<512x32xf32, #tpu.memory_space<hbm>>)
    %dma_start3A_2607 = arith.constant 2 : i32
    %dma_start3A_2608 = arith.constant 0 : i32
    %dma_start3A_2609 = arith.constant 0 : i32
    %dma_start3A_2610 = tpu.memref_slice %arg8[%dma_start3A_2607, %dma_start3A_2608, %dma_start3A_2609] : memref<4x512x32xf32, #tpu.memory_space<vmem>> -> memref<1x128x32xf32, #tpu.memory_space<vmem>>
    %dma_start3A_2611 = tpu.memref_squeeze %dma_start3A_2610 : memref<1x128x32xf32, #tpu.memory_space<vmem>> -> memref<128x32xf32, #tpu.memory_space<vmem>>
    %dma_start3A_2612 = arith.constant 11264 : i32
    %dma_start3A_2613 = tpu.memref_slice %arg7[%dma_start3A_2612] : memref<13312xi32, #tpu.memory_space<vmem>> -> memref<128xi32, #tpu.memory_space<vmem>>
    %dma_start3A_2614 = arith.constant 0 : i32
    %dma_start3A_2615 = arith.constant 0 : i32
    %dma_start3A_2616 = tpu.memref_slice %arg5[%dma_start3A_2614, %dma_start3A_2615] : memref<1304576x32xf32, #tpu.memory_space<hbm>> -> memref<1304576x32xf32, #tpu.memory_space<hbm>>
    tpu.enqueue_indirect_dma source(%dma_start3A_2616 : memref<1304576x32xf32, #tpu.memory_space<hbm>>) target(%dma_start3A_2611 : memref<128x32xf32, #tpu.memory_space<vmem>>) offsets(%dma_start3A_2613 : memref<128xi32, #tpu.memory_space<vmem>>) semaphore(%arg12 : memref<!tpu.dma_semaphore, #tpu.memory_space<semaphore_mem>>)
    %dma_start3A_2617 = arith.constant 2 : i32
    %dma_start3A_2618 = arith.constant 128 : i32
    %dma_start3A_2619 = arith.constant 0 : i32
    %dma_start3A_2620 = tpu.memref_slice %arg8[%dma_start3A_2617, %dma_start3A_2618, %dma_start3A_2619] : memref<4x512x32xf32, #tpu.memory_space<vmem>> -> memref<1x128x32xf32, #tpu.memory_space<vmem>>
    %dma_start3A_2621 = tpu.memref_squeeze %dma_start3A_2620 : memref<1x128x32xf32, #tpu.memory_space<vmem>> -> memref<128x32xf32, #tpu.memory_space<vmem>>
    %dma_start3A_2622 = arith.constant 11392 : i32
    %dma_start3A_2623 = tpu.memref_slice %arg7[%dma_start3A_2622] : memref<13312xi32, #tpu.memory_space<vmem>> -> memref<128xi32, #tpu.memory_space<vmem>>
    %dma_start3A_2624 = arith.constant 0 : i32
    %dma_start3A_2625 = arith.constant 0 : i32
    %dma_start3A_2626 = tpu.memref_slice %arg5[%dma_start3A_2624, %dma_start3A_2625] : memref<1304576x32xf32, #tpu.memory_space<hbm>> -> memref<1304576x32xf32, #tpu.memory_space<hbm>>
    tpu.enqueue_indirect_dma source(%dma_start3A_2626 : memref<1304576x32xf32, #tpu.memory_space<hbm>>) target(%dma_start3A_2621 : memref<128x32xf32, #tpu.memory_space<vmem>>) offsets(%dma_start3A_2623 : memref<128xi32, #tpu.memory_space<vmem>>) semaphore(%arg12 : memref<!tpu.dma_semaphore, #tpu.memory_space<semaphore_mem>>)
    %dma_start3A_2627 = arith.constant 2 : i32
    %dma_start3A_2628 = arith.constant 256 : i32
    %dma_start3A_2629 = arith.constant 0 : i32
    %dma_start3A_2630 = tpu.memref_slice %arg8[%dma_start3A_2627, %dma_start3A_2628, %dma_start3A_2629] : memref<4x512x32xf32, #tpu.memory_space<vmem>> -> memref<1x128x32xf32, #tpu.memory_space<vmem>>
    %dma_start3A_2631 = tpu.memref_squeeze %dma_start3A_2630 : memref<1x128x32xf32, #tpu.memory_space<vmem>> -> memref<128x32xf32, #tpu.memory_space<vmem>>
    %dma_start3A_2632 = arith.constant 11520 : i32
    %dma_start3A_2633 = tpu.memref_slice %arg7[%dma_start3A_2632] : memref<13312xi32, #tpu.memory_space<vmem>> -> memref<128xi32, #tpu.memory_space<vmem>>
    %dma_start3A_2634 = arith.constant 0 : i32
    %dma_start3A_2635 = arith.constant 0 : i32
    %dma_start3A_2636 = tpu.memref_slice %arg5[%dma_start3A_2634, %dma_start3A_2635] : memref<1304576x32xf32, #tpu.memory_space<hbm>> -> memref<1304576x32xf32, #tpu.memory_space<hbm>>
    tpu.enqueue_indirect_dma source(%dma_start3A_2636 : memref<1304576x32xf32, #tpu.memory_space<hbm>>) target(%dma_start3A_2631 : memref<128x32xf32, #tpu.memory_space<vmem>>) offsets(%dma_start3A_2633 : memref<128xi32, #tpu.memory_space<vmem>>) semaphore(%arg12 : memref<!tpu.dma_semaphore, #tpu.memory_space<semaphore_mem>>)
    %dma_start3A_2637 = arith.constant 2 : i32
    %dma_start3A_2638 = arith.constant 384 : i32
    %dma_start3A_2639 = arith.constant 0 : i32
    %dma_start3A_2640 = tpu.memref_slice %arg8[%dma_start3A_2637, %dma_start3A_2638, %dma_start3A_2639] : memref<4x512x32xf32, #tpu.memory_space<vmem>> -> memref<1x128x32xf32, #tpu.memory_space<vmem>>
    %dma_start3A_2641 = tpu.memref_squeeze %dma_start3A_2640 : memref<1x128x32xf32, #tpu.memory_space<vmem>> -> memref<128x32xf32, #tpu.memory_space<vmem>>
    %dma_start3A_2642 = arith.constant 11648 : i32
    %dma_start3A_2643 = tpu.memref_slice %arg7[%dma_start3A_2642] : memref<13312xi32, #tpu.memory_space<vmem>> -> memref<128xi32, #tpu.memory_space<vmem>>
    %dma_start3A_2644 = arith.constant 0 : i32
    %dma_start3A_2645 = arith.constant 0 : i32
    %dma_start3A_2646 = tpu.memref_slice %arg5[%dma_start3A_2644, %dma_start3A_2645] : memref<1304576x32xf32, #tpu.memory_space<hbm>> -> memref<1304576x32xf32, #tpu.memory_space<hbm>>
    tpu.enqueue_indirect_dma source(%dma_start3A_2646 : memref<1304576x32xf32, #tpu.memory_space<hbm>>) target(%dma_start3A_2641 : memref<128x32xf32, #tpu.memory_space<vmem>>) offsets(%dma_start3A_2643 : memref<128xi32, #tpu.memory_space<vmem>>) semaphore(%arg12 : memref<!tpu.dma_semaphore, #tpu.memory_space<semaphore_mem>>)
    %dma_wait3A_2647 = arith.constant 3 : i32
    %dma_wait3A_2648 = arith.constant 0 : i32
    %dma_wait3A_2649 = arith.constant 0 : i32
    %dma_wait3A_2650 = tpu.memref_slice %arg8[%dma_wait3A_2647, %dma_wait3A_2648, %dma_wait3A_2649] : memref<4x512x32xf32, #tpu.memory_space<vmem>> -> memref<1x128x32xf32, #tpu.memory_space<vmem>>
    %dma_wait3A_2651 = tpu.memref_squeeze %dma_wait3A_2650 : memref<1x128x32xf32, #tpu.memory_space<vmem>> -> memref<128x32xf32, #tpu.memory_space<vmem>>
    %dma_wait3A_2652 = arith.constant 9728 : i32
    %dma_wait3A_2653 = tpu.memref_slice %arg7[%dma_wait3A_2652] : memref<13312xi32, #tpu.memory_space<vmem>> -> memref<128xi32, #tpu.memory_space<vmem>>
    %dma_wait3A_2654 = arith.constant 0 : i32
    %dma_wait3A_2655 = arith.constant 0 : i32
    %dma_wait3A_2656 = tpu.memref_slice %arg5[%dma_wait3A_2654, %dma_wait3A_2655] : memref<1304576x32xf32, #tpu.memory_space<hbm>> -> memref<1304576x32xf32, #tpu.memory_space<hbm>>
    tpu.wait_indirect_dma semaphore(%arg13 : memref<!tpu.dma_semaphore, #tpu.memory_space<semaphore_mem>>) src(%dma_wait3A_2656 : memref<1304576x32xf32, #tpu.memory_space<hbm>>) dst(%dma_wait3A_2651 : memref<128x32xf32, #tpu.memory_space<vmem>>)
    %dma_wait3A_2657 = arith.constant 3 : i32
    %dma_wait3A_2658 = arith.constant 128 : i32
    %dma_wait3A_2659 = arith.constant 0 : i32
    %dma_wait3A_2660 = tpu.memref_slice %arg8[%dma_wait3A_2657, %dma_wait3A_2658, %dma_wait3A_2659] : memref<4x512x32xf32, #tpu.memory_space<vmem>> -> memref<1x128x32xf32, #tpu.memory_space<vmem>>
    %dma_wait3A_2661 = tpu.memref_squeeze %dma_wait3A_2660 : memref<1x128x32xf32, #tpu.memory_space<vmem>> -> memref<128x32xf32, #tpu.memory_space<vmem>>
    %dma_wait3A_2662 = arith.constant 9856 : i32
    %dma_wait3A_2663 = tpu.memref_slice %arg7[%dma_wait3A_2662] : memref<13312xi32, #tpu.memory_space<vmem>> -> memref<128xi32, #tpu.memory_space<vmem>>
    %dma_wait3A_2664 = arith.constant 0 : i32
    %dma_wait3A_2665 = arith.constant 0 : i32
    %dma_wait3A_2666 = tpu.memref_slice %arg5[%dma_wait3A_2664, %dma_wait3A_2665] : memref<1304576x32xf32, #tpu.memory_space<hbm>> -> memref<1304576x32xf32, #tpu.memory_space<hbm>>
    tpu.wait_indirect_dma semaphore(%arg13 : memref<!tpu.dma_semaphore, #tpu.memory_space<semaphore_mem>>) src(%dma_wait3A_2666 : memref<1304576x32xf32, #tpu.memory_space<hbm>>) dst(%dma_wait3A_2661 : memref<128x32xf32, #tpu.memory_space<vmem>>)
    %dma_wait3A_2667 = arith.constant 3 : i32
    %dma_wait3A_2668 = arith.constant 256 : i32
    %dma_wait3A_2669 = arith.constant 0 : i32
    %dma_wait3A_2670 = tpu.memref_slice %arg8[%dma_wait3A_2667, %dma_wait3A_2668, %dma_wait3A_2669] : memref<4x512x32xf32, #tpu.memory_space<vmem>> -> memref<1x128x32xf32, #tpu.memory_space<vmem>>
    %dma_wait3A_2671 = tpu.memref_squeeze %dma_wait3A_2670 : memref<1x128x32xf32, #tpu.memory_space<vmem>> -> memref<128x32xf32, #tpu.memory_space<vmem>>
    %dma_wait3A_2672 = arith.constant 9984 : i32
    %dma_wait3A_2673 = tpu.memref_slice %arg7[%dma_wait3A_2672] : memref<13312xi32, #tpu.memory_space<vmem>> -> memref<128xi32, #tpu.memory_space<vmem>>
    %dma_wait3A_2674 = arith.constant 0 : i32
    %dma_wait3A_2675 = arith.constant 0 : i32
    %dma_wait3A_2676 = tpu.memref_slice %arg5[%dma_wait3A_2674, %dma_wait3A_2675] : memref<1304576x32xf32, #tpu.memory_space<hbm>> -> memref<1304576x32xf32, #tpu.memory_space<hbm>>
    tpu.wait_indirect_dma semaphore(%arg13 : memref<!tpu.dma_semaphore, #tpu.memory_space<semaphore_mem>>) src(%dma_wait3A_2676 : memref<1304576x32xf32, #tpu.memory_space<hbm>>) dst(%dma_wait3A_2671 : memref<128x32xf32, #tpu.memory_space<vmem>>)
    %dma_wait3A_2677 = arith.constant 3 : i32
    %dma_wait3A_2678 = arith.constant 384 : i32
    %dma_wait3A_2679 = arith.constant 0 : i32
    %dma_wait3A_2680 = tpu.memref_slice %arg8[%dma_wait3A_2677, %dma_wait3A_2678, %dma_wait3A_2679] : memref<4x512x32xf32, #tpu.memory_space<vmem>> -> memref<1x128x32xf32, #tpu.memory_space<vmem>>
    %dma_wait3A_2681 = tpu.memref_squeeze %dma_wait3A_2680 : memref<1x128x32xf32, #tpu.memory_space<vmem>> -> memref<128x32xf32, #tpu.memory_space<vmem>>
    %dma_wait3A_2682 = arith.constant 10112 : i32
    %dma_wait3A_2683 = tpu.memref_slice %arg7[%dma_wait3A_2682] : memref<13312xi32, #tpu.memory_space<vmem>> -> memref<128xi32, #tpu.memory_space<vmem>>
    %dma_wait3A_2684 = arith.constant 0 : i32
    %dma_wait3A_2685 = arith.constant 0 : i32
    %dma_wait3A_2686 = tpu.memref_slice %arg5[%dma_wait3A_2684, %dma_wait3A_2685] : memref<1304576x32xf32, #tpu.memory_space<hbm>> -> memref<1304576x32xf32, #tpu.memory_space<hbm>>
    tpu.wait_indirect_dma semaphore(%arg13 : memref<!tpu.dma_semaphore, #tpu.memory_space<semaphore_mem>>) src(%dma_wait3A_2686 : memref<1304576x32xf32, #tpu.memory_space<hbm>>) dst(%dma_wait3A_2681 : memref<128x32xf32, #tpu.memory_space<vmem>>)
    %dma_start3A_2687 = arith.constant 3 : i32
    %dma_start3A_2688 = arith.constant 0 : i32
    %dma_start3A_2689 = arith.constant 0 : i32
    %dma_start3A_2690 = tpu.memref_slice %arg8[%dma_start3A_2687, %dma_start3A_2688, %dma_start3A_2689] : memref<4x512x32xf32, #tpu.memory_space<vmem>> -> memref<1x512x32xf32, #tpu.memory_space<vmem>>
    %dma_start3A_2691 = tpu.memref_squeeze %dma_start3A_2690 : memref<1x512x32xf32, #tpu.memory_space<vmem>> -> memref<512x32xf32, #tpu.memory_space<vmem>>
    %dma_start3A_2692 = arith.constant 608 : i32
    %dma_start3A_2693 = tpu.memref_slice %arg6[%mul3A_2, %dma_start3A_2692] : memref<16384x832xf32, #tpu.memory_space<hbm>> -> memref<512x32xf32, #tpu.memory_space<hbm>>
    %dma_start3A_2694 = arith.constant 608 : i32
    %dma_start3A_2695 = tpu.memref_slice %arg6[%mul3A_2, %dma_start3A_2694] : memref<16384x832xf32, #tpu.memory_space<hbm>> -> memref<512x32xf32, #tpu.memory_space<hbm>>
    %dma_start3A_2696 = arith.constant 0 : i32
    %dma_start3A_2697 = arith.constant 0 : i32
    %dma_start3A_2698 = tpu.memref_slice %arg8[%dma_start3A_2687, %dma_start3A_2696, %dma_start3A_2697] : memref<4x512x32xf32, #tpu.memory_space<vmem>> -> memref<1x512x32xf32, #tpu.memory_space<vmem>>
    %dma_start3A_2699 = tpu.memref_squeeze %dma_start3A_2698 : memref<1x512x32xf32, #tpu.memory_space<vmem>> -> memref<512x32xf32, #tpu.memory_space<vmem>>
    tpu.enqueue_dma source(%dma_start3A_2699 : memref<512x32xf32, #tpu.memory_space<vmem>>) target(%dma_start3A_2695 : memref<512x32xf32, #tpu.memory_space<hbm>>) target_semaphore(%arg17 : memref<!tpu.dma_semaphore, #tpu.memory_space<semaphore_mem>>)
    %dma_wait3A_2700 = arith.constant 3 : i32
    %dma_wait3A_2701 = arith.constant 0 : i32
    %dma_wait3A_2702 = arith.constant 0 : i32
    %dma_wait3A_2703 = tpu.memref_slice %arg8[%dma_wait3A_2700, %dma_wait3A_2701, %dma_wait3A_2702] : memref<4x512x32xf32, #tpu.memory_space<vmem>> -> memref<1x512x32xf32, #tpu.memory_space<vmem>>
    %dma_wait3A_2704 = tpu.memref_squeeze %dma_wait3A_2703 : memref<1x512x32xf32, #tpu.memory_space<vmem>> -> memref<512x32xf32, #tpu.memory_space<vmem>>
    %dma_wait3A_2705 = arith.constant 608 : i32
    %dma_wait3A_2706 = tpu.memref_slice %arg6[%mul3A_2, %dma_wait3A_2705] : memref<16384x832xf32, #tpu.memory_space<hbm>> -> memref<512x32xf32, #tpu.memory_space<hbm>>
    %dma_wait3A_2707 = arith.constant 608 : i32
    %dma_wait3A_2708 = tpu.memref_slice %arg6[%mul3A_2, %dma_wait3A_2707] : memref<16384x832xf32, #tpu.memory_space<hbm>> -> memref<512x32xf32, #tpu.memory_space<hbm>>
    %dma_wait3A_2709 = arith.constant 0 : i32
    %dma_wait3A_2710 = arith.constant 0 : i32
    %dma_wait3A_2711 = tpu.memref_slice %arg8[%dma_wait3A_2700, %dma_wait3A_2709, %dma_wait3A_2710] : memref<4x512x32xf32, #tpu.memory_space<vmem>> -> memref<1x512x32xf32, #tpu.memory_space<vmem>>
    %dma_wait3A_2712 = tpu.memref_squeeze %dma_wait3A_2711 : memref<1x512x32xf32, #tpu.memory_space<vmem>> -> memref<512x32xf32, #tpu.memory_space<vmem>>
    tpu.wait_dma2 semaphore(%arg17 : memref<!tpu.dma_semaphore, #tpu.memory_space<semaphore_mem>>) src(%dma_wait3A_2712 : memref<512x32xf32, #tpu.memory_space<vmem>>) dst(%dma_wait3A_2708 : memref<512x32xf32, #tpu.memory_space<hbm>>)
    %dma_start3A_2713 = arith.constant 3 : i32
    %dma_start3A_2714 = arith.constant 0 : i32
    %dma_start3A_2715 = arith.constant 0 : i32
    %dma_start3A_2716 = tpu.memref_slice %arg8[%dma_start3A_2713, %dma_start3A_2714, %dma_start3A_2715] : memref<4x512x32xf32, #tpu.memory_space<vmem>> -> memref<1x128x32xf32, #tpu.memory_space<vmem>>
    %dma_start3A_2717 = tpu.memref_squeeze %dma_start3A_2716 : memref<1x128x32xf32, #tpu.memory_space<vmem>> -> memref<128x32xf32, #tpu.memory_space<vmem>>
    %dma_start3A_2718 = arith.constant 11776 : i32
    %dma_start3A_2719 = tpu.memref_slice %arg7[%dma_start3A_2718] : memref<13312xi32, #tpu.memory_space<vmem>> -> memref<128xi32, #tpu.memory_space<vmem>>
    %dma_start3A_2720 = arith.constant 0 : i32
    %dma_start3A_2721 = arith.constant 0 : i32
    %dma_start3A_2722 = tpu.memref_slice %arg5[%dma_start3A_2720, %dma_start3A_2721] : memref<1304576x32xf32, #tpu.memory_space<hbm>> -> memref<1304576x32xf32, #tpu.memory_space<hbm>>
    tpu.enqueue_indirect_dma source(%dma_start3A_2722 : memref<1304576x32xf32, #tpu.memory_space<hbm>>) target(%dma_start3A_2717 : memref<128x32xf32, #tpu.memory_space<vmem>>) offsets(%dma_start3A_2719 : memref<128xi32, #tpu.memory_space<vmem>>) semaphore(%arg13 : memref<!tpu.dma_semaphore, #tpu.memory_space<semaphore_mem>>)
    %dma_start3A_2723 = arith.constant 3 : i32
    %dma_start3A_2724 = arith.constant 128 : i32
    %dma_start3A_2725 = arith.constant 0 : i32
    %dma_start3A_2726 = tpu.memref_slice %arg8[%dma_start3A_2723, %dma_start3A_2724, %dma_start3A_2725] : memref<4x512x32xf32, #tpu.memory_space<vmem>> -> memref<1x128x32xf32, #tpu.memory_space<vmem>>
    %dma_start3A_2727 = tpu.memref_squeeze %dma_start3A_2726 : memref<1x128x32xf32, #tpu.memory_space<vmem>> -> memref<128x32xf32, #tpu.memory_space<vmem>>
    %dma_start3A_2728 = arith.constant 11904 : i32
    %dma_start3A_2729 = tpu.memref_slice %arg7[%dma_start3A_2728] : memref<13312xi32, #tpu.memory_space<vmem>> -> memref<128xi32, #tpu.memory_space<vmem>>
    %dma_start3A_2730 = arith.constant 0 : i32
    %dma_start3A_2731 = arith.constant 0 : i32
    %dma_start3A_2732 = tpu.memref_slice %arg5[%dma_start3A_2730, %dma_start3A_2731] : memref<1304576x32xf32, #tpu.memory_space<hbm>> -> memref<1304576x32xf32, #tpu.memory_space<hbm>>
    tpu.enqueue_indirect_dma source(%dma_start3A_2732 : memref<1304576x32xf32, #tpu.memory_space<hbm>>) target(%dma_start3A_2727 : memref<128x32xf32, #tpu.memory_space<vmem>>) offsets(%dma_start3A_2729 : memref<128xi32, #tpu.memory_space<vmem>>) semaphore(%arg13 : memref<!tpu.dma_semaphore, #tpu.memory_space<semaphore_mem>>)
    %dma_start3A_2733 = arith.constant 3 : i32
    %dma_start3A_2734 = arith.constant 256 : i32
    %dma_start3A_2735 = arith.constant 0 : i32
    %dma_start3A_2736 = tpu.memref_slice %arg8[%dma_start3A_2733, %dma_start3A_2734, %dma_start3A_2735] : memref<4x512x32xf32, #tpu.memory_space<vmem>> -> memref<1x128x32xf32, #tpu.memory_space<vmem>>
    %dma_start3A_2737 = tpu.memref_squeeze %dma_start3A_2736 : memref<1x128x32xf32, #tpu.memory_space<vmem>> -> memref<128x32xf32, #tpu.memory_space<vmem>>
    %dma_start3A_2738 = arith.constant 12032 : i32
    %dma_start3A_2739 = tpu.memref_slice %arg7[%dma_start3A_2738] : memref<13312xi32, #tpu.memory_space<vmem>> -> memref<128xi32, #tpu.memory_space<vmem>>
    %dma_start3A_2740 = arith.constant 0 : i32
    %dma_start3A_2741 = arith.constant 0 : i32
    %dma_start3A_2742 = tpu.memref_slice %arg5[%dma_start3A_2740, %dma_start3A_2741] : memref<1304576x32xf32, #tpu.memory_space<hbm>> -> memref<1304576x32xf32, #tpu.memory_space<hbm>>
    tpu.enqueue_indirect_dma source(%dma_start3A_2742 : memref<1304576x32xf32, #tpu.memory_space<hbm>>) target(%dma_start3A_2737 : memref<128x32xf32, #tpu.memory_space<vmem>>) offsets(%dma_start3A_2739 : memref<128xi32, #tpu.memory_space<vmem>>) semaphore(%arg13 : memref<!tpu.dma_semaphore, #tpu.memory_space<semaphore_mem>>)
    %dma_start3A_2743 = arith.constant 3 : i32
    %dma_start3A_2744 = arith.constant 384 : i32
    %dma_start3A_2745 = arith.constant 0 : i32
    %dma_start3A_2746 = tpu.memref_slice %arg8[%dma_start3A_2743, %dma_start3A_2744, %dma_start3A_2745] : memref<4x512x32xf32, #tpu.memory_space<vmem>> -> memref<1x128x32xf32, #tpu.memory_space<vmem>>
    %dma_start3A_2747 = tpu.memref_squeeze %dma_start3A_2746 : memref<1x128x32xf32, #tpu.memory_space<vmem>> -> memref<128x32xf32, #tpu.memory_space<vmem>>
    %dma_start3A_2748 = arith.constant 12160 : i32
    %dma_start3A_2749 = tpu.memref_slice %arg7[%dma_start3A_2748] : memref<13312xi32, #tpu.memory_space<vmem>> -> memref<128xi32, #tpu.memory_space<vmem>>
    %dma_start3A_2750 = arith.constant 0 : i32
    %dma_start3A_2751 = arith.constant 0 : i32
    %dma_start3A_2752 = tpu.memref_slice %arg5[%dma_start3A_2750, %dma_start3A_2751] : memref<1304576x32xf32, #tpu.memory_space<hbm>> -> memref<1304576x32xf32, #tpu.memory_space<hbm>>
    tpu.enqueue_indirect_dma source(%dma_start3A_2752 : memref<1304576x32xf32, #tpu.memory_space<hbm>>) target(%dma_start3A_2747 : memref<128x32xf32, #tpu.memory_space<vmem>>) offsets(%dma_start3A_2749 : memref<128xi32, #tpu.memory_space<vmem>>) semaphore(%arg13 : memref<!tpu.dma_semaphore, #tpu.memory_space<semaphore_mem>>)
    %dma_wait3A_2753 = arith.constant 0 : i32
    %dma_wait3A_2754 = arith.constant 0 : i32
    %dma_wait3A_2755 = arith.constant 0 : i32
    %dma_wait3A_2756 = tpu.memref_slice %arg8[%dma_wait3A_2753, %dma_wait3A_2754, %dma_wait3A_2755] : memref<4x512x32xf32, #tpu.memory_space<vmem>> -> memref<1x128x32xf32, #tpu.memory_space<vmem>>
    %dma_wait3A_2757 = tpu.memref_squeeze %dma_wait3A_2756 : memref<1x128x32xf32, #tpu.memory_space<vmem>> -> memref<128x32xf32, #tpu.memory_space<vmem>>
    %dma_wait3A_2758 = arith.constant 10240 : i32
    %dma_wait3A_2759 = tpu.memref_slice %arg7[%dma_wait3A_2758] : memref<13312xi32, #tpu.memory_space<vmem>> -> memref<128xi32, #tpu.memory_space<vmem>>
    %dma_wait3A_2760 = arith.constant 0 : i32
    %dma_wait3A_2761 = arith.constant 0 : i32
    %dma_wait3A_2762 = tpu.memref_slice %arg5[%dma_wait3A_2760, %dma_wait3A_2761] : memref<1304576x32xf32, #tpu.memory_space<hbm>> -> memref<1304576x32xf32, #tpu.memory_space<hbm>>
    tpu.wait_indirect_dma semaphore(%arg10 : memref<!tpu.dma_semaphore, #tpu.memory_space<semaphore_mem>>) src(%dma_wait3A_2762 : memref<1304576x32xf32, #tpu.memory_space<hbm>>) dst(%dma_wait3A_2757 : memref<128x32xf32, #tpu.memory_space<vmem>>)
    %dma_wait3A_2763 = arith.constant 0 : i32
    %dma_wait3A_2764 = arith.constant 128 : i32
    %dma_wait3A_2765 = arith.constant 0 : i32
    %dma_wait3A_2766 = tpu.memref_slice %arg8[%dma_wait3A_2763, %dma_wait3A_2764, %dma_wait3A_2765] : memref<4x512x32xf32, #tpu.memory_space<vmem>> -> memref<1x128x32xf32, #tpu.memory_space<vmem>>
    %dma_wait3A_2767 = tpu.memref_squeeze %dma_wait3A_2766 : memref<1x128x32xf32, #tpu.memory_space<vmem>> -> memref<128x32xf32, #tpu.memory_space<vmem>>
    %dma_wait3A_2768 = arith.constant 10368 : i32
    %dma_wait3A_2769 = tpu.memref_slice %arg7[%dma_wait3A_2768] : memref<13312xi32, #tpu.memory_space<vmem>> -> memref<128xi32, #tpu.memory_space<vmem>>
    %dma_wait3A_2770 = arith.constant 0 : i32
    %dma_wait3A_2771 = arith.constant 0 : i32
    %dma_wait3A_2772 = tpu.memref_slice %arg5[%dma_wait3A_2770, %dma_wait3A_2771] : memref<1304576x32xf32, #tpu.memory_space<hbm>> -> memref<1304576x32xf32, #tpu.memory_space<hbm>>
    tpu.wait_indirect_dma semaphore(%arg10 : memref<!tpu.dma_semaphore, #tpu.memory_space<semaphore_mem>>) src(%dma_wait3A_2772 : memref<1304576x32xf32, #tpu.memory_space<hbm>>) dst(%dma_wait3A_2767 : memref<128x32xf32, #tpu.memory_space<vmem>>)
    %dma_wait3A_2773 = arith.constant 0 : i32
    %dma_wait3A_2774 = arith.constant 256 : i32
    %dma_wait3A_2775 = arith.constant 0 : i32
    %dma_wait3A_2776 = tpu.memref_slice %arg8[%dma_wait3A_2773, %dma_wait3A_2774, %dma_wait3A_2775] : memref<4x512x32xf32, #tpu.memory_space<vmem>> -> memref<1x128x32xf32, #tpu.memory_space<vmem>>
    %dma_wait3A_2777 = tpu.memref_squeeze %dma_wait3A_2776 : memref<1x128x32xf32, #tpu.memory_space<vmem>> -> memref<128x32xf32, #tpu.memory_space<vmem>>
    %dma_wait3A_2778 = arith.constant 10496 : i32
    %dma_wait3A_2779 = tpu.memref_slice %arg7[%dma_wait3A_2778] : memref<13312xi32, #tpu.memory_space<vmem>> -> memref<128xi32, #tpu.memory_space<vmem>>
    %dma_wait3A_2780 = arith.constant 0 : i32
    %dma_wait3A_2781 = arith.constant 0 : i32
    %dma_wait3A_2782 = tpu.memref_slice %arg5[%dma_wait3A_2780, %dma_wait3A_2781] : memref<1304576x32xf32, #tpu.memory_space<hbm>> -> memref<1304576x32xf32, #tpu.memory_space<hbm>>
    tpu.wait_indirect_dma semaphore(%arg10 : memref<!tpu.dma_semaphore, #tpu.memory_space<semaphore_mem>>) src(%dma_wait3A_2782 : memref<1304576x32xf32, #tpu.memory_space<hbm>>) dst(%dma_wait3A_2777 : memref<128x32xf32, #tpu.memory_space<vmem>>)
    %dma_wait3A_2783 = arith.constant 0 : i32
    %dma_wait3A_2784 = arith.constant 384 : i32
    %dma_wait3A_2785 = arith.constant 0 : i32
    %dma_wait3A_2786 = tpu.memref_slice %arg8[%dma_wait3A_2783, %dma_wait3A_2784, %dma_wait3A_2785] : memref<4x512x32xf32, #tpu.memory_space<vmem>> -> memref<1x128x32xf32, #tpu.memory_space<vmem>>
    %dma_wait3A_2787 = tpu.memref_squeeze %dma_wait3A_2786 : memref<1x128x32xf32, #tpu.memory_space<vmem>> -> memref<128x32xf32, #tpu.memory_space<vmem>>
    %dma_wait3A_2788 = arith.constant 10624 : i32
    %dma_wait3A_2789 = tpu.memref_slice %arg7[%dma_wait3A_2788] : memref<13312xi32, #tpu.memory_space<vmem>> -> memref<128xi32, #tpu.memory_space<vmem>>
    %dma_wait3A_2790 = arith.constant 0 : i32
    %dma_wait3A_2791 = arith.constant 0 : i32
    %dma_wait3A_2792 = tpu.memref_slice %arg5[%dma_wait3A_2790, %dma_wait3A_2791] : memref<1304576x32xf32, #tpu.memory_space<hbm>> -> memref<1304576x32xf32, #tpu.memory_space<hbm>>
    tpu.wait_indirect_dma semaphore(%arg10 : memref<!tpu.dma_semaphore, #tpu.memory_space<semaphore_mem>>) src(%dma_wait3A_2792 : memref<1304576x32xf32, #tpu.memory_space<hbm>>) dst(%dma_wait3A_2787 : memref<128x32xf32, #tpu.memory_space<vmem>>)
    %dma_start3A_2793 = arith.constant 0 : i32
    %dma_start3A_2794 = arith.constant 0 : i32
    %dma_start3A_2795 = arith.constant 0 : i32
    %dma_start3A_2796 = tpu.memref_slice %arg8[%dma_start3A_2793, %dma_start3A_2794, %dma_start3A_2795] : memref<4x512x32xf32, #tpu.memory_space<vmem>> -> memref<1x512x32xf32, #tpu.memory_space<vmem>>
    %dma_start3A_2797 = tpu.memref_squeeze %dma_start3A_2796 : memref<1x512x32xf32, #tpu.memory_space<vmem>> -> memref<512x32xf32, #tpu.memory_space<vmem>>
    %dma_start3A_2798 = arith.constant 640 : i32
    %dma_start3A_2799 = tpu.memref_slice %arg6[%mul3A_2, %dma_start3A_2798] : memref<16384x832xf32, #tpu.memory_space<hbm>> -> memref<512x32xf32, #tpu.memory_space<hbm>>
    %dma_start3A_2800 = arith.constant 640 : i32
    %dma_start3A_2801 = tpu.memref_slice %arg6[%mul3A_2, %dma_start3A_2800] : memref<16384x832xf32, #tpu.memory_space<hbm>> -> memref<512x32xf32, #tpu.memory_space<hbm>>
    %dma_start3A_2802 = arith.constant 0 : i32
    %dma_start3A_2803 = arith.constant 0 : i32
    %dma_start3A_2804 = tpu.memref_slice %arg8[%dma_start3A_2793, %dma_start3A_2802, %dma_start3A_2803] : memref<4x512x32xf32, #tpu.memory_space<vmem>> -> memref<1x512x32xf32, #tpu.memory_space<vmem>>
    %dma_start3A_2805 = tpu.memref_squeeze %dma_start3A_2804 : memref<1x512x32xf32, #tpu.memory_space<vmem>> -> memref<512x32xf32, #tpu.memory_space<vmem>>
    tpu.enqueue_dma source(%dma_start3A_2805 : memref<512x32xf32, #tpu.memory_space<vmem>>) target(%dma_start3A_2801 : memref<512x32xf32, #tpu.memory_space<hbm>>) target_semaphore(%arg14 : memref<!tpu.dma_semaphore, #tpu.memory_space<semaphore_mem>>)
    %dma_wait3A_2806 = arith.constant 0 : i32
    %dma_wait3A_2807 = arith.constant 0 : i32
    %dma_wait3A_2808 = arith.constant 0 : i32
    %dma_wait3A_2809 = tpu.memref_slice %arg8[%dma_wait3A_2806, %dma_wait3A_2807, %dma_wait3A_2808] : memref<4x512x32xf32, #tpu.memory_space<vmem>> -> memref<1x512x32xf32, #tpu.memory_space<vmem>>
    %dma_wait3A_2810 = tpu.memref_squeeze %dma_wait3A_2809 : memref<1x512x32xf32, #tpu.memory_space<vmem>> -> memref<512x32xf32, #tpu.memory_space<vmem>>
    %dma_wait3A_2811 = arith.constant 640 : i32
    %dma_wait3A_2812 = tpu.memref_slice %arg6[%mul3A_2, %dma_wait3A_2811] : memref<16384x832xf32, #tpu.memory_space<hbm>> -> memref<512x32xf32, #tpu.memory_space<hbm>>
    %dma_wait3A_2813 = arith.constant 640 : i32
    %dma_wait3A_2814 = tpu.memref_slice %arg6[%mul3A_2, %dma_wait3A_2813] : memref<16384x832xf32, #tpu.memory_space<hbm>> -> memref<512x32xf32, #tpu.memory_space<hbm>>
    %dma_wait3A_2815 = arith.constant 0 : i32
    %dma_wait3A_2816 = arith.constant 0 : i32
    %dma_wait3A_2817 = tpu.memref_slice %arg8[%dma_wait3A_2806, %dma_wait3A_2815, %dma_wait3A_2816] : memref<4x512x32xf32, #tpu.memory_space<vmem>> -> memref<1x512x32xf32, #tpu.memory_space<vmem>>
    %dma_wait3A_2818 = tpu.memref_squeeze %dma_wait3A_2817 : memref<1x512x32xf32, #tpu.memory_space<vmem>> -> memref<512x32xf32, #tpu.memory_space<vmem>>
    tpu.wait_dma2 semaphore(%arg14 : memref<!tpu.dma_semaphore, #tpu.memory_space<semaphore_mem>>) src(%dma_wait3A_2818 : memref<512x32xf32, #tpu.memory_space<vmem>>) dst(%dma_wait3A_2814 : memref<512x32xf32, #tpu.memory_space<hbm>>)
    %dma_start3A_2819 = arith.constant 0 : i32
    %dma_start3A_2820 = arith.constant 0 : i32
    %dma_start3A_2821 = arith.constant 0 : i32
    %dma_start3A_2822 = tpu.memref_slice %arg8[%dma_start3A_2819, %dma_start3A_2820, %dma_start3A_2821] : memref<4x512x32xf32, #tpu.memory_space<vmem>> -> memref<1x128x32xf32, #tpu.memory_space<vmem>>
    %dma_start3A_2823 = tpu.memref_squeeze %dma_start3A_2822 : memref<1x128x32xf32, #tpu.memory_space<vmem>> -> memref<128x32xf32, #tpu.memory_space<vmem>>
    %dma_start3A_2824 = arith.constant 12288 : i32
    %dma_start3A_2825 = tpu.memref_slice %arg7[%dma_start3A_2824] : memref<13312xi32, #tpu.memory_space<vmem>> -> memref<128xi32, #tpu.memory_space<vmem>>
    %dma_start3A_2826 = arith.constant 0 : i32
    %dma_start3A_2827 = arith.constant 0 : i32
    %dma_start3A_2828 = tpu.memref_slice %arg5[%dma_start3A_2826, %dma_start3A_2827] : memref<1304576x32xf32, #tpu.memory_space<hbm>> -> memref<1304576x32xf32, #tpu.memory_space<hbm>>
    tpu.enqueue_indirect_dma source(%dma_start3A_2828 : memref<1304576x32xf32, #tpu.memory_space<hbm>>) target(%dma_start3A_2823 : memref<128x32xf32, #tpu.memory_space<vmem>>) offsets(%dma_start3A_2825 : memref<128xi32, #tpu.memory_space<vmem>>) semaphore(%arg10 : memref<!tpu.dma_semaphore, #tpu.memory_space<semaphore_mem>>)
    %dma_start3A_2829 = arith.constant 0 : i32
    %dma_start3A_2830 = arith.constant 128 : i32
    %dma_start3A_2831 = arith.constant 0 : i32
    %dma_start3A_2832 = tpu.memref_slice %arg8[%dma_start3A_2829, %dma_start3A_2830, %dma_start3A_2831] : memref<4x512x32xf32, #tpu.memory_space<vmem>> -> memref<1x128x32xf32, #tpu.memory_space<vmem>>
    %dma_start3A_2833 = tpu.memref_squeeze %dma_start3A_2832 : memref<1x128x32xf32, #tpu.memory_space<vmem>> -> memref<128x32xf32, #tpu.memory_space<vmem>>
    %dma_start3A_2834 = arith.constant 12416 : i32
    %dma_start3A_2835 = tpu.memref_slice %arg7[%dma_start3A_2834] : memref<13312xi32, #tpu.memory_space<vmem>> -> memref<128xi32, #tpu.memory_space<vmem>>
    %dma_start3A_2836 = arith.constant 0 : i32
    %dma_start3A_2837 = arith.constant 0 : i32
    %dma_start3A_2838 = tpu.memref_slice %arg5[%dma_start3A_2836, %dma_start3A_2837] : memref<1304576x32xf32, #tpu.memory_space<hbm>> -> memref<1304576x32xf32, #tpu.memory_space<hbm>>
    tpu.enqueue_indirect_dma source(%dma_start3A_2838 : memref<1304576x32xf32, #tpu.memory_space<hbm>>) target(%dma_start3A_2833 : memref<128x32xf32, #tpu.memory_space<vmem>>) offsets(%dma_start3A_2835 : memref<128xi32, #tpu.memory_space<vmem>>) semaphore(%arg10 : memref<!tpu.dma_semaphore, #tpu.memory_space<semaphore_mem>>)
    %dma_start3A_2839 = arith.constant 0 : i32
    %dma_start3A_2840 = arith.constant 256 : i32
    %dma_start3A_2841 = arith.constant 0 : i32
    %dma_start3A_2842 = tpu.memref_slice %arg8[%dma_start3A_2839, %dma_start3A_2840, %dma_start3A_2841] : memref<4x512x32xf32, #tpu.memory_space<vmem>> -> memref<1x128x32xf32, #tpu.memory_space<vmem>>
    %dma_start3A_2843 = tpu.memref_squeeze %dma_start3A_2842 : memref<1x128x32xf32, #tpu.memory_space<vmem>> -> memref<128x32xf32, #tpu.memory_space<vmem>>
    %dma_start3A_2844 = arith.constant 12544 : i32
    %dma_start3A_2845 = tpu.memref_slice %arg7[%dma_start3A_2844] : memref<13312xi32, #tpu.memory_space<vmem>> -> memref<128xi32, #tpu.memory_space<vmem>>
    %dma_start3A_2846 = arith.constant 0 : i32
    %dma_start3A_2847 = arith.constant 0 : i32
    %dma_start3A_2848 = tpu.memref_slice %arg5[%dma_start3A_2846, %dma_start3A_2847] : memref<1304576x32xf32, #tpu.memory_space<hbm>> -> memref<1304576x32xf32, #tpu.memory_space<hbm>>
    tpu.enqueue_indirect_dma source(%dma_start3A_2848 : memref<1304576x32xf32, #tpu.memory_space<hbm>>) target(%dma_start3A_2843 : memref<128x32xf32, #tpu.memory_space<vmem>>) offsets(%dma_start3A_2845 : memref<128xi32, #tpu.memory_space<vmem>>) semaphore(%arg10 : memref<!tpu.dma_semaphore, #tpu.memory_space<semaphore_mem>>)
    %dma_start3A_2849 = arith.constant 0 : i32
    %dma_start3A_2850 = arith.constant 384 : i32
    %dma_start3A_2851 = arith.constant 0 : i32
    %dma_start3A_2852 = tpu.memref_slice %arg8[%dma_start3A_2849, %dma_start3A_2850, %dma_start3A_2851] : memref<4x512x32xf32, #tpu.memory_space<vmem>> -> memref<1x128x32xf32, #tpu.memory_space<vmem>>
    %dma_start3A_2853 = tpu.memref_squeeze %dma_start3A_2852 : memref<1x128x32xf32, #tpu.memory_space<vmem>> -> memref<128x32xf32, #tpu.memory_space<vmem>>
    %dma_start3A_2854 = arith.constant 12672 : i32
    %dma_start3A_2855 = tpu.memref_slice %arg7[%dma_start3A_2854] : memref<13312xi32, #tpu.memory_space<vmem>> -> memref<128xi32, #tpu.memory_space<vmem>>
    %dma_start3A_2856 = arith.constant 0 : i32
    %dma_start3A_2857 = arith.constant 0 : i32
    %dma_start3A_2858 = tpu.memref_slice %arg5[%dma_start3A_2856, %dma_start3A_2857] : memref<1304576x32xf32, #tpu.memory_space<hbm>> -> memref<1304576x32xf32, #tpu.memory_space<hbm>>
    tpu.enqueue_indirect_dma source(%dma_start3A_2858 : memref<1304576x32xf32, #tpu.memory_space<hbm>>) target(%dma_start3A_2853 : memref<128x32xf32, #tpu.memory_space<vmem>>) offsets(%dma_start3A_2855 : memref<128xi32, #tpu.memory_space<vmem>>) semaphore(%arg10 : memref<!tpu.dma_semaphore, #tpu.memory_space<semaphore_mem>>)
    %dma_wait3A_2859 = arith.constant 1 : i32
    %dma_wait3A_2860 = arith.constant 0 : i32
    %dma_wait3A_2861 = arith.constant 0 : i32
    %dma_wait3A_2862 = tpu.memref_slice %arg8[%dma_wait3A_2859, %dma_wait3A_2860, %dma_wait3A_2861] : memref<4x512x32xf32, #tpu.memory_space<vmem>> -> memref<1x128x32xf32, #tpu.memory_space<vmem>>
    %dma_wait3A_2863 = tpu.memref_squeeze %dma_wait3A_2862 : memref<1x128x32xf32, #tpu.memory_space<vmem>> -> memref<128x32xf32, #tpu.memory_space<vmem>>
    %dma_wait3A_2864 = arith.constant 10752 : i32
    %dma_wait3A_2865 = tpu.memref_slice %arg7[%dma_wait3A_2864] : memref<13312xi32, #tpu.memory_space<vmem>> -> memref<128xi32, #tpu.memory_space<vmem>>
    %dma_wait3A_2866 = arith.constant 0 : i32
    %dma_wait3A_2867 = arith.constant 0 : i32
    %dma_wait3A_2868 = tpu.memref_slice %arg5[%dma_wait3A_2866, %dma_wait3A_2867] : memref<1304576x32xf32, #tpu.memory_space<hbm>> -> memref<1304576x32xf32, #tpu.memory_space<hbm>>
    tpu.wait_indirect_dma semaphore(%arg11 : memref<!tpu.dma_semaphore, #tpu.memory_space<semaphore_mem>>) src(%dma_wait3A_2868 : memref<1304576x32xf32, #tpu.memory_space<hbm>>) dst(%dma_wait3A_2863 : memref<128x32xf32, #tpu.memory_space<vmem>>)
    %dma_wait3A_2869 = arith.constant 1 : i32
    %dma_wait3A_2870 = arith.constant 128 : i32
    %dma_wait3A_2871 = arith.constant 0 : i32
    %dma_wait3A_2872 = tpu.memref_slice %arg8[%dma_wait3A_2869, %dma_wait3A_2870, %dma_wait3A_2871] : memref<4x512x32xf32, #tpu.memory_space<vmem>> -> memref<1x128x32xf32, #tpu.memory_space<vmem>>
    %dma_wait3A_2873 = tpu.memref_squeeze %dma_wait3A_2872 : memref<1x128x32xf32, #tpu.memory_space<vmem>> -> memref<128x32xf32, #tpu.memory_space<vmem>>
    %dma_wait3A_2874 = arith.constant 10880 : i32
    %dma_wait3A_2875 = tpu.memref_slice %arg7[%dma_wait3A_2874] : memref<13312xi32, #tpu.memory_space<vmem>> -> memref<128xi32, #tpu.memory_space<vmem>>
    %dma_wait3A_2876 = arith.constant 0 : i32
    %dma_wait3A_2877 = arith.constant 0 : i32
    %dma_wait3A_2878 = tpu.memref_slice %arg5[%dma_wait3A_2876, %dma_wait3A_2877] : memref<1304576x32xf32, #tpu.memory_space<hbm>> -> memref<1304576x32xf32, #tpu.memory_space<hbm>>
    tpu.wait_indirect_dma semaphore(%arg11 : memref<!tpu.dma_semaphore, #tpu.memory_space<semaphore_mem>>) src(%dma_wait3A_2878 : memref<1304576x32xf32, #tpu.memory_space<hbm>>) dst(%dma_wait3A_2873 : memref<128x32xf32, #tpu.memory_space<vmem>>)
    %dma_wait3A_2879 = arith.constant 1 : i32
    %dma_wait3A_2880 = arith.constant 256 : i32
    %dma_wait3A_2881 = arith.constant 0 : i32
    %dma_wait3A_2882 = tpu.memref_slice %arg8[%dma_wait3A_2879, %dma_wait3A_2880, %dma_wait3A_2881] : memref<4x512x32xf32, #tpu.memory_space<vmem>> -> memref<1x128x32xf32, #tpu.memory_space<vmem>>
    %dma_wait3A_2883 = tpu.memref_squeeze %dma_wait3A_2882 : memref<1x128x32xf32, #tpu.memory_space<vmem>> -> memref<128x32xf32, #tpu.memory_space<vmem>>
    %dma_wait3A_2884 = arith.constant 11008 : i32
    %dma_wait3A_2885 = tpu.memref_slice %arg7[%dma_wait3A_2884] : memref<13312xi32, #tpu.memory_space<vmem>> -> memref<128xi32, #tpu.memory_space<vmem>>
    %dma_wait3A_2886 = arith.constant 0 : i32
    %dma_wait3A_2887 = arith.constant 0 : i32
    %dma_wait3A_2888 = tpu.memref_slice %arg5[%dma_wait3A_2886, %dma_wait3A_2887] : memref<1304576x32xf32, #tpu.memory_space<hbm>> -> memref<1304576x32xf32, #tpu.memory_space<hbm>>
    tpu.wait_indirect_dma semaphore(%arg11 : memref<!tpu.dma_semaphore, #tpu.memory_space<semaphore_mem>>) src(%dma_wait3A_2888 : memref<1304576x32xf32, #tpu.memory_space<hbm>>) dst(%dma_wait3A_2883 : memref<128x32xf32, #tpu.memory_space<vmem>>)
    %dma_wait3A_2889 = arith.constant 1 : i32
    %dma_wait3A_2890 = arith.constant 384 : i32
    %dma_wait3A_2891 = arith.constant 0 : i32
    %dma_wait3A_2892 = tpu.memref_slice %arg8[%dma_wait3A_2889, %dma_wait3A_2890, %dma_wait3A_2891] : memref<4x512x32xf32, #tpu.memory_space<vmem>> -> memref<1x128x32xf32, #tpu.memory_space<vmem>>
    %dma_wait3A_2893 = tpu.memref_squeeze %dma_wait3A_2892 : memref<1x128x32xf32, #tpu.memory_space<vmem>> -> memref<128x32xf32, #tpu.memory_space<vmem>>
    %dma_wait3A_2894 = arith.constant 11136 : i32
    %dma_wait3A_2895 = tpu.memref_slice %arg7[%dma_wait3A_2894] : memref<13312xi32, #tpu.memory_space<vmem>> -> memref<128xi32, #tpu.memory_space<vmem>>
    %dma_wait3A_2896 = arith.constant 0 : i32
    %dma_wait3A_2897 = arith.constant 0 : i32
    %dma_wait3A_2898 = tpu.memref_slice %arg5[%dma_wait3A_2896, %dma_wait3A_2897] : memref<1304576x32xf32, #tpu.memory_space<hbm>> -> memref<1304576x32xf32, #tpu.memory_space<hbm>>
    tpu.wait_indirect_dma semaphore(%arg11 : memref<!tpu.dma_semaphore, #tpu.memory_space<semaphore_mem>>) src(%dma_wait3A_2898 : memref<1304576x32xf32, #tpu.memory_space<hbm>>) dst(%dma_wait3A_2893 : memref<128x32xf32, #tpu.memory_space<vmem>>)
    %dma_start3A_2899 = arith.constant 1 : i32
    %dma_start3A_2900 = arith.constant 0 : i32
    %dma_start3A_2901 = arith.constant 0 : i32
    %dma_start3A_2902 = tpu.memref_slice %arg8[%dma_start3A_2899, %dma_start3A_2900, %dma_start3A_2901] : memref<4x512x32xf32, #tpu.memory_space<vmem>> -> memref<1x512x32xf32, #tpu.memory_space<vmem>>
    %dma_start3A_2903 = tpu.memref_squeeze %dma_start3A_2902 : memref<1x512x32xf32, #tpu.memory_space<vmem>> -> memref<512x32xf32, #tpu.memory_space<vmem>>
    %dma_start3A_2904 = arith.constant 672 : i32
    %dma_start3A_2905 = tpu.memref_slice %arg6[%mul3A_2, %dma_start3A_2904] : memref<16384x832xf32, #tpu.memory_space<hbm>> -> memref<512x32xf32, #tpu.memory_space<hbm>>
    %dma_start3A_2906 = arith.constant 672 : i32
    %dma_start3A_2907 = tpu.memref_slice %arg6[%mul3A_2, %dma_start3A_2906] : memref<16384x832xf32, #tpu.memory_space<hbm>> -> memref<512x32xf32, #tpu.memory_space<hbm>>
    %dma_start3A_2908 = arith.constant 0 : i32
    %dma_start3A_2909 = arith.constant 0 : i32
    %dma_start3A_2910 = tpu.memref_slice %arg8[%dma_start3A_2899, %dma_start3A_2908, %dma_start3A_2909] : memref<4x512x32xf32, #tpu.memory_space<vmem>> -> memref<1x512x32xf32, #tpu.memory_space<vmem>>
    %dma_start3A_2911 = tpu.memref_squeeze %dma_start3A_2910 : memref<1x512x32xf32, #tpu.memory_space<vmem>> -> memref<512x32xf32, #tpu.memory_space<vmem>>
    tpu.enqueue_dma source(%dma_start3A_2911 : memref<512x32xf32, #tpu.memory_space<vmem>>) target(%dma_start3A_2907 : memref<512x32xf32, #tpu.memory_space<hbm>>) target_semaphore(%arg15 : memref<!tpu.dma_semaphore, #tpu.memory_space<semaphore_mem>>)
    %dma_wait3A_2912 = arith.constant 1 : i32
    %dma_wait3A_2913 = arith.constant 0 : i32
    %dma_wait3A_2914 = arith.constant 0 : i32
    %dma_wait3A_2915 = tpu.memref_slice %arg8[%dma_wait3A_2912, %dma_wait3A_2913, %dma_wait3A_2914] : memref<4x512x32xf32, #tpu.memory_space<vmem>> -> memref<1x512x32xf32, #tpu.memory_space<vmem>>
    %dma_wait3A_2916 = tpu.memref_squeeze %dma_wait3A_2915 : memref<1x512x32xf32, #tpu.memory_space<vmem>> -> memref<512x32xf32, #tpu.memory_space<vmem>>
    %dma_wait3A_2917 = arith.constant 672 : i32
    %dma_wait3A_2918 = tpu.memref_slice %arg6[%mul3A_2, %dma_wait3A_2917] : memref<16384x832xf32, #tpu.memory_space<hbm>> -> memref<512x32xf32, #tpu.memory_space<hbm>>
    %dma_wait3A_2919 = arith.constant 672 : i32
    %dma_wait3A_2920 = tpu.memref_slice %arg6[%mul3A_2, %dma_wait3A_2919] : memref<16384x832xf32, #tpu.memory_space<hbm>> -> memref<512x32xf32, #tpu.memory_space<hbm>>
    %dma_wait3A_2921 = arith.constant 0 : i32
    %dma_wait3A_2922 = arith.constant 0 : i32
    %dma_wait3A_2923 = tpu.memref_slice %arg8[%dma_wait3A_2912, %dma_wait3A_2921, %dma_wait3A_2922] : memref<4x512x32xf32, #tpu.memory_space<vmem>> -> memref<1x512x32xf32, #tpu.memory_space<vmem>>
    %dma_wait3A_2924 = tpu.memref_squeeze %dma_wait3A_2923 : memref<1x512x32xf32, #tpu.memory_space<vmem>> -> memref<512x32xf32, #tpu.memory_space<vmem>>
    tpu.wait_dma2 semaphore(%arg15 : memref<!tpu.dma_semaphore, #tpu.memory_space<semaphore_mem>>) src(%dma_wait3A_2924 : memref<512x32xf32, #tpu.memory_space<vmem>>) dst(%dma_wait3A_2920 : memref<512x32xf32, #tpu.memory_space<hbm>>)
    %dma_start3A_2925 = arith.constant 1 : i32
    %dma_start3A_2926 = arith.constant 0 : i32
    %dma_start3A_2927 = arith.constant 0 : i32
    %dma_start3A_2928 = tpu.memref_slice %arg8[%dma_start3A_2925, %dma_start3A_2926, %dma_start3A_2927] : memref<4x512x32xf32, #tpu.memory_space<vmem>> -> memref<1x128x32xf32, #tpu.memory_space<vmem>>
    %dma_start3A_2929 = tpu.memref_squeeze %dma_start3A_2928 : memref<1x128x32xf32, #tpu.memory_space<vmem>> -> memref<128x32xf32, #tpu.memory_space<vmem>>
    %dma_start3A_2930 = arith.constant 12800 : i32
    %dma_start3A_2931 = tpu.memref_slice %arg7[%dma_start3A_2930] : memref<13312xi32, #tpu.memory_space<vmem>> -> memref<128xi32, #tpu.memory_space<vmem>>
    %dma_start3A_2932 = arith.constant 0 : i32
    %dma_start3A_2933 = arith.constant 0 : i32
    %dma_start3A_2934 = tpu.memref_slice %arg5[%dma_start3A_2932, %dma_start3A_2933] : memref<1304576x32xf32, #tpu.memory_space<hbm>> -> memref<1304576x32xf32, #tpu.memory_space<hbm>>
    tpu.enqueue_indirect_dma source(%dma_start3A_2934 : memref<1304576x32xf32, #tpu.memory_space<hbm>>) target(%dma_start3A_2929 : memref<128x32xf32, #tpu.memory_space<vmem>>) offsets(%dma_start3A_2931 : memref<128xi32, #tpu.memory_space<vmem>>) semaphore(%arg11 : memref<!tpu.dma_semaphore, #tpu.memory_space<semaphore_mem>>)
    %dma_start3A_2935 = arith.constant 1 : i32
    %dma_start3A_2936 = arith.constant 128 : i32
    %dma_start3A_2937 = arith.constant 0 : i32
    %dma_start3A_2938 = tpu.memref_slice %arg8[%dma_start3A_2935, %dma_start3A_2936, %dma_start3A_2937] : memref<4x512x32xf32, #tpu.memory_space<vmem>> -> memref<1x128x32xf32, #tpu.memory_space<vmem>>
    %dma_start3A_2939 = tpu.memref_squeeze %dma_start3A_2938 : memref<1x128x32xf32, #tpu.memory_space<vmem>> -> memref<128x32xf32, #tpu.memory_space<vmem>>
    %dma_start3A_2940 = arith.constant 12928 : i32
    %dma_start3A_2941 = tpu.memref_slice %arg7[%dma_start3A_2940] : memref<13312xi32, #tpu.memory_space<vmem>> -> memref<128xi32, #tpu.memory_space<vmem>>
    %dma_start3A_2942 = arith.constant 0 : i32
    %dma_start3A_2943 = arith.constant 0 : i32
    %dma_start3A_2944 = tpu.memref_slice %arg5[%dma_start3A_2942, %dma_start3A_2943] : memref<1304576x32xf32, #tpu.memory_space<hbm>> -> memref<1304576x32xf32, #tpu.memory_space<hbm>>
    tpu.enqueue_indirect_dma source(%dma_start3A_2944 : memref<1304576x32xf32, #tpu.memory_space<hbm>>) target(%dma_start3A_2939 : memref<128x32xf32, #tpu.memory_space<vmem>>) offsets(%dma_start3A_2941 : memref<128xi32, #tpu.memory_space<vmem>>) semaphore(%arg11 : memref<!tpu.dma_semaphore, #tpu.memory_space<semaphore_mem>>)
    %dma_start3A_2945 = arith.constant 1 : i32
    %dma_start3A_2946 = arith.constant 256 : i32
    %dma_start3A_2947 = arith.constant 0 : i32
    %dma_start3A_2948 = tpu.memref_slice %arg8[%dma_start3A_2945, %dma_start3A_2946, %dma_start3A_2947] : memref<4x512x32xf32, #tpu.memory_space<vmem>> -> memref<1x128x32xf32, #tpu.memory_space<vmem>>
    %dma_start3A_2949 = tpu.memref_squeeze %dma_start3A_2948 : memref<1x128x32xf32, #tpu.memory_space<vmem>> -> memref<128x32xf32, #tpu.memory_space<vmem>>
    %dma_start3A_2950 = arith.constant 13056 : i32
    %dma_start3A_2951 = tpu.memref_slice %arg7[%dma_start3A_2950] : memref<13312xi32, #tpu.memory_space<vmem>> -> memref<128xi32, #tpu.memory_space<vmem>>
    %dma_start3A_2952 = arith.constant 0 : i32
    %dma_start3A_2953 = arith.constant 0 : i32
    %dma_start3A_2954 = tpu.memref_slice %arg5[%dma_start3A_2952, %dma_start3A_2953] : memref<1304576x32xf32, #tpu.memory_space<hbm>> -> memref<1304576x32xf32, #tpu.memory_space<hbm>>
    tpu.enqueue_indirect_dma source(%dma_start3A_2954 : memref<1304576x32xf32, #tpu.memory_space<hbm>>) target(%dma_start3A_2949 : memref<128x32xf32, #tpu.memory_space<vmem>>) offsets(%dma_start3A_2951 : memref<128xi32, #tpu.memory_space<vmem>>) semaphore(%arg11 : memref<!tpu.dma_semaphore, #tpu.memory_space<semaphore_mem>>)
    %dma_start3A_2955 = arith.constant 1 : i32
    %dma_start3A_2956 = arith.constant 384 : i32
    %dma_start3A_2957 = arith.constant 0 : i32
    %dma_start3A_2958 = tpu.memref_slice %arg8[%dma_start3A_2955, %dma_start3A_2956, %dma_start3A_2957] : memref<4x512x32xf32, #tpu.memory_space<vmem>> -> memref<1x128x32xf32, #tpu.memory_space<vmem>>
    %dma_start3A_2959 = tpu.memref_squeeze %dma_start3A_2958 : memref<1x128x32xf32, #tpu.memory_space<vmem>> -> memref<128x32xf32, #tpu.memory_space<vmem>>
    %dma_start3A_2960 = arith.constant 13184 : i32
    %dma_start3A_2961 = tpu.memref_slice %arg7[%dma_start3A_2960] : memref<13312xi32, #tpu.memory_space<vmem>> -> memref<128xi32, #tpu.memory_space<vmem>>
    %dma_start3A_2962 = arith.constant 0 : i32
    %dma_start3A_2963 = arith.constant 0 : i32
    %dma_start3A_2964 = tpu.memref_slice %arg5[%dma_start3A_2962, %dma_start3A_2963] : memref<1304576x32xf32, #tpu.memory_space<hbm>> -> memref<1304576x32xf32, #tpu.memory_space<hbm>>
    tpu.enqueue_indirect_dma source(%dma_start3A_2964 : memref<1304576x32xf32, #tpu.memory_space<hbm>>) target(%dma_start3A_2959 : memref<128x32xf32, #tpu.memory_space<vmem>>) offsets(%dma_start3A_2961 : memref<128xi32, #tpu.memory_space<vmem>>) semaphore(%arg11 : memref<!tpu.dma_semaphore, #tpu.memory_space<semaphore_mem>>)
    %dma_wait3A_2965 = arith.constant 2 : i32
    %dma_wait3A_2966 = arith.constant 0 : i32
    %dma_wait3A_2967 = arith.constant 0 : i32
    %dma_wait3A_2968 = tpu.memref_slice %arg8[%dma_wait3A_2965, %dma_wait3A_2966, %dma_wait3A_2967] : memref<4x512x32xf32, #tpu.memory_space<vmem>> -> memref<1x128x32xf32, #tpu.memory_space<vmem>>
    %dma_wait3A_2969 = tpu.memref_squeeze %dma_wait3A_2968 : memref<1x128x32xf32, #tpu.memory_space<vmem>> -> memref<128x32xf32, #tpu.memory_space<vmem>>
    %dma_wait3A_2970 = arith.constant 11264 : i32
    %dma_wait3A_2971 = tpu.memref_slice %arg7[%dma_wait3A_2970] : memref<13312xi32, #tpu.memory_space<vmem>> -> memref<128xi32, #tpu.memory_space<vmem>>
    %dma_wait3A_2972 = arith.constant 0 : i32
    %dma_wait3A_2973 = arith.constant 0 : i32
    %dma_wait3A_2974 = tpu.memref_slice %arg5[%dma_wait3A_2972, %dma_wait3A_2973] : memref<1304576x32xf32, #tpu.memory_space<hbm>> -> memref<1304576x32xf32, #tpu.memory_space<hbm>>
    tpu.wait_indirect_dma semaphore(%arg12 : memref<!tpu.dma_semaphore, #tpu.memory_space<semaphore_mem>>) src(%dma_wait3A_2974 : memref<1304576x32xf32, #tpu.memory_space<hbm>>) dst(%dma_wait3A_2969 : memref<128x32xf32, #tpu.memory_space<vmem>>)
    %dma_wait3A_2975 = arith.constant 2 : i32
    %dma_wait3A_2976 = arith.constant 128 : i32
    %dma_wait3A_2977 = arith.constant 0 : i32
    %dma_wait3A_2978 = tpu.memref_slice %arg8[%dma_wait3A_2975, %dma_wait3A_2976, %dma_wait3A_2977] : memref<4x512x32xf32, #tpu.memory_space<vmem>> -> memref<1x128x32xf32, #tpu.memory_space<vmem>>
    %dma_wait3A_2979 = tpu.memref_squeeze %dma_wait3A_2978 : memref<1x128x32xf32, #tpu.memory_space<vmem>> -> memref<128x32xf32, #tpu.memory_space<vmem>>
    %dma_wait3A_2980 = arith.constant 11392 : i32
    %dma_wait3A_2981 = tpu.memref_slice %arg7[%dma_wait3A_2980] : memref<13312xi32, #tpu.memory_space<vmem>> -> memref<128xi32, #tpu.memory_space<vmem>>
    %dma_wait3A_2982 = arith.constant 0 : i32
    %dma_wait3A_2983 = arith.constant 0 : i32
    %dma_wait3A_2984 = tpu.memref_slice %arg5[%dma_wait3A_2982, %dma_wait3A_2983] : memref<1304576x32xf32, #tpu.memory_space<hbm>> -> memref<1304576x32xf32, #tpu.memory_space<hbm>>
    tpu.wait_indirect_dma semaphore(%arg12 : memref<!tpu.dma_semaphore, #tpu.memory_space<semaphore_mem>>) src(%dma_wait3A_2984 : memref<1304576x32xf32, #tpu.memory_space<hbm>>) dst(%dma_wait3A_2979 : memref<128x32xf32, #tpu.memory_space<vmem>>)
    %dma_wait3A_2985 = arith.constant 2 : i32
    %dma_wait3A_2986 = arith.constant 256 : i32
    %dma_wait3A_2987 = arith.constant 0 : i32
    %dma_wait3A_2988 = tpu.memref_slice %arg8[%dma_wait3A_2985, %dma_wait3A_2986, %dma_wait3A_2987] : memref<4x512x32xf32, #tpu.memory_space<vmem>> -> memref<1x128x32xf32, #tpu.memory_space<vmem>>
    %dma_wait3A_2989 = tpu.memref_squeeze %dma_wait3A_2988 : memref<1x128x32xf32, #tpu.memory_space<vmem>> -> memref<128x32xf32, #tpu.memory_space<vmem>>
    %dma_wait3A_2990 = arith.constant 11520 : i32
    %dma_wait3A_2991 = tpu.memref_slice %arg7[%dma_wait3A_2990] : memref<13312xi32, #tpu.memory_space<vmem>> -> memref<128xi32, #tpu.memory_space<vmem>>
    %dma_wait3A_2992 = arith.constant 0 : i32
    %dma_wait3A_2993 = arith.constant 0 : i32
    %dma_wait3A_2994 = tpu.memref_slice %arg5[%dma_wait3A_2992, %dma_wait3A_2993] : memref<1304576x32xf32, #tpu.memory_space<hbm>> -> memref<1304576x32xf32, #tpu.memory_space<hbm>>
    tpu.wait_indirect_dma semaphore(%arg12 : memref<!tpu.dma_semaphore, #tpu.memory_space<semaphore_mem>>) src(%dma_wait3A_2994 : memref<1304576x32xf32, #tpu.memory_space<hbm>>) dst(%dma_wait3A_2989 : memref<128x32xf32, #tpu.memory_space<vmem>>)
    %dma_wait3A_2995 = arith.constant 2 : i32
    %dma_wait3A_2996 = arith.constant 384 : i32
    %dma_wait3A_2997 = arith.constant 0 : i32
    %dma_wait3A_2998 = tpu.memref_slice %arg8[%dma_wait3A_2995, %dma_wait3A_2996, %dma_wait3A_2997] : memref<4x512x32xf32, #tpu.memory_space<vmem>> -> memref<1x128x32xf32, #tpu.memory_space<vmem>>
    %dma_wait3A_2999 = tpu.memref_squeeze %dma_wait3A_2998 : memref<1x128x32xf32, #tpu.memory_space<vmem>> -> memref<128x32xf32, #tpu.memory_space<vmem>>
    %dma_wait3A_3000 = arith.constant 11648 : i32
    %dma_wait3A_3001 = tpu.memref_slice %arg7[%dma_wait3A_3000] : memref<13312xi32, #tpu.memory_space<vmem>> -> memref<128xi32, #tpu.memory_space<vmem>>
    %dma_wait3A_3002 = arith.constant 0 : i32
    %dma_wait3A_3003 = arith.constant 0 : i32
    %dma_wait3A_3004 = tpu.memref_slice %arg5[%dma_wait3A_3002, %dma_wait3A_3003] : memref<1304576x32xf32, #tpu.memory_space<hbm>> -> memref<1304576x32xf32, #tpu.memory_space<hbm>>
    tpu.wait_indirect_dma semaphore(%arg12 : memref<!tpu.dma_semaphore, #tpu.memory_space<semaphore_mem>>) src(%dma_wait3A_3004 : memref<1304576x32xf32, #tpu.memory_space<hbm>>) dst(%dma_wait3A_2999 : memref<128x32xf32, #tpu.memory_space<vmem>>)
    %dma_start3A_3005 = arith.constant 2 : i32
    %dma_start3A_3006 = arith.constant 0 : i32
    %dma_start3A_3007 = arith.constant 0 : i32
    %dma_start3A_3008 = tpu.memref_slice %arg8[%dma_start3A_3005, %dma_start3A_3006, %dma_start3A_3007] : memref<4x512x32xf32, #tpu.memory_space<vmem>> -> memref<1x512x32xf32, #tpu.memory_space<vmem>>
    %dma_start3A_3009 = tpu.memref_squeeze %dma_start3A_3008 : memref<1x512x32xf32, #tpu.memory_space<vmem>> -> memref<512x32xf32, #tpu.memory_space<vmem>>
    %dma_start3A_3010 = arith.constant 704 : i32
    %dma_start3A_3011 = tpu.memref_slice %arg6[%mul3A_2, %dma_start3A_3010] : memref<16384x832xf32, #tpu.memory_space<hbm>> -> memref<512x32xf32, #tpu.memory_space<hbm>>
    %dma_start3A_3012 = arith.constant 704 : i32
    %dma_start3A_3013 = tpu.memref_slice %arg6[%mul3A_2, %dma_start3A_3012] : memref<16384x832xf32, #tpu.memory_space<hbm>> -> memref<512x32xf32, #tpu.memory_space<hbm>>
    %dma_start3A_3014 = arith.constant 0 : i32
    %dma_start3A_3015 = arith.constant 0 : i32
    %dma_start3A_3016 = tpu.memref_slice %arg8[%dma_start3A_3005, %dma_start3A_3014, %dma_start3A_3015] : memref<4x512x32xf32, #tpu.memory_space<vmem>> -> memref<1x512x32xf32, #tpu.memory_space<vmem>>
    %dma_start3A_3017 = tpu.memref_squeeze %dma_start3A_3016 : memref<1x512x32xf32, #tpu.memory_space<vmem>> -> memref<512x32xf32, #tpu.memory_space<vmem>>
    tpu.enqueue_dma source(%dma_start3A_3017 : memref<512x32xf32, #tpu.memory_space<vmem>>) target(%dma_start3A_3013 : memref<512x32xf32, #tpu.memory_space<hbm>>) target_semaphore(%arg16 : memref<!tpu.dma_semaphore, #tpu.memory_space<semaphore_mem>>)
    %dma_wait3A_3018 = arith.constant 3 : i32
    %dma_wait3A_3019 = arith.constant 0 : i32
    %dma_wait3A_3020 = arith.constant 0 : i32
    %dma_wait3A_3021 = tpu.memref_slice %arg8[%dma_wait3A_3018, %dma_wait3A_3019, %dma_wait3A_3020] : memref<4x512x32xf32, #tpu.memory_space<vmem>> -> memref<1x128x32xf32, #tpu.memory_space<vmem>>
    %dma_wait3A_3022 = tpu.memref_squeeze %dma_wait3A_3021 : memref<1x128x32xf32, #tpu.memory_space<vmem>> -> memref<128x32xf32, #tpu.memory_space<vmem>>
    %dma_wait3A_3023 = arith.constant 11776 : i32
    %dma_wait3A_3024 = tpu.memref_slice %arg7[%dma_wait3A_3023] : memref<13312xi32, #tpu.memory_space<vmem>> -> memref<128xi32, #tpu.memory_space<vmem>>
    %dma_wait3A_3025 = arith.constant 0 : i32
    %dma_wait3A_3026 = arith.constant 0 : i32
    %dma_wait3A_3027 = tpu.memref_slice %arg5[%dma_wait3A_3025, %dma_wait3A_3026] : memref<1304576x32xf32, #tpu.memory_space<hbm>> -> memref<1304576x32xf32, #tpu.memory_space<hbm>>
    tpu.wait_indirect_dma semaphore(%arg13 : memref<!tpu.dma_semaphore, #tpu.memory_space<semaphore_mem>>) src(%dma_wait3A_3027 : memref<1304576x32xf32, #tpu.memory_space<hbm>>) dst(%dma_wait3A_3022 : memref<128x32xf32, #tpu.memory_space<vmem>>)
    %dma_wait3A_3028 = arith.constant 3 : i32
    %dma_wait3A_3029 = arith.constant 128 : i32
    %dma_wait3A_3030 = arith.constant 0 : i32
    %dma_wait3A_3031 = tpu.memref_slice %arg8[%dma_wait3A_3028, %dma_wait3A_3029, %dma_wait3A_3030] : memref<4x512x32xf32, #tpu.memory_space<vmem>> -> memref<1x128x32xf32, #tpu.memory_space<vmem>>
    %dma_wait3A_3032 = tpu.memref_squeeze %dma_wait3A_3031 : memref<1x128x32xf32, #tpu.memory_space<vmem>> -> memref<128x32xf32, #tpu.memory_space<vmem>>
    %dma_wait3A_3033 = arith.constant 11904 : i32
    %dma_wait3A_3034 = tpu.memref_slice %arg7[%dma_wait3A_3033] : memref<13312xi32, #tpu.memory_space<vmem>> -> memref<128xi32, #tpu.memory_space<vmem>>
    %dma_wait3A_3035 = arith.constant 0 : i32
    %dma_wait3A_3036 = arith.constant 0 : i32
    %dma_wait3A_3037 = tpu.memref_slice %arg5[%dma_wait3A_3035, %dma_wait3A_3036] : memref<1304576x32xf32, #tpu.memory_space<hbm>> -> memref<1304576x32xf32, #tpu.memory_space<hbm>>
    tpu.wait_indirect_dma semaphore(%arg13 : memref<!tpu.dma_semaphore, #tpu.memory_space<semaphore_mem>>) src(%dma_wait3A_3037 : memref<1304576x32xf32, #tpu.memory_space<hbm>>) dst(%dma_wait3A_3032 : memref<128x32xf32, #tpu.memory_space<vmem>>)
    %dma_wait3A_3038 = arith.constant 3 : i32
    %dma_wait3A_3039 = arith.constant 256 : i32
    %dma_wait3A_3040 = arith.constant 0 : i32
    %dma_wait3A_3041 = tpu.memref_slice %arg8[%dma_wait3A_3038, %dma_wait3A_3039, %dma_wait3A_3040] : memref<4x512x32xf32, #tpu.memory_space<vmem>> -> memref<1x128x32xf32, #tpu.memory_space<vmem>>
    %dma_wait3A_3042 = tpu.memref_squeeze %dma_wait3A_3041 : memref<1x128x32xf32, #tpu.memory_space<vmem>> -> memref<128x32xf32, #tpu.memory_space<vmem>>
    %dma_wait3A_3043 = arith.constant 12032 : i32
    %dma_wait3A_3044 = tpu.memref_slice %arg7[%dma_wait3A_3043] : memref<13312xi32, #tpu.memory_space<vmem>> -> memref<128xi32, #tpu.memory_space<vmem>>
    %dma_wait3A_3045 = arith.constant 0 : i32
    %dma_wait3A_3046 = arith.constant 0 : i32
    %dma_wait3A_3047 = tpu.memref_slice %arg5[%dma_wait3A_3045, %dma_wait3A_3046] : memref<1304576x32xf32, #tpu.memory_space<hbm>> -> memref<1304576x32xf32, #tpu.memory_space<hbm>>
    tpu.wait_indirect_dma semaphore(%arg13 : memref<!tpu.dma_semaphore, #tpu.memory_space<semaphore_mem>>) src(%dma_wait3A_3047 : memref<1304576x32xf32, #tpu.memory_space<hbm>>) dst(%dma_wait3A_3042 : memref<128x32xf32, #tpu.memory_space<vmem>>)
    %dma_wait3A_3048 = arith.constant 3 : i32
    %dma_wait3A_3049 = arith.constant 384 : i32
    %dma_wait3A_3050 = arith.constant 0 : i32
    %dma_wait3A_3051 = tpu.memref_slice %arg8[%dma_wait3A_3048, %dma_wait3A_3049, %dma_wait3A_3050] : memref<4x512x32xf32, #tpu.memory_space<vmem>> -> memref<1x128x32xf32, #tpu.memory_space<vmem>>
    %dma_wait3A_3052 = tpu.memref_squeeze %dma_wait3A_3051 : memref<1x128x32xf32, #tpu.memory_space<vmem>> -> memref<128x32xf32, #tpu.memory_space<vmem>>
    %dma_wait3A_3053 = arith.constant 12160 : i32
    %dma_wait3A_3054 = tpu.memref_slice %arg7[%dma_wait3A_3053] : memref<13312xi32, #tpu.memory_space<vmem>> -> memref<128xi32, #tpu.memory_space<vmem>>
    %dma_wait3A_3055 = arith.constant 0 : i32
    %dma_wait3A_3056 = arith.constant 0 : i32
    %dma_wait3A_3057 = tpu.memref_slice %arg5[%dma_wait3A_3055, %dma_wait3A_3056] : memref<1304576x32xf32, #tpu.memory_space<hbm>> -> memref<1304576x32xf32, #tpu.memory_space<hbm>>
    tpu.wait_indirect_dma semaphore(%arg13 : memref<!tpu.dma_semaphore, #tpu.memory_space<semaphore_mem>>) src(%dma_wait3A_3057 : memref<1304576x32xf32, #tpu.memory_space<hbm>>) dst(%dma_wait3A_3052 : memref<128x32xf32, #tpu.memory_space<vmem>>)
    %dma_start3A_3058 = arith.constant 3 : i32
    %dma_start3A_3059 = arith.constant 0 : i32
    %dma_start3A_3060 = arith.constant 0 : i32
    %dma_start3A_3061 = tpu.memref_slice %arg8[%dma_start3A_3058, %dma_start3A_3059, %dma_start3A_3060] : memref<4x512x32xf32, #tpu.memory_space<vmem>> -> memref<1x512x32xf32, #tpu.memory_space<vmem>>
    %dma_start3A_3062 = tpu.memref_squeeze %dma_start3A_3061 : memref<1x512x32xf32, #tpu.memory_space<vmem>> -> memref<512x32xf32, #tpu.memory_space<vmem>>
    %dma_start3A_3063 = arith.constant 736 : i32
    %dma_start3A_3064 = tpu.memref_slice %arg6[%mul3A_2, %dma_start3A_3063] : memref<16384x832xf32, #tpu.memory_space<hbm>> -> memref<512x32xf32, #tpu.memory_space<hbm>>
    %dma_start3A_3065 = arith.constant 736 : i32
    %dma_start3A_3066 = tpu.memref_slice %arg6[%mul3A_2, %dma_start3A_3065] : memref<16384x832xf32, #tpu.memory_space<hbm>> -> memref<512x32xf32, #tpu.memory_space<hbm>>
    %dma_start3A_3067 = arith.constant 0 : i32
    %dma_start3A_3068 = arith.constant 0 : i32
    %dma_start3A_3069 = tpu.memref_slice %arg8[%dma_start3A_3058, %dma_start3A_3067, %dma_start3A_3068] : memref<4x512x32xf32, #tpu.memory_space<vmem>> -> memref<1x512x32xf32, #tpu.memory_space<vmem>>
    %dma_start3A_3070 = tpu.memref_squeeze %dma_start3A_3069 : memref<1x512x32xf32, #tpu.memory_space<vmem>> -> memref<512x32xf32, #tpu.memory_space<vmem>>
    tpu.enqueue_dma source(%dma_start3A_3070 : memref<512x32xf32, #tpu.memory_space<vmem>>) target(%dma_start3A_3066 : memref<512x32xf32, #tpu.memory_space<hbm>>) target_semaphore(%arg17 : memref<!tpu.dma_semaphore, #tpu.memory_space<semaphore_mem>>)
    %dma_wait3A_3071 = arith.constant 0 : i32
    %dma_wait3A_3072 = arith.constant 0 : i32
    %dma_wait3A_3073 = arith.constant 0 : i32
    %dma_wait3A_3074 = tpu.memref_slice %arg8[%dma_wait3A_3071, %dma_wait3A_3072, %dma_wait3A_3073] : memref<4x512x32xf32, #tpu.memory_space<vmem>> -> memref<1x128x32xf32, #tpu.memory_space<vmem>>
    %dma_wait3A_3075 = tpu.memref_squeeze %dma_wait3A_3074 : memref<1x128x32xf32, #tpu.memory_space<vmem>> -> memref<128x32xf32, #tpu.memory_space<vmem>>
    %dma_wait3A_3076 = arith.constant 12288 : i32
    %dma_wait3A_3077 = tpu.memref_slice %arg7[%dma_wait3A_3076] : memref<13312xi32, #tpu.memory_space<vmem>> -> memref<128xi32, #tpu.memory_space<vmem>>
    %dma_wait3A_3078 = arith.constant 0 : i32
    %dma_wait3A_3079 = arith.constant 0 : i32
    %dma_wait3A_3080 = tpu.memref_slice %arg5[%dma_wait3A_3078, %dma_wait3A_3079] : memref<1304576x32xf32, #tpu.memory_space<hbm>> -> memref<1304576x32xf32, #tpu.memory_space<hbm>>
    tpu.wait_indirect_dma semaphore(%arg10 : memref<!tpu.dma_semaphore, #tpu.memory_space<semaphore_mem>>) src(%dma_wait3A_3080 : memref<1304576x32xf32, #tpu.memory_space<hbm>>) dst(%dma_wait3A_3075 : memref<128x32xf32, #tpu.memory_space<vmem>>)
    %dma_wait3A_3081 = arith.constant 0 : i32
    %dma_wait3A_3082 = arith.constant 128 : i32
    %dma_wait3A_3083 = arith.constant 0 : i32
    %dma_wait3A_3084 = tpu.memref_slice %arg8[%dma_wait3A_3081, %dma_wait3A_3082, %dma_wait3A_3083] : memref<4x512x32xf32, #tpu.memory_space<vmem>> -> memref<1x128x32xf32, #tpu.memory_space<vmem>>
    %dma_wait3A_3085 = tpu.memref_squeeze %dma_wait3A_3084 : memref<1x128x32xf32, #tpu.memory_space<vmem>> -> memref<128x32xf32, #tpu.memory_space<vmem>>
    %dma_wait3A_3086 = arith.constant 12416 : i32
    %dma_wait3A_3087 = tpu.memref_slice %arg7[%dma_wait3A_3086] : memref<13312xi32, #tpu.memory_space<vmem>> -> memref<128xi32, #tpu.memory_space<vmem>>
    %dma_wait3A_3088 = arith.constant 0 : i32
    %dma_wait3A_3089 = arith.constant 0 : i32
    %dma_wait3A_3090 = tpu.memref_slice %arg5[%dma_wait3A_3088, %dma_wait3A_3089] : memref<1304576x32xf32, #tpu.memory_space<hbm>> -> memref<1304576x32xf32, #tpu.memory_space<hbm>>
    tpu.wait_indirect_dma semaphore(%arg10 : memref<!tpu.dma_semaphore, #tpu.memory_space<semaphore_mem>>) src(%dma_wait3A_3090 : memref<1304576x32xf32, #tpu.memory_space<hbm>>) dst(%dma_wait3A_3085 : memref<128x32xf32, #tpu.memory_space<vmem>>)
    %dma_wait3A_3091 = arith.constant 0 : i32
    %dma_wait3A_3092 = arith.constant 256 : i32
    %dma_wait3A_3093 = arith.constant 0 : i32
    %dma_wait3A_3094 = tpu.memref_slice %arg8[%dma_wait3A_3091, %dma_wait3A_3092, %dma_wait3A_3093] : memref<4x512x32xf32, #tpu.memory_space<vmem>> -> memref<1x128x32xf32, #tpu.memory_space<vmem>>
    %dma_wait3A_3095 = tpu.memref_squeeze %dma_wait3A_3094 : memref<1x128x32xf32, #tpu.memory_space<vmem>> -> memref<128x32xf32, #tpu.memory_space<vmem>>
    %dma_wait3A_3096 = arith.constant 12544 : i32
    %dma_wait3A_3097 = tpu.memref_slice %arg7[%dma_wait3A_3096] : memref<13312xi32, #tpu.memory_space<vmem>> -> memref<128xi32, #tpu.memory_space<vmem>>
    %dma_wait3A_3098 = arith.constant 0 : i32
    %dma_wait3A_3099 = arith.constant 0 : i32
    %dma_wait3A_3100 = tpu.memref_slice %arg5[%dma_wait3A_3098, %dma_wait3A_3099] : memref<1304576x32xf32, #tpu.memory_space<hbm>> -> memref<1304576x32xf32, #tpu.memory_space<hbm>>
    tpu.wait_indirect_dma semaphore(%arg10 : memref<!tpu.dma_semaphore, #tpu.memory_space<semaphore_mem>>) src(%dma_wait3A_3100 : memref<1304576x32xf32, #tpu.memory_space<hbm>>) dst(%dma_wait3A_3095 : memref<128x32xf32, #tpu.memory_space<vmem>>)
    %dma_wait3A_3101 = arith.constant 0 : i32
    %dma_wait3A_3102 = arith.constant 384 : i32
    %dma_wait3A_3103 = arith.constant 0 : i32
    %dma_wait3A_3104 = tpu.memref_slice %arg8[%dma_wait3A_3101, %dma_wait3A_3102, %dma_wait3A_3103] : memref<4x512x32xf32, #tpu.memory_space<vmem>> -> memref<1x128x32xf32, #tpu.memory_space<vmem>>
    %dma_wait3A_3105 = tpu.memref_squeeze %dma_wait3A_3104 : memref<1x128x32xf32, #tpu.memory_space<vmem>> -> memref<128x32xf32, #tpu.memory_space<vmem>>
    %dma_wait3A_3106 = arith.constant 12672 : i32
    %dma_wait3A_3107 = tpu.memref_slice %arg7[%dma_wait3A_3106] : memref<13312xi32, #tpu.memory_space<vmem>> -> memref<128xi32, #tpu.memory_space<vmem>>
    %dma_wait3A_3108 = arith.constant 0 : i32
    %dma_wait3A_3109 = arith.constant 0 : i32
    %dma_wait3A_3110 = tpu.memref_slice %arg5[%dma_wait3A_3108, %dma_wait3A_3109] : memref<1304576x32xf32, #tpu.memory_space<hbm>> -> memref<1304576x32xf32, #tpu.memory_space<hbm>>
    tpu.wait_indirect_dma semaphore(%arg10 : memref<!tpu.dma_semaphore, #tpu.memory_space<semaphore_mem>>) src(%dma_wait3A_3110 : memref<1304576x32xf32, #tpu.memory_space<hbm>>) dst(%dma_wait3A_3105 : memref<128x32xf32, #tpu.memory_space<vmem>>)
    %dma_start3A_3111 = arith.constant 0 : i32
    %dma_start3A_3112 = arith.constant 0 : i32
    %dma_start3A_3113 = arith.constant 0 : i32
    %dma_start3A_3114 = tpu.memref_slice %arg8[%dma_start3A_3111, %dma_start3A_3112, %dma_start3A_3113] : memref<4x512x32xf32, #tpu.memory_space<vmem>> -> memref<1x512x32xf32, #tpu.memory_space<vmem>>
    %dma_start3A_3115 = tpu.memref_squeeze %dma_start3A_3114 : memref<1x512x32xf32, #tpu.memory_space<vmem>> -> memref<512x32xf32, #tpu.memory_space<vmem>>
    %dma_start3A_3116 = arith.constant 768 : i32
    %dma_start3A_3117 = tpu.memref_slice %arg6[%mul3A_2, %dma_start3A_3116] : memref<16384x832xf32, #tpu.memory_space<hbm>> -> memref<512x32xf32, #tpu.memory_space<hbm>>
    %dma_start3A_3118 = arith.constant 768 : i32
    %dma_start3A_3119 = tpu.memref_slice %arg6[%mul3A_2, %dma_start3A_3118] : memref<16384x832xf32, #tpu.memory_space<hbm>> -> memref<512x32xf32, #tpu.memory_space<hbm>>
    %dma_start3A_3120 = arith.constant 0 : i32
    %dma_start3A_3121 = arith.constant 0 : i32
    %dma_start3A_3122 = tpu.memref_slice %arg8[%dma_start3A_3111, %dma_start3A_3120, %dma_start3A_3121] : memref<4x512x32xf32, #tpu.memory_space<vmem>> -> memref<1x512x32xf32, #tpu.memory_space<vmem>>
    %dma_start3A_3123 = tpu.memref_squeeze %dma_start3A_3122 : memref<1x512x32xf32, #tpu.memory_space<vmem>> -> memref<512x32xf32, #tpu.memory_space<vmem>>
    tpu.enqueue_dma source(%dma_start3A_3123 : memref<512x32xf32, #tpu.memory_space<vmem>>) target(%dma_start3A_3119 : memref<512x32xf32, #tpu.memory_space<hbm>>) target_semaphore(%arg14 : memref<!tpu.dma_semaphore, #tpu.memory_space<semaphore_mem>>)
    %dma_wait3A_3124 = arith.constant 1 : i32
    %dma_wait3A_3125 = arith.constant 0 : i32
    %dma_wait3A_3126 = arith.constant 0 : i32
    %dma_wait3A_3127 = tpu.memref_slice %arg8[%dma_wait3A_3124, %dma_wait3A_3125, %dma_wait3A_3126] : memref<4x512x32xf32, #tpu.memory_space<vmem>> -> memref<1x128x32xf32, #tpu.memory_space<vmem>>
    %dma_wait3A_3128 = tpu.memref_squeeze %dma_wait3A_3127 : memref<1x128x32xf32, #tpu.memory_space<vmem>> -> memref<128x32xf32, #tpu.memory_space<vmem>>
    %dma_wait3A_3129 = arith.constant 12800 : i32
    %dma_wait3A_3130 = tpu.memref_slice %arg7[%dma_wait3A_3129] : memref<13312xi32, #tpu.memory_space<vmem>> -> memref<128xi32, #tpu.memory_space<vmem>>
    %dma_wait3A_3131 = arith.constant 0 : i32
    %dma_wait3A_3132 = arith.constant 0 : i32
    %dma_wait3A_3133 = tpu.memref_slice %arg5[%dma_wait3A_3131, %dma_wait3A_3132] : memref<1304576x32xf32, #tpu.memory_space<hbm>> -> memref<1304576x32xf32, #tpu.memory_space<hbm>>
    tpu.wait_indirect_dma semaphore(%arg11 : memref<!tpu.dma_semaphore, #tpu.memory_space<semaphore_mem>>) src(%dma_wait3A_3133 : memref<1304576x32xf32, #tpu.memory_space<hbm>>) dst(%dma_wait3A_3128 : memref<128x32xf32, #tpu.memory_space<vmem>>)
    %dma_wait3A_3134 = arith.constant 1 : i32
    %dma_wait3A_3135 = arith.constant 128 : i32
    %dma_wait3A_3136 = arith.constant 0 : i32
    %dma_wait3A_3137 = tpu.memref_slice %arg8[%dma_wait3A_3134, %dma_wait3A_3135, %dma_wait3A_3136] : memref<4x512x32xf32, #tpu.memory_space<vmem>> -> memref<1x128x32xf32, #tpu.memory_space<vmem>>
    %dma_wait3A_3138 = tpu.memref_squeeze %dma_wait3A_3137 : memref<1x128x32xf32, #tpu.memory_space<vmem>> -> memref<128x32xf32, #tpu.memory_space<vmem>>
    %dma_wait3A_3139 = arith.constant 12928 : i32
    %dma_wait3A_3140 = tpu.memref_slice %arg7[%dma_wait3A_3139] : memref<13312xi32, #tpu.memory_space<vmem>> -> memref<128xi32, #tpu.memory_space<vmem>>
    %dma_wait3A_3141 = arith.constant 0 : i32
    %dma_wait3A_3142 = arith.constant 0 : i32
    %dma_wait3A_3143 = tpu.memref_slice %arg5[%dma_wait3A_3141, %dma_wait3A_3142] : memref<1304576x32xf32, #tpu.memory_space<hbm>> -> memref<1304576x32xf32, #tpu.memory_space<hbm>>
    tpu.wait_indirect_dma semaphore(%arg11 : memref<!tpu.dma_semaphore, #tpu.memory_space<semaphore_mem>>) src(%dma_wait3A_3143 : memref<1304576x32xf32, #tpu.memory_space<hbm>>) dst(%dma_wait3A_3138 : memref<128x32xf32, #tpu.memory_space<vmem>>)
    %dma_wait3A_3144 = arith.constant 1 : i32
    %dma_wait3A_3145 = arith.constant 256 : i32
    %dma_wait3A_3146 = arith.constant 0 : i32
    %dma_wait3A_3147 = tpu.memref_slice %arg8[%dma_wait3A_3144, %dma_wait3A_3145, %dma_wait3A_3146] : memref<4x512x32xf32, #tpu.memory_space<vmem>> -> memref<1x128x32xf32, #tpu.memory_space<vmem>>
    %dma_wait3A_3148 = tpu.memref_squeeze %dma_wait3A_3147 : memref<1x128x32xf32, #tpu.memory_space<vmem>> -> memref<128x32xf32, #tpu.memory_space<vmem>>
    %dma_wait3A_3149 = arith.constant 13056 : i32
    %dma_wait3A_3150 = tpu.memref_slice %arg7[%dma_wait3A_3149] : memref<13312xi32, #tpu.memory_space<vmem>> -> memref<128xi32, #tpu.memory_space<vmem>>
    %dma_wait3A_3151 = arith.constant 0 : i32
    %dma_wait3A_3152 = arith.constant 0 : i32
    %dma_wait3A_3153 = tpu.memref_slice %arg5[%dma_wait3A_3151, %dma_wait3A_3152] : memref<1304576x32xf32, #tpu.memory_space<hbm>> -> memref<1304576x32xf32, #tpu.memory_space<hbm>>
    tpu.wait_indirect_dma semaphore(%arg11 : memref<!tpu.dma_semaphore, #tpu.memory_space<semaphore_mem>>) src(%dma_wait3A_3153 : memref<1304576x32xf32, #tpu.memory_space<hbm>>) dst(%dma_wait3A_3148 : memref<128x32xf32, #tpu.memory_space<vmem>>)
    %dma_wait3A_3154 = arith.constant 1 : i32
    %dma_wait3A_3155 = arith.constant 384 : i32
    %dma_wait3A_3156 = arith.constant 0 : i32
    %dma_wait3A_3157 = tpu.memref_slice %arg8[%dma_wait3A_3154, %dma_wait3A_3155, %dma_wait3A_3156] : memref<4x512x32xf32, #tpu.memory_space<vmem>> -> memref<1x128x32xf32, #tpu.memory_space<vmem>>
    %dma_wait3A_3158 = tpu.memref_squeeze %dma_wait3A_3157 : memref<1x128x32xf32, #tpu.memory_space<vmem>> -> memref<128x32xf32, #tpu.memory_space<vmem>>
    %dma_wait3A_3159 = arith.constant 13184 : i32
    %dma_wait3A_3160 = tpu.memref_slice %arg7[%dma_wait3A_3159] : memref<13312xi32, #tpu.memory_space<vmem>> -> memref<128xi32, #tpu.memory_space<vmem>>
    %dma_wait3A_3161 = arith.constant 0 : i32
    %dma_wait3A_3162 = arith.constant 0 : i32
    %dma_wait3A_3163 = tpu.memref_slice %arg5[%dma_wait3A_3161, %dma_wait3A_3162] : memref<1304576x32xf32, #tpu.memory_space<hbm>> -> memref<1304576x32xf32, #tpu.memory_space<hbm>>
    tpu.wait_indirect_dma semaphore(%arg11 : memref<!tpu.dma_semaphore, #tpu.memory_space<semaphore_mem>>) src(%dma_wait3A_3163 : memref<1304576x32xf32, #tpu.memory_space<hbm>>) dst(%dma_wait3A_3158 : memref<128x32xf32, #tpu.memory_space<vmem>>)
    %dma_start3A_3164 = arith.constant 1 : i32
    %dma_start3A_3165 = arith.constant 0 : i32
    %dma_start3A_3166 = arith.constant 0 : i32
    %dma_start3A_3167 = tpu.memref_slice %arg8[%dma_start3A_3164, %dma_start3A_3165, %dma_start3A_3166] : memref<4x512x32xf32, #tpu.memory_space<vmem>> -> memref<1x512x32xf32, #tpu.memory_space<vmem>>
    %dma_start3A_3168 = tpu.memref_squeeze %dma_start3A_3167 : memref<1x512x32xf32, #tpu.memory_space<vmem>> -> memref<512x32xf32, #tpu.memory_space<vmem>>
    %dma_start3A_3169 = arith.constant 800 : i32
    %dma_start3A_3170 = tpu.memref_slice %arg6[%mul3A_2, %dma_start3A_3169] : memref<16384x832xf32, #tpu.memory_space<hbm>> -> memref<512x32xf32, #tpu.memory_space<hbm>>
    %dma_start3A_3171 = arith.constant 800 : i32
    %dma_start3A_3172 = tpu.memref_slice %arg6[%mul3A_2, %dma_start3A_3171] : memref<16384x832xf32, #tpu.memory_space<hbm>> -> memref<512x32xf32, #tpu.memory_space<hbm>>
    %dma_start3A_3173 = arith.constant 0 : i32
    %dma_start3A_3174 = arith.constant 0 : i32
    %dma_start3A_3175 = tpu.memref_slice %arg8[%dma_start3A_3164, %dma_start3A_3173, %dma_start3A_3174] : memref<4x512x32xf32, #tpu.memory_space<vmem>> -> memref<1x512x32xf32, #tpu.memory_space<vmem>>
    %dma_start3A_3176 = tpu.memref_squeeze %dma_start3A_3175 : memref<1x512x32xf32, #tpu.memory_space<vmem>> -> memref<512x32xf32, #tpu.memory_space<vmem>>
    tpu.enqueue_dma source(%dma_start3A_3176 : memref<512x32xf32, #tpu.memory_space<vmem>>) target(%dma_start3A_3172 : memref<512x32xf32, #tpu.memory_space<hbm>>) target_semaphore(%arg15 : memref<!tpu.dma_semaphore, #tpu.memory_space<semaphore_mem>>)
    %dma_wait3A_3177 = arith.constant 2 : i32
    %dma_wait3A_3178 = arith.constant 0 : i32
    %dma_wait3A_3179 = arith.constant 0 : i32
    %dma_wait3A_3180 = tpu.memref_slice %arg8[%dma_wait3A_3177, %dma_wait3A_3178, %dma_wait3A_3179] : memref<4x512x32xf32, #tpu.memory_space<vmem>> -> memref<1x512x32xf32, #tpu.memory_space<vmem>>
    %dma_wait3A_3181 = tpu.memref_squeeze %dma_wait3A_3180 : memref<1x512x32xf32, #tpu.memory_space<vmem>> -> memref<512x32xf32, #tpu.memory_space<vmem>>
    %dma_wait3A_3182 = arith.constant 704 : i32
    %dma_wait3A_3183 = tpu.memref_slice %arg6[%mul3A_2, %dma_wait3A_3182] : memref<16384x832xf32, #tpu.memory_space<hbm>> -> memref<512x32xf32, #tpu.memory_space<hbm>>
    %dma_wait3A_3184 = arith.constant 704 : i32
    %dma_wait3A_3185 = tpu.memref_slice %arg6[%mul3A_2, %dma_wait3A_3184] : memref<16384x832xf32, #tpu.memory_space<hbm>> -> memref<512x32xf32, #tpu.memory_space<hbm>>
    %dma_wait3A_3186 = arith.constant 0 : i32
    %dma_wait3A_3187 = arith.constant 0 : i32
    %dma_wait3A_3188 = tpu.memref_slice %arg8[%dma_wait3A_3177, %dma_wait3A_3186, %dma_wait3A_3187] : memref<4x512x32xf32, #tpu.memory_space<vmem>> -> memref<1x512x32xf32, #tpu.memory_space<vmem>>
    %dma_wait3A_3189 = tpu.memref_squeeze %dma_wait3A_3188 : memref<1x512x32xf32, #tpu.memory_space<vmem>> -> memref<512x32xf32, #tpu.memory_space<vmem>>
    tpu.wait_dma2 semaphore(%arg16 : memref<!tpu.dma_semaphore, #tpu.memory_space<semaphore_mem>>) src(%dma_wait3A_3189 : memref<512x32xf32, #tpu.memory_space<vmem>>) dst(%dma_wait3A_3185 : memref<512x32xf32, #tpu.memory_space<hbm>>)
    %dma_wait3A_3190 = arith.constant 3 : i32
    %dma_wait3A_3191 = arith.constant 0 : i32
    %dma_wait3A_3192 = arith.constant 0 : i32
    %dma_wait3A_3193 = tpu.memref_slice %arg8[%dma_wait3A_3190, %dma_wait3A_3191, %dma_wait3A_3192] : memref<4x512x32xf32, #tpu.memory_space<vmem>> -> memref<1x512x32xf32, #tpu.memory_space<vmem>>
    %dma_wait3A_3194 = tpu.memref_squeeze %dma_wait3A_3193 : memref<1x512x32xf32, #tpu.memory_space<vmem>> -> memref<512x32xf32, #tpu.memory_space<vmem>>
    %dma_wait3A_3195 = arith.constant 736 : i32
    %dma_wait3A_3196 = tpu.memref_slice %arg6[%mul3A_2, %dma_wait3A_3195] : memref<16384x832xf32, #tpu.memory_space<hbm>> -> memref<512x32xf32, #tpu.memory_space<hbm>>
    %dma_wait3A_3197 = arith.constant 736 : i32
    %dma_wait3A_3198 = tpu.memref_slice %arg6[%mul3A_2, %dma_wait3A_3197] : memref<16384x832xf32, #tpu.memory_space<hbm>> -> memref<512x32xf32, #tpu.memory_space<hbm>>
    %dma_wait3A_3199 = arith.constant 0 : i32
    %dma_wait3A_3200 = arith.constant 0 : i32
    %dma_wait3A_3201 = tpu.memref_slice %arg8[%dma_wait3A_3190, %dma_wait3A_3199, %dma_wait3A_3200] : memref<4x512x32xf32, #tpu.memory_space<vmem>> -> memref<1x512x32xf32, #tpu.memory_space<vmem>>
    %dma_wait3A_3202 = tpu.memref_squeeze %dma_wait3A_3201 : memref<1x512x32xf32, #tpu.memory_space<vmem>> -> memref<512x32xf32, #tpu.memory_space<vmem>>
    tpu.wait_dma2 semaphore(%arg17 : memref<!tpu.dma_semaphore, #tpu.memory_space<semaphore_mem>>) src(%dma_wait3A_3202 : memref<512x32xf32, #tpu.memory_space<vmem>>) dst(%dma_wait3A_3198 : memref<512x32xf32, #tpu.memory_space<hbm>>)
    %dma_wait3A_3203 = arith.constant 0 : i32
    %dma_wait3A_3204 = arith.constant 0 : i32
    %dma_wait3A_3205 = arith.constant 0 : i32
    %dma_wait3A_3206 = tpu.memref_slice %arg8[%dma_wait3A_3203, %dma_wait3A_3204, %dma_wait3A_3205] : memref<4x512x32xf32, #tpu.memory_space<vmem>> -> memref<1x512x32xf32, #tpu.memory_space<vmem>>
    %dma_wait3A_3207 = tpu.memref_squeeze %dma_wait3A_3206 : memref<1x512x32xf32, #tpu.memory_space<vmem>> -> memref<512x32xf32, #tpu.memory_space<vmem>>
    %dma_wait3A_3208 = arith.constant 768 : i32
    %dma_wait3A_3209 = tpu.memref_slice %arg6[%mul3A_2, %dma_wait3A_3208] : memref<16384x832xf32, #tpu.memory_space<hbm>> -> memref<512x32xf32, #tpu.memory_space<hbm>>
    %dma_wait3A_3210 = arith.constant 768 : i32
    %dma_wait3A_3211 = tpu.memref_slice %arg6[%mul3A_2, %dma_wait3A_3210] : memref<16384x832xf32, #tpu.memory_space<hbm>> -> memref<512x32xf32, #tpu.memory_space<hbm>>
    %dma_wait3A_3212 = arith.constant 0 : i32
    %dma_wait3A_3213 = arith.constant 0 : i32
    %dma_wait3A_3214 = tpu.memref_slice %arg8[%dma_wait3A_3203, %dma_wait3A_3212, %dma_wait3A_3213] : memref<4x512x32xf32, #tpu.memory_space<vmem>> -> memref<1x512x32xf32, #tpu.memory_space<vmem>>
    %dma_wait3A_3215 = tpu.memref_squeeze %dma_wait3A_3214 : memref<1x512x32xf32, #tpu.memory_space<vmem>> -> memref<512x32xf32, #tpu.memory_space<vmem>>
    tpu.wait_dma2 semaphore(%arg14 : memref<!tpu.dma_semaphore, #tpu.memory_space<semaphore_mem>>) src(%dma_wait3A_3215 : memref<512x32xf32, #tpu.memory_space<vmem>>) dst(%dma_wait3A_3211 : memref<512x32xf32, #tpu.memory_space<hbm>>)
    %dma_wait3A_3216 = arith.constant 1 : i32
    %dma_wait3A_3217 = arith.constant 0 : i32
    %dma_wait3A_3218 = arith.constant 0 : i32
    %dma_wait3A_3219 = tpu.memref_slice %arg8[%dma_wait3A_3216, %dma_wait3A_3217, %dma_wait3A_3218] : memref<4x512x32xf32, #tpu.memory_space<vmem>> -> memref<1x512x32xf32, #tpu.memory_space<vmem>>
    %dma_wait3A_3220 = tpu.memref_squeeze %dma_wait3A_3219 : memref<1x512x32xf32, #tpu.memory_space<vmem>> -> memref<512x32xf32, #tpu.memory_space<vmem>>
    %dma_wait3A_3221 = arith.constant 800 : i32
    %dma_wait3A_3222 = tpu.memref_slice %arg6[%mul3A_2, %dma_wait3A_3221] : memref<16384x832xf32, #tpu.memory_space<hbm>> -> memref<512x32xf32, #tpu.memory_space<hbm>>
    %dma_wait3A_3223 = arith.constant 800 : i32
    %dma_wait3A_3224 = tpu.memref_slice %arg6[%mul3A_2, %dma_wait3A_3223] : memref<16384x832xf32, #tpu.memory_space<hbm>> -> memref<512x32xf32, #tpu.memory_space<hbm>>
    %dma_wait3A_3225 = arith.constant 0 : i32
    %dma_wait3A_3226 = arith.constant 0 : i32
    %dma_wait3A_3227 = tpu.memref_slice %arg8[%dma_wait3A_3216, %dma_wait3A_3225, %dma_wait3A_3226] : memref<4x512x32xf32, #tpu.memory_space<vmem>> -> memref<1x512x32xf32, #tpu.memory_space<vmem>>
    %dma_wait3A_3228 = tpu.memref_squeeze %dma_wait3A_3227 : memref<1x512x32xf32, #tpu.memory_space<vmem>> -> memref<512x32xf32, #tpu.memory_space<vmem>>
    tpu.wait_dma2 semaphore(%arg15 : memref<!tpu.dma_semaphore, #tpu.memory_space<semaphore_mem>>) src(%dma_wait3A_3228 : memref<512x32xf32, #tpu.memory_space<vmem>>) dst(%dma_wait3A_3224 : memref<512x32xf32, #tpu.memory_space<hbm>>)
    return
  }
}

</mosaic_0001>

<sc_bundles>
// kernel: _run.3.cloned.1.call-start
scs
__scs_entry_jumppad:
0x0: {  	(pc) =	sbr.rel $0x88, $3  }
0x1: {  	(tag) =	ssettag $0x0;
	lr =	simm.s32 $0x1  }
0x2: {  	[smem:$0x3F9D] =	sst lr;
	_ =	strace $0xD0000000  }
0x3: {  	_ = 	snop  }
0x4: {  	_ = 	snop  }
0x5: {  	_ = 	snop  }
0x6: {  	_ = 	snop  }
0x7: {  	_ = 	snop  }
__scs_overlays_trampoline_lowered:
0x8: {  	[smem:$0x3FAC] =	sst s0  }
0x9: {  	[smem:$0x3FAD] =	sst s1  }
0xa: {  	[smem:$0x3FAE] =	sst s2  }
0xb: {  	[smem:$0x3FAF] =	sst s3  }
0xc: {  	[smem:$0x3FB0] =	sst s4  }
0xd: {  	[smem:$0x3FB1] =	sst s5  }
0xe: {  	[smem:$0x3FB2] =	sst s6  }
0xf: {  	[smem:$0x3FB3] =	sst s7  }
0x10: {  	[smem:$0x3FB4] =	sst s8  }
0x11: {  	[smem:$0x3FB5] =	sst s9;
	s0 =	simm.s32 @!p0 $0x0  }
0x12: {  	s1 =	sld [smem:$0x3F9B];
	s0 =	simm.s32 @p0 $0x1  }
0x13: {  	[smem:$0x3FB6] =	sst s0;
	s0 =	simm.s32 @!p1 $0x0  }
0x14: {  	s2 =	sld [smem:$0x3F9A];
	s0 =	simm.s32 @p1 $0x1  }
0x15: {  	[smem:$0x3FB7] =	sst s0;
	s0 =	simm.s32 @!p2 $0x0  }
0x16: {  	s3 =	sld [smem:$0x3FDB];
	s0 =	simm.s32 @p2 $0x1  }
0x17: {  	s4 =	simm.s32 $0x1BF5;
	[smem:$0x3FB9] =	sst s0  }
0x18: {  	s0 =	sld [smem:$0x3F9C];
	_ =	swait.ge [sflag:s4], $0x0  }
0x19: {  	s7 =	sld [smem:$0x3F9D]  }
0x1a: {  	s8 =	sadd.s32 $0xFFFFE003, lr  }
0x1b: {  	s9 =	sadd.s32 $0xFFFFFEF7, lr;
	s5 =	simm.s32 $0xFFFFFFFF;
	p2 =	slt.u32 s8, $0xFFFFF086  }
0x1c: {  	p1 =	slt.u32 s9, $0xF7A;
	s5 =	simm.s32 @!p2 $0x0  }
0x1d: {  	s5 =	simm.s32 @p1 $0x1;
	p0 =	seq.s32 s7, s2  }
0x1e: {  	s7 =	smul.u32 @!p0 $0xF7A, s2;
	p2 =	seq.s32 @!p0 s5, $0x0  }
0x1f: {  	s9 =	smul.u32 $0xF7A, s1;
	s8 =	simm.s32 @!p0 $0x1BF5;
	p2 =	por !p2, p0  }
0x20: {  	[sflag:s8] =	ssyncset.s32 @!p0 $0xFFFFF086;
	s6 =	sadd.s32 @!p0 s3, s7;
	s7 =	simm.s32 @!p0 $0x108  }
0x21: {  	s3 =	sadd.s32 s3, s9;
	s6 =	sadd.s32 @!p0 $0x88, s6;
	s7 =	simm.s32 @p2 $0x1082  }
0x22: {  	[simem:s7], [sflag:s8] =	dma.local @!p0 [hbm:s6], $0xF7A  }
0x23: {  	s9 =	sor.u32 $0xD0000000, s2;
	s6 =	simm.s32 $0x108;
	_ =	swait.ge @!p0 [sflag:s8], $0x0  }
0x24: {  	s3 =	sadd.s32 $0x88, s3;
	s6 =	simm.s32 @!p1 $0x1082;
	[sflag:s4] =	ssyncset.s32 $0xFFFFF086  }
0x25: {  	[simem:s6], [sflag:s4] =	dma.local [hbm:s3], $0xF7A  }
0x26: {  	[smem:$0x3F9D] =	sst s1;
	(tag) =	ssettag s2;
	_ =	strace s9  }
0x27: {  	s1 =	sld [smem:$0x3FAD]  }
0x28: {  	s2 =	sld [smem:$0x3FAE]  }
0x29: {  	s4 =	sld [smem:$0x3FB0]  }
0x2a: {  	p0 =	seq.s32 s5, $0x0;
	s5 =	sld [smem:$0x3FB1]  }
0x2b: {  	s6 =	sld [smem:$0x3FB2]  }
0x2c: {  	s7 =	sld [smem:$0x3FB3]  }
0x2d: {  	s3 =	simm.s32 $0x108;
	s8 =	sld [smem:$0x3FB4]  }
0x2e: {  	s3 =	simm.s32 @!p0 $0x1082;
	s9 =	sld [smem:$0x3FB5]  }
0x2f: {  	lr =	sadd.s32 s0, s3;
	s0 =	sld [smem:$0x3FAC]  }
0x30: {  	s3 =	sld [smem:$0x3FAF]  }
0x31: {  	[smem:$0x3FB8] =	sst s10  }
0x32: {  	s10 =	sld [smem:$0x3FB6];
	_ =	sdelay $0x3  }
0x33: {  	p0 =	seq.s32 s10, $0x1;
	s10 =	sld [smem:$0x3FB8];
	_ =	sdelay $0x3  }
0x34: {  	[smem:$0x3FB8] =	sst s10  }
0x35: {  	s10 =	sld [smem:$0x3FB7];
	_ =	sdelay $0x3  }
0x36: {  	p1 =	seq.s32 s10, $0x1;
	s10 =	sld [smem:$0x3FB8];
	_ =	sdelay $0x3  }
0x37: {  	[smem:$0x3FB8] =	sst s10  }
0x38: {  	s10 =	sld [smem:$0x3FB9]  }
0x39: {  	_ = 	snop;
	(pc) =	sbr.ind lr, $3  }
0x3a: {  	_ = 	snop  }
0x3b: {  	_ = 	snop  }
0x3c: {  	p2 =	seq.s32 s10, $0x1;
	s10 =	sld [smem:$0x3FB8]  }
0x3d: {  	_ =	shalt  }
0x3e: {  	_ =	shalt  }
0x3f: {  	_ =	shalt  }
0x40: {  	_ =	shalt  }
0x41: {  	_ =	shalt  }
0x42: {  	_ =	shalt  }
0x43: {  	_ =	shalt  }
0x44: {  	_ =	shalt  }
0x45: {  	_ =	shalt  }
0x46: {  	_ =	shalt  }
0x47: {  	_ =	shalt  }
0x48: {  	_ =	shalt  }
0x49: {  	_ =	shalt  }
0x4a: {  	_ =	shalt  }
0x4b: {  	_ =	shalt  }
0x4c: {  	_ =	shalt  }
0x4d: {  	_ =	shalt  }
0x4e: {  	_ =	shalt  }
0x4f: {  	_ =	shalt  }
0x50: {  	_ =	shalt  }
0x51: {  	_ =	shalt  }
0x52: {  	_ =	shalt  }
0x53: {  	_ =	shalt  }
0x54: {  	_ =	shalt  }
0x55: {  	_ =	shalt  }
0x56: {  	_ =	shalt  }
0x57: {  	_ =	shalt  }
0x58: {  	_ =	shalt  }
0x59: {  	_ =	shalt  }
0x5a: {  	_ =	shalt  }
0x5b: {  	_ =	shalt  }
0x5c: {  	_ =	shalt  }
0x5d: {  	_ =	shalt  }
0x5e: {  	_ =	shalt  }
0x5f: {  	_ =	shalt  }
0x60: {  	_ =	shalt  }
0x61: {  	_ =	shalt  }
0x62: {  	_ =	shalt  }
0x63: {  	_ =	shalt  }
0x64: {  	_ =	shalt  }
0x65: {  	_ =	shalt  }
0x66: {  	_ =	shalt  }
0x67: {  	_ =	shalt  }
0x68: {  	_ =	shalt  }
0x69: {  	_ =	shalt  }
0x6a: {  	_ =	shalt  }
0x6b: {  	_ =	shalt  }
0x6c: {  	_ =	shalt  }
0x6d: {  	_ =	shalt  }
0x6e: {  	_ =	shalt  }
0x6f: {  	_ =	shalt  }
0x70: {  	_ =	shalt  }
0x71: {  	_ =	shalt  }
0x72: {  	_ =	shalt  }
0x73: {  	_ =	shalt  }
0x74: {  	_ =	shalt  }
0x75: {  	_ =	shalt  }
0x76: {  	_ =	shalt  }
0x77: {  	_ =	shalt  }
0x78: {  	_ =	shalt  }
0x79: {  	_ =	shalt  }
0x7a: {  	_ =	shalt  }
0x7b: {  	_ =	shalt  }
0x7c: {  	_ =	shalt  }
0x7d: {  	_ =	shalt  }
0x7e: {  	_ =	shalt  }
0x7f: {  	_ =	shalt  }
0x80: {  	_ =	shalt  }
0x81: {  	_ =	shalt  }
0x82: {  	_ =	shalt  }
0x83: {  	_ =	shalt  }
0x84: {  	_ =	shalt  }
0x85: {  	_ =	shalt  }
0x86: {  	_ =	shalt  }
0x87: {  	_ =	shalt  }
.Lfunc_end0:
.L_simem_size_0:
called_computation.1_lowered:
.L_overlay_start_0:
0x88: {  	s2 =	sld [smem:$0x3FD9]  }
0x89: {  	s3 =	sld [smem:$0x3FFE];
	_ =	sdelay $0x1  }
0x8a: {  	s1 =	srdreg.scid  }
0x8b: {  	s0 =	sand.u32 $0x1, s1  }
0x8c: {  	s17 =	sshll.u32 s0, $0xA;
	s2 =	sadd.s32 s3, s2  }
0x8d: {  	s2 =	sadd.s32 s2, s17  }
0x8e: {  	[smem:$0x3FC4] =	sst s2  }
0x8f: {  	_ = 	snop  }
0x90: {  	s2 =	sld [smem:$0x3FD0];
	(tm) =	ssettm $0x1  }
0x91: {  	s18 =	sld [smem:$0x3FFB];
	_ =	sdelay $0x3  }
0x92: {  	_ =	strace s18  }
0x93: {  	s3 =	sld [smem:$0x3FFC];
	_ =	sdelay $0x3  }
0x94: {  	_ =	strace s3  }
0x95: {  	s3 =	sld [smem:$0x3FFD];
	_ =	sdelay $0x3  }
0x96: {  	_ =	strace s3  }
0x97: {  	_ =	strace $0x8FFFFFFF  }
0x98: {  	s19 =	sld [smem:$0x3FDB];
	_ =	sdelay $0x1  }
0x99: {  	s4 =	simm.s32 $_scs_section_size  }
0x9a: {  	s5 =	simm.s32 $_size__tile_overlayer_lowered;
	s6 =	simm.s32 $_tile_overlayer_lowered  }
0x9b: {  	s22 =	simm.s32 $0x1BFF;
	s21 =	sshll.u32 s6, $0x1;
	s3 =	sadd.s32 s4, s19  }
0x9c: {  	s7 =	simm.s32 $0x0;
	s20 =	sshll.u32 s5, $0x1;
	s5 =	sadd.s32 s21, s3  }
0x9d: {  	[timem:s7], [sflag:s22] =	dma.local [hbm:s5], s20  }
0x9e: {  	_ =	swait.ge [sflag:s22], s20  }
0x9f: {  	s4 =	ssub.s32 $0x0, s20;
	[sflag:s22] =	ssyncset.done $0x0  }
0xa0: {  	[sflag:s22] =	ssyncadd.s32 s4;
	_ =	sdelay $0x1  }
0xa1: {  	s23 =	simm.s32 $0x1B8B  }
0xa2: {  	_ =	swait.ge [sflag:s23], $0x1  }
0xa3: {  	[sflag:s23] =	ssyncset.done $0x0  }
0xa4: {  	s25 =	simm.s32 $0x1B8E;
	s24 =	sld [smem:$0x3FFE];
	[sflag:s23] =	ssyncadd.s32 $0xFFFFFFFF  }
0xa5: {  	s26 =	simm.s32 $execute0_lowered;
	[smem:$0x3FD2] =	sst s25  }
0xa6: {  	s5 =	sshll.u32 s26, $0x1;
	_ =	strace $0x80000046;
	[dreg:$0x1] =	wrdreg $0xFFFFFFFF  }
0xa7: {  	s28 =	simm.s32 $_size_execute0_lowered;
	s3 =	sadd.s32 s3, s5;
	[dreg:$0x0] =	wrdreg $0x0  }
0xa8: {  	s5 =	sshll.u32 s28, $0x1;
	[dreg:$0x2] =	wrdreg s3  }
0xa9: {  	[dreg:$0x3] =	wrdreg s5  }
0xaa: {  	[dreg:$0x4] =	wrdreg $0xC0  }
0xab: {  	_ =	task [dreg:s7], $0x5FFFF  }
0xac: {  	[dreg:$0x1] =	wrdreg $0xFFFFFFFF  }
0xad: {  	[dreg:$0x0] =	wrdreg $0x60  }
0xae: {  	[dreg:$0x2] =	wrdreg s24  }
0xaf: {  	[dreg:$0x3] =	wrdreg s2  }
0xb0: {  	[dreg:$0x4] =	wrdreg $0x9  }
0xb1: {  	_ =	task.clear_ibuf [dreg:s7], $0x5FFFF;
	_ =	strace $0x90000046  }
0xb2: {  	s29 =	simm.s32 $0x9;
	_ =	strace $0x80000048  }
0xb3: {  	_ =	swait.ge [sflag:s29], $0x1  }
0xb4: {  	[sflag:s29] =	ssyncadd.s32 $0xFFFFFFFF  }
0xb5: {  	_ =	strace $0x90000048  }
0xb6: {  	_ =	sfence  }
0xb7: {  	s30 =	sld [smem:$0x0];
	_ =	sdelay $0x2  }
0xb8: {  	s31 =	sshll.u32 s1, $0xD;
	s1 =	sshrl.u32 s1, $0x2  }
0xb9: {  	s3 =	sand.u32 $0x4000, s31;
	s1 =	sadd.s32 s1, s30  }
0xba: {  	s0 =	sor.u32 s3, s0;
	s1 =	sshll.u32 s1, $0x11  }
0xbb: {  	s0 =	sor.u32 s1, s0  }
0xbc: {  	s0 =	sadd.s32 $0x8F2B, s0  }
0xbd: {  	[sflag:s0] =	ssyncadd.remote.s32 $0x1  }
0xbe: {  	_ =	sfence.sel $0xFFFF  }
0xbf: {  	[dreg:$0x0] =	wrdreg $0xFFFFFFFF;
	(pc) =	sbr.abs _section_cstart, $3  }
0xc0: {  	[dreg:$0x1] =	wrdreg $0xFFFFFFFF  }
0xc1: {  	_ =	task.clear_ibuf [dreg:s7], $0x2FFFF;
	_ =	strace $0x9FFFFFFF  }
0xc2: {  	(tm) =	ssettm $0x7FFFFFFF  }
0xc3: {  	_ =	shalt  }
tec
execute0_lowered:
.L_overlay_start_1:
0x0: {  	(tag) =	ssettag $0x1  }
0x1: {  	s0 =	srdreg.scid  }
0x2: {  	s2 =	rddreg [dreg:$0x0];
	s3 =	stileid.u32;
	s0 =	sand.u32 $0x1, s0  }
0x3: {  	s1 =	simm.s32 $0x0;
	s3 =	sshll.u32 s3, $0xA;
	s4 =	sshll.u32 s0, $0x9  }
0x4: {  	[smem:$0x7FF] =	sst s1;
	s0 =	ssub.s32 $0x2, s0;
	s3 =	sor.u32 s4, s3  }
0x5: {  	s29 =	sadd.s32 $0x7400, s2;
	s5 =	sshrl.u32 s0, $0x1;
	s6 =	sshrl.u32 s3, $0x3  }
0x6: {  	s0 =	ssub.s32 s0, s5;
	s17 =	sadd.s32 s29, s6;
	s5 =	sor.u32 $0x800, s6  }
0x7: {  	s8 =	sor.u32 $0x1800, s6;
	[dreg:$0x3] =	wrdreg s17;
	s7 =	sadd.s32 s29, s5  }
0x8: {  	s19 =	sor.u32 $0x2000, s6;
	s18 =	sadd.s32 s29, s8;
	[dreg:$0x4] =	wrdreg s7  }
0x9: {  	s20 =	sor.u32 $0x2800, s6;
	s10 =	sadd.s32 s29, s19;
	[dreg:$0x6] =	wrdreg s18  }
0xa: {  	s11 =	sor.u32 $0x3000, s6;
	s12 =	sadd.s32 s29, s20;
	[dreg:$0x7] =	wrdreg s10  }
0xb: {  	s22 =	sor.u32 $0x3800, s6;
	s21 =	sadd.s32 s29, s11;
	[dreg:$0x8] =	wrdreg s12  }
0xc: {  	s23 =	sor.u32 $0x4000, s6;
	s13 =	sadd.s32 s29, s22;
	[dreg:$0x9] =	wrdreg s21  }
0xd: {  	s14 =	sor.u32 $0x4800, s6;
	s15 =	sadd.s32 s29, s23;
	[dreg:$0xa] =	wrdreg s13  }
0xe: {  	s25 =	sor.u32 $0x5000, s6;
	s24 =	sadd.s32 s29, s14;
	[dreg:$0xb] =	wrdreg s15  }
0xf: {  	s16 =	sadd.s32 s29, s25;
	[dreg:$0xc] =	wrdreg s24  }
0x10: {  	s26 =	sor.u32 $0x5800, s6;
	[dreg:$0xd] =	wrdreg s16  }
0x11: {  	s17 =	sor.u32 $0x6000, s6;
	s18 =	sadd.s32 s29, s26;
	s24 =	rddreg [dreg:$0x1]  }
0x12: {  	s7 =	sor.u32 $0x1000, s6;
	s4 =	sadd.s32 s29, s17;
	[dreg:$0xe] =	wrdreg s18  }
0x13: {  	s9 =	sadd.s32 s29, s7;
	[dreg:$0xf] =	wrdreg s4;
	s29 =	sadd.s32 $0xC00, s2  }
0x14: {  	[dreg:$0x5] =	wrdreg s9;
	s6 =	sadd.s32 s29, s6  }
0x15: {  	s5 =	sadd.s32 s29, s5;
	[dreg:$0x10] =	wrdreg s6  }
0x16: {  	s7 =	sadd.s32 s29, s7;
	[dreg:$0x11] =	wrdreg s5  }
0x17: {  	s8 =	sadd.s32 s29, s8;
	[dreg:$0x12] =	wrdreg s7  }
0x18: {  	s18 =	sadd.s32 s29, s19;
	[dreg:$0x13] =	wrdreg s8  }
0x19: {  	s19 =	sadd.s32 s29, s20;
	[dreg:$0x14] =	wrdreg s18  }
0x1a: {  	s20 =	sadd.s32 s29, s11;
	[dreg:$0x15] =	wrdreg s19  }
0x1b: {  	s21 =	sadd.s32 s29, s22;
	[dreg:$0x16] =	wrdreg s20  }
0x1c: {  	s22 =	sadd.s32 s29, s23;
	[dreg:$0x17] =	wrdreg s21  }
0x1d: {  	s23 =	sadd.s32 s29, s14;
	[dreg:$0x18] =	wrdreg s22  }
0x1e: {  	s25 =	sadd.s32 s29, s25;
	[dreg:$0x19] =	wrdreg s23  }
0x1f: {  	s3 =	smul.u32 $0x68, s3;
	s26 =	sadd.s32 s29, s26;
	[dreg:$0x1a] =	wrdreg s25  }
0x20: {  	s31 =	sadd.s32 $0x18E2C00, s2;
	s4 =	sadd.s32 s29, s17;
	[dreg:$0x1b] =	wrdreg s26  }
0x21: {  	s0 =	smax.u32 s0, $0x1;
	s3 =	sadd.s32 s24, s3;
	[dreg:$0x1c] =	wrdreg s4  }
0x22: {  	s29 =	sadd.s32 $0x4, s3;
	_ =	strace $0x80000047;
	[dreg:$0x1e] =	wrdreg s0  }
0x23: {  	s23 =	sadd.s32 $0x13E8C00, s2;
	s2 =	sadd.s32 $0x8, s3;
	[dreg:$0x1f] =	wrdreg s29  }
0x24: {  	s4 =	sadd.s32 $0xC, s3;
	[smem:$0x7E6] =	sst s2  }
0x25: {  	s5 =	sadd.s32 $0x10, s3;
	[smem:$0x7E7] =	sst s4  }
0x26: {  	s6 =	sadd.s32 $0x14, s3;
	[smem:$0x7E8] =	sst s5  }
0x27: {  	s7 =	sadd.s32 $0x18, s3;
	[smem:$0x7E9] =	sst s6  }
0x28: {  	s8 =	sadd.s32 $0x1C, s3;
	[smem:$0x7EA] =	sst s7  }
0x29: {  	s9 =	sadd.s32 $0x20, s3;
	[smem:$0x7EB] =	sst s8  }
0x2a: {  	s10 =	sadd.s32 $0x24, s3;
	[smem:$0x7EC] =	sst s9  }
0x2b: {  	s11 =	sadd.s32 $0x28, s3;
	[smem:$0x7ED] =	sst s10  }
0x2c: {  	s12 =	sadd.s32 $0x2C, s3;
	[smem:$0x7EE] =	sst s11  }
0x2d: {  	s13 =	sadd.s32 $0x30, s3;
	[smem:$0x7EF] =	sst s12  }
0x2e: {  	s14 =	sadd.s32 $0x34, s3;
	[smem:$0x7F0] =	sst s13  }
0x2f: {  	s15 =	sadd.s32 $0x38, s3;
	[smem:$0x7F1] =	sst s14  }
0x30: {  	s16 =	sadd.s32 $0x3C, s3;
	[smem:$0x7F2] =	sst s15  }
0x31: {  	s17 =	sadd.s32 $0x40, s3;
	[smem:$0x7F3] =	sst s16  }
0x32: {  	s18 =	sadd.s32 $0x44, s3;
	[smem:$0x7F4] =	sst s17  }
0x33: {  	s19 =	sadd.s32 $0x48, s3;
	[smem:$0x7F5] =	sst s18  }
0x34: {  	s20 =	sadd.s32 $0x4C, s3;
	[smem:$0x7F6] =	sst s19  }
0x35: {  	s21 =	sadd.s32 $0x50, s3;
	[smem:$0x7F7] =	sst s20  }
0x36: {  	s22 =	sadd.s32 $0x54, s3;
	[smem:$0x7F8] =	sst s21  }
0x37: {  	s24 =	sadd.s32 $0x58, s3;
	[smem:$0x7F9] =	sst s22  }
0x38: {  	s25 =	sadd.s32 $0x5C, s3;
	[smem:$0x7FA] =	sst s24  }
0x39: {  	s26 =	sadd.s32 $0x60, s3;
	[smem:$0x7FB] =	sst s25  }
0x3a: {  	s28 =	simm.s32 $0x2000;
	s30 =	simm.s32 $0x8;
	[smem:$0x7FC] =	sst s26  }
0x3b: {  	[dreg:$0x1d] =	wrdreg s3;
	s29 =	sadd.s32 $0x64, s3;
	s12 =	simm.s32 $0x200  }
0x3c: {  	s13 =	simm.s32 $0x400;
	s14 =	simm.s32 $0x600;
	s18 =	simm.s32 $0x1E00  }
0x3d: {  	s7 =	simm.s32 $0x2200;
	s21 =	simm.s32 $0x2400;
	s20 =	simm.s32 $0x2600  }
0x3e: {  	s22 =	simm.s32 $0x2800;
	s8 =	simm.s32 $0x2A00;
	s24 =	simm.s32 $0x2C00  }
0x3f: {  	s9 =	simm.s32 $0x2E00;
	s25 =	simm.s32 $0x3000;
	s26 =	simm.s32 $0x3200  }
0x40: {  	s19 =	simm.s32 $0x1;
	s6 =	simm.s32 $0x80;
	s0 =	simm.s32 $0x2  }
0x41: {  	s15 =	simm.s32 $0x20;
	s2 =	simm.s32 $0x340;
	s16 =	simm.s32 $0x6  }
0x42: {  	s3 =	simm.s32 $0x3;
	s17 =	simm.s32 $0x7;
	s4 =	simm.s32 $0x4  }
0x43: {  	v0 =	vimm.s32 $0x0;
	s5 =	simm.s32 $0x5;
	s10 =	simm.s32 $0x0;
	[smem:$0x7FD] =	sst s29  }
.LBB2_1:
0x44: {  	[smem:$0x7E5] =	sst s10  }
0x45: {  	s11 =	rddreg [dreg:$0x3]  }
0x46: {  	[tilespmem:s1], [sflag:$0x1] =	stream.linear.gather [hbm4b:s11+s1], $0x200, $0x38;
	[tilespmem:$0x13400] =	vst v63  }
0x47: {  	s10 =	rddreg [dreg:$0x4]  }
0x48: {  	[tilespmem:s12], [sflag:$0x1] =	stream.linear.gather [hbm4b:s10+s1], $0x200, $0x38;
	[tilespmem:$0x13400] =	vst v63  }
0x49: {  	s12 =	rddreg [dreg:$0x5]  }
0x4a: {  	[tilespmem:s13], [sflag:$0x1] =	stream.linear.gather [hbm4b:s12+s1], $0x200, $0x38;
	[tilespmem:$0x13400] =	vst v63  }
0x4b: {  	s13 =	rddreg [dreg:$0x6]  }
0x4c: {  	[tilespmem:s14], [sflag:$0x1] =	stream.linear.gather [hbm4b:s13+s1], $0x200, $0x38;
	[tilespmem:$0x13400] =	vst v63  }
0x4d: {  	s29 =	simm.s32 $0x800;
	s14 =	rddreg [dreg:$0x7]  }
0x4e: {  	[tilespmem:s29], [sflag:$0x1] =	stream.linear.gather [hbm4b:s14+s1], $0x200, $0x38;
	[tilespmem:$0x13400] =	vst v63  }
0x4f: {  	s12 =	rddreg [dreg:$0x8];
	s13 =	simm.s32 $0xA00  }
0x50: {  	[tilespmem:s13], [sflag:$0x1] =	stream.linear.gather [hbm4b:s12+s1], $0x200, $0x38;
	[tilespmem:$0x13400] =	vst v63  }
0x51: {  	s14 =	rddreg [dreg:$0x9];
	s29 =	simm.s32 $0xC00  }
0x52: {  	[tilespmem:s29], [sflag:$0x1] =	stream.linear.gather [hbm4b:s14+s1], $0x200, $0x38;
	[tilespmem:$0x13400] =	vst v63  }
0x53: {  	s12 =	rddreg [dreg:$0xa];
	s13 =	simm.s32 $0xE00  }
0x54: {  	[tilespmem:s13], [sflag:$0x1] =	stream.linear.gather [hbm4b:s12+s1], $0x200, $0x38;
	[tilespmem:$0x13400] =	vst v63  }
0x55: {  	s14 =	rddreg [dreg:$0xb];
	s29 =	simm.s32 $0x1000  }
0x56: {  	[tilespmem:s29], [sflag:$0x1] =	stream.linear.gather [hbm4b:s14+s1], $0x200, $0x38;
	[tilespmem:$0x13400] =	vst v63  }
0x57: {  	s12 =	rddreg [dreg:$0xc];
	s13 =	simm.s32 $0x1200  }
0x58: {  	[tilespmem:s13], [sflag:$0x1] =	stream.linear.gather [hbm4b:s12+s1], $0x200, $0x38;
	[tilespmem:$0x13400] =	vst v63  }
0x59: {  	s14 =	rddreg [dreg:$0xd];
	s29 =	simm.s32 $0x1400  }
0x5a: {  	[tilespmem:s29], [sflag:$0x1] =	stream.linear.gather [hbm4b:s14+s1], $0x200, $0x38;
	[tilespmem:$0x13400] =	vst v63  }
0x5b: {  	s12 =	rddreg [dreg:$0xe];
	s13 =	simm.s32 $0x1600  }
0x5c: {  	[tilespmem:s13], [sflag:$0x1] =	stream.linear.gather [hbm4b:s12+s1], $0x200, $0x38;
	[tilespmem:$0x13400] =	vst v63  }
0x5d: {  	s14 =	rddreg [dreg:$0xf];
	s29 =	simm.s32 $0x1800  }
0x5e: {  	[tilespmem:s29], [sflag:$0x1] =	stream.linear.gather [hbm4b:s14+s1], $0x200, $0x38;
	[tilespmem:$0x13400] =	vst v63  }
0x5f: {  	s10 =	rddreg [dreg:$0x10];
	s12 =	simm.s32 $0x1A00  }
0x60: {  	[tilespmem:s12], [sflag:$0x1] =	stream.linear.gather [hbm4b:s10+s1], $0x200, $0x38;
	[tilespmem:$0x13400] =	vst v63  }
0x61: {  	s13 =	rddreg [dreg:$0x11];
	s14 =	simm.s32 $0x1C00  }
0x62: {  	[tilespmem:s14], [sflag:$0x1] =	stream.linear.gather [hbm4b:s13+s1], $0x200, $0x38;
	[tilespmem:$0x13400] =	vst v63  }
0x63: {  	s29 =	rddreg [dreg:$0x12]  }
0x64: {  	[tilespmem:s18], [sflag:$0x1] =	stream.linear.gather [hbm4b:s29+s1], $0x200, $0x38;
	[tilespmem:$0x13400] =	vst v63  }
0x65: {  	s10 =	rddreg [dreg:$0x13]  }
0x66: {  	[tilespmem:s28], [sflag:$0x1] =	stream.linear.gather [hbm4b:s10+s1], $0x200, $0x38;
	[tilespmem:$0x13400] =	vst v63  }
0x67: {  	s12 =	rddreg [dreg:$0x14]  }
0x68: {  	[tilespmem:s7], [sflag:$0x1] =	stream.linear.gather [hbm4b:s12+s1], $0x200, $0x38;
	[tilespmem:$0x13400] =	vst v63  }
0x69: {  	s13 =	rddreg [dreg:$0x15]  }
0x6a: {  	[tilespmem:s21], [sflag:$0x1] =	stream.linear.gather [hbm4b:s13+s1], $0x200, $0x38;
	[tilespmem:$0x13400] =	vst v63  }
0x6b: {  	s14 =	rddreg [dreg:$0x16]  }
0x6c: {  	[tilespmem:s20], [sflag:$0x1] =	stream.linear.gather [hbm4b:s14+s1], $0x200, $0x38;
	[tilespmem:$0x13400] =	vst v63  }
0x6d: {  	s18 =	rddreg [dreg:$0x17]  }
0x6e: {  	[tilespmem:s22], [sflag:$0x1] =	stream.linear.gather [hbm4b:s18+s1], $0x200, $0x38;
	[tilespmem:$0x13400] =	vst v63  }
0x6f: {  	s20 =	rddreg [dreg:$0x18]  }
0x70: {  	[tilespmem:s8], [sflag:$0x1] =	stream.linear.gather [hbm4b:s20+s1], $0x200, $0x38;
	[tilespmem:$0x13400] =	vst v63  }
0x71: {  	s21 =	rddreg [dreg:$0x19]  }
0x72: {  	[tilespmem:s24], [sflag:$0x1] =	stream.linear.gather [hbm4b:s21+s1], $0x200, $0x38;
	[tilespmem:$0x13400] =	vst v63  }
0x73: {  	s22 =	rddreg [dreg:$0x1a]  }
0x74: {  	[tilespmem:s9], [sflag:$0x1] =	stream.linear.gather [hbm4b:s22+s1], $0x200, $0x38;
	[tilespmem:$0x13400] =	vst v63  }
0x75: {  	s24 =	rddreg [dreg:$0x1b]  }
0x76: {  	[tilespmem:s25], [sflag:$0x1] =	stream.linear.gather [hbm4b:s24+s1], $0x200, $0x38;
	[tilespmem:$0x13400] =	vst v63  }
0x77: {  	s29 =	rddreg [dreg:$0x1c]  }
0x78: {  	[tilespmem:s26], [sflag:$0x1] =	stream.linear.gather [hbm4b:s29+s1], $0x200, $0x38;
	[tilespmem:$0x13400] =	vst v63  }
0x79: {  	_ =	swait.ge [sflag:s19], $0x200  }
0x7a: {  	[sflag:s19] =	ssyncset.done $0x0  }
0x7b: {  	[sflag:s19] =	ssyncadd.s32 $0xFFFFFE00  }
0x7c: {  	_ =	swait.ge [sflag:s19], $0x200  }
0x7d: {  	[sflag:s19] =	ssyncset.done $0x0  }
0x7e: {  	[sflag:s19] =	ssyncadd.s32 $0xFFFFFE00  }
0x7f: {  	_ =	swait.ge [sflag:s19], $0x200  }
0x80: {  	[sflag:s19] =	ssyncset.done $0x0  }
0x81: {  	[sflag:s19] =	ssyncadd.s32 $0xFFFFFE00  }
0x82: {  	_ =	swait.ge [sflag:s19], $0x200  }
0x83: {  	[sflag:s19] =	ssyncset.done $0x0  }
0x84: {  	[sflag:s19] =	ssyncadd.s32 $0xFFFFFE00  }
0x85: {  	_ =	swait.ge [sflag:s19], $0x200  }
0x86: {  	[sflag:s19] =	ssyncset.done $0x0  }
0x87: {  	[sflag:s19] =	ssyncadd.s32 $0xFFFFFE00  }
0x88: {  	_ =	swait.ge [sflag:s19], $0x200  }
0x89: {  	[sflag:s19] =	ssyncset.done $0x0  }
0x8a: {  	[sflag:s19] =	ssyncadd.s32 $0xFFFFFE00  }
0x8b: {  	_ =	swait.ge [sflag:s19], $0x200  }
0x8c: {  	[sflag:s19] =	ssyncset.done $0x0  }
0x8d: {  	[sflag:s19] =	ssyncadd.s32 $0xFFFFFE00  }
0x8e: {  	_ =	swait.ge [sflag:s19], $0x200  }
0x8f: {  	[sflag:s19] =	ssyncset.done $0x0  }
0x90: {  	[sflag:s19] =	ssyncadd.s32 $0xFFFFFE00  }
0x91: {  	_ =	swait.ge [sflag:s19], $0x200  }
0x92: {  	[sflag:s19] =	ssyncset.done $0x0  }
0x93: {  	[sflag:s19] =	ssyncadd.s32 $0xFFFFFE00  }
0x94: {  	_ =	swait.ge [sflag:s19], $0x200  }
0x95: {  	[sflag:s19] =	ssyncset.done $0x0  }
0x96: {  	[sflag:s19] =	ssyncadd.s32 $0xFFFFFE00  }
0x97: {  	_ =	swait.ge [sflag:s19], $0x200  }
0x98: {  	[sflag:s19] =	ssyncset.done $0x0  }
0x99: {  	[sflag:s19] =	ssyncadd.s32 $0xFFFFFE00  }
0x9a: {  	_ =	swait.ge [sflag:s19], $0x200  }
0x9b: {  	[sflag:s19] =	ssyncset.done $0x0  }
0x9c: {  	[sflag:s19] =	ssyncadd.s32 $0xFFFFFE00  }
0x9d: {  	_ =	swait.ge [sflag:s19], $0x200  }
0x9e: {  	[sflag:s19] =	ssyncset.done $0x0  }
0x9f: {  	[sflag:s19] =	ssyncadd.s32 $0xFFFFFE00  }
0xa0: {  	_ =	swait.ge [sflag:s19], $0x200  }
0xa1: {  	[sflag:s19] =	ssyncset.done $0x0  }
0xa2: {  	[sflag:s19] =	ssyncadd.s32 $0xFFFFFE00  }
0xa3: {  	_ =	swait.ge [sflag:s19], $0x200  }
0xa4: {  	[sflag:s19] =	ssyncset.done $0x0  }
0xa5: {  	[sflag:s19] =	ssyncadd.s32 $0xFFFFFE00  }
0xa6: {  	_ =	swait.ge [sflag:s19], $0x200  }
0xa7: {  	[sflag:s19] =	ssyncset.done $0x0  }
0xa8: {  	[sflag:s19] =	ssyncadd.s32 $0xFFFFFE00  }
0xa9: {  	_ =	swait.ge [sflag:s19], $0x200  }
0xaa: {  	[sflag:s19] =	ssyncset.done $0x0  }
0xab: {  	[sflag:s19] =	ssyncadd.s32 $0xFFFFFE00  }
0xac: {  	_ =	swait.ge [sflag:s19], $0x200  }
0xad: {  	[sflag:s19] =	ssyncset.done $0x0  }
0xae: {  	[sflag:s19] =	ssyncadd.s32 $0xFFFFFE00  }
0xaf: {  	_ =	swait.ge [sflag:s19], $0x200  }
0xb0: {  	[sflag:s19] =	ssyncset.done $0x0  }
0xb1: {  	[sflag:s19] =	ssyncadd.s32 $0xFFFFFE00  }
0xb2: {  	_ =	swait.ge [sflag:s19], $0x200  }
0xb3: {  	[sflag:s19] =	ssyncset.done $0x0  }
0xb4: {  	[sflag:s19] =	ssyncadd.s32 $0xFFFFFE00  }
0xb5: {  	_ =	swait.ge [sflag:s19], $0x200  }
0xb6: {  	[sflag:s19] =	ssyncset.done $0x0  }
0xb7: {  	[sflag:s19] =	ssyncadd.s32 $0xFFFFFE00  }
0xb8: {  	_ =	swait.ge [sflag:s19], $0x200  }
0xb9: {  	[sflag:s19] =	ssyncset.done $0x0  }
0xba: {  	[sflag:s19] =	ssyncadd.s32 $0xFFFFFE00  }
0xbb: {  	_ =	swait.ge [sflag:s19], $0x200  }
0xbc: {  	[sflag:s19] =	ssyncset.done $0x0  }
0xbd: {  	[sflag:s19] =	ssyncadd.s32 $0xFFFFFE00  }
0xbe: {  	_ =	swait.ge [sflag:s19], $0x200  }
0xbf: {  	[sflag:s19] =	ssyncset.done $0x0  }
0xc0: {  	[sflag:s19] =	ssyncadd.s32 $0xFFFFFE00  }
0xc1: {  	_ =	swait.ge [sflag:s19], $0x200  }
0xc2: {  	[sflag:s19] =	ssyncset.done $0x0  }
0xc3: {  	[sflag:s19] =	ssyncadd.s32 $0xFFFFFE00  }
0xc4: {  	_ =	swait.ge [sflag:s19], $0x200  }
0xc5: {  	[sflag:s19] =	ssyncset.done $0x0  }
0xc6: {  	[sflag:s19] =	ssyncadd.s32 $0xFFFFFE00  }
0xc7: {  	s11 =	simm.s32 $0x0;
	s28 =	simm.s32 $0x0;
	s13 =	simm.s32 $0x1;
	v1 =	vld [tilespmem:s1+$0x0]  }
.LBB2_2:
0xc8: {  	p0 =	sne.s32 s13, $0x33F;
	_ =	sdelay $0x3  }
0xc9: {  	vm0 =	vgt.s32 v1, $0x61FF;
	vm1 =	vgt.s32 v1, $0xC3FF  }
0xca: {  	v2 =	vsel vm0, $0x1, v0;
	v3 =	vsel vm1, $0x1, v0;
	vm0 =	vgt.s32 v1, $0x125FF  }
0xcb: {  	s29 =	sshrl.u32 s28, $0x5;
	v2 =	vadd.s32 v3, v2;
	v3 =	vsel vm0, $0x1, v0  }
0xcc: {  	p1 =	slt.u32 s28, $0x1A0;
	s28 =	smov.u32 s13;
	s14 =	sadd.s32 $0xFFFFFFF3, s29;
	v2 =	vadd.s32 v3, v2  }
0xcd: {  	s14 =	smov.u32 @p1 s29;
	v3 =	vmul.u32 $0x3FFF9E00, v2  }
0xce: {  	s14 =	smul.u32 $0x18800, s14  }
.Ltmp0:
0xcf: {  	v1 =	vadd.s32 v1, v3;
	(pc) =	sbr.rel @p0 .LBB2_2-.Ltmp0, $4  }
0xd0: {  	v2 =	vor.u32 s14, v2;
	v1 =	vshll.u32 v1, $0x2  }
0xd1: {  	v1 =	vadd.s32 v1, v2  }
0xd2: {  	[tilespmem:s11+$0x0] =	vst v1;
	s11 =	sadd.s32 $0x10, s11  }
0xd3: {  	s13 =	sadd.s32 $0x1, s13;
	v1 =	vld [tilespmem:s11+$0x0]  }
0xd4: {  	_ =	sdelay $0x3  }
0xd5: {  	vm0 =	vgt.s32 v1, $0x61FF;
	vm1 =	vgt.s32 v1, $0xC3FF  }
0xd6: {  	vm15 =	vgt.s32 v1, $0x125FF;
	v2 =	vsel vm0, $0x1, v0;
	v3 =	vsel vm1, $0x1, v0  }
0xd7: {  	s13 =	sshrl.u32 s28, $0x5;
	v2 =	vadd.s32 v3, v2;
	v3 =	vsel vm15, $0x1, v0  }
0xd8: {  	p0 =	slt.u32 s28, $0x1A0;
	s14 =	sadd.s32 $0xFFFFFFF3, s13;
	v2 =	vadd.s32 v3, v2  }
0xd9: {  	s14 =	smov.u32 @p0 s13;
	v3 =	vmul.u32 $0x3FFF9E00, v2  }
0xda: {  	s13 =	smul.u32 $0x18800, s14  }
0xdb: {  	v1 =	vadd.s32 v1, v3  }
0xdc: {  	v2 =	vor.u32 s13, v2;
	v1 =	vshll.u32 v1, $0x2  }
0xdd: {  	v1 =	vadd.s32 v1, v2  }
0xde: {  	[tilespmem:s11+$0x0] =	vst v1  }
0xdf: {  	s10 =	simm.s32 $0x3400;
	[bflag:$0x0] =	sbarrier.arrive $0xFFFF  }
0xe0: {  	[tilespmem:s10], [sflag:$0x2] =	stream.indirect.gather [hbm4b:s31+s6], $0x20, s1, s6, $0xb8;
	[tilespmem:$0x13400] =	vst v63  }
0xe1: {  	s7 =	simm.s32 $0x4400  }
0xe2: {  	[tilespmem:s7], [sflag:$0x2] =	stream.indirect.gather [hbm4b:s31+s6], $0x20, s6, s6, $0xb8;
	[tilespmem:$0x13400] =	vst v63  }
0xe3: {  	s29 =	simm.s32 $0x100;
	s8 =	simm.s32 $0x5400  }
0xe4: {  	[tilespmem:s8], [sflag:$0x2] =	stream.indirect.gather [hbm4b:s31+s6], $0x20, s29, s6, $0xb8;
	[tilespmem:$0x13400] =	vst v63  }
0xe5: {  	s9 =	simm.s32 $0x6400;
	s8 =	simm.s32 $0x180  }
0xe6: {  	[tilespmem:s9], [sflag:$0x2] =	stream.indirect.gather [hbm4b:s31+s6], $0x20, s8, s6, $0xb8;
	[tilespmem:$0x13400] =	vst v63  }
0xe7: {  	s13 =	simm.s32 $0x7400;
	s11 =	simm.s32 $0x200  }
0xe8: {  	[tilespmem:s13], [sflag:$0x3] =	stream.indirect.gather [hbm4b:s31+s6], $0x20, s11, s6, $0xb8;
	[tilespmem:$0x13400] =	vst v63  }
0xe9: {  	s12 =	simm.s32 $0x280;
	s14 =	simm.s32 $0x8400  }
0xea: {  	[tilespmem:s14], [sflag:$0x3] =	stream.indirect.gather [hbm4b:s31+s6], $0x20, s12, s6, $0xb8;
	[tilespmem:$0x13400] =	vst v63  }
0xeb: {  	s18 =	simm.s32 $0x300;
	s21 =	simm.s32 $0x9400  }
0xec: {  	[tilespmem:s21], [sflag:$0x3] =	stream.indirect.gather [hbm4b:s31+s6], $0x20, s18, s6, $0xb8;
	[tilespmem:$0x13400] =	vst v63  }
0xed: {  	s25 =	simm.s32 $0x380;
	s29 =	simm.s32 $0xA400  }
0xee: {  	[tilespmem:s29], [sflag:$0x3] =	stream.indirect.gather [hbm4b:s31+s6], $0x20, s25, s6, $0xb8;
	[tilespmem:$0x13400] =	vst v63  }
0xef: {  	s9 =	simm.s32 $0x400;
	s14 =	simm.s32 $0xB400  }
0xf0: {  	[tilespmem:s14], [sflag:$0x4] =	stream.indirect.gather [hbm4b:s31+s6], $0x20, s9, s6, $0xb8;
	[tilespmem:$0x13400] =	vst v63  }
0xf1: {  	s11 =	simm.s32 $0x480;
	s9 =	simm.s32 $0xC400  }
0xf2: {  	[tilespmem:s9], [sflag:$0x4] =	stream.indirect.gather [hbm4b:s31+s6], $0x20, s11, s6, $0xb8;
	[tilespmem:$0x13400] =	vst v63  }
0xf3: {  	s12 =	simm.s32 $0x500;
	s18 =	simm.s32 $0xD400  }
0xf4: {  	[tilespmem:s18], [sflag:$0x4] =	stream.indirect.gather [hbm4b:s31+s6], $0x20, s12, s6, $0xb8;
	[tilespmem:$0x13400] =	vst v63  }
0xf5: {  	s25 =	simm.s32 $0x580;
	s29 =	simm.s32 $0xE400  }
0xf6: {  	[tilespmem:s29], [sflag:$0x4] =	stream.indirect.gather [hbm4b:s31+s6], $0x20, s25, s6, $0xb8;
	[tilespmem:$0x13400] =	vst v63  }
0xf7: {  	s9 =	simm.s32 $0x600;
	s12 =	simm.s32 $0xF400  }
0xf8: {  	[tilespmem:s12], [sflag:$0x5] =	stream.indirect.gather [hbm4b:s31+s6], $0x20, s9, s6, $0xb8;
	[tilespmem:$0x13400] =	vst v63  }
0xf9: {  	s11 =	simm.s32 $0x680;
	s18 =	simm.s32 $0x10400  }
0xfa: {  	[tilespmem:s18], [sflag:$0x5] =	stream.indirect.gather [hbm4b:s31+s6], $0x20, s11, s6, $0xb8;
	[tilespmem:$0x13400] =	vst v63  }
0xfb: {  	s29 =	simm.s32 $0x700;
	s9 =	simm.s32 $0x11400  }
0xfc: {  	[tilespmem:s9], [sflag:$0x5] =	stream.indirect.gather [hbm4b:s31+s6], $0x20, s29, s6, $0xb8;
	[tilespmem:$0x13400] =	vst v63  }
0xfd: {  	s11 =	simm.s32 $0x780;
	s18 =	simm.s32 $0x12400  }
0xfe: {  	[tilespmem:s18], [sflag:$0x5] =	stream.indirect.gather [hbm4b:s31+s6], $0x20, s11, s6, $0xb8;
	[tilespmem:$0x13400] =	vst v63  }
0xff: {  	_ =	swait.ge [sflag:s0], $0x1000  }
0x100: {  	[sflag:s0] =	ssyncset.done $0x0  }
0x101: {  	[sflag:s0] =	ssyncadd.s32 $0xFFFFF000  }
0x102: {  	_ =	swait.ge [sflag:s0], $0x1000  }
0x103: {  	[sflag:s0] =	ssyncset.done $0x0  }
0x104: {  	[sflag:s0] =	ssyncadd.s32 $0xFFFFF000  }
0x105: {  	_ =	swait.ge [sflag:s0], $0x1000  }
0x106: {  	[sflag:s0] =	ssyncset.done $0x0  }
0x107: {  	[sflag:s0] =	ssyncadd.s32 $0xFFFFF000  }
0x108: {  	_ =	swait.ge [sflag:s0], $0x1000  }
0x109: {  	[sflag:s0] =	ssyncset.done $0x0  }
0x10a: {  	s7 =	rddreg [dreg:$0x1d];
	[sflag:s0] =	ssyncadd.s32 $0xFFFFF000  }
0x10b: {  	[hbm4b:s7+s15] =	stream.strided.scatter [tilespmem:s10], [sflag:$0x6], $0x4000, s2, s15, $0x38;
	[tilespmem:$0x13400] =	vst v63  }
0x10c: {  	_ =	swait.ge [sflag:s16], $0x4000  }
0x10d: {  	[sflag:s16] =	ssyncset.done $0x0  }
0x10e: {  	s9 =	simm.s32 $0x800;
	[sflag:s16] =	ssyncadd.s32 $0xFFFFC000  }
0x10f: {  	[tilespmem:s10], [sflag:$0x2] =	stream.indirect.gather [hbm4b:s31+s6], $0x20, s9, s6, $0xb8;
	[tilespmem:$0x13400] =	vst v63  }
0x110: {  	s22 =	simm.s32 $0x4400;
	s11 =	simm.s32 $0x880  }
0x111: {  	[tilespmem:s22], [sflag:$0x2] =	stream.indirect.gather [hbm4b:s31+s6], $0x20, s11, s6, $0xb8;
	[tilespmem:$0x13400] =	vst v63  }
0x112: {  	s26 =	simm.s32 $0x5400;
	s22 =	simm.s32 $0x900  }
0x113: {  	[tilespmem:s26], [sflag:$0x2] =	stream.indirect.gather [hbm4b:s31+s6], $0x20, s22, s6, $0xb8;
	[tilespmem:$0x13400] =	vst v63  }
0x114: {  	s24 =	simm.s32 $0x6400;
	s26 =	simm.s32 $0x980  }
0x115: {  	[tilespmem:s24], [sflag:$0x2] =	stream.indirect.gather [hbm4b:s31+s6], $0x20, s26, s6, $0xb8;
	[tilespmem:$0x13400] =	vst v63  }
0x116: {  	_ =	swait.ge [sflag:s3], $0x1000  }
0x117: {  	[sflag:s3] =	ssyncset.done $0x0  }
0x118: {  	[sflag:s3] =	ssyncadd.s32 $0xFFFFF000  }
0x119: {  	_ =	swait.ge [sflag:s3], $0x1000  }
0x11a: {  	[sflag:s3] =	ssyncset.done $0x0  }
0x11b: {  	[sflag:s3] =	ssyncadd.s32 $0xFFFFF000  }
0x11c: {  	_ =	swait.ge [sflag:s3], $0x1000  }
0x11d: {  	[sflag:s3] =	ssyncset.done $0x0  }
0x11e: {  	[sflag:s3] =	ssyncadd.s32 $0xFFFFF000  }
0x11f: {  	_ =	swait.ge [sflag:s3], $0x1000  }
0x120: {  	[sflag:s3] =	ssyncset.done $0x0  }
0x121: {  	s7 =	rddreg [dreg:$0x1f];
	[sflag:s3] =	ssyncadd.s32 $0xFFFFF000  }
0x122: {  	[hbm4b:s7+s15] =	stream.strided.scatter [tilespmem:s13], [sflag:$0x7], $0x4000, s2, s15, $0x38;
	[tilespmem:$0x13400] =	vst v63  }
0x123: {  	_ =	swait.ge [sflag:s17], $0x4000  }
0x124: {  	[sflag:s17] =	ssyncset.done $0x0  }
0x125: {  	s9 =	simm.s32 $0xA00;
	[sflag:s17] =	ssyncadd.s32 $0xFFFFC000  }
0x126: {  	[tilespmem:s13], [sflag:$0x3] =	stream.indirect.gather [hbm4b:s31+s6], $0x20, s9, s6, $0xb8;
	[tilespmem:$0x13400] =	vst v63  }
0x127: {  	s20 =	simm.s32 $0x8400;
	s11 =	simm.s32 $0xA80  }
0x128: {  	[tilespmem:s20], [sflag:$0x3] =	stream.indirect.gather [hbm4b:s31+s6], $0x20, s11, s6, $0xb8;
	[tilespmem:$0x13400] =	vst v63  }
0x129: {  	s21 =	simm.s32 $0x9400;
	s20 =	simm.s32 $0xB00  }
0x12a: {  	[tilespmem:s21], [sflag:$0x3] =	stream.indirect.gather [hbm4b:s31+s6], $0x20, s20, s6, $0xb8;
	[tilespmem:$0x13400] =	vst v63  }
0x12b: {  	s8 =	simm.s32 $0xA400;
	s22 =	simm.s32 $0xB80  }
0x12c: {  	[tilespmem:s8], [sflag:$0x3] =	stream.indirect.gather [hbm4b:s31+s6], $0x20, s22, s6, $0xb8;
	[tilespmem:$0x13400] =	vst v63  }
0x12d: {  	_ =	swait.ge [sflag:s4], $0x1000  }
0x12e: {  	[sflag:s4] =	ssyncset.done $0x0  }
0x12f: {  	[sflag:s4] =	ssyncadd.s32 $0xFFFFF000  }
0x130: {  	_ =	swait.ge [sflag:s4], $0x1000  }
0x131: {  	[sflag:s4] =	ssyncset.done $0x0  }
0x132: {  	[sflag:s4] =	ssyncadd.s32 $0xFFFFF000  }
0x133: {  	_ =	swait.ge [sflag:s4], $0x1000  }
0x134: {  	[sflag:s4] =	ssyncset.done $0x0  }
0x135: {  	[sflag:s4] =	ssyncadd.s32 $0xFFFFF000  }
0x136: {  	_ =	swait.ge [sflag:s4], $0x1000  }
0x137: {  	s8 =	sld [smem:$0x7E6]  }
0x138: {  	[sflag:s4] =	ssyncset.done $0x0  }
0x139: {  	[sflag:s4] =	ssyncadd.s32 $0xFFFFF000  }
0x13a: {  	[hbm4b:s8+s15] =	stream.strided.scatter [tilespmem:s14], [sflag:$0x8], $0x4000, s2, s15, $0x38;
	[tilespmem:$0x13400] =	vst v63  }
0x13b: {  	_ =	swait.ge [sflag:s30], $0x4000  }
0x13c: {  	[sflag:s30] =	ssyncset.done $0x0  }
0x13d: {  	s9 =	simm.s32 $0xC00;
	[sflag:s30] =	ssyncadd.s32 $0xFFFFC000  }
0x13e: {  	[tilespmem:s14], [sflag:$0x4] =	stream.indirect.gather [hbm4b:s31+s6], $0x20, s9, s6, $0xb8;
	[tilespmem:$0x13400] =	vst v63  }
0x13f: {  	s11 =	simm.s32 $0xC80;
	s8 =	simm.s32 $0xC400  }
0x140: {  	[tilespmem:s8], [sflag:$0x4] =	stream.indirect.gather [hbm4b:s31+s6], $0x20, s11, s6, $0xb8;
	[tilespmem:$0x13400] =	vst v63  }
0x141: {  	s21 =	simm.s32 $0xD00;
	s9 =	simm.s32 $0xD400  }
0x142: {  	[tilespmem:s9], [sflag:$0x4] =	stream.indirect.gather [hbm4b:s31+s6], $0x20, s21, s6, $0xb8;
	[tilespmem:$0x13400] =	vst v63  }
0x143: {  	s25 =	simm.s32 $0xE400;
	s22 =	simm.s32 $0xD80  }
0x144: {  	[tilespmem:s25], [sflag:$0x4] =	stream.indirect.gather [hbm4b:s31+s6], $0x20, s22, s6, $0xb8;
	[tilespmem:$0x13400] =	vst v63  }
0x145: {  	_ =	swait.ge [sflag:s5], $0x1000  }
0x146: {  	[sflag:s5] =	ssyncset.done $0x0  }
0x147: {  	[sflag:s5] =	ssyncadd.s32 $0xFFFFF000  }
0x148: {  	_ =	swait.ge [sflag:s5], $0x1000  }
0x149: {  	[sflag:s5] =	ssyncset.done $0x0  }
0x14a: {  	[sflag:s5] =	ssyncadd.s32 $0xFFFFF000  }
0x14b: {  	_ =	swait.ge [sflag:s5], $0x1000  }
0x14c: {  	[sflag:s5] =	ssyncset.done $0x0  }
0x14d: {  	[sflag:s5] =	ssyncadd.s32 $0xFFFFF000  }
0x14e: {  	_ =	swait.ge [sflag:s5], $0x1000  }
0x14f: {  	s7 =	sld [smem:$0x7E7]  }
0x150: {  	[sflag:s5] =	ssyncset.done $0x0  }
0x151: {  	s28 =	simm.s32 $0x9;
	[sflag:s5] =	ssyncadd.s32 $0xFFFFF000  }
0x152: {  	[hbm4b:s7+s15] =	stream.strided.scatter [tilespmem:s12], [sflag:$0x9], $0x4000, s2, s15, $0x38;
	[tilespmem:$0x13400] =	vst v63  }
0x153: {  	_ =	swait.ge [sflag:s28], $0x4000  }
0x154: {  	[sflag:s28] =	ssyncset.done $0x0  }
0x155: {  	s11 =	simm.s32 $0xE00;
	[sflag:s28] =	ssyncadd.s32 $0xFFFFC000  }
0x156: {  	[tilespmem:s12], [sflag:$0x5] =	stream.indirect.gather [hbm4b:s31+s6], $0x20, s11, s6, $0xb8;
	[tilespmem:$0x13400] =	vst v63  }
0x157: {  	s21 =	simm.s32 $0xE80;
	s25 =	simm.s32 $0x10400  }
0x158: {  	[tilespmem:s25], [sflag:$0x5] =	stream.indirect.gather [hbm4b:s31+s6], $0x20, s21, s6, $0xb8;
	[tilespmem:$0x13400] =	vst v63  }
0x159: {  	s29 =	simm.s32 $0x11400;
	s11 =	simm.s32 $0xF00  }
0x15a: {  	[tilespmem:s29], [sflag:$0x5] =	stream.indirect.gather [hbm4b:s31+s6], $0x20, s11, s6, $0xb8;
	[tilespmem:$0x13400] =	vst v63  }
0x15b: {  	s18 =	simm.s32 $0x12400;
	s21 =	simm.s32 $0xF80  }
0x15c: {  	[tilespmem:s18], [sflag:$0x5] =	stream.indirect.gather [hbm4b:s31+s6], $0x20, s21, s6, $0xb8;
	[tilespmem:$0x13400] =	vst v63  }
0x15d: {  	_ =	swait.ge [sflag:s0], $0x1000  }
0x15e: {  	[sflag:s0] =	ssyncset.done $0x0  }
0x15f: {  	[sflag:s0] =	ssyncadd.s32 $0xFFFFF000  }
0x160: {  	_ =	swait.ge [sflag:s0], $0x1000  }
0x161: {  	[sflag:s0] =	ssyncset.done $0x0  }
0x162: {  	[sflag:s0] =	ssyncadd.s32 $0xFFFFF000  }
0x163: {  	_ =	swait.ge [sflag:s0], $0x1000  }
0x164: {  	[sflag:s0] =	ssyncset.done $0x0  }
0x165: {  	[sflag:s0] =	ssyncadd.s32 $0xFFFFF000  }
0x166: {  	_ =	swait.ge [sflag:s0], $0x1000  }
0x167: {  	s7 =	sld [smem:$0x7E8]  }
0x168: {  	[sflag:s0] =	ssyncset.done $0x0  }
0x169: {  	[sflag:s0] =	ssyncadd.s32 $0xFFFFF000  }
0x16a: {  	[hbm4b:s7+s15] =	stream.strided.scatter [tilespmem:s10], [sflag:$0x6], $0x4000, s2, s15, $0x38;
	[tilespmem:$0x13400] =	vst v63  }
0x16b: {  	_ =	swait.ge [sflag:s16], $0x4000  }
0x16c: {  	[sflag:s16] =	ssyncset.done $0x0  }
0x16d: {  	s18 =	simm.s32 $0x1000;
	[sflag:s16] =	ssyncadd.s32 $0xFFFFC000  }
0x16e: {  	[tilespmem:s10], [sflag:$0x2] =	stream.indirect.gather [hbm4b:s31+s6], $0x20, s18, s6, $0xb8;
	[tilespmem:$0x13400] =	vst v63  }
0x16f: {  	s11 =	simm.s32 $0x1080;
	s18 =	simm.s32 $0x4400  }
0x170: {  	[tilespmem:s18], [sflag:$0x2] =	stream.indirect.gather [hbm4b:s31+s6], $0x20, s11, s6, $0xb8;
	[tilespmem:$0x13400] =	vst v63  }
0x171: {  	s7 =	simm.s32 $0x1100;
	s11 =	simm.s32 $0x5400  }
0x172: {  	[tilespmem:s11], [sflag:$0x2] =	stream.indirect.gather [hbm4b:s31+s6], $0x20, s7, s6, $0xb8;
	[tilespmem:$0x13400] =	vst v63  }
0x173: {  	s24 =	simm.s32 $0x6400;
	s11 =	simm.s32 $0x1180  }
0x174: {  	[tilespmem:s24], [sflag:$0x2] =	stream.indirect.gather [hbm4b:s31+s6], $0x20, s11, s6, $0xb8;
	[tilespmem:$0x13400] =	vst v63  }
0x175: {  	_ =	swait.ge [sflag:s3], $0x1000  }
0x176: {  	[sflag:s3] =	ssyncset.done $0x0  }
0x177: {  	[sflag:s3] =	ssyncadd.s32 $0xFFFFF000  }
0x178: {  	_ =	swait.ge [sflag:s3], $0x1000  }
0x179: {  	[sflag:s3] =	ssyncset.done $0x0  }
0x17a: {  	[sflag:s3] =	ssyncadd.s32 $0xFFFFF000  }
0x17b: {  	_ =	swait.ge [sflag:s3], $0x1000  }
0x17c: {  	[sflag:s3] =	ssyncset.done $0x0  }
0x17d: {  	[sflag:s3] =	ssyncadd.s32 $0xFFFFF000  }
0x17e: {  	_ =	swait.ge [sflag:s3], $0x1000  }
0x17f: {  	s7 =	sld [smem:$0x7E9]  }
0x180: {  	[sflag:s3] =	ssyncset.done $0x0  }
0x181: {  	[sflag:s3] =	ssyncadd.s32 $0xFFFFF000  }
0x182: {  	[hbm4b:s7+s15] =	stream.strided.scatter [tilespmem:s13], [sflag:$0x7], $0x4000, s2, s15, $0x38;
	[tilespmem:$0x13400] =	vst v63  }
0x183: {  	_ =	swait.ge [sflag:s17], $0x4000  }
0x184: {  	[sflag:s17] =	ssyncset.done $0x0  }
0x185: {  	s11 =	simm.s32 $0x1200;
	[sflag:s17] =	ssyncadd.s32 $0xFFFFC000  }
0x186: {  	[tilespmem:s13], [sflag:$0x3] =	stream.indirect.gather [hbm4b:s31+s6], $0x20, s11, s6, $0xb8;
	[tilespmem:$0x13400] =	vst v63  }
0x187: {  	s26 =	simm.s32 $0x8400;
	s11 =	simm.s32 $0x1280  }
0x188: {  	[tilespmem:s26], [sflag:$0x3] =	stream.indirect.gather [hbm4b:s31+s6], $0x20, s11, s6, $0xb8;
	[tilespmem:$0x13400] =	vst v63  }
0x189: {  	s11 =	simm.s32 $0x1300;
	s26 =	simm.s32 $0x9400  }
0x18a: {  	[tilespmem:s26], [sflag:$0x3] =	stream.indirect.gather [hbm4b:s31+s6], $0x20, s11, s6, $0xb8;
	[tilespmem:$0x13400] =	vst v63  }
0x18b: {  	s20 =	simm.s32 $0xA400;
	s11 =	simm.s32 $0x1380  }
0x18c: {  	[tilespmem:s20], [sflag:$0x3] =	stream.indirect.gather [hbm4b:s31+s6], $0x20, s11, s6, $0xb8;
	[tilespmem:$0x13400] =	vst v63  }
0x18d: {  	_ =	swait.ge [sflag:s4], $0x1000  }
0x18e: {  	[sflag:s4] =	ssyncset.done $0x0  }
0x18f: {  	[sflag:s4] =	ssyncadd.s32 $0xFFFFF000  }
0x190: {  	_ =	swait.ge [sflag:s4], $0x1000  }
0x191: {  	[sflag:s4] =	ssyncset.done $0x0  }
0x192: {  	[sflag:s4] =	ssyncadd.s32 $0xFFFFF000  }
0x193: {  	_ =	swait.ge [sflag:s4], $0x1000  }
0x194: {  	[sflag:s4] =	ssyncset.done $0x0  }
0x195: {  	[sflag:s4] =	ssyncadd.s32 $0xFFFFF000  }
0x196: {  	_ =	swait.ge [sflag:s4], $0x1000  }
0x197: {  	s7 =	sld [smem:$0x7EA]  }
0x198: {  	[sflag:s4] =	ssyncset.done $0x0  }
0x199: {  	[sflag:s4] =	ssyncadd.s32 $0xFFFFF000  }
0x19a: {  	[hbm4b:s7+s15] =	stream.strided.scatter [tilespmem:s14], [sflag:$0x8], $0x4000, s2, s15, $0x38;
	[tilespmem:$0x13400] =	vst v63  }
0x19b: {  	_ =	swait.ge [sflag:s30], $0x4000  }
0x19c: {  	[sflag:s30] =	ssyncset.done $0x0  }
0x19d: {  	s11 =	simm.s32 $0x1400;
	[sflag:s30] =	ssyncadd.s32 $0xFFFFC000  }
0x19e: {  	[tilespmem:s14], [sflag:$0x4] =	stream.indirect.gather [hbm4b:s31+s6], $0x20, s11, s6, $0xb8;
	[tilespmem:$0x13400] =	vst v63  }
0x19f: {  	s11 =	simm.s32 $0x1480  }
0x1a0: {  	[tilespmem:s8], [sflag:$0x4] =	stream.indirect.gather [hbm4b:s31+s6], $0x20, s11, s6, $0xb8;
	[tilespmem:$0x13400] =	vst v63  }
0x1a1: {  	s8 =	simm.s32 $0x1500  }
0x1a2: {  	[tilespmem:s9], [sflag:$0x4] =	stream.indirect.gather [hbm4b:s31+s6], $0x20, s8, s6, $0xb8;
	[tilespmem:$0x13400] =	vst v63  }
0x1a3: {  	s22 =	simm.s32 $0xE400;
	s11 =	simm.s32 $0x1580  }
0x1a4: {  	[tilespmem:s22], [sflag:$0x4] =	stream.indirect.gather [hbm4b:s31+s6], $0x20, s11, s6, $0xb8;
	[tilespmem:$0x13400] =	vst v63  }
0x1a5: {  	_ =	swait.ge [sflag:s5], $0x1000  }
0x1a6: {  	[sflag:s5] =	ssyncset.done $0x0  }
0x1a7: {  	[sflag:s5] =	ssyncadd.s32 $0xFFFFF000  }
0x1a8: {  	_ =	swait.ge [sflag:s5], $0x1000  }
0x1a9: {  	[sflag:s5] =	ssyncset.done $0x0  }
0x1aa: {  	[sflag:s5] =	ssyncadd.s32 $0xFFFFF000  }
0x1ab: {  	_ =	swait.ge [sflag:s5], $0x1000  }
0x1ac: {  	[sflag:s5] =	ssyncset.done $0x0  }
0x1ad: {  	[sflag:s5] =	ssyncadd.s32 $0xFFFFF000  }
0x1ae: {  	_ =	swait.ge [sflag:s5], $0x1000  }
0x1af: {  	s8 =	sld [smem:$0x7EB]  }
0x1b0: {  	[sflag:s5] =	ssyncset.done $0x0  }
0x1b1: {  	[sflag:s5] =	ssyncadd.s32 $0xFFFFF000  }
0x1b2: {  	[hbm4b:s8+s15] =	stream.strided.scatter [tilespmem:s12], [sflag:$0x9], $0x4000, s2, s15, $0x38;
	[tilespmem:$0x13400] =	vst v63  }
0x1b3: {  	_ =	swait.ge [sflag:s28], $0x4000  }
0x1b4: {  	[sflag:s28] =	ssyncset.done $0x0  }
0x1b5: {  	s11 =	simm.s32 $0x1600;
	[sflag:s28] =	ssyncadd.s32 $0xFFFFC000  }
0x1b6: {  	[tilespmem:s12], [sflag:$0x5] =	stream.indirect.gather [hbm4b:s31+s6], $0x20, s11, s6, $0xb8;
	[tilespmem:$0x13400] =	vst v63  }
0x1b7: {  	s25 =	simm.s32 $0x10400;
	s22 =	simm.s32 $0x1680  }
0x1b8: {  	[tilespmem:s25], [sflag:$0x5] =	stream.indirect.gather [hbm4b:s31+s6], $0x20, s22, s6, $0xb8;
	[tilespmem:$0x13400] =	vst v63  }
0x1b9: {  	s29 =	simm.s32 $0x11400;
	s8 =	simm.s32 $0x1700  }
0x1ba: {  	[tilespmem:s29], [sflag:$0x5] =	stream.indirect.gather [hbm4b:s31+s6], $0x20, s8, s6, $0xb8;
	[tilespmem:$0x13400] =	vst v63  }
0x1bb: {  	s21 =	simm.s32 $0x12400;
	s11 =	simm.s32 $0x1780  }
0x1bc: {  	[tilespmem:s21], [sflag:$0x5] =	stream.indirect.gather [hbm4b:s31+s6], $0x20, s11, s6, $0xb8;
	[tilespmem:$0x13400] =	vst v63  }
0x1bd: {  	_ =	swait.ge [sflag:s0], $0x1000  }
0x1be: {  	[sflag:s0] =	ssyncset.done $0x0  }
0x1bf: {  	[sflag:s0] =	ssyncadd.s32 $0xFFFFF000  }
0x1c0: {  	_ =	swait.ge [sflag:s0], $0x1000  }
0x1c1: {  	[sflag:s0] =	ssyncset.done $0x0  }
0x1c2: {  	[sflag:s0] =	ssyncadd.s32 $0xFFFFF000  }
0x1c3: {  	_ =	swait.ge [sflag:s0], $0x1000  }
0x1c4: {  	[sflag:s0] =	ssyncset.done $0x0  }
0x1c5: {  	[sflag:s0] =	ssyncadd.s32 $0xFFFFF000  }
0x1c6: {  	_ =	swait.ge [sflag:s0], $0x1000  }
0x1c7: {  	s21 =	sld [smem:$0x7EC]  }
0x1c8: {  	[sflag:s0] =	ssyncset.done $0x0  }
0x1c9: {  	[sflag:s0] =	ssyncadd.s32 $0xFFFFF000  }
0x1ca: {  	[hbm4b:s21+s15] =	stream.strided.scatter [tilespmem:s10], [sflag:$0x6], $0x4000, s2, s15, $0x38;
	[tilespmem:$0x13400] =	vst v63  }
0x1cb: {  	_ =	swait.ge [sflag:s16], $0x4000  }
0x1cc: {  	[sflag:s16] =	ssyncset.done $0x0  }
0x1cd: {  	s25 =	simm.s32 $0x1800;
	[sflag:s16] =	ssyncadd.s32 $0xFFFFC000  }
0x1ce: {  	[tilespmem:s10], [sflag:$0x2] =	stream.indirect.gather [hbm4b:s31+s6], $0x20, s25, s6, $0xb8;
	[tilespmem:$0x13400] =	vst v63  }
0x1cf: {  	s18 =	simm.s32 $0x4400;
	s11 =	simm.s32 $0x1880  }
0x1d0: {  	[tilespmem:s18], [sflag:$0x2] =	stream.indirect.gather [hbm4b:s31+s6], $0x20, s11, s6, $0xb8;
	[tilespmem:$0x13400] =	vst v63  }
0x1d1: {  	s21 =	simm.s32 $0x5400;
	s18 =	simm.s32 $0x1900  }
0x1d2: {  	[tilespmem:s21], [sflag:$0x2] =	stream.indirect.gather [hbm4b:s31+s6], $0x20, s18, s6, $0xb8;
	[tilespmem:$0x13400] =	vst v63  }
0x1d3: {  	s24 =	simm.s32 $0x6400;
	s25 =	simm.s32 $0x1980  }
0x1d4: {  	[tilespmem:s24], [sflag:$0x2] =	stream.indirect.gather [hbm4b:s31+s6], $0x20, s25, s6, $0xb8;
	[tilespmem:$0x13400] =	vst v63  }
0x1d5: {  	_ =	swait.ge [sflag:s3], $0x1000  }
0x1d6: {  	[sflag:s3] =	ssyncset.done $0x0  }
0x1d7: {  	[sflag:s3] =	ssyncadd.s32 $0xFFFFF000  }
0x1d8: {  	_ =	swait.ge [sflag:s3], $0x1000  }
0x1d9: {  	[sflag:s3] =	ssyncset.done $0x0  }
0x1da: {  	[sflag:s3] =	ssyncadd.s32 $0xFFFFF000  }
0x1db: {  	_ =	swait.ge [sflag:s3], $0x1000  }
0x1dc: {  	[sflag:s3] =	ssyncset.done $0x0  }
0x1dd: {  	[sflag:s3] =	ssyncadd.s32 $0xFFFFF000  }
0x1de: {  	_ =	swait.ge [sflag:s3], $0x1000  }
0x1df: {  	s7 =	sld [smem:$0x7ED]  }
0x1e0: {  	[sflag:s3] =	ssyncset.done $0x0  }
0x1e1: {  	[sflag:s3] =	ssyncadd.s32 $0xFFFFF000  }
0x1e2: {  	[hbm4b:s7+s15] =	stream.strided.scatter [tilespmem:s13], [sflag:$0x7], $0x4000, s2, s15, $0x38;
	[tilespmem:$0x13400] =	vst v63  }
0x1e3: {  	_ =	swait.ge [sflag:s17], $0x4000  }
0x1e4: {  	[sflag:s17] =	ssyncset.done $0x0  }
0x1e5: {  	s11 =	simm.s32 $0x1A00;
	[sflag:s17] =	ssyncadd.s32 $0xFFFFC000  }
0x1e6: {  	[tilespmem:s13], [sflag:$0x3] =	stream.indirect.gather [hbm4b:s23+s6], $0x20, s11, s6, $0xb8;
	[tilespmem:$0x13400] =	vst v63  }
0x1e7: {  	s18 =	simm.s32 $0x1A80;
	s21 =	simm.s32 $0x8400  }
0x1e8: {  	[tilespmem:s21], [sflag:$0x3] =	stream.indirect.gather [hbm4b:s23+s6], $0x20, s18, s6, $0xb8;
	[tilespmem:$0x13400] =	vst v63  }
0x1e9: {  	s26 =	simm.s32 $0x9400;
	s25 =	simm.s32 $0x1B00  }
0x1ea: {  	[tilespmem:s26], [sflag:$0x3] =	stream.indirect.gather [hbm4b:s23+s6], $0x20, s25, s6, $0xb8;
	[tilespmem:$0x13400] =	vst v63  }
0x1eb: {  	s20 =	simm.s32 $0xA400;
	s26 =	simm.s32 $0x1B80  }
0x1ec: {  	[tilespmem:s20], [sflag:$0x3] =	stream.indirect.gather [hbm4b:s23+s6], $0x20, s26, s6, $0xb8;
	[tilespmem:$0x13400] =	vst v63  }
0x1ed: {  	_ =	swait.ge [sflag:s4], $0x1000  }
0x1ee: {  	[sflag:s4] =	ssyncset.done $0x0  }
0x1ef: {  	[sflag:s4] =	ssyncadd.s32 $0xFFFFF000  }
0x1f0: {  	_ =	swait.ge [sflag:s4], $0x1000  }
0x1f1: {  	[sflag:s4] =	ssyncset.done $0x0  }
0x1f2: {  	[sflag:s4] =	ssyncadd.s32 $0xFFFFF000  }
0x1f3: {  	_ =	swait.ge [sflag:s4], $0x1000  }
0x1f4: {  	[sflag:s4] =	ssyncset.done $0x0  }
0x1f5: {  	[sflag:s4] =	ssyncadd.s32 $0xFFFFF000  }
0x1f6: {  	_ =	swait.ge [sflag:s4], $0x1000  }
0x1f7: {  	s7 =	sld [smem:$0x7EE]  }
0x1f8: {  	[sflag:s4] =	ssyncset.done $0x0  }
0x1f9: {  	[sflag:s4] =	ssyncadd.s32 $0xFFFFF000  }
0x1fa: {  	[hbm4b:s7+s15] =	stream.strided.scatter [tilespmem:s14], [sflag:$0x8], $0x4000, s2, s15, $0x38;
	[tilespmem:$0x13400] =	vst v63  }
0x1fb: {  	_ =	swait.ge [sflag:s30], $0x4000  }
0x1fc: {  	[sflag:s30] =	ssyncset.done $0x0  }
0x1fd: {  	s18 =	simm.s32 $0x1C00;
	[sflag:s30] =	ssyncadd.s32 $0xFFFFC000  }
0x1fe: {  	[tilespmem:s14], [sflag:$0x4] =	stream.indirect.gather [hbm4b:s23+s6], $0x20, s18, s6, $0xb8;
	[tilespmem:$0x13400] =	vst v63  }
0x1ff: {  	s25 =	simm.s32 $0x1C80;
	s26 =	simm.s32 $0xC400  }
0x200: {  	[tilespmem:s26], [sflag:$0x4] =	stream.indirect.gather [hbm4b:s23+s6], $0x20, s25, s6, $0xb8;
	[tilespmem:$0x13400] =	vst v63  }
0x201: {  	s11 =	simm.s32 $0x1D00;
	s18 =	simm.s32 $0xD400  }
0x202: {  	[tilespmem:s18], [sflag:$0x4] =	stream.indirect.gather [hbm4b:s23+s6], $0x20, s11, s6, $0xb8;
	[tilespmem:$0x13400] =	vst v63  }
0x203: {  	s9 =	simm.s32 $0xE400;
	s25 =	simm.s32 $0x1D80  }
0x204: {  	[tilespmem:s9], [sflag:$0x4] =	stream.indirect.gather [hbm4b:s23+s6], $0x20, s25, s6, $0xb8;
	[tilespmem:$0x13400] =	vst v63  }
0x205: {  	_ =	swait.ge [sflag:s5], $0x1000  }
0x206: {  	[sflag:s5] =	ssyncset.done $0x0  }
0x207: {  	[sflag:s5] =	ssyncadd.s32 $0xFFFFF000  }
0x208: {  	_ =	swait.ge [sflag:s5], $0x1000  }
0x209: {  	[sflag:s5] =	ssyncset.done $0x0  }
0x20a: {  	[sflag:s5] =	ssyncadd.s32 $0xFFFFF000  }
0x20b: {  	_ =	swait.ge [sflag:s5], $0x1000  }
0x20c: {  	[sflag:s5] =	ssyncset.done $0x0  }
0x20d: {  	[sflag:s5] =	ssyncadd.s32 $0xFFFFF000  }
0x20e: {  	_ =	swait.ge [sflag:s5], $0x1000  }
0x20f: {  	s9 =	sld [smem:$0x7EF]  }
0x210: {  	[sflag:s5] =	ssyncset.done $0x0  }
0x211: {  	[sflag:s5] =	ssyncadd.s32 $0xFFFFF000  }
0x212: {  	[hbm4b:s9+s15] =	stream.strided.scatter [tilespmem:s12], [sflag:$0x9], $0x4000, s2, s15, $0x38;
	[tilespmem:$0x13400] =	vst v63  }
0x213: {  	_ =	swait.ge [sflag:s28], $0x4000  }
0x214: {  	[sflag:s28] =	ssyncset.done $0x0  }
0x215: {  	s11 =	simm.s32 $0x1E00;
	[sflag:s28] =	ssyncadd.s32 $0xFFFFC000  }
0x216: {  	[tilespmem:s12], [sflag:$0x5] =	stream.indirect.gather [hbm4b:s23+s6], $0x20, s11, s6, $0xb8;
	[tilespmem:$0x13400] =	vst v63  }
0x217: {  	s22 =	simm.s32 $0x10400;
	s18 =	simm.s32 $0x1E80  }
0x218: {  	[tilespmem:s22], [sflag:$0x5] =	stream.indirect.gather [hbm4b:s23+s6], $0x20, s18, s6, $0xb8;
	[tilespmem:$0x13400] =	vst v63  }
0x219: {  	s29 =	simm.s32 $0x11400;
	s22 =	simm.s32 $0x1F00  }
0x21a: {  	[tilespmem:s29], [sflag:$0x5] =	stream.indirect.gather [hbm4b:s23+s6], $0x20, s22, s6, $0xb8;
	[tilespmem:$0x13400] =	vst v63  }
0x21b: {  	s8 =	simm.s32 $0x12400;
	s29 =	simm.s32 $0x1F80  }
0x21c: {  	[tilespmem:s8], [sflag:$0x5] =	stream.indirect.gather [hbm4b:s23+s6], $0x20, s29, s6, $0xb8;
	[tilespmem:$0x13400] =	vst v63  }
0x21d: {  	_ =	swait.ge [sflag:s0], $0x1000  }
0x21e: {  	[sflag:s0] =	ssyncset.done $0x0  }
0x21f: {  	[sflag:s0] =	ssyncadd.s32 $0xFFFFF000  }
0x220: {  	_ =	swait.ge [sflag:s0], $0x1000  }
0x221: {  	[sflag:s0] =	ssyncset.done $0x0  }
0x222: {  	[sflag:s0] =	ssyncadd.s32 $0xFFFFF000  }
0x223: {  	_ =	swait.ge [sflag:s0], $0x1000  }
0x224: {  	[sflag:s0] =	ssyncset.done $0x0  }
0x225: {  	[sflag:s0] =	ssyncadd.s32 $0xFFFFF000  }
0x226: {  	_ =	swait.ge [sflag:s0], $0x1000  }
0x227: {  	s9 =	sld [smem:$0x7F0]  }
0x228: {  	[sflag:s0] =	ssyncset.done $0x0  }
0x229: {  	[sflag:s0] =	ssyncadd.s32 $0xFFFFF000  }
0x22a: {  	[hbm4b:s9+s15] =	stream.strided.scatter [tilespmem:s10], [sflag:$0x6], $0x4000, s2, s15, $0x38;
	[tilespmem:$0x13400] =	vst v63  }
0x22b: {  	_ =	swait.ge [sflag:s16], $0x4000  }
0x22c: {  	[sflag:s16] =	ssyncset.done $0x0  }
0x22d: {  	s11 =	simm.s32 $0x2000;
	[sflag:s16] =	ssyncadd.s32 $0xFFFFC000  }
0x22e: {  	[tilespmem:s10], [sflag:$0x2] =	stream.indirect.gather [hbm4b:s23+s6], $0x20, s11, s6, $0xb8;
	[tilespmem:$0x13400] =	vst v63  }
0x22f: {  	s18 =	simm.s32 $0x2080;
	s29 =	simm.s32 $0x4400  }
0x230: {  	[tilespmem:s29], [sflag:$0x2] =	stream.indirect.gather [hbm4b:s23+s6], $0x20, s18, s6, $0xb8;
	[tilespmem:$0x13400] =	vst v63  }
0x231: {  	s8 =	simm.s32 $0x2100;
	s9 =	simm.s32 $0x5400  }
0x232: {  	[tilespmem:s9], [sflag:$0x2] =	stream.indirect.gather [hbm4b:s23+s6], $0x20, s8, s6, $0xb8;
	[tilespmem:$0x13400] =	vst v63  }
0x233: {  	s24 =	simm.s32 $0x6400;
	s11 =	simm.s32 $0x2180  }
0x234: {  	[tilespmem:s24], [sflag:$0x2] =	stream.indirect.gather [hbm4b:s23+s6], $0x20, s11, s6, $0xb8;
	[tilespmem:$0x13400] =	vst v63  }
0x235: {  	_ =	swait.ge [sflag:s3], $0x1000  }
0x236: {  	[sflag:s3] =	ssyncset.done $0x0  }
0x237: {  	[sflag:s3] =	ssyncadd.s32 $0xFFFFF000  }
0x238: {  	_ =	swait.ge [sflag:s3], $0x1000  }
0x239: {  	[sflag:s3] =	ssyncset.done $0x0  }
0x23a: {  	[sflag:s3] =	ssyncadd.s32 $0xFFFFF000  }
0x23b: {  	_ =	swait.ge [sflag:s3], $0x1000  }
0x23c: {  	[sflag:s3] =	ssyncset.done $0x0  }
0x23d: {  	[sflag:s3] =	ssyncadd.s32 $0xFFFFF000  }
0x23e: {  	_ =	swait.ge [sflag:s3], $0x1000  }
0x23f: {  	s18 =	sld [smem:$0x7F1]  }
0x240: {  	[sflag:s3] =	ssyncset.done $0x0  }
0x241: {  	[sflag:s3] =	ssyncadd.s32 $0xFFFFF000  }
0x242: {  	[hbm4b:s18+s15] =	stream.strided.scatter [tilespmem:s13], [sflag:$0x7], $0x4000, s2, s15, $0x38;
	[tilespmem:$0x13400] =	vst v63  }
0x243: {  	_ =	swait.ge [sflag:s17], $0x4000  }
0x244: {  	[sflag:s17] =	ssyncset.done $0x0  }
0x245: {  	s7 =	simm.s32 $0x2200;
	[sflag:s17] =	ssyncadd.s32 $0xFFFFC000  }
0x246: {  	[tilespmem:s13], [sflag:$0x3] =	stream.indirect.gather [hbm4b:s23+s6], $0x20, s7, s6, $0xb8;
	[tilespmem:$0x13400] =	vst v63  }
0x247: {  	s21 =	simm.s32 $0x8400;
	s29 =	simm.s32 $0x2280  }
0x248: {  	[tilespmem:s21], [sflag:$0x3] =	stream.indirect.gather [hbm4b:s23+s6], $0x20, s29, s6, $0xb8;
	[tilespmem:$0x13400] =	vst v63  }
0x249: {  	s9 =	simm.s32 $0x2300;
	s11 =	simm.s32 $0x9400  }
0x24a: {  	[tilespmem:s11], [sflag:$0x3] =	stream.indirect.gather [hbm4b:s23+s6], $0x20, s9, s6, $0xb8;
	[tilespmem:$0x13400] =	vst v63  }
0x24b: {  	s20 =	simm.s32 $0xA400;
	s18 =	simm.s32 $0x2380  }
0x24c: {  	[tilespmem:s20], [sflag:$0x3] =	stream.indirect.gather [hbm4b:s23+s6], $0x20, s18, s6, $0xb8;
	[tilespmem:$0x13400] =	vst v63  }
0x24d: {  	_ =	swait.ge [sflag:s4], $0x1000  }
0x24e: {  	[sflag:s4] =	ssyncset.done $0x0  }
0x24f: {  	[sflag:s4] =	ssyncadd.s32 $0xFFFFF000  }
0x250: {  	_ =	swait.ge [sflag:s4], $0x1000  }
0x251: {  	[sflag:s4] =	ssyncset.done $0x0  }
0x252: {  	[sflag:s4] =	ssyncadd.s32 $0xFFFFF000  }
0x253: {  	_ =	swait.ge [sflag:s4], $0x1000  }
0x254: {  	[sflag:s4] =	ssyncset.done $0x0  }
0x255: {  	[sflag:s4] =	ssyncadd.s32 $0xFFFFF000  }
0x256: {  	_ =	swait.ge [sflag:s4], $0x1000  }
0x257: {  	s21 =	sld [smem:$0x7F2]  }
0x258: {  	[sflag:s4] =	ssyncset.done $0x0  }
0x259: {  	[sflag:s4] =	ssyncadd.s32 $0xFFFFF000  }
0x25a: {  	[hbm4b:s21+s15] =	stream.strided.scatter [tilespmem:s14], [sflag:$0x8], $0x4000, s2, s15, $0x38;
	[tilespmem:$0x13400] =	vst v63  }
0x25b: {  	_ =	swait.ge [sflag:s30], $0x4000  }
0x25c: {  	[sflag:s30] =	ssyncset.done $0x0  }
0x25d: {  	s21 =	simm.s32 $0x2400;
	[sflag:s30] =	ssyncadd.s32 $0xFFFFC000  }
0x25e: {  	[tilespmem:s14], [sflag:$0x4] =	stream.indirect.gather [hbm4b:s23+s6], $0x20, s21, s6, $0xb8;
	[tilespmem:$0x13400] =	vst v63  }
0x25f: {  	s26 =	simm.s32 $0xC400;
	s29 =	simm.s32 $0x2480  }
0x260: {  	[tilespmem:s26], [sflag:$0x4] =	stream.indirect.gather [hbm4b:s23+s6], $0x20, s29, s6, $0xb8;
	[tilespmem:$0x13400] =	vst v63  }
0x261: {  	s11 =	simm.s32 $0x2500;
	s18 =	simm.s32 $0xD400  }
0x262: {  	[tilespmem:s18], [sflag:$0x4] =	stream.indirect.gather [hbm4b:s23+s6], $0x20, s11, s6, $0xb8;
	[tilespmem:$0x13400] =	vst v63  }
0x263: {  	s25 =	simm.s32 $0xE400;
	s20 =	simm.s32 $0x2580  }
0x264: {  	[tilespmem:s25], [sflag:$0x4] =	stream.indirect.gather [hbm4b:s23+s6], $0x20, s20, s6, $0xb8;
	[tilespmem:$0x13400] =	vst v63  }
0x265: {  	_ =	swait.ge [sflag:s5], $0x1000  }
0x266: {  	[sflag:s5] =	ssyncset.done $0x0  }
0x267: {  	[sflag:s5] =	ssyncadd.s32 $0xFFFFF000  }
0x268: {  	_ =	swait.ge [sflag:s5], $0x1000  }
0x269: {  	[sflag:s5] =	ssyncset.done $0x0  }
0x26a: {  	[sflag:s5] =	ssyncadd.s32 $0xFFFFF000  }
0x26b: {  	_ =	swait.ge [sflag:s5], $0x1000  }
0x26c: {  	[sflag:s5] =	ssyncset.done $0x0  }
0x26d: {  	[sflag:s5] =	ssyncadd.s32 $0xFFFFF000  }
0x26e: {  	_ =	swait.ge [sflag:s5], $0x1000  }
0x26f: {  	s25 =	sld [smem:$0x7F3]  }
0x270: {  	[sflag:s5] =	ssyncset.done $0x0  }
0x271: {  	[sflag:s5] =	ssyncadd.s32 $0xFFFFF000  }
0x272: {  	[hbm4b:s25+s15] =	stream.strided.scatter [tilespmem:s12], [sflag:$0x9], $0x4000, s2, s15, $0x38;
	[tilespmem:$0x13400] =	vst v63  }
0x273: {  	_ =	swait.ge [sflag:s28], $0x4000  }
0x274: {  	[sflag:s28] =	ssyncset.done $0x0  }
0x275: {  	s20 =	simm.s32 $0x2600;
	[sflag:s28] =	ssyncadd.s32 $0xFFFFC000  }
0x276: {  	[tilespmem:s12], [sflag:$0x5] =	stream.indirect.gather [hbm4b:s23+s6], $0x20, s20, s6, $0xb8;
	[tilespmem:$0x13400] =	vst v63  }
0x277: {  	s26 =	simm.s32 $0x2680;
	s29 =	simm.s32 $0x10400  }
0x278: {  	[tilespmem:s29], [sflag:$0x5] =	stream.indirect.gather [hbm4b:s23+s6], $0x20, s26, s6, $0xb8;
	[tilespmem:$0x13400] =	vst v63  }
0x279: {  	s18 =	simm.s32 $0x2700;
	s25 =	simm.s32 $0x11400  }
0x27a: {  	[tilespmem:s25], [sflag:$0x5] =	stream.indirect.gather [hbm4b:s23+s6], $0x20, s18, s6, $0xb8;
	[tilespmem:$0x13400] =	vst v63  }
0x27b: {  	s22 =	simm.s32 $0x12400;
	s26 =	simm.s32 $0x2780  }
0x27c: {  	[tilespmem:s22], [sflag:$0x5] =	stream.indirect.gather [hbm4b:s23+s6], $0x20, s26, s6, $0xb8;
	[tilespmem:$0x13400] =	vst v63  }
0x27d: {  	_ =	swait.ge [sflag:s0], $0x1000  }
0x27e: {  	[sflag:s0] =	ssyncset.done $0x0  }
0x27f: {  	[sflag:s0] =	ssyncadd.s32 $0xFFFFF000  }
0x280: {  	_ =	swait.ge [sflag:s0], $0x1000  }
0x281: {  	[sflag:s0] =	ssyncset.done $0x0  }
0x282: {  	[sflag:s0] =	ssyncadd.s32 $0xFFFFF000  }
0x283: {  	_ =	swait.ge [sflag:s0], $0x1000  }
0x284: {  	[sflag:s0] =	ssyncset.done $0x0  }
0x285: {  	[sflag:s0] =	ssyncadd.s32 $0xFFFFF000  }
0x286: {  	_ =	swait.ge [sflag:s0], $0x1000  }
0x287: {  	s8 =	sld [smem:$0x7F4]  }
0x288: {  	[sflag:s0] =	ssyncset.done $0x0  }
0x289: {  	[sflag:s0] =	ssyncadd.s32 $0xFFFFF000  }
0x28a: {  	[hbm4b:s8+s15] =	stream.strided.scatter [tilespmem:s10], [sflag:$0x6], $0x4000, s2, s15, $0x38;
	[tilespmem:$0x13400] =	vst v63  }
0x28b: {  	_ =	swait.ge [sflag:s16], $0x4000  }
0x28c: {  	[sflag:s16] =	ssyncset.done $0x0  }
0x28d: {  	s22 =	simm.s32 $0x2800;
	[sflag:s16] =	ssyncadd.s32 $0xFFFFC000  }
0x28e: {  	[tilespmem:s10], [sflag:$0x2] =	stream.indirect.gather [hbm4b:s23+s6], $0x20, s22, s6, $0xb8;
	[tilespmem:$0x13400] =	vst v63  }
0x28f: {  	s18 =	simm.s32 $0x2880;
	s26 =	simm.s32 $0x4400  }
0x290: {  	[tilespmem:s26], [sflag:$0x2] =	stream.indirect.gather [hbm4b:s23+s6], $0x20, s18, s6, $0xb8;
	[tilespmem:$0x13400] =	vst v63  }
0x291: {  	s11 =	simm.s32 $0x2900;
	s26 =	simm.s32 $0x5400  }
0x292: {  	[tilespmem:s26], [sflag:$0x2] =	stream.indirect.gather [hbm4b:s23+s6], $0x20, s11, s6, $0xb8;
	[tilespmem:$0x13400] =	vst v63  }
0x293: {  	s24 =	simm.s32 $0x6400;
	s26 =	simm.s32 $0x2980  }
0x294: {  	[tilespmem:s24], [sflag:$0x2] =	stream.indirect.gather [hbm4b:s23+s6], $0x20, s26, s6, $0xb8;
	[tilespmem:$0x13400] =	vst v63  }
0x295: {  	_ =	swait.ge [sflag:s3], $0x1000  }
0x296: {  	[sflag:s3] =	ssyncset.done $0x0  }
0x297: {  	[sflag:s3] =	ssyncadd.s32 $0xFFFFF000  }
0x298: {  	_ =	swait.ge [sflag:s3], $0x1000  }
0x299: {  	[sflag:s3] =	ssyncset.done $0x0  }
0x29a: {  	[sflag:s3] =	ssyncadd.s32 $0xFFFFF000  }
0x29b: {  	_ =	swait.ge [sflag:s3], $0x1000  }
0x29c: {  	[sflag:s3] =	ssyncset.done $0x0  }
0x29d: {  	[sflag:s3] =	ssyncadd.s32 $0xFFFFF000  }
0x29e: {  	_ =	swait.ge [sflag:s3], $0x1000  }
0x29f: {  	s8 =	sld [smem:$0x7F5]  }
0x2a0: {  	[sflag:s3] =	ssyncset.done $0x0  }
0x2a1: {  	[sflag:s3] =	ssyncadd.s32 $0xFFFFF000  }
0x2a2: {  	[hbm4b:s8+s15] =	stream.strided.scatter [tilespmem:s13], [sflag:$0x7], $0x4000, s2, s15, $0x38;
	[tilespmem:$0x13400] =	vst v63  }
0x2a3: {  	_ =	swait.ge [sflag:s17], $0x4000  }
0x2a4: {  	[sflag:s17] =	ssyncset.done $0x0  }
0x2a5: {  	s8 =	simm.s32 $0x2A00;
	[sflag:s17] =	ssyncadd.s32 $0xFFFFC000  }
0x2a6: {  	[tilespmem:s13], [sflag:$0x3] =	stream.indirect.gather [hbm4b:s23+s6], $0x20, s8, s6, $0xb8;
	[tilespmem:$0x13400] =	vst v63  }
0x2a7: {  	s11 =	simm.s32 $0x2A80;
	s24 =	simm.s32 $0x8400  }
0x2a8: {  	[tilespmem:s24], [sflag:$0x3] =	stream.indirect.gather [hbm4b:s23+s6], $0x20, s11, s6, $0xb8;
	[tilespmem:$0x13400] =	vst v63  }
0x2a9: {  	s11 =	simm.s32 $0x2B00;
	s24 =	simm.s32 $0x9400  }
0x2aa: {  	[tilespmem:s24], [sflag:$0x3] =	stream.indirect.gather [hbm4b:s23+s6], $0x20, s11, s6, $0xb8;
	[tilespmem:$0x13400] =	vst v63  }
0x2ab: {  	s9 =	simm.s32 $0xA400;
	s24 =	simm.s32 $0x2B80  }
0x2ac: {  	[tilespmem:s9], [sflag:$0x3] =	stream.indirect.gather [hbm4b:s23+s6], $0x20, s24, s6, $0xb8;
	[tilespmem:$0x13400] =	vst v63  }
0x2ad: {  	_ =	swait.ge [sflag:s4], $0x1000  }
0x2ae: {  	[sflag:s4] =	ssyncset.done $0x0  }
0x2af: {  	[sflag:s4] =	ssyncadd.s32 $0xFFFFF000  }
0x2b0: {  	_ =	swait.ge [sflag:s4], $0x1000  }
0x2b1: {  	[sflag:s4] =	ssyncset.done $0x0  }
0x2b2: {  	[sflag:s4] =	ssyncadd.s32 $0xFFFFF000  }
0x2b3: {  	_ =	swait.ge [sflag:s4], $0x1000  }
0x2b4: {  	[sflag:s4] =	ssyncset.done $0x0  }
0x2b5: {  	[sflag:s4] =	ssyncadd.s32 $0xFFFFF000  }
0x2b6: {  	_ =	swait.ge [sflag:s4], $0x1000  }
0x2b7: {  	s24 =	sld [smem:$0x7F6]  }
0x2b8: {  	[sflag:s4] =	ssyncset.done $0x0  }
0x2b9: {  	[sflag:s4] =	ssyncadd.s32 $0xFFFFF000  }
0x2ba: {  	[hbm4b:s24+s15] =	stream.strided.scatter [tilespmem:s14], [sflag:$0x8], $0x4000, s2, s15, $0x38;
	[tilespmem:$0x13400] =	vst v63  }
0x2bb: {  	_ =	swait.ge [sflag:s30], $0x4000  }
0x2bc: {  	[sflag:s30] =	ssyncset.done $0x0  }
0x2bd: {  	s24 =	simm.s32 $0x2C00;
	[sflag:s30] =	ssyncadd.s32 $0xFFFFC000  }
0x2be: {  	[tilespmem:s14], [sflag:$0x4] =	stream.indirect.gather [hbm4b:s23+s6], $0x20, s24, s6, $0xb8;
	[tilespmem:$0x13400] =	vst v63  }
0x2bf: {  	s11 =	simm.s32 $0x2C80;
	s9 =	simm.s32 $0xC400  }
0x2c0: {  	[tilespmem:s9], [sflag:$0x4] =	stream.indirect.gather [hbm4b:s23+s6], $0x20, s11, s6, $0xb8;
	[tilespmem:$0x13400] =	vst v63  }
0x2c1: {  	s9 =	simm.s32 $0x2D00;
	s11 =	simm.s32 $0xD400  }
0x2c2: {  	[tilespmem:s11], [sflag:$0x4] =	stream.indirect.gather [hbm4b:s23+s6], $0x20, s9, s6, $0xb8;
	[tilespmem:$0x13400] =	vst v63  }
0x2c3: {  	s9 =	simm.s32 $0x2D80;
	s11 =	simm.s32 $0xE400  }
0x2c4: {  	[tilespmem:s11], [sflag:$0x4] =	stream.indirect.gather [hbm4b:s23+s6], $0x20, s9, s6, $0xb8;
	[tilespmem:$0x13400] =	vst v63  }
0x2c5: {  	_ =	swait.ge [sflag:s5], $0x1000  }
0x2c6: {  	[sflag:s5] =	ssyncset.done $0x0  }
0x2c7: {  	[sflag:s5] =	ssyncadd.s32 $0xFFFFF000  }
0x2c8: {  	_ =	swait.ge [sflag:s5], $0x1000  }
0x2c9: {  	[sflag:s5] =	ssyncset.done $0x0  }
0x2ca: {  	[sflag:s5] =	ssyncadd.s32 $0xFFFFF000  }
0x2cb: {  	_ =	swait.ge [sflag:s5], $0x1000  }
0x2cc: {  	[sflag:s5] =	ssyncset.done $0x0  }
0x2cd: {  	[sflag:s5] =	ssyncadd.s32 $0xFFFFF000  }
0x2ce: {  	_ =	swait.ge [sflag:s5], $0x1000  }
0x2cf: {  	s9 =	sld [smem:$0x7F7]  }
0x2d0: {  	[sflag:s5] =	ssyncset.done $0x0  }
0x2d1: {  	[sflag:s5] =	ssyncadd.s32 $0xFFFFF000  }
0x2d2: {  	[hbm4b:s9+s15] =	stream.strided.scatter [tilespmem:s12], [sflag:$0x9], $0x4000, s2, s15, $0x38;
	[tilespmem:$0x13400] =	vst v63  }
0x2d3: {  	_ =	swait.ge [sflag:s28], $0x4000  }
0x2d4: {  	[sflag:s28] =	ssyncset.done $0x0  }
0x2d5: {  	s9 =	simm.s32 $0x2E00;
	[sflag:s28] =	ssyncadd.s32 $0xFFFFC000  }
0x2d6: {  	[tilespmem:s12], [sflag:$0x5] =	stream.indirect.gather [hbm4b:s23+s6], $0x20, s9, s6, $0xb8;
	[tilespmem:$0x13400] =	vst v63  }
0x2d7: {  	s29 =	simm.s32 $0x10400;
	s11 =	simm.s32 $0x2E80  }
0x2d8: {  	[tilespmem:s29], [sflag:$0x5] =	stream.indirect.gather [hbm4b:s23+s6], $0x20, s11, s6, $0xb8;
	[tilespmem:$0x13400] =	vst v63  }
0x2d9: {  	s11 =	simm.s32 $0x2F00;
	s29 =	simm.s32 $0x11400  }
0x2da: {  	[tilespmem:s29], [sflag:$0x5] =	stream.indirect.gather [hbm4b:s23+s6], $0x20, s11, s6, $0xb8;
	[tilespmem:$0x13400] =	vst v63  }
0x2db: {  	s25 =	simm.s32 $0x12400;
	s29 =	simm.s32 $0x2F80  }
0x2dc: {  	[tilespmem:s25], [sflag:$0x5] =	stream.indirect.gather [hbm4b:s23+s6], $0x20, s29, s6, $0xb8;
	[tilespmem:$0x13400] =	vst v63  }
0x2dd: {  	_ =	swait.ge [sflag:s0], $0x1000  }
0x2de: {  	[sflag:s0] =	ssyncset.done $0x0  }
0x2df: {  	[sflag:s0] =	ssyncadd.s32 $0xFFFFF000  }
0x2e0: {  	_ =	swait.ge [sflag:s0], $0x1000  }
0x2e1: {  	[sflag:s0] =	ssyncset.done $0x0  }
0x2e2: {  	[sflag:s0] =	ssyncadd.s32 $0xFFFFF000  }
0x2e3: {  	_ =	swait.ge [sflag:s0], $0x1000  }
0x2e4: {  	[sflag:s0] =	ssyncset.done $0x0  }
0x2e5: {  	[sflag:s0] =	ssyncadd.s32 $0xFFFFF000  }
0x2e6: {  	_ =	swait.ge [sflag:s0], $0x1000  }
0x2e7: {  	s25 =	sld [smem:$0x7F8]  }
0x2e8: {  	[sflag:s0] =	ssyncset.done $0x0  }
0x2e9: {  	[sflag:s0] =	ssyncadd.s32 $0xFFFFF000  }
0x2ea: {  	[hbm4b:s25+s15] =	stream.strided.scatter [tilespmem:s10], [sflag:$0x6], $0x4000, s2, s15, $0x38;
	[tilespmem:$0x13400] =	vst v63  }
0x2eb: {  	_ =	swait.ge [sflag:s16], $0x4000  }
0x2ec: {  	[sflag:s16] =	ssyncset.done $0x0  }
0x2ed: {  	s25 =	simm.s32 $0x3000;
	[sflag:s16] =	ssyncadd.s32 $0xFFFFC000  }
0x2ee: {  	[tilespmem:s10], [sflag:$0x2] =	stream.indirect.gather [hbm4b:s23+s6], $0x20, s25, s6, $0xb8;
	[tilespmem:$0x13400] =	vst v63  }
0x2ef: {  	s18 =	simm.s32 $0x4400;
	s29 =	simm.s32 $0x3080  }
0x2f0: {  	[tilespmem:s18], [sflag:$0x2] =	stream.indirect.gather [hbm4b:s23+s6], $0x20, s29, s6, $0xb8;
	[tilespmem:$0x13400] =	vst v63  }
0x2f1: {  	s18 =	simm.s32 $0x3100;
	s29 =	simm.s32 $0x5400  }
0x2f2: {  	[tilespmem:s29], [sflag:$0x2] =	stream.indirect.gather [hbm4b:s23+s6], $0x20, s18, s6, $0xb8;
	[tilespmem:$0x13400] =	vst v63  }
0x2f3: {  	s26 =	simm.s32 $0x6400;
	s18 =	simm.s32 $0x3180  }
0x2f4: {  	[tilespmem:s26], [sflag:$0x2] =	stream.indirect.gather [hbm4b:s23+s6], $0x20, s18, s6, $0xb8;
	[tilespmem:$0x13400] =	vst v63  }
0x2f5: {  	_ =	swait.ge [sflag:s3], $0x1000  }
0x2f6: {  	[sflag:s3] =	ssyncset.done $0x0  }
0x2f7: {  	[sflag:s3] =	ssyncadd.s32 $0xFFFFF000  }
0x2f8: {  	_ =	swait.ge [sflag:s3], $0x1000  }
0x2f9: {  	[sflag:s3] =	ssyncset.done $0x0  }
0x2fa: {  	[sflag:s3] =	ssyncadd.s32 $0xFFFFF000  }
0x2fb: {  	_ =	swait.ge [sflag:s3], $0x1000  }
0x2fc: {  	[sflag:s3] =	ssyncset.done $0x0  }
0x2fd: {  	[sflag:s3] =	ssyncadd.s32 $0xFFFFF000  }
0x2fe: {  	_ =	swait.ge [sflag:s3], $0x1000  }
0x2ff: {  	s29 =	sld [smem:$0x7F9]  }
0x300: {  	[sflag:s3] =	ssyncset.done $0x0  }
0x301: {  	[sflag:s3] =	ssyncadd.s32 $0xFFFFF000  }
0x302: {  	[hbm4b:s29+s15] =	stream.strided.scatter [tilespmem:s13], [sflag:$0x7], $0x4000, s2, s15, $0x38;
	[tilespmem:$0x13400] =	vst v63  }
0x303: {  	_ =	swait.ge [sflag:s17], $0x4000  }
0x304: {  	[sflag:s17] =	ssyncset.done $0x0  }
0x305: {  	s26 =	simm.s32 $0x3200;
	[sflag:s17] =	ssyncadd.s32 $0xFFFFC000  }
0x306: {  	[tilespmem:s13], [sflag:$0x3] =	stream.indirect.gather [hbm4b:s23+s6], $0x20, s26, s6, $0xb8;
	[tilespmem:$0x13400] =	vst v63  }
0x307: {  	s18 =	simm.s32 $0x3280;
	s29 =	simm.s32 $0x8400  }
0x308: {  	[tilespmem:s29], [sflag:$0x3] =	stream.indirect.gather [hbm4b:s23+s6], $0x20, s18, s6, $0xb8;
	[tilespmem:$0x13400] =	vst v63  }
0x309: {  	s11 =	simm.s32 $0x3300;
	s29 =	simm.s32 $0x9400  }
0x30a: {  	[tilespmem:s29], [sflag:$0x3] =	stream.indirect.gather [hbm4b:s23+s6], $0x20, s11, s6, $0xb8;
	[tilespmem:$0x13400] =	vst v63  }
0x30b: {  	s11 =	simm.s32 $0x3380;
	s29 =	simm.s32 $0xA400  }
0x30c: {  	[tilespmem:s29], [sflag:$0x3] =	stream.indirect.gather [hbm4b:s23+s6], $0x20, s11, s6, $0xb8;
	[tilespmem:$0x13400] =	vst v63  }
0x30d: {  	_ =	swait.ge [sflag:s4], $0x1000  }
0x30e: {  	[sflag:s4] =	ssyncset.done $0x0  }
0x30f: {  	[sflag:s4] =	ssyncadd.s32 $0xFFFFF000  }
0x310: {  	_ =	swait.ge [sflag:s4], $0x1000  }
0x311: {  	[sflag:s4] =	ssyncset.done $0x0  }
0x312: {  	[sflag:s4] =	ssyncadd.s32 $0xFFFFF000  }
0x313: {  	_ =	swait.ge [sflag:s4], $0x1000  }
0x314: {  	[sflag:s4] =	ssyncset.done $0x0  }
0x315: {  	[sflag:s4] =	ssyncadd.s32 $0xFFFFF000  }
0x316: {  	_ =	swait.ge [sflag:s4], $0x1000  }
0x317: {  	s29 =	sld [smem:$0x7FA]  }
0x318: {  	[sflag:s4] =	ssyncset.done $0x0  }
0x319: {  	[sflag:s4] =	ssyncadd.s32 $0xFFFFF000  }
0x31a: {  	[hbm4b:s29+s15] =	stream.strided.scatter [tilespmem:s14], [sflag:$0x8], $0x4000, s2, s15, $0x38;
	[tilespmem:$0x13400] =	vst v63  }
0x31b: {  	_ =	swait.ge [sflag:s5], $0x1000  }
0x31c: {  	[sflag:s5] =	ssyncset.done $0x0  }
0x31d: {  	[sflag:s5] =	ssyncadd.s32 $0xFFFFF000  }
0x31e: {  	_ =	swait.ge [sflag:s5], $0x1000  }
0x31f: {  	[sflag:s5] =	ssyncset.done $0x0  }
0x320: {  	[sflag:s5] =	ssyncadd.s32 $0xFFFFF000  }
0x321: {  	_ =	swait.ge [sflag:s5], $0x1000  }
0x322: {  	[sflag:s5] =	ssyncset.done $0x0  }
0x323: {  	[sflag:s5] =	ssyncadd.s32 $0xFFFFF000  }
0x324: {  	_ =	swait.ge [sflag:s5], $0x1000  }
0x325: {  	s29 =	sld [smem:$0x7FB]  }
0x326: {  	[sflag:s5] =	ssyncset.done $0x0  }
0x327: {  	[sflag:s5] =	ssyncadd.s32 $0xFFFFF000  }
0x328: {  	[hbm4b:s29+s15] =	stream.strided.scatter [tilespmem:s12], [sflag:$0x9], $0x4000, s2, s15, $0x38;
	[tilespmem:$0x13400] =	vst v63  }
0x329: {  	_ =	swait.ge [sflag:s0], $0x1000  }
0x32a: {  	[sflag:s0] =	ssyncset.done $0x0  }
0x32b: {  	[sflag:s0] =	ssyncadd.s32 $0xFFFFF000  }
0x32c: {  	_ =	swait.ge [sflag:s0], $0x1000  }
0x32d: {  	[sflag:s0] =	ssyncset.done $0x0  }
0x32e: {  	[sflag:s0] =	ssyncadd.s32 $0xFFFFF000  }
0x32f: {  	_ =	swait.ge [sflag:s0], $0x1000  }
0x330: {  	[sflag:s0] =	ssyncset.done $0x0  }
0x331: {  	[sflag:s0] =	ssyncadd.s32 $0xFFFFF000  }
0x332: {  	_ =	swait.ge [sflag:s0], $0x1000  }
0x333: {  	s29 =	sld [smem:$0x7FC]  }
0x334: {  	[sflag:s0] =	ssyncset.done $0x0  }
0x335: {  	[sflag:s0] =	ssyncadd.s32 $0xFFFFF000  }
0x336: {  	[hbm4b:s29+s15] =	stream.strided.scatter [tilespmem:s10], [sflag:$0x6], $0x4000, s2, s15, $0x38;
	[tilespmem:$0x13400] =	vst v63  }
0x337: {  	_ =	swait.ge [sflag:s3], $0x1000  }
0x338: {  	[sflag:s3] =	ssyncset.done $0x0  }
0x339: {  	[sflag:s3] =	ssyncadd.s32 $0xFFFFF000  }
0x33a: {  	_ =	swait.ge [sflag:s3], $0x1000  }
0x33b: {  	[sflag:s3] =	ssyncset.done $0x0  }
0x33c: {  	[sflag:s3] =	ssyncadd.s32 $0xFFFFF000  }
0x33d: {  	_ =	swait.ge [sflag:s3], $0x1000  }
0x33e: {  	[sflag:s3] =	ssyncset.done $0x0  }
0x33f: {  	[sflag:s3] =	ssyncadd.s32 $0xFFFFF000  }
0x340: {  	_ =	swait.ge [sflag:s3], $0x1000  }
0x341: {  	s10 =	sld [smem:$0x7FD]  }
0x342: {  	[sflag:s3] =	ssyncset.done $0x0  }
0x343: {  	[sflag:s3] =	ssyncadd.s32 $0xFFFFF000  }
0x344: {  	[hbm4b:s10+s15] =	stream.strided.scatter [tilespmem:s13], [sflag:$0x7], $0x4000, s2, s15, $0x38;
	[tilespmem:$0x13400] =	vst v63  }
0x345: {  	_ =	swait.ge [sflag:s30], $0x4000  }
0x346: {  	[sflag:s30] =	ssyncset.done $0x0  }
0x347: {  	[sflag:s30] =	ssyncadd.s32 $0xFFFFC000  }
0x348: {  	_ =	swait.ge [sflag:s28], $0x4000  }
0x349: {  	[sflag:s28] =	ssyncset.done $0x0  }
0x34a: {  	[sflag:s28] =	ssyncadd.s32 $0xFFFFC000  }
0x34b: {  	_ =	swait.ge [sflag:s16], $0x4000  }
0x34c: {  	[sflag:s16] =	ssyncset.done $0x0  }
0x34d: {  	[sflag:s16] =	ssyncadd.s32 $0xFFFFC000  }
0x34e: {  	_ =	swait.ge [sflag:s17], $0x4000  }
0x34f: {  	s11 =	sld [smem:$0x7E5];
	_ =	sdelay $0x2  }
0x350: {  	s29 =	rddreg [dreg:$0x1e];
	s10 =	sadd.s32 $0x1, s11  }
0x351: {  	p0 =	sne.s32 s10, s29  }
.Ltmp1:
0x352: {  	_ = 	snop;
	(pc) =	sbr.rel @p0 .LBB2_1-.Ltmp1, $4  }
0x353: {  	_ = 	snop  }
0x354: {  	s18 =	simm.s32 $0x1E00  }
0x355: {  	s14 =	simm.s32 $0x600;
	s12 =	simm.s32 $0x200;
	[sflag:s17] =	ssyncset.done $0x0  }
0x356: {  	s13 =	simm.s32 $0x400;
	s28 =	simm.s32 $0x2000;
	[sflag:s17] =	ssyncadd.s32 $0xFFFFC000  }
0x357: {  	_ =	sfence.sel $0x180000  }
0x358: {  	[bflag:$0x0] =	sbarrier.arrive $0xFFFF  }
0x359: {  	_ =	strace $0x90000047  }
0x35a: {  	s0 =	stileid.u32;
	[bflag:$0x2] =	sbarrier.arrive $0xFFFF  }
0x35b: {  	p0 =	sne.s32 s0, $0x0;
	s0 =	rddreg [dreg:$0x2]  }
0x35c: {  	s0 =	sadd.s32 @!p0 $0x100000, s0  }
0x35d: {  	[sflag:s0] =	ssyncadd.tile.s32 @!p0 $0x1;
	_ =	shalt  }
.Lfunc_end2:
_tile_overlayer_lowered:
.L_overlay_start_2:
0x35e: {  	(tag) =	ssettag $0x2  }
0x35f: {  	s0 =	rddreg [dreg:$0x0];
	s2 =	stileid.u32  }
0x360: {  	s1 =	rddreg [dreg:$0x1];
	p0 =	sne.s32 s2, $0x0  }
0x361: {  	s3 =	rddreg [dreg:$0x2];
	[bflag:$0x3] =	sbarrier.arrive $0xFFFF;
	s2 =	simm.s32 @!p0 $0x1C0A  }
0x362: {  	[timem:s3], [sflag:s2] =	dma.local @!p0 [hbm:s0], s1  }
0x363: {  	s0 =	simm.s32 @!p0 $0xA  }
0x364: {  	_ =	swait.ge @!p0 [sflag:s0], s1  }
0x365: {  	s1 =	ssub.s32 @!p0 $0x0, s1;
	[sflag:s0] =	ssyncset.done @!p0 $0x0  }
0x366: {  	[sflag:s0] =	ssyncadd.s32 @!p0 s1  }
0x367: {  	[bflag:$0x3] =	sbarrier.arrive $0xFFFF  }
0x368: {  	_ =	shalt  }

// kernel: sparse-core-data-format-call.cloned.1.call-start
scs
called_computation_lowered:
.L_overlay_start_0:
0x0: {  	s2 =	sld [smem:$0x3FD9]  }
0x1: {  	s3 =	sld [smem:$0x3FFE];
	_ =	sdelay $0x1  }
0x2: {  	s1 =	srdreg.scid  }
0x3: {  	s0 =	sand.u32 $0x1, s1  }
0x4: {  	s18 =	sshll.u32 s0, $0xA;
	s2 =	sadd.s32 s3, s2  }
0x5: {  	s2 =	sadd.s32 s2, s18  }
0x6: {  	[smem:$0x3FC4] =	sst s2  }
0x7: {  	_ = 	snop  }
0x8: {  	s2 =	sld [smem:$0x3FD0];
	(tm) =	ssettm $0x1  }
0x9: {  	s19 =	sld [smem:$0x3FFB];
	_ =	sdelay $0x3  }
0xa: {  	_ =	strace s19  }
0xb: {  	s3 =	sld [smem:$0x3FFC];
	_ =	sdelay $0x3  }
0xc: {  	_ =	strace s3  }
0xd: {  	s3 =	sld [smem:$0x3FFD];
	_ =	sdelay $0x3  }
0xe: {  	_ =	strace s3  }
0xf: {  	_ =	strace $0x8FFFFFFF  }
0x10: {  	s20 =	sld [smem:$0x3FDB];
	_ =	sdelay $0x1  }
0x11: {  	s4 =	simm.s32 $_scs_section_size  }
0x12: {  	s5 =	simm.s32 $_size__tile_overlayer_lowered;
	s6 =	simm.s32 $_tile_overlayer_lowered  }
0x13: {  	s23 =	simm.s32 $0x1BFF;
	s22 =	sshll.u32 s6, $0x1;
	s3 =	sadd.s32 s4, s20  }
0x14: {  	s7 =	simm.s32 $0x0;
	s21 =	sshll.u32 s5, $0x1;
	s5 =	sadd.s32 s22, s3  }
0x15: {  	[timem:s7], [sflag:s23] =	dma.local [hbm:s5], s21  }
0x16: {  	_ =	swait.ge [sflag:s23], s21  }
0x17: {  	s4 =	ssub.s32 $0x0, s21;
	[sflag:s23] =	ssyncset.done $0x0  }
0x18: {  	[sflag:s23] =	ssyncadd.s32 s4;
	_ =	sdelay $0x1  }
0x19: {  	s24 =	simm.s32 $0x1B8B  }
0x1a: {  	_ =	swait.ge [sflag:s24], $0x1  }
0x1b: {  	[sflag:s24] =	ssyncset.done $0x0  }
0x1c: {  	s26 =	simm.s32 $0x1B8E;
	s25 =	sld [smem:$0x3FFE];
	[sflag:s24] =	ssyncadd.s32 $0xFFFFFFFF  }
0x1d: {  	s27 =	simm.s32 $execute0_lowered;
	[smem:$0x3FD2] =	sst s26  }
0x1e: {  	s5 =	sshll.u32 s27, $0x1;
	_ =	strace $0x80000049;
	[dreg:$0x1] =	wrdreg $0xFFFFFFFF  }
0x1f: {  	s28 =	simm.s32 $_size_execute0_lowered;
	s3 =	sadd.s32 s3, s5;
	[dreg:$0x0] =	wrdreg $0x0  }
0x20: {  	s5 =	sshll.u32 s28, $0x1;
	[dreg:$0x2] =	wrdreg s3  }
0x21: {  	[dreg:$0x3] =	wrdreg s5  }
0x22: {  	[dreg:$0x4] =	wrdreg $0xC0  }
0x23: {  	_ =	task [dreg:s7], $0x5FFFF  }
0x24: {  	[dreg:$0x1] =	wrdreg $0xFFFFFFFF  }
0x25: {  	[dreg:$0x0] =	wrdreg $0x60  }
0x26: {  	[dreg:$0x2] =	wrdreg s25  }
0x27: {  	[dreg:$0x3] =	wrdreg s2  }
0x28: {  	[dreg:$0x4] =	wrdreg $0x9  }
0x29: {  	_ =	task.clear_ibuf [dreg:s7], $0x5FFFF;
	_ =	strace $0x90000049  }
0x2a: {  	s29 =	simm.s32 $0x9;
	_ =	strace $0x8000004B  }
0x2b: {  	_ =	swait.ge [sflag:s29], $0x1  }
0x2c: {  	[sflag:s29] =	ssyncadd.s32 $0xFFFFFFFF  }
0x2d: {  	_ =	strace $0x9000004B  }
0x2e: {  	_ =	sfence  }
0x2f: {  	s30 =	sld [smem:$0x0];
	_ =	sdelay $0x2  }
0x30: {  	s31 =	sshll.u32 s1, $0xD;
	s1 =	sshrl.u32 s1, $0x2  }
0x31: {  	s3 =	sand.u32 $0x4000, s31;
	s1 =	sadd.s32 s1, s30  }
0x32: {  	s0 =	sor.u32 s3, s0;
	s1 =	sshll.u32 s1, $0x11  }
0x33: {  	s0 =	sor.u32 s1, s0  }
0x34: {  	s0 =	sadd.s32 $0x8F2B, s0  }
0x35: {  	[sflag:s0] =	ssyncadd.remote.s32 $0x1  }
0x36: {  	_ =	sfence.sel $0xFFFF  }
0x37: {  	[dreg:$0x0] =	wrdreg $0xFFFFFFFF;
	(pc) =	sbr.abs _section_cstart, $3  }
0x38: {  	[dreg:$0x1] =	wrdreg $0xFFFFFFFF  }
0x39: {  	_ =	task.clear_ibuf [dreg:s7], $0x2FFFF;
	_ =	strace $0x9FFFFFFF  }
0x3a: {  	(tm) =	ssettm $0x7FFFFFFF  }
0x3b: {  	_ =	shalt  }
tec
execute0_lowered:
.L_overlay_start_1:
0x0: {  	(tag) =	ssettag $0x1  }
0x1: {  	s0 =	srdreg.scid  }
0x2: {  	s1 =	sshll.u32 s0, $0x4  }
0x3: {  	s6 =	rddreg [dreg:$0x0];
	s0 =	stileid.u32;
	s1 =	sand.u32 $0x10, s1  }
0x4: {  	s3 =	rddreg [dreg:$0x1];
	s1 =	sor.u32 s0, s1  }
0x5: {  	s5 =	simm.s32 $0x1;
	s31 =	simm.s32 $0x2;
	s2 =	sshll.u32 s1, $0x7  }
0x6: {  	s15 =	simm.s32 $0x0;
	s8 =	simm.s32 $0x20000;
	s4 =	ssub.s32 $0x4000, s2  }
0x7: {  	s14 =	simm.s32 $0x0;
	s9 =	simm.s32 $0x0;
	s30 =	sand.u32 $0xF80, s4  }
0x8: {  	s10 =	simm.s32 $0x0;
	s11 =	simm.s32 $0x0;
	p0 =	sne.s32 s30, $0x0  }
.Ltmp0:
0x9: {  	s7 =	sshrl.u32 s4, $0xC;
	s5 =	simm.s32 @!p0 $0x0;
	(pc) =	sbr.rel .LBB1_1-.Ltmp0, $4  }
0xa: {  	s13 =	simm.s32 $0x0;
	s1 =	rddreg [dreg:$0x2];
	s5 =	sadd.s32 s5, s7  }
0xb: {  	_ =	strace $0x8000004A;
	s4 =	simm.s32 $0x1;
	s5 =	smul.u32 $0x7, s5  }
0xc: {  	s6 =	sadd.s32 $0xC00, s6;
	s12 =	smov.u32 s2;
	[sflag:s4] =	ssyncpa.u1 $0x0  }
0xd: {  	[sflag:s31] =	ssyncpa.u1 $0x0;
	p0 =	por $0x0, $0x0;
	s7 =	sadd.s32 $0x1, s5  }
.LBB1_4:
0xe: {  	s20 =	sshra.s32 s20, $0x2  }
0xf: {  	s28 =	sand.u32 $0x78, s10;
	s21 =	sshll.u32 s9, $0xE;
	s22 =	sshll.u32 s10, $0x3  }
0x10: {  	s24 =	sshll.u32 s9, $0x7;
	p1 =	sgt.s32 s9, $0x2C0;
	s30 =	sshra.s32 s9, $0x1F  }
0x11: {  	s26 =	sshra.s32 s10, $0x1F;
	s19 =	sadd.s32 s20, s19;
	s21 =	sand.u32 $0xFFFE0000, s21  }
0x12: {  	v5 =	vld [tilespmem:s17+$0xFFFFFFD0];
	[tilespmem:s18+$0x2040 ss:$0x81] =	vst.msk $0xffff, v4;
	s23 =	sand.u32 $0xFFFFFC00, s22;
	s29 =	sand.u32 $0x380, s24;
	s22 =	sand.u32 $0x3C00, s22  }
0x13: {  	v58 =	vld [tilespmem:s17+$0xFFFFFFE0];
	[tilespmem:s18+$0x2850 ss:$0x81] =	vst.msk $0xffff, v3;
	s21 =	sadd.s32 s23, s21;
	s20 =	sor.u32 s28, s22;
	s22 =	smov.u32 s9  }
0x14: {  	v59 =	vld [tilespmem:s17+$0xFFFFFFF0];
	[tilespmem:s18+$0x3060 ss:$0x81] =	vst.msk $0xffff, v2;
	s24 =	sand.u32 s30, s9;
	s21 =	sshrl.u32 s21, $0xE;
	s22 =	simm.s32 @!p1 $0x2C0  }
0x15: {  	v60 =	vld [tilespmem:s17+$0x0];
	[tilespmem:s18+$0x0 ss:$0x81] =	vst.msk $0xffff, v1;
	p1 =	sgt.s32 s10, $0x3F80;
	s31 =	ssub.s32 s22, s24;
	s22 =	smov.u32 s10  }
0x16: {  	v61 =	vld [tilespmem:s17+$0x10];
	[tilespmem:s19+$0x3870 ss:$0x81] =	vst.msk $0xffff, v0;
	s25 =	smulhi.u32 $0x4EC4ED, s21;
	s24 =	sand.u32 s26, s10;
	s22 =	simm.s32 @!p1 $0x3F80  }
0x17: {  	v62 =	vld [tilespmem:s17+$0x20];
	s20 =	sor.u32 s29, s20;
	[tilespmem:s19+$0x810 ss:$0x81] =	vst.msk $0xffff, v5;
	s27 =	sadd.s32 $0xFFFFFD40, s31;
	s22 =	ssub.s32 s22, s24  }
0x18: {  	v63 =	vld [tilespmem:s17+$0xFFFFFFC0];
	[tilespmem:s19+$0x1020 ss:$0x81] =	vst.msk $0xffff, v58;
	s18 =	ssub.s32 $0x340, s31;
	s28 =	smul.u32 $0x340, s25;
	s29 =	sadd.s32 $0xFFFFC080, s22  }
0x19: {  	[tilespmem:s19+$0x1830 ss:$0x81] =	vst.msk $0xffff, v59;
	p1 =	sgt.s32 s27, $0x7F;
	s22 =	ssub.s32 $0x4000, s22;
	p2 =	sgt.s32 s29, $0x7F  }
0x1a: {  	s30 =	sand.u32 $0x7, s10;
	[tilespmem:s19+$0x2040 ss:$0x81] =	vst.msk $0xffff, v60;
	s18 =	simm.s32 @p1 $0x0;
	s22 =	simm.s32 @p2 $0x0  }
0x1b: {  	s20 =	sshrl.u32 s20, $0x3;
	[tilespmem:s19+$0x2850 ss:$0x81] =	vst.msk $0xffff, v61;
	s17 =	ssub.s32 s21, s28;
	s18 =	smul.u32 s22, s18  }
0x1c: {  	[tilespmem:s19+$0x3060 ss:$0x81] =	vst.msk $0xffff, v62;
	s20 =	sadd.s32 s3, s20;
	s21 =	sshll.u32 s30, $0x12;
	s17 =	sshll.u32 s17, $0xB  }
0x1d: {  	[tilespmem:s19+$0x0 ss:$0x81] =	vst.msk $0xffff, v63;
	s31 =	sor.u32 $0x400, s21;
	s17 =	sadd.s32 s17, s20;
	s18 =	sand.u32 $0x3FFFFFFF, s18  }
0x1e: {  	[hbm4b:s17+s31] =	stream.strided.scatter [tilespmem:s16], [sflag:$0x2], s18, s8, s31, $0x20;
	[tilespmem:$0x10100] =	vst v63  }
.LBB1_5:
0x1f: {  	p1 =	slt.u32 s13, $0x2  }
0x20: {  	s17 =	smov.u32 s15;
	p2 =	sgt.s32 @!p1 s15, $0x2C0;
	s16 =	sshra.s32 @!p1 s15, $0x1F  }
0x21: {  	p3 =	sgt.s32 @!p1 s14, $0x3F80;
	s18 =	sshra.s32 @!p1 s14, $0x1F;
	p2 =	por !p2, p1  }
0x22: {  	s15 =	sand.u32 @!p1 s16, s15;
	p3 =	por !p3, p1;
	s16 =	smov.u32 s14  }
0x23: {  	s14 =	sand.u32 @!p1 s18, s14;
	s17 =	simm.s32 @p2 $0x2C0;
	s16 =	simm.s32 @p3 $0x3F80  }
0x24: {  	s15 =	ssub.s32 @!p1 s17, s15;
	s14 =	ssub.s32 @!p1 s16, s14  }
0x25: {  	s18 =	smov.u32 s12;
	s16 =	sadd.s32 @!p1 $0xFFFFFD40, s15;
	s17 =	sadd.s32 @!p1 $0xFFFFC080, s14  }
0x26: {  	s15 =	ssub.s32 @!p1 $0x340, s15;
	p2 =	sgt.s32 @!p1 s16, $0x7F;
	p3 =	sgt.s32 @!p1 s17, $0x7F  }
0x27: {  	s14 =	ssub.s32 @!p1 $0x4000, s14;
	p2 =	por !p2, p1;
	p3 =	por !p3, p1  }
0x28: {  	s16 =	sadd.s32 $0x80, s11;
	s15 =	simm.s32 @!p2 $0x0;
	s14 =	simm.s32 @!p3 $0x0  }
0x29: {  	p2 =	sgt.s32 s16, $0x33F;
	s14 =	smul.u32 @!p1 s14, s15;
	s15 =	sadd.s32 $0x1000, s12  }
0x2a: {  	s18 =	smov.u32 @p2 s15  }
0x2b: {  	s16 =	simm.s32 @p2 $0x0;
	p2 =	sgt.s32 s18, $0x3FFF  }
0x2c: {  	s18 =	smov.u32 @p2 s2;
	p2 =	sne.s32 s13, s7  }
.Ltmp1:
0x2d: {  	p0 =	por !p0, !p0;
	s17 =	simm.s32 @!p1 $0x2;
	(pc) =	sbr.rel @!p2 .LBB1_6-.Ltmp1, $4  }
0x2e: {  	s15 =	smov.u32 s9;
	s9 =	smov.u32 s11;
	s14 =	sand.u32 @!p1 $0x3FFFFFFF, s14  }
0x2f: {  	s11 =	smov.u32 s16;
	_ =	swait.ge @!p1 [sflag:s17], s14;
	s19 =	ssub.s32 @!p1 $0x0, s14  }
0x30: {  	s14 =	smov.u32 s10;
	s13 =	sadd.s32 $0x1, s13;
	[sflag:s17] =	ssyncset.done @!p1 $0x0  }
0x31: {  	s10 =	smov.u32 s12;
	s12 =	smov.u32 s18;
	[sflag:s17] =	ssyncadd.s32 @!p1 s19  }
.LBB1_1:
0x32: {  	p1 =	sge.u32 s13, s5  }
0x33: {  	s16 =	sshrl.u32 @!p1 s12, $0x3  }
0x34: {  	s17 =	sshll.u32 @!p1 s11, $0x3;
	s16 =	smul.u32 @!p1 $0x1C00, s16  }
0x35: {  	s18 =	sshll.u32 @!p1 s12, $0x7;
	s17 =	sand.u32 @!p1 $0xFFFFFC00, s17  }
0x36: {  	s16 =	sadd.s32 @!p1 s16, s17;
	s17 =	sand.u32 @!p1 $0x380, s18  }
0x37: {  	s16 =	sor.u32 @!p1 s17, s16  }
0x38: {  	s17 =	sshrl.u32 @!p1 s16, $0x7  }
0x39: {  	s17 =	smulhi.u32 @!p1 $0x24924925, s17;
	_ =	sdelay $0x1  }
0x3a: {  	s18 =	sand.u32 @!p1 $0x7F, s11;
	s19 =	smul.u32 @!p1 $0x380, s17  }
0x3b: {  	s31 =	sadd.s32 $0xFFFFFFFF, s13;
	s16 =	sor.u32 @!p1 s18, s16;
	s18 =	sxor.u32 @!p1 $0xFFFFFFFF, s13  }
0x3c: {  	s18 =	sshll.u32 @!p1 s18, $0xE;
	s17 =	sand.u32 @!p1 $0x3FFF, s17;
	s16 =	ssub.s32 @!p1 s16, s19  }
0x3d: {  	s17 =	smul.u32 @!p1 $0x70, s17;
	s19 =	sshrl.u32 @!p1 s16, $0x3;
	s16 =	sand.u32 @!p1 $0x7, s16  }
0x3e: {  	s18 =	sand.u32 @!p1 $0x4000, s18;
	s19 =	sadd.s32 @!p1 s6, s19;
	s16 =	sshll.u32 @!p1 s16, $0x12  }
0x3f: {  	s17 =	sadd.s32 @!p1 s17, s19;
	s16 =	sor.u32 @!p1 $0x400, s16;
	s19 =	simm.s32 @!p1 $0x1C00  }
0x40: {  	[tilespmem:s18], [sflag:$0x1] =	stream.strided.gather @!p1 [hbm4b:s17+s16], $0x4000, s19, s16, $0x38;
	[tilespmem:$0x10100] =	vst v63  }
0x41: {  	p1 =	sge.u32 s31, s5  }
.Ltmp2:
0x42: {  	_ = 	snop;
	(pc) =	sbr.rel @p1 .LBB1_5-.Ltmp2, $1  }
0x43: {  	_ =	sdelay $0x3  }
0x44: {  	s16 =	simm.s32 $0x1  }
0x45: {  	_ =	swait.ge [sflag:s4], $0x4000;
	s16 =	simm.s32 @!p0 $0x0  }
0x46: {  	[sflag:s4] =	ssyncset.done $0x0;
	s17 =	sshll.u32 s16, $0xE  }
0x47: {  	[sflag:s4] =	ssyncadd.s32 $0xFFFFC000;
	s17 =	sor.u32 $0x40, s17  }
0x48: {  	s16 =	smul.u32 $0x10200, s16;
	v0 =	vld [tilespmem:s17+$0x30]  }
0x49: {  	v1 =	vld [tilespmem:s17+$0xFFFFFFD0]  }
0x4a: {  	s16 =	sshrl.u32 s16, $0x2;
	v5 =	vld [tilespmem:s17+$0xFFFFFFE0]  }
0x4b: {  	v6 =	vld [tilespmem:s17+$0xFFFFFFF0];
	s19 =	sor.u32 $0x8000, s16  }
0x4c: {  	s31 =	sand.u32 $0x1, s13;
	v4 =	vld [tilespmem:s17+$0x0];
	s18 =	sadd.s32 $0x0, s19  }
0x4d: {  	v3 =	vld [tilespmem:s17+$0x10];
	s16 =	smul.u32 $0x10200, s31;
	[tilespmem:s18+$0x3870 ss:$0x81] =	vst.msk $0xffff, v0  }
0x4e: {  	v2 =	vld [tilespmem:s17+$0x20];
	[tilespmem:s18+$0x810 ss:$0x81] =	vst.msk $0xffff, v1  }
0x4f: {  	s16 =	sshrl.u32 s16, $0x2;
	v1 =	vld [tilespmem:s17+$0xFFFFFFC0];
	[tilespmem:s18+$0x1020 ss:$0x81] =	vst.msk $0xffff, v5;
	s17 =	sadd.s32 $0x80, s17  }
0x50: {  	s20 =	simm.s32 $0x4;
	s21 =	simm.s32 $0x8;
	s16 =	sor.u32 $0x8000, s16;
	[tilespmem:s18+$0x1830 ss:$0x81] =	vst.msk $0xffff, v6;
	v0 =	vld [tilespmem:s17+$0x30]  }
.LBB1_3:
0x51: {  	p1 =	sne.s32 s21, $0x1FC;
	v5 =	vld [tilespmem:s17+$0xFFFFFFD0];
	[tilespmem:s18+$0x2040 ss:$0x81] =	vst.msk $0xffff, v4  }
0x52: {  	v6 =	vld [tilespmem:s17+$0xFFFFFFE0];
	[tilespmem:s18+$0x2850 ss:$0x81] =	vst.msk $0xffff, v3  }
0x53: {  	s22 =	sshra.s32 s20, $0x2;
	s20 =	smov.u32 s21;
	v7 =	vld [tilespmem:s17+$0xFFFFFFF0];
	[tilespmem:s18+$0x3060 ss:$0x81] =	vst.msk $0xffff, v2  }
.Ltmp3:
0x54: {  	v4 =	vld [tilespmem:s17+$0x0];
	[tilespmem:s18+$0x0 ss:$0x81] =	vst.msk $0xffff, v1;
	s18 =	sadd.s32 s22, s19;
	(pc) =	sbr.rel @p1 .LBB1_3-.Ltmp3, $4  }
0x55: {  	v3 =	vld [tilespmem:s17+$0x10];
	[tilespmem:s18+$0x3870 ss:$0x81] =	vst.msk $0xffff, v0  }
0x56: {  	[tilespmem:s18+$0x810 ss:$0x81] =	vst.msk $0xffff, v5;
	v2 =	vld [tilespmem:s17+$0x20]  }
0x57: {  	v1 =	vld [tilespmem:s17+$0xFFFFFFC0];
	[tilespmem:s18+$0x1020 ss:$0x81] =	vst.msk $0xffff, v6;
	s17 =	sadd.s32 $0x80, s17  }
0x58: {  	s21 =	sadd.s32 $0x4, s21;
	v0 =	vld [tilespmem:s17+$0x30];
	[tilespmem:s18+$0x1830 ss:$0x81] =	vst.msk $0xffff, v7  }
.Ltmp4:
0x59: {  	_ = 	snop;
	(pc) =	sbr.rel .LBB1_4-.Ltmp4, $1  }
0x5a: {  	_ =	sdelay $0x3  }
.LBB1_6:
0x5b: {  	_ =	sfence.sel $0x180000  }
0x5c: {  	s2 =	simm.s32 $0x1;
	[bflag:$0x0] =	sbarrier.arrive $0xFFFF  }
0x5d: {  	s31 =	simm.s32 $0x2;
	[sflag:s2] =	ssyncpa.u1 $0x1  }
0x5e: {  	[sflag:s31] =	ssyncpa.u1 $0x1  }
0x5f: {  	p0 =	sne.s32 s0, $0x0;
	_ =	strace $0x9000004A  }
0x60: {  	s0 =	sadd.s32 @!p0 $0x100000, s1;
	[bflag:$0x2] =	sbarrier.arrive $0xFFFF  }
0x61: {  	[sflag:s0] =	ssyncadd.tile.s32 @!p0 $0x1;
	_ =	shalt  }
.Lfunc_end1:
_tile_overlayer_lowered:
.L_overlay_start_2:
0x62: {  	(tag) =	ssettag $0x2  }
0x63: {  	s0 =	rddreg [dreg:$0x0];
	s2 =	stileid.u32  }
0x64: {  	s1 =	rddreg [dreg:$0x1];
	p0 =	sne.s32 s2, $0x0  }
0x65: {  	s3 =	rddreg [dreg:$0x2];
	[bflag:$0x3] =	sbarrier.arrive $0xFFFF;
	s2 =	simm.s32 @!p0 $0x1C01  }
0x66: {  	[timem:s3], [sflag:s2] =	dma.local @!p0 [hbm:s0], s1  }
0x67: {  	s0 =	simm.s32 @!p0 $0x1  }
0x68: {  	_ =	swait.ge @!p0 [sflag:s0], s1  }
0x69: {  	s1 =	ssub.s32 @!p0 $0x0, s1;
	[sflag:s0] =	ssyncset.done @!p0 $0x0  }
0x6a: {  	[sflag:s0] =	ssyncadd.s32 @!p0 s1  }
0x6b: {  	[bflag:$0x3] =	sbarrier.arrive $0xFFFF  }
0x6c: {  	_ =	shalt  }

</sc_bundles>
